<compile_context>
chip_gen: v7x
topology: tpu7x:2x2x1
jax: 0.10.2.dev20260603
libtpu: 0.0.44.dev20260713+nightly
codegen_flags: <defaults>
</compile_context>

<pallas_src>
import functools

import jax
import jax.numpy as jnp
from jax import lax
from jax.experimental import pallas as pl
from jax.experimental.pallas import tpu as pltpu
from jax.experimental.pallas import tpu_sc as plsc

_B, _T, _D = 4096, 125, 128
_V = 1000
_NC, _NS = 2, 16
_NW = _NC * _NS
_BPW = _B // _NW
_LANES = 16
_DV = _D // _LANES
_NBUF = 4

_mesh = plsc.VectorSubcoreMesh(
    core_axis_name="c", subcore_axis_name="s", num_cores=_NC, num_subcores=_NS
)


@functools.partial(
    pl.kernel,
    out_type=(
        jax.ShapeDtypeStruct((_T, _B, _D), jnp.float32),
        jax.ShapeDtypeStruct((_B, 1, _D), jnp.float32),
        jax.ShapeDtypeStruct((_B, 1, _D), jnp.float32),
    ),
    mesh=_mesh,
    scratch_types=[
        pltpu.VMEM_SHARED((_V, _D), jnp.float32),
        pltpu.VMEM((_T, _BPW), jnp.int32),
        pltpu.VMEM((_T, _D), jnp.float32),
        pltpu.VMEM((3, _D), jnp.float32),
        [pltpu.VMEM((_BPW, _D), jnp.float32)] * _NBUF,
        pltpu.VMEM((_BPW, 1, _D), jnp.float32),
        [pltpu.SemaphoreType.DMA] * _NBUF,
        [pltpu.SemaphoreType.DMA] * _NBUF,
    ],
)
def _embed_sc(zeo, syn, idxt_hbm, table, te_hbm, pe_hbm,
              out_seq, out_zeo, out_syn,
              table_sh, idx_v, bias_v, te_v, rows, zs_v, gsem, osem):
    sid = lax.axis_index("s")
    wid = sid * _NC + lax.axis_index("c")
    base = wid * _BPW

    @pl.when(sid == 0)
    def _():
        pltpu.sync_copy(table, table_sh)
    plsc.subcore_barrier()

    pltpu.sync_copy(te_hbm, te_v)
    pltpu.sync_copy(pe_hbm, bias_v)
    pltpu.sync_copy(idxt_hbm.at[:, pl.ds(base, _BPW)], idx_v)

    def bias_body(t5, carry):
        for u in range(5):
            t = t5 * 5 + u
            for d in range(_DV):
                sl = pl.ds(d * _LANES, _LANES)
                plsc.addupdate(bias_v.at[t, sl], te_v[2, sl])
        return carry
    lax.fori_loop(0, _T // 5, bias_body, 0)

    for src, dst, row in ((zeo, out_zeo, 0), (syn, out_syn, 1)):
        pltpu.sync_copy(src.at[pl.ds(base, _BPW)], zs_v)
        def zs_body(i, carry, row=row):
            for d in range(_DV):
                sl = pl.ds(d * _LANES, _LANES)
                plsc.addupdate(zs_v.at[i, 0, sl], te_v[row, sl])
            return carry
        lax.fori_loop(0, _BPW, zs_body, 0)
        pltpu.sync_copy(zs_v, dst.at[pl.ds(base, _BPW)])

    plsc.subcore_barrier()

    def g_copy(t, j):
        return pltpu.make_async_copy(
            table_sh.at[idx_v.at[t]], rows[j], gsem[j])

    def o_copy(t, j):
        return pltpu.make_async_copy(
            rows[j], out_seq.at[t, pl.ds(base, _BPW)], osem[j])

    def add_bias(t, j):
        bias_regs = [bias_v[t, pl.ds(d * _LANES, _LANES)] for d in range(_DV)]
        def add_body(r4, carry):
            for rr in range(4):
                r = r4 * 4 + rr
                for d in range(_DV):
                    sl = pl.ds(d * _LANES, _LANES)
                    plsc.addupdate(rows[j].at[r, sl], bias_regs[d])
            return carry
        lax.fori_loop(0, _BPW // 4, add_body, 0)

    g_copy(0, 0).start()
    g_copy(1, 1).start()
    for t in (0, 1):
        g_copy(t, t).wait()
        add_bias(t, t)
        o_copy(t, t).start()
        g_copy(t + 2, t + 2).start()

    def main_body(t4, carry):
        for j in range(_NBUF):
            t = 2 + t4 * _NBUF + j
            buf = (2 + j) % _NBUF
            nbuf = j % _NBUF
            g_copy(t, buf).wait()
            add_bias(t, buf)
            o_copy(t, buf).start()
            o_copy(t - 2, nbuf).wait()
            g_copy(t + 2, nbuf).start()
        return carry
    lax.fori_loop(0, (_T - 5) // _NBUF, main_body, 0)

    o_copy(120, 0).wait()
    g_copy(124, 0).start()
    for t in (122, 123, 124):
        j = t % _NBUF
        g_copy(t, j).wait()
        add_bias(t, j)
        o_copy(t, j).start()
    for t in range(_T - _NBUF, _T):
        o_copy(t, t % _NBUF).wait()


def kernel(zeo, syn, smis_seq, char_embed, type_embed, pe):
    idx_t = smis_seq.astype(jnp.int32).T
    pe2d = pe.reshape(_T, _D)
    out_t, out_zeo, out_syn = _embed_sc(
        zeo, syn, idx_t, char_embed, type_embed, pe2d)
    return out_t.transpose(1, 0, 2), out_zeo, out_syn

# --- scband reference (transcript-rebuilt; emitter-appended) ---
"""Pipeline reference for scband-embedding-layer-40913858461858 (READ-ONLY COPY).

The authoritative reference and input builder live on the scoring server;
editing this copy changes nothing except your own understanding.
"""

import jax, jax.numpy as jnp
import numpy as np

CHARLEN = 1000
D_MODEL = 128
B = 4096
T = 125

def _make_pe():
    pos = np.arange(T, dtype=np.float64)[:, None]
    i = np.arange(D_MODEL, dtype=np.float64)[None, :]
    fenmu = 10000.0 ** (i / D_MODEL)
    pe_val = pos / fenmu
    pe = np.where((np.arange(D_MODEL)[None, :] % 2) == 0, np.sin(pe_val), np.cos(pe_val))
    return jnp.asarray(pe[None, :, :], dtype=jnp.float32)

def setup_inputs(seed: int = 0) -> dict:
    key = jax.random.key(seed)
    k1, k2, k3, k4, k5 = jax.random.split(key, 5)
    zeo = jax.random.normal(k1, (B, 1, D_MODEL), dtype=jnp.float32)
    syn = jax.random.normal(k2, (B, 1, D_MODEL), dtype=jnp.float32)
    smis_seq = jax.random.randint(k3, (B, T), 0, CHARLEN, dtype=jnp.int64)
    char_embed = 0.1 * jax.random.normal(k4, (CHARLEN, D_MODEL), dtype=jnp.float32)
    type_embed = 0.1 * jax.random.normal(k5, (3, D_MODEL), dtype=jnp.float32)
    pe = _make_pe()
    return {"zeo": zeo, "syn": syn, "smis_seq": smis_seq, "char_embed": char_embed, "type_embed": type_embed, "pe": pe}

def reference(zeo, syn, smis_seq, char_embed, type_embed, pe):
    b, t = smis_seq.shape
    zeo_te = jnp.take(type_embed, jnp.zeros((b, 1), dtype=jnp.int32), axis=0)
    syn_te = jnp.take(type_embed, jnp.ones((b, 1), dtype=jnp.int32), axis=0)
    smis_seq_te = jnp.take(type_embed, jnp.full((b, t), 2, dtype=jnp.int32), axis=0)
    smis_seq_ce = jnp.take(char_embed, smis_seq, axis=0)
    smis_seq_embed = smis_seq_ce + pe + smis_seq_te
    zeo_embed = zeo + zeo_te
    syn_embed = syn + syn_te
    return (smis_seq_embed, zeo_embed, syn_embed)

if __name__ == "__main__":
    import jax
    _d = setup_inputs()
    print(jax.jit(kernel)(*tuple(_d.values())))

</pallas_src>

<mosaic_0001>
#map = affine_map<(d0, d1) -> (0, 0, 0)>
#map1 = affine_map<(d0, d1) -> (0, 0)>
module attributes {stable_mosaic.version = 14 : i64} {
  func.func @_embed_sc(%arg0: i32, %arg1: i32, %arg2: memref<4096x1x128xf32, #tpu.memory_space<hbm>>, %arg3: memref<4096x1x128xf32, #tpu.memory_space<hbm>>, %arg4: memref<125x4096xi32, #tpu.memory_space<hbm>>, %arg5: memref<1000x128xf32, #tpu.memory_space<hbm>>, %arg6: memref<3x128xf32, #tpu.memory_space<hbm>>, %arg7: memref<125x128xf32, #tpu.memory_space<hbm>>, %arg8: memref<125x4096x128xf32, #tpu.memory_space<hbm>>, %arg9: memref<4096x1x128xf32, #tpu.memory_space<hbm>>, %arg10: memref<4096x1x128xf32, #tpu.memory_space<hbm>>, %arg11: memref<1000x128xf32, #tpu.memory_space<vmem_shared>>, %arg12: memref<125x128xi32, #tpu.memory_space<vmem>>, %arg13: memref<125x128xf32, #tpu.memory_space<vmem>>, %arg14: memref<3x128xf32, #tpu.memory_space<vmem>>, %arg15: memref<128x128xf32, #tpu.memory_space<vmem>>, %arg16: memref<128x128xf32, #tpu.memory_space<vmem>>, %arg17: memref<128x128xf32, #tpu.memory_space<vmem>>, %arg18: memref<128x128xf32, #tpu.memory_space<vmem>>, %arg19: memref<128x1x128xf32, #tpu.memory_space<vmem>>, %arg20: memref<!tpu.dma_semaphore, #tpu.memory_space<semaphore_mem>>, %arg21: memref<!tpu.dma_semaphore, #tpu.memory_space<semaphore_mem>>, %arg22: memref<!tpu.dma_semaphore, #tpu.memory_space<semaphore_mem>>, %arg23: memref<!tpu.dma_semaphore, #tpu.memory_space<semaphore_mem>>, %arg24: memref<!tpu.dma_semaphore, #tpu.memory_space<semaphore_mem>>, %arg25: memref<!tpu.dma_semaphore, #tpu.memory_space<semaphore_mem>>, %arg26: memref<!tpu.dma_semaphore, #tpu.memory_space<semaphore_mem>>, %arg27: memref<!tpu.dma_semaphore, #tpu.memory_space<semaphore_mem>>) attributes {dimension_semantics = [#tpu.dimension_semantics<core_parallel>, #tpu.dimension_semantics<subcore_parallel>], iteration_bounds = array<i64: 2, 16>, scalar_prefetch = 0 : i64, scratch_operands = 17 : i64, tpu.core_type = #tpu.core_type<sc_vector_subcore>, window_params = [{transform_indices = #map}, {transform_indices = #map}, {transform_indices = #map1}, {transform_indices = #map1}, {transform_indices = #map1}, {transform_indices = #map1}, {transform_indices = #map}, {transform_indices = #map}, {transform_indices = #map}]} {
    %mul3A = arith.constant 2 : i32
    %mul3A_0 = arith.muli %arg1, %mul3A : i32
    %add3A = arith.addi %mul3A_0, %arg0 : i32
    %mul3A_1 = arith.constant 128 : i32
    %mul3A_2 = arith.muli %add3A, %mul3A_1 : i32
    %eq3A = arith.constant 0 : i32
    %eq3A_3 = arith.cmpi eq, %arg1, %eq3A : i32
    %convert_element_type3A = arith.extui %eq3A_3 : i1 to i32
    %cond3A = arith.constant 0 : i32
    %cond3A_4 = arith.cmpi ne, %convert_element_type3A, %cond3A : i32
    scf.if %cond3A_4 {
      "tpu.region"() ({
        %run_scoped3A = tpu.sem_alloc : memref<!tpu.dma_semaphore, #tpu.memory_space<semaphore_mem>>
        tpu.enqueue_dma source(%arg5 : memref<1000x128xf32, #tpu.memory_space<hbm>>) target(%arg11 : memref<1000x128xf32, #tpu.memory_space<vmem_shared>>) target_semaphore(%run_scoped3A : memref<!tpu.dma_semaphore, #tpu.memory_space<semaphore_mem>>)
        tpu.wait_dma2 semaphore(%run_scoped3A : memref<!tpu.dma_semaphore, #tpu.memory_space<semaphore_mem>>) src(%arg5 : memref<1000x128xf32, #tpu.memory_space<hbm>>) dst(%arg11 : memref<1000x128xf32, #tpu.memory_space<vmem_shared>>)
        tpu.yield
      }) : () -> ()
    } else {
    }
    %barrier3A = arith.constant 0 : index
    tpu.barrier barrier_id(%barrier3A)
    "tpu.region"() ({
      %run_scoped3A = tpu.sem_alloc : memref<!tpu.dma_semaphore, #tpu.memory_space<semaphore_mem>>
      tpu.enqueue_dma source(%arg6 : memref<3x128xf32, #tpu.memory_space<hbm>>) target(%arg14 : memref<3x128xf32, #tpu.memory_space<vmem>>) target_semaphore(%run_scoped3A : memref<!tpu.dma_semaphore, #tpu.memory_space<semaphore_mem>>)
      tpu.wait_dma2 semaphore(%run_scoped3A : memref<!tpu.dma_semaphore, #tpu.memory_space<semaphore_mem>>) src(%arg6 : memref<3x128xf32, #tpu.memory_space<hbm>>) dst(%arg14 : memref<3x128xf32, #tpu.memory_space<vmem>>)
      tpu.yield
    }) : () -> ()
    "tpu.region"() ({
      %run_scoped3A = tpu.sem_alloc : memref<!tpu.dma_semaphore, #tpu.memory_space<semaphore_mem>>
      tpu.enqueue_dma source(%arg7 : memref<125x128xf32, #tpu.memory_space<hbm>>) target(%arg13 : memref<125x128xf32, #tpu.memory_space<vmem>>) target_semaphore(%run_scoped3A : memref<!tpu.dma_semaphore, #tpu.memory_space<semaphore_mem>>)
      tpu.wait_dma2 semaphore(%run_scoped3A : memref<!tpu.dma_semaphore, #tpu.memory_space<semaphore_mem>>) src(%arg7 : memref<125x128xf32, #tpu.memory_space<hbm>>) dst(%arg13 : memref<125x128xf32, #tpu.memory_space<vmem>>)
      tpu.yield
    }) : () -> ()
    "tpu.region"() ({
      %run_scoped3A = tpu.sem_alloc : memref<!tpu.dma_semaphore, #tpu.memory_space<semaphore_mem>>
      %dma_start3A_396 = arith.constant 0 : i32
      %dma_start3A_397 = tpu.memref_slice %arg4[%dma_start3A_396, %mul3A_2] : memref<125x4096xi32, #tpu.memory_space<hbm>> -> memref<125x128xi32, #tpu.memory_space<hbm>>
      %dma_start3A_398 = arith.constant 0 : i32
      %dma_start3A_399 = tpu.memref_slice %arg4[%dma_start3A_398, %mul3A_2] : memref<125x4096xi32, #tpu.memory_space<hbm>> -> memref<125x128xi32, #tpu.memory_space<hbm>>
      tpu.enqueue_dma source(%dma_start3A_399 : memref<125x128xi32, #tpu.memory_space<hbm>>) target(%arg12 : memref<125x128xi32, #tpu.memory_space<vmem>>) target_semaphore(%run_scoped3A : memref<!tpu.dma_semaphore, #tpu.memory_space<semaphore_mem>>)
      %dma_wait3A_400 = arith.constant 0 : i32
      %dma_wait3A_401 = tpu.memref_slice %arg4[%dma_wait3A_400, %mul3A_2] : memref<125x4096xi32, #tpu.memory_space<hbm>> -> memref<125x128xi32, #tpu.memory_space<hbm>>
      %dma_wait3A_402 = arith.constant 0 : i32
      %dma_wait3A_403 = tpu.memref_slice %arg4[%dma_wait3A_402, %mul3A_2] : memref<125x4096xi32, #tpu.memory_space<hbm>> -> memref<125x128xi32, #tpu.memory_space<hbm>>
      tpu.wait_dma2 semaphore(%run_scoped3A : memref<!tpu.dma_semaphore, #tpu.memory_space<semaphore_mem>>) src(%dma_wait3A_403 : memref<125x128xi32, #tpu.memory_space<hbm>>) dst(%arg12 : memref<125x128xi32, #tpu.memory_space<vmem>>)
      tpu.yield
    }) : () -> ()
    %scan3A = arith.constant 0 : i32
    %scan3A_5 = arith.constant 0 : i32
    %scan3A_6 = arith.constant 25 : i32
    %scan3A_7 = arith.addi %scan3A_5, %scan3A_6 : i32
    %scan3A_8 = arith.constant 1 : i32
    scf.for %scan3A_396 = %scan3A_5 to %scan3A_7 step %scan3A_8  : i32 {
      %mul3A_397 = arith.constant 5 : i32
      %mul3A_398 = arith.muli %scan3A_396, %mul3A_397 : i32
      %add3A_399 = arith.constant 0 : i32
      %add3A_400 = arith.addi %mul3A_398, %add3A_399 : i32
      %get3A_401 = arith.constant 2 : i32
      %get3A_402 = arith.index_cast %get3A_401 : i32 to index
      %get3A_403 = arith.constant 0 : index
      %get3A_404 = tpu.vector_load %arg14[%get3A_402, %get3A_403] {strides = array<i32>} : memref<3x128xf32, #tpu.memory_space<vmem>>, vector<1x16xf32>,
      %get3A_405 = vector.shape_cast %get3A_404 : vector<1x16xf32> to vector<16xf32>
      %swap3A = arith.index_cast %add3A_400 : i32 to index
      %swap3A_406 = arith.constant 0 : index
      %swap3A_407 = tpu.vector_load %arg13[%swap3A, %swap3A_406] {strides = array<i32>} : memref<125x128xf32, #tpu.memory_space<vmem>>, vector<1x16xf32>,
      %swap3A_408 = vector.shape_cast %swap3A_407 : vector<1x16xf32> to vector<16xf32>
      %swap3A_409 = vector.shape_cast %get3A_405 : vector<16xf32> to vector<1x16xf32>
      tpu.vector_store %arg13[%swap3A, %swap3A_406], %swap3A_409 {add = true, strides = array<i32>} : memref<125x128xf32, #tpu.memory_space<vmem>>, vector<1x16xf32>,
      %get3A_410 = arith.constant 2 : i32
      %get3A_411 = arith.index_cast %get3A_410 : i32 to index
      %get3A_412 = arith.constant 16 : index
      %get3A_413 = tpu.vector_load %arg14[%get3A_411, %get3A_412] {strides = array<i32>} : memref<3x128xf32, #tpu.memory_space<vmem>>, vector<1x16xf32>,
      %get3A_414 = vector.shape_cast %get3A_413 : vector<1x16xf32> to vector<16xf32>
      %swap3A_415 = arith.index_cast %add3A_400 : i32 to index
      %swap3A_416 = arith.constant 16 : index
      %swap3A_417 = tpu.vector_load %arg13[%swap3A_415, %swap3A_416] {strides = array<i32>} : memref<125x128xf32, #tpu.memory_space<vmem>>, vector<1x16xf32>,
      %swap3A_418 = vector.shape_cast %swap3A_417 : vector<1x16xf32> to vector<16xf32>
      %swap3A_419 = vector.shape_cast %get3A_414 : vector<16xf32> to vector<1x16xf32>
      tpu.vector_store %arg13[%swap3A_415, %swap3A_416], %swap3A_419 {add = true, strides = array<i32>} : memref<125x128xf32, #tpu.memory_space<vmem>>, vector<1x16xf32>,
      %get3A_420 = arith.constant 2 : i32
      %get3A_421 = arith.index_cast %get3A_420 : i32 to index
      %get3A_422 = arith.constant 32 : index
      %get3A_423 = tpu.vector_load %arg14[%get3A_421, %get3A_422] {strides = array<i32>} : memref<3x128xf32, #tpu.memory_space<vmem>>, vector<1x16xf32>,
      %get3A_424 = vector.shape_cast %get3A_423 : vector<1x16xf32> to vector<16xf32>
      %swap3A_425 = arith.index_cast %add3A_400 : i32 to index
      %swap3A_426 = arith.constant 32 : index
      %swap3A_427 = tpu.vector_load %arg13[%swap3A_425, %swap3A_426] {strides = array<i32>} : memref<125x128xf32, #tpu.memory_space<vmem>>, vector<1x16xf32>,
      %swap3A_428 = vector.shape_cast %swap3A_427 : vector<1x16xf32> to vector<16xf32>
      %swap3A_429 = vector.shape_cast %get3A_424 : vector<16xf32> to vector<1x16xf32>
      tpu.vector_store %arg13[%swap3A_425, %swap3A_426], %swap3A_429 {add = true, strides = array<i32>} : memref<125x128xf32, #tpu.memory_space<vmem>>, vector<1x16xf32>,
      %get3A_430 = arith.constant 2 : i32
      %get3A_431 = arith.index_cast %get3A_430 : i32 to index
      %get3A_432 = arith.constant 48 : index
      %get3A_433 = tpu.vector_load %arg14[%get3A_431, %get3A_432] {strides = array<i32>} : memref<3x128xf32, #tpu.memory_space<vmem>>, vector<1x16xf32>,
      %get3A_434 = vector.shape_cast %get3A_433 : vector<1x16xf32> to vector<16xf32>
      %swap3A_435 = arith.index_cast %add3A_400 : i32 to index
      %swap3A_436 = arith.constant 48 : index
      %swap3A_437 = tpu.vector_load %arg13[%swap3A_435, %swap3A_436] {strides = array<i32>} : memref<125x128xf32, #tpu.memory_space<vmem>>, vector<1x16xf32>,
      %swap3A_438 = vector.shape_cast %swap3A_437 : vector<1x16xf32> to vector<16xf32>
      %swap3A_439 = vector.shape_cast %get3A_434 : vector<16xf32> to vector<1x16xf32>
      tpu.vector_store %arg13[%swap3A_435, %swap3A_436], %swap3A_439 {add = true, strides = array<i32>} : memref<125x128xf32, #tpu.memory_space<vmem>>, vector<1x16xf32>,
      %get3A_440 = arith.constant 2 : i32
      %get3A_441 = arith.index_cast %get3A_440 : i32 to index
      %get3A_442 = arith.constant 64 : index
      %get3A_443 = tpu.vector_load %arg14[%get3A_441, %get3A_442] {strides = array<i32>} : memref<3x128xf32, #tpu.memory_space<vmem>>, vector<1x16xf32>,
      %get3A_444 = vector.shape_cast %get3A_443 : vector<1x16xf32> to vector<16xf32>
      %swap3A_445 = arith.index_cast %add3A_400 : i32 to index
      %swap3A_446 = arith.constant 64 : index
      %swap3A_447 = tpu.vector_load %arg13[%swap3A_445, %swap3A_446] {strides = array<i32>} : memref<125x128xf32, #tpu.memory_space<vmem>>, vector<1x16xf32>,
      %swap3A_448 = vector.shape_cast %swap3A_447 : vector<1x16xf32> to vector<16xf32>
      %swap3A_449 = vector.shape_cast %get3A_444 : vector<16xf32> to vector<1x16xf32>
      tpu.vector_store %arg13[%swap3A_445, %swap3A_446], %swap3A_449 {add = true, strides = array<i32>} : memref<125x128xf32, #tpu.memory_space<vmem>>, vector<1x16xf32>,
      %get3A_450 = arith.constant 2 : i32
      %get3A_451 = arith.index_cast %get3A_450 : i32 to index
      %get3A_452 = arith.constant 80 : index
      %get3A_453 = tpu.vector_load %arg14[%get3A_451, %get3A_452] {strides = array<i32>} : memref<3x128xf32, #tpu.memory_space<vmem>>, vector<1x16xf32>,
      %get3A_454 = vector.shape_cast %get3A_453 : vector<1x16xf32> to vector<16xf32>
      %swap3A_455 = arith.index_cast %add3A_400 : i32 to index
      %swap3A_456 = arith.constant 80 : index
      %swap3A_457 = tpu.vector_load %arg13[%swap3A_455, %swap3A_456] {strides = array<i32>} : memref<125x128xf32, #tpu.memory_space<vmem>>, vector<1x16xf32>,
      %swap3A_458 = vector.shape_cast %swap3A_457 : vector<1x16xf32> to vector<16xf32>
      %swap3A_459 = vector.shape_cast %get3A_454 : vector<16xf32> to vector<1x16xf32>
      tpu.vector_store %arg13[%swap3A_455, %swap3A_456], %swap3A_459 {add = true, strides = array<i32>} : memref<125x128xf32, #tpu.memory_space<vmem>>, vector<1x16xf32>,
      %get3A_460 = arith.constant 2 : i32
      %get3A_461 = arith.index_cast %get3A_460 : i32 to index
      %get3A_462 = arith.constant 96 : index
      %get3A_463 = tpu.vector_load %arg14[%get3A_461, %get3A_462] {strides = array<i32>} : memref<3x128xf32, #tpu.memory_space<vmem>>, vector<1x16xf32>,
      %get3A_464 = vector.shape_cast %get3A_463 : vector<1x16xf32> to vector<16xf32>
      %swap3A_465 = arith.index_cast %add3A_400 : i32 to index
      %swap3A_466 = arith.constant 96 : index
      %swap3A_467 = tpu.vector_load %arg13[%swap3A_465, %swap3A_466] {strides = array<i32>} : memref<125x128xf32, #tpu.memory_space<vmem>>, vector<1x16xf32>,
      %swap3A_468 = vector.shape_cast %swap3A_467 : vector<1x16xf32> to vector<16xf32>
      %swap3A_469 = vector.shape_cast %get3A_464 : vector<16xf32> to vector<1x16xf32>
      tpu.vector_store %arg13[%swap3A_465, %swap3A_466], %swap3A_469 {add = true, strides = array<i32>} : memref<125x128xf32, #tpu.memory_space<vmem>>, vector<1x16xf32>,
      %get3A_470 = arith.constant 2 : i32
      %get3A_471 = arith.index_cast %get3A_470 : i32 to index
      %get3A_472 = arith.constant 112 : index
      %get3A_473 = tpu.vector_load %arg14[%get3A_471, %get3A_472] {strides = array<i32>} : memref<3x128xf32, #tpu.memory_space<vmem>>, vector<1x16xf32>,
      %get3A_474 = vector.shape_cast %get3A_473 : vector<1x16xf32> to vector<16xf32>
      %swap3A_475 = arith.index_cast %add3A_400 : i32 to index
      %swap3A_476 = arith.constant 112 : index
      %swap3A_477 = tpu.vector_load %arg13[%swap3A_475, %swap3A_476] {strides = array<i32>} : memref<125x128xf32, #tpu.memory_space<vmem>>, vector<1x16xf32>,
      %swap3A_478 = vector.shape_cast %swap3A_477 : vector<1x16xf32> to vector<16xf32>
      %swap3A_479 = vector.shape_cast %get3A_474 : vector<16xf32> to vector<1x16xf32>
      tpu.vector_store %arg13[%swap3A_475, %swap3A_476], %swap3A_479 {add = true, strides = array<i32>} : memref<125x128xf32, #tpu.memory_space<vmem>>, vector<1x16xf32>,
      %mul3A_480 = arith.constant 5 : i32
      %mul3A_481 = arith.muli %scan3A_396, %mul3A_480 : i32
      %add3A_482 = arith.constant 1 : i32
      %add3A_483 = arith.addi %mul3A_481, %add3A_482 : i32
      %get3A_484 = arith.constant 2 : i32
      %get3A_485 = arith.index_cast %get3A_484 : i32 to index
      %get3A_486 = arith.constant 0 : index
      %get3A_487 = tpu.vector_load %arg14[%get3A_485, %get3A_486] {strides = array<i32>} : memref<3x128xf32, #tpu.memory_space<vmem>>, vector<1x16xf32>,
      %get3A_488 = vector.shape_cast %get3A_487 : vector<1x16xf32> to vector<16xf32>
      %swap3A_489 = arith.index_cast %add3A_483 : i32 to index
      %swap3A_490 = arith.constant 0 : index
      %swap3A_491 = tpu.vector_load %arg13[%swap3A_489, %swap3A_490] {strides = array<i32>} : memref<125x128xf32, #tpu.memory_space<vmem>>, vector<1x16xf32>,
      %swap3A_492 = vector.shape_cast %swap3A_491 : vector<1x16xf32> to vector<16xf32>
      %swap3A_493 = vector.shape_cast %get3A_488 : vector<16xf32> to vector<1x16xf32>
      tpu.vector_store %arg13[%swap3A_489, %swap3A_490], %swap3A_493 {add = true, strides = array<i32>} : memref<125x128xf32, #tpu.memory_space<vmem>>, vector<1x16xf32>,
      %get3A_494 = arith.constant 2 : i32
      %get3A_495 = arith.index_cast %get3A_494 : i32 to index
      %get3A_496 = arith.constant 16 : index
      %get3A_497 = tpu.vector_load %arg14[%get3A_495, %get3A_496] {strides = array<i32>} : memref<3x128xf32, #tpu.memory_space<vmem>>, vector<1x16xf32>,
      %get3A_498 = vector.shape_cast %get3A_497 : vector<1x16xf32> to vector<16xf32>
      %swap3A_499 = arith.index_cast %add3A_483 : i32 to index
      %swap3A_500 = arith.constant 16 : index
      %swap3A_501 = tpu.vector_load %arg13[%swap3A_499, %swap3A_500] {strides = array<i32>} : memref<125x128xf32, #tpu.memory_space<vmem>>, vector<1x16xf32>,
      %swap3A_502 = vector.shape_cast %swap3A_501 : vector<1x16xf32> to vector<16xf32>
      %swap3A_503 = vector.shape_cast %get3A_498 : vector<16xf32> to vector<1x16xf32>
      tpu.vector_store %arg13[%swap3A_499, %swap3A_500], %swap3A_503 {add = true, strides = array<i32>} : memref<125x128xf32, #tpu.memory_space<vmem>>, vector<1x16xf32>,
      %get3A_504 = arith.constant 2 : i32
      %get3A_505 = arith.index_cast %get3A_504 : i32 to index
      %get3A_506 = arith.constant 32 : index
      %get3A_507 = tpu.vector_load %arg14[%get3A_505, %get3A_506] {strides = array<i32>} : memref<3x128xf32, #tpu.memory_space<vmem>>, vector<1x16xf32>,
      %get3A_508 = vector.shape_cast %get3A_507 : vector<1x16xf32> to vector<16xf32>
      %swap3A_509 = arith.index_cast %add3A_483 : i32 to index
      %swap3A_510 = arith.constant 32 : index
      %swap3A_511 = tpu.vector_load %arg13[%swap3A_509, %swap3A_510] {strides = array<i32>} : memref<125x128xf32, #tpu.memory_space<vmem>>, vector<1x16xf32>,
      %swap3A_512 = vector.shape_cast %swap3A_511 : vector<1x16xf32> to vector<16xf32>
      %swap3A_513 = vector.shape_cast %get3A_508 : vector<16xf32> to vector<1x16xf32>
      tpu.vector_store %arg13[%swap3A_509, %swap3A_510], %swap3A_513 {add = true, strides = array<i32>} : memref<125x128xf32, #tpu.memory_space<vmem>>, vector<1x16xf32>,
      %get3A_514 = arith.constant 2 : i32
      %get3A_515 = arith.index_cast %get3A_514 : i32 to index
      %get3A_516 = arith.constant 48 : index
      %get3A_517 = tpu.vector_load %arg14[%get3A_515, %get3A_516] {strides = array<i32>} : memref<3x128xf32, #tpu.memory_space<vmem>>, vector<1x16xf32>,
      %get3A_518 = vector.shape_cast %get3A_517 : vector<1x16xf32> to vector<16xf32>
      %swap3A_519 = arith.index_cast %add3A_483 : i32 to index
      %swap3A_520 = arith.constant 48 : index
      %swap3A_521 = tpu.vector_load %arg13[%swap3A_519, %swap3A_520] {strides = array<i32>} : memref<125x128xf32, #tpu.memory_space<vmem>>, vector<1x16xf32>,
      %swap3A_522 = vector.shape_cast %swap3A_521 : vector<1x16xf32> to vector<16xf32>
      %swap3A_523 = vector.shape_cast %get3A_518 : vector<16xf32> to vector<1x16xf32>
      tpu.vector_store %arg13[%swap3A_519, %swap3A_520], %swap3A_523 {add = true, strides = array<i32>} : memref<125x128xf32, #tpu.memory_space<vmem>>, vector<1x16xf32>,
      %get3A_524 = arith.constant 2 : i32
      %get3A_525 = arith.index_cast %get3A_524 : i32 to index
      %get3A_526 = arith.constant 64 : index
      %get3A_527 = tpu.vector_load %arg14[%get3A_525, %get3A_526] {strides = array<i32>} : memref<3x128xf32, #tpu.memory_space<vmem>>, vector<1x16xf32>,
      %get3A_528 = vector.shape_cast %get3A_527 : vector<1x16xf32> to vector<16xf32>
      %swap3A_529 = arith.index_cast %add3A_483 : i32 to index
      %swap3A_530 = arith.constant 64 : index
      %swap3A_531 = tpu.vector_load %arg13[%swap3A_529, %swap3A_530] {strides = array<i32>} : memref<125x128xf32, #tpu.memory_space<vmem>>, vector<1x16xf32>,
      %swap3A_532 = vector.shape_cast %swap3A_531 : vector<1x16xf32> to vector<16xf32>
      %swap3A_533 = vector.shape_cast %get3A_528 : vector<16xf32> to vector<1x16xf32>
      tpu.vector_store %arg13[%swap3A_529, %swap3A_530], %swap3A_533 {add = true, strides = array<i32>} : memref<125x128xf32, #tpu.memory_space<vmem>>, vector<1x16xf32>,
      %get3A_534 = arith.constant 2 : i32
      %get3A_535 = arith.index_cast %get3A_534 : i32 to index
      %get3A_536 = arith.constant 80 : index
      %get3A_537 = tpu.vector_load %arg14[%get3A_535, %get3A_536] {strides = array<i32>} : memref<3x128xf32, #tpu.memory_space<vmem>>, vector<1x16xf32>,
      %get3A_538 = vector.shape_cast %get3A_537 : vector<1x16xf32> to vector<16xf32>
      %swap3A_539 = arith.index_cast %add3A_483 : i32 to index
      %swap3A_540 = arith.constant 80 : index
      %swap3A_541 = tpu.vector_load %arg13[%swap3A_539, %swap3A_540] {strides = array<i32>} : memref<125x128xf32, #tpu.memory_space<vmem>>, vector<1x16xf32>,
      %swap3A_542 = vector.shape_cast %swap3A_541 : vector<1x16xf32> to vector<16xf32>
      %swap3A_543 = vector.shape_cast %get3A_538 : vector<16xf32> to vector<1x16xf32>
      tpu.vector_store %arg13[%swap3A_539, %swap3A_540], %swap3A_543 {add = true, strides = array<i32>} : memref<125x128xf32, #tpu.memory_space<vmem>>, vector<1x16xf32>,
      %get3A_544 = arith.constant 2 : i32
      %get3A_545 = arith.index_cast %get3A_544 : i32 to index
      %get3A_546 = arith.constant 96 : index
      %get3A_547 = tpu.vector_load %arg14[%get3A_545, %get3A_546] {strides = array<i32>} : memref<3x128xf32, #tpu.memory_space<vmem>>, vector<1x16xf32>,
      %get3A_548 = vector.shape_cast %get3A_547 : vector<1x16xf32> to vector<16xf32>
      %swap3A_549 = arith.index_cast %add3A_483 : i32 to index
      %swap3A_550 = arith.constant 96 : index
      %swap3A_551 = tpu.vector_load %arg13[%swap3A_549, %swap3A_550] {strides = array<i32>} : memref<125x128xf32, #tpu.memory_space<vmem>>, vector<1x16xf32>,
      %swap3A_552 = vector.shape_cast %swap3A_551 : vector<1x16xf32> to vector<16xf32>
      %swap3A_553 = vector.shape_cast %get3A_548 : vector<16xf32> to vector<1x16xf32>
      tpu.vector_store %arg13[%swap3A_549, %swap3A_550], %swap3A_553 {add = true, strides = array<i32>} : memref<125x128xf32, #tpu.memory_space<vmem>>, vector<1x16xf32>,
      %get3A_554 = arith.constant 2 : i32
      %get3A_555 = arith.index_cast %get3A_554 : i32 to index
      %get3A_556 = arith.constant 112 : index
      %get3A_557 = tpu.vector_load %arg14[%get3A_555, %get3A_556] {strides = array<i32>} : memref<3x128xf32, #tpu.memory_space<vmem>>, vector<1x16xf32>,
      %get3A_558 = vector.shape_cast %get3A_557 : vector<1x16xf32> to vector<16xf32>
      %swap3A_559 = arith.index_cast %add3A_483 : i32 to index
      %swap3A_560 = arith.constant 112 : index
      %swap3A_561 = tpu.vector_load %arg13[%swap3A_559, %swap3A_560] {strides = array<i32>} : memref<125x128xf32, #tpu.memory_space<vmem>>, vector<1x16xf32>,
      %swap3A_562 = vector.shape_cast %swap3A_561 : vector<1x16xf32> to vector<16xf32>
      %swap3A_563 = vector.shape_cast %get3A_558 : vector<16xf32> to vector<1x16xf32>
      tpu.vector_store %arg13[%swap3A_559, %swap3A_560], %swap3A_563 {add = true, strides = array<i32>} : memref<125x128xf32, #tpu.memory_space<vmem>>, vector<1x16xf32>,
      %mul3A_564 = arith.constant 5 : i32
      %mul3A_565 = arith.muli %scan3A_396, %mul3A_564 : i32
      %add3A_566 = arith.constant 2 : i32
      %add3A_567 = arith.addi %mul3A_565, %add3A_566 : i32
      %get3A_568 = arith.constant 2 : i32
      %get3A_569 = arith.index_cast %get3A_568 : i32 to index
      %get3A_570 = arith.constant 0 : index
      %get3A_571 = tpu.vector_load %arg14[%get3A_569, %get3A_570] {strides = array<i32>} : memref<3x128xf32, #tpu.memory_space<vmem>>, vector<1x16xf32>,
      %get3A_572 = vector.shape_cast %get3A_571 : vector<1x16xf32> to vector<16xf32>
      %swap3A_573 = arith.index_cast %add3A_567 : i32 to index
      %swap3A_574 = arith.constant 0 : index
      %swap3A_575 = tpu.vector_load %arg13[%swap3A_573, %swap3A_574] {strides = array<i32>} : memref<125x128xf32, #tpu.memory_space<vmem>>, vector<1x16xf32>,
      %swap3A_576 = vector.shape_cast %swap3A_575 : vector<1x16xf32> to vector<16xf32>
      %swap3A_577 = vector.shape_cast %get3A_572 : vector<16xf32> to vector<1x16xf32>
      tpu.vector_store %arg13[%swap3A_573, %swap3A_574], %swap3A_577 {add = true, strides = array<i32>} : memref<125x128xf32, #tpu.memory_space<vmem>>, vector<1x16xf32>,
      %get3A_578 = arith.constant 2 : i32
      %get3A_579 = arith.index_cast %get3A_578 : i32 to index
      %get3A_580 = arith.constant 16 : index
      %get3A_581 = tpu.vector_load %arg14[%get3A_579, %get3A_580] {strides = array<i32>} : memref<3x128xf32, #tpu.memory_space<vmem>>, vector<1x16xf32>,
      %get3A_582 = vector.shape_cast %get3A_581 : vector<1x16xf32> to vector<16xf32>
      %swap3A_583 = arith.index_cast %add3A_567 : i32 to index
      %swap3A_584 = arith.constant 16 : index
      %swap3A_585 = tpu.vector_load %arg13[%swap3A_583, %swap3A_584] {strides = array<i32>} : memref<125x128xf32, #tpu.memory_space<vmem>>, vector<1x16xf32>,
      %swap3A_586 = vector.shape_cast %swap3A_585 : vector<1x16xf32> to vector<16xf32>
      %swap3A_587 = vector.shape_cast %get3A_582 : vector<16xf32> to vector<1x16xf32>
      tpu.vector_store %arg13[%swap3A_583, %swap3A_584], %swap3A_587 {add = true, strides = array<i32>} : memref<125x128xf32, #tpu.memory_space<vmem>>, vector<1x16xf32>,
      %get3A_588 = arith.constant 2 : i32
      %get3A_589 = arith.index_cast %get3A_588 : i32 to index
      %get3A_590 = arith.constant 32 : index
      %get3A_591 = tpu.vector_load %arg14[%get3A_589, %get3A_590] {strides = array<i32>} : memref<3x128xf32, #tpu.memory_space<vmem>>, vector<1x16xf32>,
      %get3A_592 = vector.shape_cast %get3A_591 : vector<1x16xf32> to vector<16xf32>
      %swap3A_593 = arith.index_cast %add3A_567 : i32 to index
      %swap3A_594 = arith.constant 32 : index
      %swap3A_595 = tpu.vector_load %arg13[%swap3A_593, %swap3A_594] {strides = array<i32>} : memref<125x128xf32, #tpu.memory_space<vmem>>, vector<1x16xf32>,
      %swap3A_596 = vector.shape_cast %swap3A_595 : vector<1x16xf32> to vector<16xf32>
      %swap3A_597 = vector.shape_cast %get3A_592 : vector<16xf32> to vector<1x16xf32>
      tpu.vector_store %arg13[%swap3A_593, %swap3A_594], %swap3A_597 {add = true, strides = array<i32>} : memref<125x128xf32, #tpu.memory_space<vmem>>, vector<1x16xf32>,
      %get3A_598 = arith.constant 2 : i32
      %get3A_599 = arith.index_cast %get3A_598 : i32 to index
      %get3A_600 = arith.constant 48 : index
      %get3A_601 = tpu.vector_load %arg14[%get3A_599, %get3A_600] {strides = array<i32>} : memref<3x128xf32, #tpu.memory_space<vmem>>, vector<1x16xf32>,
      %get3A_602 = vector.shape_cast %get3A_601 : vector<1x16xf32> to vector<16xf32>
      %swap3A_603 = arith.index_cast %add3A_567 : i32 to index
      %swap3A_604 = arith.constant 48 : index
      %swap3A_605 = tpu.vector_load %arg13[%swap3A_603, %swap3A_604] {strides = array<i32>} : memref<125x128xf32, #tpu.memory_space<vmem>>, vector<1x16xf32>,
      %swap3A_606 = vector.shape_cast %swap3A_605 : vector<1x16xf32> to vector<16xf32>
      %swap3A_607 = vector.shape_cast %get3A_602 : vector<16xf32> to vector<1x16xf32>
      tpu.vector_store %arg13[%swap3A_603, %swap3A_604], %swap3A_607 {add = true, strides = array<i32>} : memref<125x128xf32, #tpu.memory_space<vmem>>, vector<1x16xf32>,
      %get3A_608 = arith.constant 2 : i32
      %get3A_609 = arith.index_cast %get3A_608 : i32 to index
      %get3A_610 = arith.constant 64 : index
      %get3A_611 = tpu.vector_load %arg14[%get3A_609, %get3A_610] {strides = array<i32>} : memref<3x128xf32, #tpu.memory_space<vmem>>, vector<1x16xf32>,
      %get3A_612 = vector.shape_cast %get3A_611 : vector<1x16xf32> to vector<16xf32>
      %swap3A_613 = arith.index_cast %add3A_567 : i32 to index
      %swap3A_614 = arith.constant 64 : index
      %swap3A_615 = tpu.vector_load %arg13[%swap3A_613, %swap3A_614] {strides = array<i32>} : memref<125x128xf32, #tpu.memory_space<vmem>>, vector<1x16xf32>,
      %swap3A_616 = vector.shape_cast %swap3A_615 : vector<1x16xf32> to vector<16xf32>
      %swap3A_617 = vector.shape_cast %get3A_612 : vector<16xf32> to vector<1x16xf32>
      tpu.vector_store %arg13[%swap3A_613, %swap3A_614], %swap3A_617 {add = true, strides = array<i32>} : memref<125x128xf32, #tpu.memory_space<vmem>>, vector<1x16xf32>,
      %get3A_618 = arith.constant 2 : i32
      %get3A_619 = arith.index_cast %get3A_618 : i32 to index
      %get3A_620 = arith.constant 80 : index
      %get3A_621 = tpu.vector_load %arg14[%get3A_619, %get3A_620] {strides = array<i32>} : memref<3x128xf32, #tpu.memory_space<vmem>>, vector<1x16xf32>,
      %get3A_622 = vector.shape_cast %get3A_621 : vector<1x16xf32> to vector<16xf32>
      %swap3A_623 = arith.index_cast %add3A_567 : i32 to index
      %swap3A_624 = arith.constant 80 : index
      %swap3A_625 = tpu.vector_load %arg13[%swap3A_623, %swap3A_624] {strides = array<i32>} : memref<125x128xf32, #tpu.memory_space<vmem>>, vector<1x16xf32>,
      %swap3A_626 = vector.shape_cast %swap3A_625 : vector<1x16xf32> to vector<16xf32>
      %swap3A_627 = vector.shape_cast %get3A_622 : vector<16xf32> to vector<1x16xf32>
      tpu.vector_store %arg13[%swap3A_623, %swap3A_624], %swap3A_627 {add = true, strides = array<i32>} : memref<125x128xf32, #tpu.memory_space<vmem>>, vector<1x16xf32>,
      %get3A_628 = arith.constant 2 : i32
      %get3A_629 = arith.index_cast %get3A_628 : i32 to index
      %get3A_630 = arith.constant 96 : index
      %get3A_631 = tpu.vector_load %arg14[%get3A_629, %get3A_630] {strides = array<i32>} : memref<3x128xf32, #tpu.memory_space<vmem>>, vector<1x16xf32>,
      %get3A_632 = vector.shape_cast %get3A_631 : vector<1x16xf32> to vector<16xf32>
      %swap3A_633 = arith.index_cast %add3A_567 : i32 to index
      %swap3A_634 = arith.constant 96 : index
      %swap3A_635 = tpu.vector_load %arg13[%swap3A_633, %swap3A_634] {strides = array<i32>} : memref<125x128xf32, #tpu.memory_space<vmem>>, vector<1x16xf32>,
      %swap3A_636 = vector.shape_cast %swap3A_635 : vector<1x16xf32> to vector<16xf32>
      %swap3A_637 = vector.shape_cast %get3A_632 : vector<16xf32> to vector<1x16xf32>
      tpu.vector_store %arg13[%swap3A_633, %swap3A_634], %swap3A_637 {add = true, strides = array<i32>} : memref<125x128xf32, #tpu.memory_space<vmem>>, vector<1x16xf32>,
      %get3A_638 = arith.constant 2 : i32
      %get3A_639 = arith.index_cast %get3A_638 : i32 to index
      %get3A_640 = arith.constant 112 : index
      %get3A_641 = tpu.vector_load %arg14[%get3A_639, %get3A_640] {strides = array<i32>} : memref<3x128xf32, #tpu.memory_space<vmem>>, vector<1x16xf32>,
      %get3A_642 = vector.shape_cast %get3A_641 : vector<1x16xf32> to vector<16xf32>
      %swap3A_643 = arith.index_cast %add3A_567 : i32 to index
      %swap3A_644 = arith.constant 112 : index
      %swap3A_645 = tpu.vector_load %arg13[%swap3A_643, %swap3A_644] {strides = array<i32>} : memref<125x128xf32, #tpu.memory_space<vmem>>, vector<1x16xf32>,
      %swap3A_646 = vector.shape_cast %swap3A_645 : vector<1x16xf32> to vector<16xf32>
      %swap3A_647 = vector.shape_cast %get3A_642 : vector<16xf32> to vector<1x16xf32>
      tpu.vector_store %arg13[%swap3A_643, %swap3A_644], %swap3A_647 {add = true, strides = array<i32>} : memref<125x128xf32, #tpu.memory_space<vmem>>, vector<1x16xf32>,
      %mul3A_648 = arith.constant 5 : i32
      %mul3A_649 = arith.muli %scan3A_396, %mul3A_648 : i32
      %add3A_650 = arith.constant 3 : i32
      %add3A_651 = arith.addi %mul3A_649, %add3A_650 : i32
      %get3A_652 = arith.constant 2 : i32
      %get3A_653 = arith.index_cast %get3A_652 : i32 to index
      %get3A_654 = arith.constant 0 : index
      %get3A_655 = tpu.vector_load %arg14[%get3A_653, %get3A_654] {strides = array<i32>} : memref<3x128xf32, #tpu.memory_space<vmem>>, vector<1x16xf32>,
      %get3A_656 = vector.shape_cast %get3A_655 : vector<1x16xf32> to vector<16xf32>
      %swap3A_657 = arith.index_cast %add3A_651 : i32 to index
      %swap3A_658 = arith.constant 0 : index
      %swap3A_659 = tpu.vector_load %arg13[%swap3A_657, %swap3A_658] {strides = array<i32>} : memref<125x128xf32, #tpu.memory_space<vmem>>, vector<1x16xf32>,
      %swap3A_660 = vector.shape_cast %swap3A_659 : vector<1x16xf32> to vector<16xf32>
      %swap3A_661 = vector.shape_cast %get3A_656 : vector<16xf32> to vector<1x16xf32>
      tpu.vector_store %arg13[%swap3A_657, %swap3A_658], %swap3A_661 {add = true, strides = array<i32>} : memref<125x128xf32, #tpu.memory_space<vmem>>, vector<1x16xf32>,
      %get3A_662 = arith.constant 2 : i32
      %get3A_663 = arith.index_cast %get3A_662 : i32 to index
      %get3A_664 = arith.constant 16 : index
      %get3A_665 = tpu.vector_load %arg14[%get3A_663, %get3A_664] {strides = array<i32>} : memref<3x128xf32, #tpu.memory_space<vmem>>, vector<1x16xf32>,
      %get3A_666 = vector.shape_cast %get3A_665 : vector<1x16xf32> to vector<16xf32>
      %swap3A_667 = arith.index_cast %add3A_651 : i32 to index
      %swap3A_668 = arith.constant 16 : index
      %swap3A_669 = tpu.vector_load %arg13[%swap3A_667, %swap3A_668] {strides = array<i32>} : memref<125x128xf32, #tpu.memory_space<vmem>>, vector<1x16xf32>,
      %swap3A_670 = vector.shape_cast %swap3A_669 : vector<1x16xf32> to vector<16xf32>
      %swap3A_671 = vector.shape_cast %get3A_666 : vector<16xf32> to vector<1x16xf32>
      tpu.vector_store %arg13[%swap3A_667, %swap3A_668], %swap3A_671 {add = true, strides = array<i32>} : memref<125x128xf32, #tpu.memory_space<vmem>>, vector<1x16xf32>,
      %get3A_672 = arith.constant 2 : i32
      %get3A_673 = arith.index_cast %get3A_672 : i32 to index
      %get3A_674 = arith.constant 32 : index
      %get3A_675 = tpu.vector_load %arg14[%get3A_673, %get3A_674] {strides = array<i32>} : memref<3x128xf32, #tpu.memory_space<vmem>>, vector<1x16xf32>,
      %get3A_676 = vector.shape_cast %get3A_675 : vector<1x16xf32> to vector<16xf32>
      %swap3A_677 = arith.index_cast %add3A_651 : i32 to index
      %swap3A_678 = arith.constant 32 : index
      %swap3A_679 = tpu.vector_load %arg13[%swap3A_677, %swap3A_678] {strides = array<i32>} : memref<125x128xf32, #tpu.memory_space<vmem>>, vector<1x16xf32>,
      %swap3A_680 = vector.shape_cast %swap3A_679 : vector<1x16xf32> to vector<16xf32>
      %swap3A_681 = vector.shape_cast %get3A_676 : vector<16xf32> to vector<1x16xf32>
      tpu.vector_store %arg13[%swap3A_677, %swap3A_678], %swap3A_681 {add = true, strides = array<i32>} : memref<125x128xf32, #tpu.memory_space<vmem>>, vector<1x16xf32>,
      %get3A_682 = arith.constant 2 : i32
      %get3A_683 = arith.index_cast %get3A_682 : i32 to index
      %get3A_684 = arith.constant 48 : index
      %get3A_685 = tpu.vector_load %arg14[%get3A_683, %get3A_684] {strides = array<i32>} : memref<3x128xf32, #tpu.memory_space<vmem>>, vector<1x16xf32>,
      %get3A_686 = vector.shape_cast %get3A_685 : vector<1x16xf32> to vector<16xf32>
      %swap3A_687 = arith.index_cast %add3A_651 : i32 to index
      %swap3A_688 = arith.constant 48 : index
      %swap3A_689 = tpu.vector_load %arg13[%swap3A_687, %swap3A_688] {strides = array<i32>} : memref<125x128xf32, #tpu.memory_space<vmem>>, vector<1x16xf32>,
      %swap3A_690 = vector.shape_cast %swap3A_689 : vector<1x16xf32> to vector<16xf32>
      %swap3A_691 = vector.shape_cast %get3A_686 : vector<16xf32> to vector<1x16xf32>
      tpu.vector_store %arg13[%swap3A_687, %swap3A_688], %swap3A_691 {add = true, strides = array<i32>} : memref<125x128xf32, #tpu.memory_space<vmem>>, vector<1x16xf32>,
      %get3A_692 = arith.constant 2 : i32
      %get3A_693 = arith.index_cast %get3A_692 : i32 to index
      %get3A_694 = arith.constant 64 : index
      %get3A_695 = tpu.vector_load %arg14[%get3A_693, %get3A_694] {strides = array<i32>} : memref<3x128xf32, #tpu.memory_space<vmem>>, vector<1x16xf32>,
      %get3A_696 = vector.shape_cast %get3A_695 : vector<1x16xf32> to vector<16xf32>
      %swap3A_697 = arith.index_cast %add3A_651 : i32 to index
      %swap3A_698 = arith.constant 64 : index
      %swap3A_699 = tpu.vector_load %arg13[%swap3A_697, %swap3A_698] {strides = array<i32>} : memref<125x128xf32, #tpu.memory_space<vmem>>, vector<1x16xf32>,
      %swap3A_700 = vector.shape_cast %swap3A_699 : vector<1x16xf32> to vector<16xf32>
      %swap3A_701 = vector.shape_cast %get3A_696 : vector<16xf32> to vector<1x16xf32>
      tpu.vector_store %arg13[%swap3A_697, %swap3A_698], %swap3A_701 {add = true, strides = array<i32>} : memref<125x128xf32, #tpu.memory_space<vmem>>, vector<1x16xf32>,
      %get3A_702 = arith.constant 2 : i32
      %get3A_703 = arith.index_cast %get3A_702 : i32 to index
      %get3A_704 = arith.constant 80 : index
      %get3A_705 = tpu.vector_load %arg14[%get3A_703, %get3A_704] {strides = array<i32>} : memref<3x128xf32, #tpu.memory_space<vmem>>, vector<1x16xf32>,
      %get3A_706 = vector.shape_cast %get3A_705 : vector<1x16xf32> to vector<16xf32>
      %swap3A_707 = arith.index_cast %add3A_651 : i32 to index
      %swap3A_708 = arith.constant 80 : index
      %swap3A_709 = tpu.vector_load %arg13[%swap3A_707, %swap3A_708] {strides = array<i32>} : memref<125x128xf32, #tpu.memory_space<vmem>>, vector<1x16xf32>,
      %swap3A_710 = vector.shape_cast %swap3A_709 : vector<1x16xf32> to vector<16xf32>
      %swap3A_711 = vector.shape_cast %get3A_706 : vector<16xf32> to vector<1x16xf32>
      tpu.vector_store %arg13[%swap3A_707, %swap3A_708], %swap3A_711 {add = true, strides = array<i32>} : memref<125x128xf32, #tpu.memory_space<vmem>>, vector<1x16xf32>,
      %get3A_712 = arith.constant 2 : i32
      %get3A_713 = arith.index_cast %get3A_712 : i32 to index
      %get3A_714 = arith.constant 96 : index
      %get3A_715 = tpu.vector_load %arg14[%get3A_713, %get3A_714] {strides = array<i32>} : memref<3x128xf32, #tpu.memory_space<vmem>>, vector<1x16xf32>,
      %get3A_716 = vector.shape_cast %get3A_715 : vector<1x16xf32> to vector<16xf32>
      %swap3A_717 = arith.index_cast %add3A_651 : i32 to index
      %swap3A_718 = arith.constant 96 : index
      %swap3A_719 = tpu.vector_load %arg13[%swap3A_717, %swap3A_718] {strides = array<i32>} : memref<125x128xf32, #tpu.memory_space<vmem>>, vector<1x16xf32>,
      %swap3A_720 = vector.shape_cast %swap3A_719 : vector<1x16xf32> to vector<16xf32>
      %swap3A_721 = vector.shape_cast %get3A_716 : vector<16xf32> to vector<1x16xf32>
      tpu.vector_store %arg13[%swap3A_717, %swap3A_718], %swap3A_721 {add = true, strides = array<i32>} : memref<125x128xf32, #tpu.memory_space<vmem>>, vector<1x16xf32>,
      %get3A_722 = arith.constant 2 : i32
      %get3A_723 = arith.index_cast %get3A_722 : i32 to index
      %get3A_724 = arith.constant 112 : index
      %get3A_725 = tpu.vector_load %arg14[%get3A_723, %get3A_724] {strides = array<i32>} : memref<3x128xf32, #tpu.memory_space<vmem>>, vector<1x16xf32>,
      %get3A_726 = vector.shape_cast %get3A_725 : vector<1x16xf32> to vector<16xf32>
      %swap3A_727 = arith.index_cast %add3A_651 : i32 to index
      %swap3A_728 = arith.constant 112 : index
      %swap3A_729 = tpu.vector_load %arg13[%swap3A_727, %swap3A_728] {strides = array<i32>} : memref<125x128xf32, #tpu.memory_space<vmem>>, vector<1x16xf32>,
      %swap3A_730 = vector.shape_cast %swap3A_729 : vector<1x16xf32> to vector<16xf32>
      %swap3A_731 = vector.shape_cast %get3A_726 : vector<16xf32> to vector<1x16xf32>
      tpu.vector_store %arg13[%swap3A_727, %swap3A_728], %swap3A_731 {add = true, strides = array<i32>} : memref<125x128xf32, #tpu.memory_space<vmem>>, vector<1x16xf32>,
      %mul3A_732 = arith.constant 5 : i32
      %mul3A_733 = arith.muli %scan3A_396, %mul3A_732 : i32
      %add3A_734 = arith.constant 4 : i32
      %add3A_735 = arith.addi %mul3A_733, %add3A_734 : i32
      %get3A_736 = arith.constant 2 : i32
      %get3A_737 = arith.index_cast %get3A_736 : i32 to index
      %get3A_738 = arith.constant 0 : index
      %get3A_739 = tpu.vector_load %arg14[%get3A_737, %get3A_738] {strides = array<i32>} : memref<3x128xf32, #tpu.memory_space<vmem>>, vector<1x16xf32>,
      %get3A_740 = vector.shape_cast %get3A_739 : vector<1x16xf32> to vector<16xf32>
      %swap3A_741 = arith.index_cast %add3A_735 : i32 to index
      %swap3A_742 = arith.constant 0 : index
      %swap3A_743 = tpu.vector_load %arg13[%swap3A_741, %swap3A_742] {strides = array<i32>} : memref<125x128xf32, #tpu.memory_space<vmem>>, vector<1x16xf32>,
      %swap3A_744 = vector.shape_cast %swap3A_743 : vector<1x16xf32> to vector<16xf32>
      %swap3A_745 = vector.shape_cast %get3A_740 : vector<16xf32> to vector<1x16xf32>
      tpu.vector_store %arg13[%swap3A_741, %swap3A_742], %swap3A_745 {add = true, strides = array<i32>} : memref<125x128xf32, #tpu.memory_space<vmem>>, vector<1x16xf32>,
      %get3A_746 = arith.constant 2 : i32
      %get3A_747 = arith.index_cast %get3A_746 : i32 to index
      %get3A_748 = arith.constant 16 : index
      %get3A_749 = tpu.vector_load %arg14[%get3A_747, %get3A_748] {strides = array<i32>} : memref<3x128xf32, #tpu.memory_space<vmem>>, vector<1x16xf32>,
      %get3A_750 = vector.shape_cast %get3A_749 : vector<1x16xf32> to vector<16xf32>
      %swap3A_751 = arith.index_cast %add3A_735 : i32 to index
      %swap3A_752 = arith.constant 16 : index
      %swap3A_753 = tpu.vector_load %arg13[%swap3A_751, %swap3A_752] {strides = array<i32>} : memref<125x128xf32, #tpu.memory_space<vmem>>, vector<1x16xf32>,
      %swap3A_754 = vector.shape_cast %swap3A_753 : vector<1x16xf32> to vector<16xf32>
      %swap3A_755 = vector.shape_cast %get3A_750 : vector<16xf32> to vector<1x16xf32>
      tpu.vector_store %arg13[%swap3A_751, %swap3A_752], %swap3A_755 {add = true, strides = array<i32>} : memref<125x128xf32, #tpu.memory_space<vmem>>, vector<1x16xf32>,
      %get3A_756 = arith.constant 2 : i32
      %get3A_757 = arith.index_cast %get3A_756 : i32 to index
      %get3A_758 = arith.constant 32 : index
      %get3A_759 = tpu.vector_load %arg14[%get3A_757, %get3A_758] {strides = array<i32>} : memref<3x128xf32, #tpu.memory_space<vmem>>, vector<1x16xf32>,
      %get3A_760 = vector.shape_cast %get3A_759 : vector<1x16xf32> to vector<16xf32>
      %swap3A_761 = arith.index_cast %add3A_735 : i32 to index
      %swap3A_762 = arith.constant 32 : index
      %swap3A_763 = tpu.vector_load %arg13[%swap3A_761, %swap3A_762] {strides = array<i32>} : memref<125x128xf32, #tpu.memory_space<vmem>>, vector<1x16xf32>,
      %swap3A_764 = vector.shape_cast %swap3A_763 : vector<1x16xf32> to vector<16xf32>
      %swap3A_765 = vector.shape_cast %get3A_760 : vector<16xf32> to vector<1x16xf32>
      tpu.vector_store %arg13[%swap3A_761, %swap3A_762], %swap3A_765 {add = true, strides = array<i32>} : memref<125x128xf32, #tpu.memory_space<vmem>>, vector<1x16xf32>,
      %get3A_766 = arith.constant 2 : i32
      %get3A_767 = arith.index_cast %get3A_766 : i32 to index
      %get3A_768 = arith.constant 48 : index
      %get3A_769 = tpu.vector_load %arg14[%get3A_767, %get3A_768] {strides = array<i32>} : memref<3x128xf32, #tpu.memory_space<vmem>>, vector<1x16xf32>,
      %get3A_770 = vector.shape_cast %get3A_769 : vector<1x16xf32> to vector<16xf32>
      %swap3A_771 = arith.index_cast %add3A_735 : i32 to index
      %swap3A_772 = arith.constant 48 : index
      %swap3A_773 = tpu.vector_load %arg13[%swap3A_771, %swap3A_772] {strides = array<i32>} : memref<125x128xf32, #tpu.memory_space<vmem>>, vector<1x16xf32>,
      %swap3A_774 = vector.shape_cast %swap3A_773 : vector<1x16xf32> to vector<16xf32>
      %swap3A_775 = vector.shape_cast %get3A_770 : vector<16xf32> to vector<1x16xf32>
      tpu.vector_store %arg13[%swap3A_771, %swap3A_772], %swap3A_775 {add = true, strides = array<i32>} : memref<125x128xf32, #tpu.memory_space<vmem>>, vector<1x16xf32>,
      %get3A_776 = arith.constant 2 : i32
      %get3A_777 = arith.index_cast %get3A_776 : i32 to index
      %get3A_778 = arith.constant 64 : index
      %get3A_779 = tpu.vector_load %arg14[%get3A_777, %get3A_778] {strides = array<i32>} : memref<3x128xf32, #tpu.memory_space<vmem>>, vector<1x16xf32>,
      %get3A_780 = vector.shape_cast %get3A_779 : vector<1x16xf32> to vector<16xf32>
      %swap3A_781 = arith.index_cast %add3A_735 : i32 to index
      %swap3A_782 = arith.constant 64 : index
      %swap3A_783 = tpu.vector_load %arg13[%swap3A_781, %swap3A_782] {strides = array<i32>} : memref<125x128xf32, #tpu.memory_space<vmem>>, vector<1x16xf32>,
      %swap3A_784 = vector.shape_cast %swap3A_783 : vector<1x16xf32> to vector<16xf32>
      %swap3A_785 = vector.shape_cast %get3A_780 : vector<16xf32> to vector<1x16xf32>
      tpu.vector_store %arg13[%swap3A_781, %swap3A_782], %swap3A_785 {add = true, strides = array<i32>} : memref<125x128xf32, #tpu.memory_space<vmem>>, vector<1x16xf32>,
      %get3A_786 = arith.constant 2 : i32
      %get3A_787 = arith.index_cast %get3A_786 : i32 to index
      %get3A_788 = arith.constant 80 : index
      %get3A_789 = tpu.vector_load %arg14[%get3A_787, %get3A_788] {strides = array<i32>} : memref<3x128xf32, #tpu.memory_space<vmem>>, vector<1x16xf32>,
      %get3A_790 = vector.shape_cast %get3A_789 : vector<1x16xf32> to vector<16xf32>
      %swap3A_791 = arith.index_cast %add3A_735 : i32 to index
      %swap3A_792 = arith.constant 80 : index
      %swap3A_793 = tpu.vector_load %arg13[%swap3A_791, %swap3A_792] {strides = array<i32>} : memref<125x128xf32, #tpu.memory_space<vmem>>, vector<1x16xf32>,
      %swap3A_794 = vector.shape_cast %swap3A_793 : vector<1x16xf32> to vector<16xf32>
      %swap3A_795 = vector.shape_cast %get3A_790 : vector<16xf32> to vector<1x16xf32>
      tpu.vector_store %arg13[%swap3A_791, %swap3A_792], %swap3A_795 {add = true, strides = array<i32>} : memref<125x128xf32, #tpu.memory_space<vmem>>, vector<1x16xf32>,
      %get3A_796 = arith.constant 2 : i32
      %get3A_797 = arith.index_cast %get3A_796 : i32 to index
      %get3A_798 = arith.constant 96 : index
      %get3A_799 = tpu.vector_load %arg14[%get3A_797, %get3A_798] {strides = array<i32>} : memref<3x128xf32, #tpu.memory_space<vmem>>, vector<1x16xf32>,
      %get3A_800 = vector.shape_cast %get3A_799 : vector<1x16xf32> to vector<16xf32>
      %swap3A_801 = arith.index_cast %add3A_735 : i32 to index
      %swap3A_802 = arith.constant 96 : index
      %swap3A_803 = tpu.vector_load %arg13[%swap3A_801, %swap3A_802] {strides = array<i32>} : memref<125x128xf32, #tpu.memory_space<vmem>>, vector<1x16xf32>,
      %swap3A_804 = vector.shape_cast %swap3A_803 : vector<1x16xf32> to vector<16xf32>
      %swap3A_805 = vector.shape_cast %get3A_800 : vector<16xf32> to vector<1x16xf32>
      tpu.vector_store %arg13[%swap3A_801, %swap3A_802], %swap3A_805 {add = true, strides = array<i32>} : memref<125x128xf32, #tpu.memory_space<vmem>>, vector<1x16xf32>,
      %get3A_806 = arith.constant 2 : i32
      %get3A_807 = arith.index_cast %get3A_806 : i32 to index
      %get3A_808 = arith.constant 112 : index
      %get3A_809 = tpu.vector_load %arg14[%get3A_807, %get3A_808] {strides = array<i32>} : memref<3x128xf32, #tpu.memory_space<vmem>>, vector<1x16xf32>,
      %get3A_810 = vector.shape_cast %get3A_809 : vector<1x16xf32> to vector<16xf32>
      %swap3A_811 = arith.index_cast %add3A_735 : i32 to index
      %swap3A_812 = arith.constant 112 : index
      %swap3A_813 = tpu.vector_load %arg13[%swap3A_811, %swap3A_812] {strides = array<i32>} : memref<125x128xf32, #tpu.memory_space<vmem>>, vector<1x16xf32>,
      %swap3A_814 = vector.shape_cast %swap3A_813 : vector<1x16xf32> to vector<16xf32>
      %swap3A_815 = vector.shape_cast %get3A_810 : vector<16xf32> to vector<1x16xf32>
      tpu.vector_store %arg13[%swap3A_811, %swap3A_812], %swap3A_815 {add = true, strides = array<i32>} : memref<125x128xf32, #tpu.memory_space<vmem>>, vector<1x16xf32>,
    }
    %scan3A_9 = arith.constant 25 : i32
    "tpu.region"() ({
      %run_scoped3A = tpu.sem_alloc : memref<!tpu.dma_semaphore, #tpu.memory_space<semaphore_mem>>
      %dma_start3A_396 = arith.constant 0 : i32
      %dma_start3A_397 = arith.constant 0 : i32
      %dma_start3A_398 = tpu.memref_slice %arg2[%mul3A_2, %dma_start3A_396, %dma_start3A_397] : memref<4096x1x128xf32, #tpu.memory_space<hbm>> -> memref<128x1x128xf32, #tpu.memory_space<hbm>>
      %dma_start3A_399 = arith.constant 0 : i32
      %dma_start3A_400 = arith.constant 0 : i32
      %dma_start3A_401 = tpu.memref_slice %arg2[%mul3A_2, %dma_start3A_399, %dma_start3A_400] : memref<4096x1x128xf32, #tpu.memory_space<hbm>> -> memref<128x1x128xf32, #tpu.memory_space<hbm>>
      tpu.enqueue_dma source(%dma_start3A_401 : memref<128x1x128xf32, #tpu.memory_space<hbm>>) target(%arg19 : memref<128x1x128xf32, #tpu.memory_space<vmem>>) target_semaphore(%run_scoped3A : memref<!tpu.dma_semaphore, #tpu.memory_space<semaphore_mem>>)
      %dma_wait3A_402 = arith.constant 0 : i32
      %dma_wait3A_403 = arith.constant 0 : i32
      %dma_wait3A_404 = tpu.memref_slice %arg2[%mul3A_2, %dma_wait3A_402, %dma_wait3A_403] : memref<4096x1x128xf32, #tpu.memory_space<hbm>> -> memref<128x1x128xf32, #tpu.memory_space<hbm>>
      %dma_wait3A_405 = arith.constant 0 : i32
      %dma_wait3A_406 = arith.constant 0 : i32
      %dma_wait3A_407 = tpu.memref_slice %arg2[%mul3A_2, %dma_wait3A_405, %dma_wait3A_406] : memref<4096x1x128xf32, #tpu.memory_space<hbm>> -> memref<128x1x128xf32, #tpu.memory_space<hbm>>
      tpu.wait_dma2 semaphore(%run_scoped3A : memref<!tpu.dma_semaphore, #tpu.memory_space<semaphore_mem>>) src(%dma_wait3A_407 : memref<128x1x128xf32, #tpu.memory_space<hbm>>) dst(%arg19 : memref<128x1x128xf32, #tpu.memory_space<vmem>>)
      tpu.yield
    }) : () -> ()
    %scan3A_10 = arith.constant 0 : i32
    %scan3A_11 = arith.constant 0 : i32
    %scan3A_12 = arith.constant 128 : i32
    %scan3A_13 = arith.addi %scan3A_11, %scan3A_12 : i32
    %scan3A_14 = arith.constant 1 : i32
    scf.for %scan3A_396 = %scan3A_11 to %scan3A_13 step %scan3A_14  : i32 {
      %get3A_397 = arith.constant 0 : i32
      %get3A_398 = arith.index_cast %get3A_397 : i32 to index
      %get3A_399 = arith.constant 0 : index
      %get3A_400 = tpu.vector_load %arg14[%get3A_398, %get3A_399] {strides = array<i32>} : memref<3x128xf32, #tpu.memory_space<vmem>>, vector<1x16xf32>,
      %get3A_401 = vector.shape_cast %get3A_400 : vector<1x16xf32> to vector<16xf32>
      %swap3A = arith.constant 0 : i32
      %swap3A_402 = arith.index_cast %scan3A_396 : i32 to index
      %swap3A_403 = arith.index_cast %swap3A : i32 to index
      %swap3A_404 = arith.constant 0 : index
      %swap3A_405 = tpu.vector_load %arg19[%swap3A_402, %swap3A_403, %swap3A_404] {strides = array<i32>} : memref<128x1x128xf32, #tpu.memory_space<vmem>>, vector<1x1x16xf32>,
      %swap3A_406 = vector.shape_cast %swap3A_405 : vector<1x1x16xf32> to vector<16xf32>
      %swap3A_407 = vector.shape_cast %get3A_401 : vector<16xf32> to vector<1x1x16xf32>
      tpu.vector_store %arg19[%swap3A_402, %swap3A_403, %swap3A_404], %swap3A_407 {add = true, strides = array<i32>} : memref<128x1x128xf32, #tpu.memory_space<vmem>>, vector<1x1x16xf32>,
      %get3A_408 = arith.constant 0 : i32
      %get3A_409 = arith.index_cast %get3A_408 : i32 to index
      %get3A_410 = arith.constant 16 : index
      %get3A_411 = tpu.vector_load %arg14[%get3A_409, %get3A_410] {strides = array<i32>} : memref<3x128xf32, #tpu.memory_space<vmem>>, vector<1x16xf32>,
      %get3A_412 = vector.shape_cast %get3A_411 : vector<1x16xf32> to vector<16xf32>
      %swap3A_413 = arith.constant 0 : i32
      %swap3A_414 = arith.index_cast %scan3A_396 : i32 to index
      %swap3A_415 = arith.index_cast %swap3A_413 : i32 to index
      %swap3A_416 = arith.constant 16 : index
      %swap3A_417 = tpu.vector_load %arg19[%swap3A_414, %swap3A_415, %swap3A_416] {strides = array<i32>} : memref<128x1x128xf32, #tpu.memory_space<vmem>>, vector<1x1x16xf32>,
      %swap3A_418 = vector.shape_cast %swap3A_417 : vector<1x1x16xf32> to vector<16xf32>
      %swap3A_419 = vector.shape_cast %get3A_412 : vector<16xf32> to vector<1x1x16xf32>
      tpu.vector_store %arg19[%swap3A_414, %swap3A_415, %swap3A_416], %swap3A_419 {add = true, strides = array<i32>} : memref<128x1x128xf32, #tpu.memory_space<vmem>>, vector<1x1x16xf32>,
      %get3A_420 = arith.constant 0 : i32
      %get3A_421 = arith.index_cast %get3A_420 : i32 to index
      %get3A_422 = arith.constant 32 : index
      %get3A_423 = tpu.vector_load %arg14[%get3A_421, %get3A_422] {strides = array<i32>} : memref<3x128xf32, #tpu.memory_space<vmem>>, vector<1x16xf32>,
      %get3A_424 = vector.shape_cast %get3A_423 : vector<1x16xf32> to vector<16xf32>
      %swap3A_425 = arith.constant 0 : i32
      %swap3A_426 = arith.index_cast %scan3A_396 : i32 to index
      %swap3A_427 = arith.index_cast %swap3A_425 : i32 to index
      %swap3A_428 = arith.constant 32 : index
      %swap3A_429 = tpu.vector_load %arg19[%swap3A_426, %swap3A_427, %swap3A_428] {strides = array<i32>} : memref<128x1x128xf32, #tpu.memory_space<vmem>>, vector<1x1x16xf32>,
      %swap3A_430 = vector.shape_cast %swap3A_429 : vector<1x1x16xf32> to vector<16xf32>
      %swap3A_431 = vector.shape_cast %get3A_424 : vector<16xf32> to vector<1x1x16xf32>
      tpu.vector_store %arg19[%swap3A_426, %swap3A_427, %swap3A_428], %swap3A_431 {add = true, strides = array<i32>} : memref<128x1x128xf32, #tpu.memory_space<vmem>>, vector<1x1x16xf32>,
      %get3A_432 = arith.constant 0 : i32
      %get3A_433 = arith.index_cast %get3A_432 : i32 to index
      %get3A_434 = arith.constant 48 : index
      %get3A_435 = tpu.vector_load %arg14[%get3A_433, %get3A_434] {strides = array<i32>} : memref<3x128xf32, #tpu.memory_space<vmem>>, vector<1x16xf32>,
      %get3A_436 = vector.shape_cast %get3A_435 : vector<1x16xf32> to vector<16xf32>
      %swap3A_437 = arith.constant 0 : i32
      %swap3A_438 = arith.index_cast %scan3A_396 : i32 to index
      %swap3A_439 = arith.index_cast %swap3A_437 : i32 to index
      %swap3A_440 = arith.constant 48 : index
      %swap3A_441 = tpu.vector_load %arg19[%swap3A_438, %swap3A_439, %swap3A_440] {strides = array<i32>} : memref<128x1x128xf32, #tpu.memory_space<vmem>>, vector<1x1x16xf32>,
      %swap3A_442 = vector.shape_cast %swap3A_441 : vector<1x1x16xf32> to vector<16xf32>
      %swap3A_443 = vector.shape_cast %get3A_436 : vector<16xf32> to vector<1x1x16xf32>
      tpu.vector_store %arg19[%swap3A_438, %swap3A_439, %swap3A_440], %swap3A_443 {add = true, strides = array<i32>} : memref<128x1x128xf32, #tpu.memory_space<vmem>>, vector<1x1x16xf32>,
      %get3A_444 = arith.constant 0 : i32
      %get3A_445 = arith.index_cast %get3A_444 : i32 to index
      %get3A_446 = arith.constant 64 : index
      %get3A_447 = tpu.vector_load %arg14[%get3A_445, %get3A_446] {strides = array<i32>} : memref<3x128xf32, #tpu.memory_space<vmem>>, vector<1x16xf32>,
      %get3A_448 = vector.shape_cast %get3A_447 : vector<1x16xf32> to vector<16xf32>
      %swap3A_449 = arith.constant 0 : i32
      %swap3A_450 = arith.index_cast %scan3A_396 : i32 to index
      %swap3A_451 = arith.index_cast %swap3A_449 : i32 to index
      %swap3A_452 = arith.constant 64 : index
      %swap3A_453 = tpu.vector_load %arg19[%swap3A_450, %swap3A_451, %swap3A_452] {strides = array<i32>} : memref<128x1x128xf32, #tpu.memory_space<vmem>>, vector<1x1x16xf32>,
      %swap3A_454 = vector.shape_cast %swap3A_453 : vector<1x1x16xf32> to vector<16xf32>
      %swap3A_455 = vector.shape_cast %get3A_448 : vector<16xf32> to vector<1x1x16xf32>
      tpu.vector_store %arg19[%swap3A_450, %swap3A_451, %swap3A_452], %swap3A_455 {add = true, strides = array<i32>} : memref<128x1x128xf32, #tpu.memory_space<vmem>>, vector<1x1x16xf32>,
      %get3A_456 = arith.constant 0 : i32
      %get3A_457 = arith.index_cast %get3A_456 : i32 to index
      %get3A_458 = arith.constant 80 : index
      %get3A_459 = tpu.vector_load %arg14[%get3A_457, %get3A_458] {strides = array<i32>} : memref<3x128xf32, #tpu.memory_space<vmem>>, vector<1x16xf32>,
      %get3A_460 = vector.shape_cast %get3A_459 : vector<1x16xf32> to vector<16xf32>
      %swap3A_461 = arith.constant 0 : i32
      %swap3A_462 = arith.index_cast %scan3A_396 : i32 to index
      %swap3A_463 = arith.index_cast %swap3A_461 : i32 to index
      %swap3A_464 = arith.constant 80 : index
      %swap3A_465 = tpu.vector_load %arg19[%swap3A_462, %swap3A_463, %swap3A_464] {strides = array<i32>} : memref<128x1x128xf32, #tpu.memory_space<vmem>>, vector<1x1x16xf32>,
      %swap3A_466 = vector.shape_cast %swap3A_465 : vector<1x1x16xf32> to vector<16xf32>
      %swap3A_467 = vector.shape_cast %get3A_460 : vector<16xf32> to vector<1x1x16xf32>
      tpu.vector_store %arg19[%swap3A_462, %swap3A_463, %swap3A_464], %swap3A_467 {add = true, strides = array<i32>} : memref<128x1x128xf32, #tpu.memory_space<vmem>>, vector<1x1x16xf32>,
      %get3A_468 = arith.constant 0 : i32
      %get3A_469 = arith.index_cast %get3A_468 : i32 to index
      %get3A_470 = arith.constant 96 : index
      %get3A_471 = tpu.vector_load %arg14[%get3A_469, %get3A_470] {strides = array<i32>} : memref<3x128xf32, #tpu.memory_space<vmem>>, vector<1x16xf32>,
      %get3A_472 = vector.shape_cast %get3A_471 : vector<1x16xf32> to vector<16xf32>
      %swap3A_473 = arith.constant 0 : i32
      %swap3A_474 = arith.index_cast %scan3A_396 : i32 to index
      %swap3A_475 = arith.index_cast %swap3A_473 : i32 to index
      %swap3A_476 = arith.constant 96 : index
      %swap3A_477 = tpu.vector_load %arg19[%swap3A_474, %swap3A_475, %swap3A_476] {strides = array<i32>} : memref<128x1x128xf32, #tpu.memory_space<vmem>>, vector<1x1x16xf32>,
      %swap3A_478 = vector.shape_cast %swap3A_477 : vector<1x1x16xf32> to vector<16xf32>
      %swap3A_479 = vector.shape_cast %get3A_472 : vector<16xf32> to vector<1x1x16xf32>
      tpu.vector_store %arg19[%swap3A_474, %swap3A_475, %swap3A_476], %swap3A_479 {add = true, strides = array<i32>} : memref<128x1x128xf32, #tpu.memory_space<vmem>>, vector<1x1x16xf32>,
      %get3A_480 = arith.constant 0 : i32
      %get3A_481 = arith.index_cast %get3A_480 : i32 to index
      %get3A_482 = arith.constant 112 : index
      %get3A_483 = tpu.vector_load %arg14[%get3A_481, %get3A_482] {strides = array<i32>} : memref<3x128xf32, #tpu.memory_space<vmem>>, vector<1x16xf32>,
      %get3A_484 = vector.shape_cast %get3A_483 : vector<1x16xf32> to vector<16xf32>
      %swap3A_485 = arith.constant 0 : i32
      %swap3A_486 = arith.index_cast %scan3A_396 : i32 to index
      %swap3A_487 = arith.index_cast %swap3A_485 : i32 to index
      %swap3A_488 = arith.constant 112 : index
      %swap3A_489 = tpu.vector_load %arg19[%swap3A_486, %swap3A_487, %swap3A_488] {strides = array<i32>} : memref<128x1x128xf32, #tpu.memory_space<vmem>>, vector<1x1x16xf32>,
      %swap3A_490 = vector.shape_cast %swap3A_489 : vector<1x1x16xf32> to vector<16xf32>
      %swap3A_491 = vector.shape_cast %get3A_484 : vector<16xf32> to vector<1x1x16xf32>
      tpu.vector_store %arg19[%swap3A_486, %swap3A_487, %swap3A_488], %swap3A_491 {add = true, strides = array<i32>} : memref<128x1x128xf32, #tpu.memory_space<vmem>>, vector<1x1x16xf32>,
    }
    %scan3A_15 = arith.constant 128 : i32
    "tpu.region"() ({
      %run_scoped3A = tpu.sem_alloc : memref<!tpu.dma_semaphore, #tpu.memory_space<semaphore_mem>>
      %dma_start3A_396 = arith.constant 0 : i32
      %dma_start3A_397 = arith.constant 0 : i32
      %dma_start3A_398 = tpu.memref_slice %arg9[%mul3A_2, %dma_start3A_396, %dma_start3A_397] : memref<4096x1x128xf32, #tpu.memory_space<hbm>> -> memref<128x1x128xf32, #tpu.memory_space<hbm>>
      %dma_start3A_399 = arith.constant 0 : i32
      %dma_start3A_400 = arith.constant 0 : i32
      %dma_start3A_401 = tpu.memref_slice %arg9[%mul3A_2, %dma_start3A_399, %dma_start3A_400] : memref<4096x1x128xf32, #tpu.memory_space<hbm>> -> memref<128x1x128xf32, #tpu.memory_space<hbm>>
      tpu.enqueue_dma source(%arg19 : memref<128x1x128xf32, #tpu.memory_space<vmem>>) target(%dma_start3A_401 : memref<128x1x128xf32, #tpu.memory_space<hbm>>) target_semaphore(%run_scoped3A : memref<!tpu.dma_semaphore, #tpu.memory_space<semaphore_mem>>)
      %dma_wait3A_402 = arith.constant 0 : i32
      %dma_wait3A_403 = arith.constant 0 : i32
      %dma_wait3A_404 = tpu.memref_slice %arg9[%mul3A_2, %dma_wait3A_402, %dma_wait3A_403] : memref<4096x1x128xf32, #tpu.memory_space<hbm>> -> memref<128x1x128xf32, #tpu.memory_space<hbm>>
      %dma_wait3A_405 = arith.constant 0 : i32
      %dma_wait3A_406 = arith.constant 0 : i32
      %dma_wait3A_407 = tpu.memref_slice %arg9[%mul3A_2, %dma_wait3A_405, %dma_wait3A_406] : memref<4096x1x128xf32, #tpu.memory_space<hbm>> -> memref<128x1x128xf32, #tpu.memory_space<hbm>>
      tpu.wait_dma2 semaphore(%run_scoped3A : memref<!tpu.dma_semaphore, #tpu.memory_space<semaphore_mem>>) src(%arg19 : memref<128x1x128xf32, #tpu.memory_space<vmem>>) dst(%dma_wait3A_407 : memref<128x1x128xf32, #tpu.memory_space<hbm>>)
      tpu.yield
    }) : () -> ()
    "tpu.region"() ({
      %run_scoped3A = tpu.sem_alloc : memref<!tpu.dma_semaphore, #tpu.memory_space<semaphore_mem>>
      %dma_start3A_396 = arith.constant 0 : i32
      %dma_start3A_397 = arith.constant 0 : i32
      %dma_start3A_398 = tpu.memref_slice %arg3[%mul3A_2, %dma_start3A_396, %dma_start3A_397] : memref<4096x1x128xf32, #tpu.memory_space<hbm>> -> memref<128x1x128xf32, #tpu.memory_space<hbm>>
      %dma_start3A_399 = arith.constant 0 : i32
      %dma_start3A_400 = arith.constant 0 : i32
      %dma_start3A_401 = tpu.memref_slice %arg3[%mul3A_2, %dma_start3A_399, %dma_start3A_400] : memref<4096x1x128xf32, #tpu.memory_space<hbm>> -> memref<128x1x128xf32, #tpu.memory_space<hbm>>
      tpu.enqueue_dma source(%dma_start3A_401 : memref<128x1x128xf32, #tpu.memory_space<hbm>>) target(%arg19 : memref<128x1x128xf32, #tpu.memory_space<vmem>>) target_semaphore(%run_scoped3A : memref<!tpu.dma_semaphore, #tpu.memory_space<semaphore_mem>>)
      %dma_wait3A_402 = arith.constant 0 : i32
      %dma_wait3A_403 = arith.constant 0 : i32
      %dma_wait3A_404 = tpu.memref_slice %arg3[%mul3A_2, %dma_wait3A_402, %dma_wait3A_403] : memref<4096x1x128xf32, #tpu.memory_space<hbm>> -> memref<128x1x128xf32, #tpu.memory_space<hbm>>
      %dma_wait3A_405 = arith.constant 0 : i32
      %dma_wait3A_406 = arith.constant 0 : i32
      %dma_wait3A_407 = tpu.memref_slice %arg3[%mul3A_2, %dma_wait3A_405, %dma_wait3A_406] : memref<4096x1x128xf32, #tpu.memory_space<hbm>> -> memref<128x1x128xf32, #tpu.memory_space<hbm>>
      tpu.wait_dma2 semaphore(%run_scoped3A : memref<!tpu.dma_semaphore, #tpu.memory_space<semaphore_mem>>) src(%dma_wait3A_407 : memref<128x1x128xf32, #tpu.memory_space<hbm>>) dst(%arg19 : memref<128x1x128xf32, #tpu.memory_space<vmem>>)
      tpu.yield
    }) : () -> ()
    %scan3A_16 = arith.constant 0 : i32
    %scan3A_17 = arith.constant 0 : i32
    %scan3A_18 = arith.constant 128 : i32
    %scan3A_19 = arith.addi %scan3A_17, %scan3A_18 : i32
    %scan3A_20 = arith.constant 1 : i32
    scf.for %scan3A_396 = %scan3A_17 to %scan3A_19 step %scan3A_20  : i32 {
      %get3A_397 = arith.constant 1 : i32
      %get3A_398 = arith.index_cast %get3A_397 : i32 to index
      %get3A_399 = arith.constant 0 : index
      %get3A_400 = tpu.vector_load %arg14[%get3A_398, %get3A_399] {strides = array<i32>} : memref<3x128xf32, #tpu.memory_space<vmem>>, vector<1x16xf32>,
      %get3A_401 = vector.shape_cast %get3A_400 : vector<1x16xf32> to vector<16xf32>
      %swap3A = arith.constant 0 : i32
      %swap3A_402 = arith.index_cast %scan3A_396 : i32 to index
      %swap3A_403 = arith.index_cast %swap3A : i32 to index
      %swap3A_404 = arith.constant 0 : index
      %swap3A_405 = tpu.vector_load %arg19[%swap3A_402, %swap3A_403, %swap3A_404] {strides = array<i32>} : memref<128x1x128xf32, #tpu.memory_space<vmem>>, vector<1x1x16xf32>,
      %swap3A_406 = vector.shape_cast %swap3A_405 : vector<1x1x16xf32> to vector<16xf32>
      %swap3A_407 = vector.shape_cast %get3A_401 : vector<16xf32> to vector<1x1x16xf32>
      tpu.vector_store %arg19[%swap3A_402, %swap3A_403, %swap3A_404], %swap3A_407 {add = true, strides = array<i32>} : memref<128x1x128xf32, #tpu.memory_space<vmem>>, vector<1x1x16xf32>,
      %get3A_408 = arith.constant 1 : i32
      %get3A_409 = arith.index_cast %get3A_408 : i32 to index
      %get3A_410 = arith.constant 16 : index
      %get3A_411 = tpu.vector_load %arg14[%get3A_409, %get3A_410] {strides = array<i32>} : memref<3x128xf32, #tpu.memory_space<vmem>>, vector<1x16xf32>,
      %get3A_412 = vector.shape_cast %get3A_411 : vector<1x16xf32> to vector<16xf32>
      %swap3A_413 = arith.constant 0 : i32
      %swap3A_414 = arith.index_cast %scan3A_396 : i32 to index
      %swap3A_415 = arith.index_cast %swap3A_413 : i32 to index
      %swap3A_416 = arith.constant 16 : index
      %swap3A_417 = tpu.vector_load %arg19[%swap3A_414, %swap3A_415, %swap3A_416] {strides = array<i32>} : memref<128x1x128xf32, #tpu.memory_space<vmem>>, vector<1x1x16xf32>,
      %swap3A_418 = vector.shape_cast %swap3A_417 : vector<1x1x16xf32> to vector<16xf32>
      %swap3A_419 = vector.shape_cast %get3A_412 : vector<16xf32> to vector<1x1x16xf32>
      tpu.vector_store %arg19[%swap3A_414, %swap3A_415, %swap3A_416], %swap3A_419 {add = true, strides = array<i32>} : memref<128x1x128xf32, #tpu.memory_space<vmem>>, vector<1x1x16xf32>,
      %get3A_420 = arith.constant 1 : i32
      %get3A_421 = arith.index_cast %get3A_420 : i32 to index
      %get3A_422 = arith.constant 32 : index
      %get3A_423 = tpu.vector_load %arg14[%get3A_421, %get3A_422] {strides = array<i32>} : memref<3x128xf32, #tpu.memory_space<vmem>>, vector<1x16xf32>,
      %get3A_424 = vector.shape_cast %get3A_423 : vector<1x16xf32> to vector<16xf32>
      %swap3A_425 = arith.constant 0 : i32
      %swap3A_426 = arith.index_cast %scan3A_396 : i32 to index
      %swap3A_427 = arith.index_cast %swap3A_425 : i32 to index
      %swap3A_428 = arith.constant 32 : index
      %swap3A_429 = tpu.vector_load %arg19[%swap3A_426, %swap3A_427, %swap3A_428] {strides = array<i32>} : memref<128x1x128xf32, #tpu.memory_space<vmem>>, vector<1x1x16xf32>,
      %swap3A_430 = vector.shape_cast %swap3A_429 : vector<1x1x16xf32> to vector<16xf32>
      %swap3A_431 = vector.shape_cast %get3A_424 : vector<16xf32> to vector<1x1x16xf32>
      tpu.vector_store %arg19[%swap3A_426, %swap3A_427, %swap3A_428], %swap3A_431 {add = true, strides = array<i32>} : memref<128x1x128xf32, #tpu.memory_space<vmem>>, vector<1x1x16xf32>,
      %get3A_432 = arith.constant 1 : i32
      %get3A_433 = arith.index_cast %get3A_432 : i32 to index
      %get3A_434 = arith.constant 48 : index
      %get3A_435 = tpu.vector_load %arg14[%get3A_433, %get3A_434] {strides = array<i32>} : memref<3x128xf32, #tpu.memory_space<vmem>>, vector<1x16xf32>,
      %get3A_436 = vector.shape_cast %get3A_435 : vector<1x16xf32> to vector<16xf32>
      %swap3A_437 = arith.constant 0 : i32
      %swap3A_438 = arith.index_cast %scan3A_396 : i32 to index
      %swap3A_439 = arith.index_cast %swap3A_437 : i32 to index
      %swap3A_440 = arith.constant 48 : index
      %swap3A_441 = tpu.vector_load %arg19[%swap3A_438, %swap3A_439, %swap3A_440] {strides = array<i32>} : memref<128x1x128xf32, #tpu.memory_space<vmem>>, vector<1x1x16xf32>,
      %swap3A_442 = vector.shape_cast %swap3A_441 : vector<1x1x16xf32> to vector<16xf32>
      %swap3A_443 = vector.shape_cast %get3A_436 : vector<16xf32> to vector<1x1x16xf32>
      tpu.vector_store %arg19[%swap3A_438, %swap3A_439, %swap3A_440], %swap3A_443 {add = true, strides = array<i32>} : memref<128x1x128xf32, #tpu.memory_space<vmem>>, vector<1x1x16xf32>,
      %get3A_444 = arith.constant 1 : i32
      %get3A_445 = arith.index_cast %get3A_444 : i32 to index
      %get3A_446 = arith.constant 64 : index
      %get3A_447 = tpu.vector_load %arg14[%get3A_445, %get3A_446] {strides = array<i32>} : memref<3x128xf32, #tpu.memory_space<vmem>>, vector<1x16xf32>,
      %get3A_448 = vector.shape_cast %get3A_447 : vector<1x16xf32> to vector<16xf32>
      %swap3A_449 = arith.constant 0 : i32
      %swap3A_450 = arith.index_cast %scan3A_396 : i32 to index
      %swap3A_451 = arith.index_cast %swap3A_449 : i32 to index
      %swap3A_452 = arith.constant 64 : index
      %swap3A_453 = tpu.vector_load %arg19[%swap3A_450, %swap3A_451, %swap3A_452] {strides = array<i32>} : memref<128x1x128xf32, #tpu.memory_space<vmem>>, vector<1x1x16xf32>,
      %swap3A_454 = vector.shape_cast %swap3A_453 : vector<1x1x16xf32> to vector<16xf32>
      %swap3A_455 = vector.shape_cast %get3A_448 : vector<16xf32> to vector<1x1x16xf32>
      tpu.vector_store %arg19[%swap3A_450, %swap3A_451, %swap3A_452], %swap3A_455 {add = true, strides = array<i32>} : memref<128x1x128xf32, #tpu.memory_space<vmem>>, vector<1x1x16xf32>,
      %get3A_456 = arith.constant 1 : i32
      %get3A_457 = arith.index_cast %get3A_456 : i32 to index
      %get3A_458 = arith.constant 80 : index
      %get3A_459 = tpu.vector_load %arg14[%get3A_457, %get3A_458] {strides = array<i32>} : memref<3x128xf32, #tpu.memory_space<vmem>>, vector<1x16xf32>,
      %get3A_460 = vector.shape_cast %get3A_459 : vector<1x16xf32> to vector<16xf32>
      %swap3A_461 = arith.constant 0 : i32
      %swap3A_462 = arith.index_cast %scan3A_396 : i32 to index
      %swap3A_463 = arith.index_cast %swap3A_461 : i32 to index
      %swap3A_464 = arith.constant 80 : index
      %swap3A_465 = tpu.vector_load %arg19[%swap3A_462, %swap3A_463, %swap3A_464] {strides = array<i32>} : memref<128x1x128xf32, #tpu.memory_space<vmem>>, vector<1x1x16xf32>,
      %swap3A_466 = vector.shape_cast %swap3A_465 : vector<1x1x16xf32> to vector<16xf32>
      %swap3A_467 = vector.shape_cast %get3A_460 : vector<16xf32> to vector<1x1x16xf32>
      tpu.vector_store %arg19[%swap3A_462, %swap3A_463, %swap3A_464], %swap3A_467 {add = true, strides = array<i32>} : memref<128x1x128xf32, #tpu.memory_space<vmem>>, vector<1x1x16xf32>,
      %get3A_468 = arith.constant 1 : i32
      %get3A_469 = arith.index_cast %get3A_468 : i32 to index
      %get3A_470 = arith.constant 96 : index
      %get3A_471 = tpu.vector_load %arg14[%get3A_469, %get3A_470] {strides = array<i32>} : memref<3x128xf32, #tpu.memory_space<vmem>>, vector<1x16xf32>,
      %get3A_472 = vector.shape_cast %get3A_471 : vector<1x16xf32> to vector<16xf32>
      %swap3A_473 = arith.constant 0 : i32
      %swap3A_474 = arith.index_cast %scan3A_396 : i32 to index
      %swap3A_475 = arith.index_cast %swap3A_473 : i32 to index
      %swap3A_476 = arith.constant 96 : index
      %swap3A_477 = tpu.vector_load %arg19[%swap3A_474, %swap3A_475, %swap3A_476] {strides = array<i32>} : memref<128x1x128xf32, #tpu.memory_space<vmem>>, vector<1x1x16xf32>,
      %swap3A_478 = vector.shape_cast %swap3A_477 : vector<1x1x16xf32> to vector<16xf32>
      %swap3A_479 = vector.shape_cast %get3A_472 : vector<16xf32> to vector<1x1x16xf32>
      tpu.vector_store %arg19[%swap3A_474, %swap3A_475, %swap3A_476], %swap3A_479 {add = true, strides = array<i32>} : memref<128x1x128xf32, #tpu.memory_space<vmem>>, vector<1x1x16xf32>,
      %get3A_480 = arith.constant 1 : i32
      %get3A_481 = arith.index_cast %get3A_480 : i32 to index
      %get3A_482 = arith.constant 112 : index
      %get3A_483 = tpu.vector_load %arg14[%get3A_481, %get3A_482] {strides = array<i32>} : memref<3x128xf32, #tpu.memory_space<vmem>>, vector<1x16xf32>,
      %get3A_484 = vector.shape_cast %get3A_483 : vector<1x16xf32> to vector<16xf32>
      %swap3A_485 = arith.constant 0 : i32
      %swap3A_486 = arith.index_cast %scan3A_396 : i32 to index
      %swap3A_487 = arith.index_cast %swap3A_485 : i32 to index
      %swap3A_488 = arith.constant 112 : index
      %swap3A_489 = tpu.vector_load %arg19[%swap3A_486, %swap3A_487, %swap3A_488] {strides = array<i32>} : memref<128x1x128xf32, #tpu.memory_space<vmem>>, vector<1x1x16xf32>,
      %swap3A_490 = vector.shape_cast %swap3A_489 : vector<1x1x16xf32> to vector<16xf32>
      %swap3A_491 = vector.shape_cast %get3A_484 : vector<16xf32> to vector<1x1x16xf32>
      tpu.vector_store %arg19[%swap3A_486, %swap3A_487, %swap3A_488], %swap3A_491 {add = true, strides = array<i32>} : memref<128x1x128xf32, #tpu.memory_space<vmem>>, vector<1x1x16xf32>,
    }
    %scan3A_21 = arith.constant 128 : i32
    "tpu.region"() ({
      %run_scoped3A = tpu.sem_alloc : memref<!tpu.dma_semaphore, #tpu.memory_space<semaphore_mem>>
      %dma_start3A_396 = arith.constant 0 : i32
      %dma_start3A_397 = arith.constant 0 : i32
      %dma_start3A_398 = tpu.memref_slice %arg10[%mul3A_2, %dma_start3A_396, %dma_start3A_397] : memref<4096x1x128xf32, #tpu.memory_space<hbm>> -> memref<128x1x128xf32, #tpu.memory_space<hbm>>
      %dma_start3A_399 = arith.constant 0 : i32
      %dma_start3A_400 = arith.constant 0 : i32
      %dma_start3A_401 = tpu.memref_slice %arg10[%mul3A_2, %dma_start3A_399, %dma_start3A_400] : memref<4096x1x128xf32, #tpu.memory_space<hbm>> -> memref<128x1x128xf32, #tpu.memory_space<hbm>>
      tpu.enqueue_dma source(%arg19 : memref<128x1x128xf32, #tpu.memory_space<vmem>>) target(%dma_start3A_401 : memref<128x1x128xf32, #tpu.memory_space<hbm>>) target_semaphore(%run_scoped3A : memref<!tpu.dma_semaphore, #tpu.memory_space<semaphore_mem>>)
      %dma_wait3A_402 = arith.constant 0 : i32
      %dma_wait3A_403 = arith.constant 0 : i32
      %dma_wait3A_404 = tpu.memref_slice %arg10[%mul3A_2, %dma_wait3A_402, %dma_wait3A_403] : memref<4096x1x128xf32, #tpu.memory_space<hbm>> -> memref<128x1x128xf32, #tpu.memory_space<hbm>>
      %dma_wait3A_405 = arith.constant 0 : i32
      %dma_wait3A_406 = arith.constant 0 : i32
      %dma_wait3A_407 = tpu.memref_slice %arg10[%mul3A_2, %dma_wait3A_405, %dma_wait3A_406] : memref<4096x1x128xf32, #tpu.memory_space<hbm>> -> memref<128x1x128xf32, #tpu.memory_space<hbm>>
      tpu.wait_dma2 semaphore(%run_scoped3A : memref<!tpu.dma_semaphore, #tpu.memory_space<semaphore_mem>>) src(%arg19 : memref<128x1x128xf32, #tpu.memory_space<vmem>>) dst(%dma_wait3A_407 : memref<128x1x128xf32, #tpu.memory_space<hbm>>)
      tpu.yield
    }) : () -> ()
    %barrier3A_22 = arith.constant 0 : index
    tpu.barrier barrier_id(%barrier3A_22)
    %dma_start3A = arith.constant 0 : i32
    %dma_start3A_23 = arith.constant 0 : i32
    %dma_start3A_24 = tpu.memref_slice %arg12[%dma_start3A, %dma_start3A_23] : memref<125x128xi32, #tpu.memory_space<vmem>> -> memref<1x128xi32, #tpu.memory_space<vmem>>
    %dma_start3A_25 = tpu.memref_squeeze %dma_start3A_24 : memref<1x128xi32, #tpu.memory_space<vmem>> -> memref<128xi32, #tpu.memory_space<vmem>>
    %dma_start3A_26 = arith.constant 0 : i32
    %dma_start3A_27 = arith.constant 0 : i32
    %dma_start3A_28 = tpu.memref_slice %arg11[%dma_start3A_26, %dma_start3A_27] : memref<1000x128xf32, #tpu.memory_space<vmem_shared>> -> memref<1000x128xf32, #tpu.memory_space<vmem_shared>>
    tpu.enqueue_indirect_dma source(%dma_start3A_28 : memref<1000x128xf32, #tpu.memory_space<vmem_shared>>) target(%arg15 : memref<128x128xf32, #tpu.memory_space<vmem>>) offsets(%dma_start3A_25 : memref<128xi32, #tpu.memory_space<vmem>>) semaphore(%arg20 : memref<!tpu.dma_semaphore, #tpu.memory_space<semaphore_mem>>)
    %dma_start3A_29 = arith.constant 1 : i32
    %dma_start3A_30 = arith.constant 0 : i32
    %dma_start3A_31 = tpu.memref_slice %arg12[%dma_start3A_29, %dma_start3A_30] : memref<125x128xi32, #tpu.memory_space<vmem>> -> memref<1x128xi32, #tpu.memory_space<vmem>>
    %dma_start3A_32 = tpu.memref_squeeze %dma_start3A_31 : memref<1x128xi32, #tpu.memory_space<vmem>> -> memref<128xi32, #tpu.memory_space<vmem>>
    %dma_start3A_33 = arith.constant 0 : i32
    %dma_start3A_34 = arith.constant 0 : i32
    %dma_start3A_35 = tpu.memref_slice %arg11[%dma_start3A_33, %dma_start3A_34] : memref<1000x128xf32, #tpu.memory_space<vmem_shared>> -> memref<1000x128xf32, #tpu.memory_space<vmem_shared>>
    tpu.enqueue_indirect_dma source(%dma_start3A_35 : memref<1000x128xf32, #tpu.memory_space<vmem_shared>>) target(%arg16 : memref<128x128xf32, #tpu.memory_space<vmem>>) offsets(%dma_start3A_32 : memref<128xi32, #tpu.memory_space<vmem>>) semaphore(%arg21 : memref<!tpu.dma_semaphore, #tpu.memory_space<semaphore_mem>>)
    %dma_wait3A = arith.constant 0 : i32
    %dma_wait3A_36 = arith.constant 0 : i32
    %dma_wait3A_37 = tpu.memref_slice %arg12[%dma_wait3A, %dma_wait3A_36] : memref<125x128xi32, #tpu.memory_space<vmem>> -> memref<1x128xi32, #tpu.memory_space<vmem>>
    %dma_wait3A_38 = tpu.memref_squeeze %dma_wait3A_37 : memref<1x128xi32, #tpu.memory_space<vmem>> -> memref<128xi32, #tpu.memory_space<vmem>>
    %dma_wait3A_39 = arith.constant 0 : i32
    %dma_wait3A_40 = arith.constant 0 : i32
    %dma_wait3A_41 = tpu.memref_slice %arg11[%dma_wait3A_39, %dma_wait3A_40] : memref<1000x128xf32, #tpu.memory_space<vmem_shared>> -> memref<1000x128xf32, #tpu.memory_space<vmem_shared>>
    tpu.wait_indirect_dma semaphore(%arg20 : memref<!tpu.dma_semaphore, #tpu.memory_space<semaphore_mem>>) src(%dma_wait3A_41 : memref<1000x128xf32, #tpu.memory_space<vmem_shared>>) dst(%arg15 : memref<128x128xf32, #tpu.memory_space<vmem>>)
    %get3A = arith.constant 0 : i32
    %get3A_42 = arith.index_cast %get3A : i32 to index
    %get3A_43 = arith.constant 0 : index
    %get3A_44 = tpu.vector_load %arg13[%get3A_42, %get3A_43] {strides = array<i32>} : memref<125x128xf32, #tpu.memory_space<vmem>>, vector<1x16xf32>,
    %get3A_45 = vector.shape_cast %get3A_44 : vector<1x16xf32> to vector<16xf32>
    %get3A_46 = arith.constant 0 : i32
    %get3A_47 = arith.index_cast %get3A_46 : i32 to index
    %get3A_48 = arith.constant 16 : index
    %get3A_49 = tpu.vector_load %arg13[%get3A_47, %get3A_48] {strides = array<i32>} : memref<125x128xf32, #tpu.memory_space<vmem>>, vector<1x16xf32>,
    %get3A_50 = vector.shape_cast %get3A_49 : vector<1x16xf32> to vector<16xf32>
    %get3A_51 = arith.constant 0 : i32
    %get3A_52 = arith.index_cast %get3A_51 : i32 to index
    %get3A_53 = arith.constant 32 : index
    %get3A_54 = tpu.vector_load %arg13[%get3A_52, %get3A_53] {strides = array<i32>} : memref<125x128xf32, #tpu.memory_space<vmem>>, vector<1x16xf32>,
    %get3A_55 = vector.shape_cast %get3A_54 : vector<1x16xf32> to vector<16xf32>
    %get3A_56 = arith.constant 0 : i32
    %get3A_57 = arith.index_cast %get3A_56 : i32 to index
    %get3A_58 = arith.constant 48 : index
    %get3A_59 = tpu.vector_load %arg13[%get3A_57, %get3A_58] {strides = array<i32>} : memref<125x128xf32, #tpu.memory_space<vmem>>, vector<1x16xf32>,
    %get3A_60 = vector.shape_cast %get3A_59 : vector<1x16xf32> to vector<16xf32>
    %get3A_61 = arith.constant 0 : i32
    %get3A_62 = arith.index_cast %get3A_61 : i32 to index
    %get3A_63 = arith.constant 64 : index
    %get3A_64 = tpu.vector_load %arg13[%get3A_62, %get3A_63] {strides = array<i32>} : memref<125x128xf32, #tpu.memory_space<vmem>>, vector<1x16xf32>,
    %get3A_65 = vector.shape_cast %get3A_64 : vector<1x16xf32> to vector<16xf32>
    %get3A_66 = arith.constant 0 : i32
    %get3A_67 = arith.index_cast %get3A_66 : i32 to index
    %get3A_68 = arith.constant 80 : index
    %get3A_69 = tpu.vector_load %arg13[%get3A_67, %get3A_68] {strides = array<i32>} : memref<125x128xf32, #tpu.memory_space<vmem>>, vector<1x16xf32>,
    %get3A_70 = vector.shape_cast %get3A_69 : vector<1x16xf32> to vector<16xf32>
    %get3A_71 = arith.constant 0 : i32
    %get3A_72 = arith.index_cast %get3A_71 : i32 to index
    %get3A_73 = arith.constant 96 : index
    %get3A_74 = tpu.vector_load %arg13[%get3A_72, %get3A_73] {strides = array<i32>} : memref<125x128xf32, #tpu.memory_space<vmem>>, vector<1x16xf32>,
    %get3A_75 = vector.shape_cast %get3A_74 : vector<1x16xf32> to vector<16xf32>
    %get3A_76 = arith.constant 0 : i32
    %get3A_77 = arith.index_cast %get3A_76 : i32 to index
    %get3A_78 = arith.constant 112 : index
    %get3A_79 = tpu.vector_load %arg13[%get3A_77, %get3A_78] {strides = array<i32>} : memref<125x128xf32, #tpu.memory_space<vmem>>, vector<1x16xf32>,
    %get3A_80 = vector.shape_cast %get3A_79 : vector<1x16xf32> to vector<16xf32>
    %scan3A_81 = arith.constant 0 : i32
    %scan3A_82 = arith.constant 0 : i32
    %scan3A_83 = arith.constant 32 : i32
    %scan3A_84 = arith.addi %scan3A_82, %scan3A_83 : i32
    %scan3A_85 = arith.constant 1 : i32
    scf.for %scan3A_396 = %scan3A_82 to %scan3A_84 step %scan3A_85  : i32 {
      %mul3A_397 = arith.constant 4 : i32
      %mul3A_398 = arith.muli %scan3A_396, %mul3A_397 : i32
      %add3A_399 = arith.constant 0 : i32
      %add3A_400 = arith.addi %mul3A_398, %add3A_399 : i32
      %swap3A = arith.index_cast %add3A_400 : i32 to index
      %swap3A_401 = arith.constant 0 : index
      %swap3A_402 = tpu.vector_load %arg15[%swap3A, %swap3A_401] {strides = array<i32>} : memref<128x128xf32, #tpu.memory_space<vmem>>, vector<1x16xf32>,
      %swap3A_403 = vector.shape_cast %swap3A_402 : vector<1x16xf32> to vector<16xf32>
      %swap3A_404 = vector.shape_cast %get3A_45 : vector<16xf32> to vector<1x16xf32>
      tpu.vector_store %arg15[%swap3A, %swap3A_401], %swap3A_404 {add = true, strides = array<i32>} : memref<128x128xf32, #tpu.memory_space<vmem>>, vector<1x16xf32>,
      %swap3A_405 = arith.index_cast %add3A_400 : i32 to index
      %swap3A_406 = arith.constant 16 : index
      %swap3A_407 = tpu.vector_load %arg15[%swap3A_405, %swap3A_406] {strides = array<i32>} : memref<128x128xf32, #tpu.memory_space<vmem>>, vector<1x16xf32>,
      %swap3A_408 = vector.shape_cast %swap3A_407 : vector<1x16xf32> to vector<16xf32>
      %swap3A_409 = vector.shape_cast %get3A_50 : vector<16xf32> to vector<1x16xf32>
      tpu.vector_store %arg15[%swap3A_405, %swap3A_406], %swap3A_409 {add = true, strides = array<i32>} : memref<128x128xf32, #tpu.memory_space<vmem>>, vector<1x16xf32>,
      %swap3A_410 = arith.index_cast %add3A_400 : i32 to index
      %swap3A_411 = arith.constant 32 : index
      %swap3A_412 = tpu.vector_load %arg15[%swap3A_410, %swap3A_411] {strides = array<i32>} : memref<128x128xf32, #tpu.memory_space<vmem>>, vector<1x16xf32>,
      %swap3A_413 = vector.shape_cast %swap3A_412 : vector<1x16xf32> to vector<16xf32>
      %swap3A_414 = vector.shape_cast %get3A_55 : vector<16xf32> to vector<1x16xf32>
      tpu.vector_store %arg15[%swap3A_410, %swap3A_411], %swap3A_414 {add = true, strides = array<i32>} : memref<128x128xf32, #tpu.memory_space<vmem>>, vector<1x16xf32>,
      %swap3A_415 = arith.index_cast %add3A_400 : i32 to index
      %swap3A_416 = arith.constant 48 : index
      %swap3A_417 = tpu.vector_load %arg15[%swap3A_415, %swap3A_416] {strides = array<i32>} : memref<128x128xf32, #tpu.memory_space<vmem>>, vector<1x16xf32>,
      %swap3A_418 = vector.shape_cast %swap3A_417 : vector<1x16xf32> to vector<16xf32>
      %swap3A_419 = vector.shape_cast %get3A_60 : vector<16xf32> to vector<1x16xf32>
      tpu.vector_store %arg15[%swap3A_415, %swap3A_416], %swap3A_419 {add = true, strides = array<i32>} : memref<128x128xf32, #tpu.memory_space<vmem>>, vector<1x16xf32>,
      %swap3A_420 = arith.index_cast %add3A_400 : i32 to index
      %swap3A_421 = arith.constant 64 : index
      %swap3A_422 = tpu.vector_load %arg15[%swap3A_420, %swap3A_421] {strides = array<i32>} : memref<128x128xf32, #tpu.memory_space<vmem>>, vector<1x16xf32>,
      %swap3A_423 = vector.shape_cast %swap3A_422 : vector<1x16xf32> to vector<16xf32>
      %swap3A_424 = vector.shape_cast %get3A_65 : vector<16xf32> to vector<1x16xf32>
      tpu.vector_store %arg15[%swap3A_420, %swap3A_421], %swap3A_424 {add = true, strides = array<i32>} : memref<128x128xf32, #tpu.memory_space<vmem>>, vector<1x16xf32>,
      %swap3A_425 = arith.index_cast %add3A_400 : i32 to index
      %swap3A_426 = arith.constant 80 : index
      %swap3A_427 = tpu.vector_load %arg15[%swap3A_425, %swap3A_426] {strides = array<i32>} : memref<128x128xf32, #tpu.memory_space<vmem>>, vector<1x16xf32>,
      %swap3A_428 = vector.shape_cast %swap3A_427 : vector<1x16xf32> to vector<16xf32>
      %swap3A_429 = vector.shape_cast %get3A_70 : vector<16xf32> to vector<1x16xf32>
      tpu.vector_store %arg15[%swap3A_425, %swap3A_426], %swap3A_429 {add = true, strides = array<i32>} : memref<128x128xf32, #tpu.memory_space<vmem>>, vector<1x16xf32>,
      %swap3A_430 = arith.index_cast %add3A_400 : i32 to index
      %swap3A_431 = arith.constant 96 : index
      %swap3A_432 = tpu.vector_load %arg15[%swap3A_430, %swap3A_431] {strides = array<i32>} : memref<128x128xf32, #tpu.memory_space<vmem>>, vector<1x16xf32>,
      %swap3A_433 = vector.shape_cast %swap3A_432 : vector<1x16xf32> to vector<16xf32>
      %swap3A_434 = vector.shape_cast %get3A_75 : vector<16xf32> to vector<1x16xf32>
      tpu.vector_store %arg15[%swap3A_430, %swap3A_431], %swap3A_434 {add = true, strides = array<i32>} : memref<128x128xf32, #tpu.memory_space<vmem>>, vector<1x16xf32>,
      %swap3A_435 = arith.index_cast %add3A_400 : i32 to index
      %swap3A_436 = arith.constant 112 : index
      %swap3A_437 = tpu.vector_load %arg15[%swap3A_435, %swap3A_436] {strides = array<i32>} : memref<128x128xf32, #tpu.memory_space<vmem>>, vector<1x16xf32>,
      %swap3A_438 = vector.shape_cast %swap3A_437 : vector<1x16xf32> to vector<16xf32>
      %swap3A_439 = vector.shape_cast %get3A_80 : vector<16xf32> to vector<1x16xf32>
      tpu.vector_store %arg15[%swap3A_435, %swap3A_436], %swap3A_439 {add = true, strides = array<i32>} : memref<128x128xf32, #tpu.memory_space<vmem>>, vector<1x16xf32>,
      %mul3A_440 = arith.constant 4 : i32
      %mul3A_441 = arith.muli %scan3A_396, %mul3A_440 : i32
      %add3A_442 = arith.constant 1 : i32
      %add3A_443 = arith.addi %mul3A_441, %add3A_442 : i32
      %swap3A_444 = arith.index_cast %add3A_443 : i32 to index
      %swap3A_445 = arith.constant 0 : index
      %swap3A_446 = tpu.vector_load %arg15[%swap3A_444, %swap3A_445] {strides = array<i32>} : memref<128x128xf32, #tpu.memory_space<vmem>>, vector<1x16xf32>,
      %swap3A_447 = vector.shape_cast %swap3A_446 : vector<1x16xf32> to vector<16xf32>
      %swap3A_448 = vector.shape_cast %get3A_45 : vector<16xf32> to vector<1x16xf32>
      tpu.vector_store %arg15[%swap3A_444, %swap3A_445], %swap3A_448 {add = true, strides = array<i32>} : memref<128x128xf32, #tpu.memory_space<vmem>>, vector<1x16xf32>,
      %swap3A_449 = arith.index_cast %add3A_443 : i32 to index
      %swap3A_450 = arith.constant 16 : index
      %swap3A_451 = tpu.vector_load %arg15[%swap3A_449, %swap3A_450] {strides = array<i32>} : memref<128x128xf32, #tpu.memory_space<vmem>>, vector<1x16xf32>,
      %swap3A_452 = vector.shape_cast %swap3A_451 : vector<1x16xf32> to vector<16xf32>
      %swap3A_453 = vector.shape_cast %get3A_50 : vector<16xf32> to vector<1x16xf32>
      tpu.vector_store %arg15[%swap3A_449, %swap3A_450], %swap3A_453 {add = true, strides = array<i32>} : memref<128x128xf32, #tpu.memory_space<vmem>>, vector<1x16xf32>,
      %swap3A_454 = arith.index_cast %add3A_443 : i32 to index
      %swap3A_455 = arith.constant 32 : index
      %swap3A_456 = tpu.vector_load %arg15[%swap3A_454, %swap3A_455] {strides = array<i32>} : memref<128x128xf32, #tpu.memory_space<vmem>>, vector<1x16xf32>,
      %swap3A_457 = vector.shape_cast %swap3A_456 : vector<1x16xf32> to vector<16xf32>
      %swap3A_458 = vector.shape_cast %get3A_55 : vector<16xf32> to vector<1x16xf32>
      tpu.vector_store %arg15[%swap3A_454, %swap3A_455], %swap3A_458 {add = true, strides = array<i32>} : memref<128x128xf32, #tpu.memory_space<vmem>>, vector<1x16xf32>,
      %swap3A_459 = arith.index_cast %add3A_443 : i32 to index
      %swap3A_460 = arith.constant 48 : index
      %swap3A_461 = tpu.vector_load %arg15[%swap3A_459, %swap3A_460] {strides = array<i32>} : memref<128x128xf32, #tpu.memory_space<vmem>>, vector<1x16xf32>,
      %swap3A_462 = vector.shape_cast %swap3A_461 : vector<1x16xf32> to vector<16xf32>
      %swap3A_463 = vector.shape_cast %get3A_60 : vector<16xf32> to vector<1x16xf32>
      tpu.vector_store %arg15[%swap3A_459, %swap3A_460], %swap3A_463 {add = true, strides = array<i32>} : memref<128x128xf32, #tpu.memory_space<vmem>>, vector<1x16xf32>,
      %swap3A_464 = arith.index_cast %add3A_443 : i32 to index
      %swap3A_465 = arith.constant 64 : index
      %swap3A_466 = tpu.vector_load %arg15[%swap3A_464, %swap3A_465] {strides = array<i32>} : memref<128x128xf32, #tpu.memory_space<vmem>>, vector<1x16xf32>,
      %swap3A_467 = vector.shape_cast %swap3A_466 : vector<1x16xf32> to vector<16xf32>
      %swap3A_468 = vector.shape_cast %get3A_65 : vector<16xf32> to vector<1x16xf32>
      tpu.vector_store %arg15[%swap3A_464, %swap3A_465], %swap3A_468 {add = true, strides = array<i32>} : memref<128x128xf32, #tpu.memory_space<vmem>>, vector<1x16xf32>,
      %swap3A_469 = arith.index_cast %add3A_443 : i32 to index
      %swap3A_470 = arith.constant 80 : index
      %swap3A_471 = tpu.vector_load %arg15[%swap3A_469, %swap3A_470] {strides = array<i32>} : memref<128x128xf32, #tpu.memory_space<vmem>>, vector<1x16xf32>,
      %swap3A_472 = vector.shape_cast %swap3A_471 : vector<1x16xf32> to vector<16xf32>
      %swap3A_473 = vector.shape_cast %get3A_70 : vector<16xf32> to vector<1x16xf32>
      tpu.vector_store %arg15[%swap3A_469, %swap3A_470], %swap3A_473 {add = true, strides = array<i32>} : memref<128x128xf32, #tpu.memory_space<vmem>>, vector<1x16xf32>,
      %swap3A_474 = arith.index_cast %add3A_443 : i32 to index
      %swap3A_475 = arith.constant 96 : index
      %swap3A_476 = tpu.vector_load %arg15[%swap3A_474, %swap3A_475] {strides = array<i32>} : memref<128x128xf32, #tpu.memory_space<vmem>>, vector<1x16xf32>,
      %swap3A_477 = vector.shape_cast %swap3A_476 : vector<1x16xf32> to vector<16xf32>
      %swap3A_478 = vector.shape_cast %get3A_75 : vector<16xf32> to vector<1x16xf32>
      tpu.vector_store %arg15[%swap3A_474, %swap3A_475], %swap3A_478 {add = true, strides = array<i32>} : memref<128x128xf32, #tpu.memory_space<vmem>>, vector<1x16xf32>,
      %swap3A_479 = arith.index_cast %add3A_443 : i32 to index
      %swap3A_480 = arith.constant 112 : index
      %swap3A_481 = tpu.vector_load %arg15[%swap3A_479, %swap3A_480] {strides = array<i32>} : memref<128x128xf32, #tpu.memory_space<vmem>>, vector<1x16xf32>,
      %swap3A_482 = vector.shape_cast %swap3A_481 : vector<1x16xf32> to vector<16xf32>
      %swap3A_483 = vector.shape_cast %get3A_80 : vector<16xf32> to vector<1x16xf32>
      tpu.vector_store %arg15[%swap3A_479, %swap3A_480], %swap3A_483 {add = true, strides = array<i32>} : memref<128x128xf32, #tpu.memory_space<vmem>>, vector<1x16xf32>,
      %mul3A_484 = arith.constant 4 : i32
      %mul3A_485 = arith.muli %scan3A_396, %mul3A_484 : i32
      %add3A_486 = arith.constant 2 : i32
      %add3A_487 = arith.addi %mul3A_485, %add3A_486 : i32
      %swap3A_488 = arith.index_cast %add3A_487 : i32 to index
      %swap3A_489 = arith.constant 0 : index
      %swap3A_490 = tpu.vector_load %arg15[%swap3A_488, %swap3A_489] {strides = array<i32>} : memref<128x128xf32, #tpu.memory_space<vmem>>, vector<1x16xf32>,
      %swap3A_491 = vector.shape_cast %swap3A_490 : vector<1x16xf32> to vector<16xf32>
      %swap3A_492 = vector.shape_cast %get3A_45 : vector<16xf32> to vector<1x16xf32>
      tpu.vector_store %arg15[%swap3A_488, %swap3A_489], %swap3A_492 {add = true, strides = array<i32>} : memref<128x128xf32, #tpu.memory_space<vmem>>, vector<1x16xf32>,
      %swap3A_493 = arith.index_cast %add3A_487 : i32 to index
      %swap3A_494 = arith.constant 16 : index
      %swap3A_495 = tpu.vector_load %arg15[%swap3A_493, %swap3A_494] {strides = array<i32>} : memref<128x128xf32, #tpu.memory_space<vmem>>, vector<1x16xf32>,
      %swap3A_496 = vector.shape_cast %swap3A_495 : vector<1x16xf32> to vector<16xf32>
      %swap3A_497 = vector.shape_cast %get3A_50 : vector<16xf32> to vector<1x16xf32>
      tpu.vector_store %arg15[%swap3A_493, %swap3A_494], %swap3A_497 {add = true, strides = array<i32>} : memref<128x128xf32, #tpu.memory_space<vmem>>, vector<1x16xf32>,
      %swap3A_498 = arith.index_cast %add3A_487 : i32 to index
      %swap3A_499 = arith.constant 32 : index
      %swap3A_500 = tpu.vector_load %arg15[%swap3A_498, %swap3A_499] {strides = array<i32>} : memref<128x128xf32, #tpu.memory_space<vmem>>, vector<1x16xf32>,
      %swap3A_501 = vector.shape_cast %swap3A_500 : vector<1x16xf32> to vector<16xf32>
      %swap3A_502 = vector.shape_cast %get3A_55 : vector<16xf32> to vector<1x16xf32>
      tpu.vector_store %arg15[%swap3A_498, %swap3A_499], %swap3A_502 {add = true, strides = array<i32>} : memref<128x128xf32, #tpu.memory_space<vmem>>, vector<1x16xf32>,
      %swap3A_503 = arith.index_cast %add3A_487 : i32 to index
      %swap3A_504 = arith.constant 48 : index
      %swap3A_505 = tpu.vector_load %arg15[%swap3A_503, %swap3A_504] {strides = array<i32>} : memref<128x128xf32, #tpu.memory_space<vmem>>, vector<1x16xf32>,
      %swap3A_506 = vector.shape_cast %swap3A_505 : vector<1x16xf32> to vector<16xf32>
      %swap3A_507 = vector.shape_cast %get3A_60 : vector<16xf32> to vector<1x16xf32>
      tpu.vector_store %arg15[%swap3A_503, %swap3A_504], %swap3A_507 {add = true, strides = array<i32>} : memref<128x128xf32, #tpu.memory_space<vmem>>, vector<1x16xf32>,
      %swap3A_508 = arith.index_cast %add3A_487 : i32 to index
      %swap3A_509 = arith.constant 64 : index
      %swap3A_510 = tpu.vector_load %arg15[%swap3A_508, %swap3A_509] {strides = array<i32>} : memref<128x128xf32, #tpu.memory_space<vmem>>, vector<1x16xf32>,
      %swap3A_511 = vector.shape_cast %swap3A_510 : vector<1x16xf32> to vector<16xf32>
      %swap3A_512 = vector.shape_cast %get3A_65 : vector<16xf32> to vector<1x16xf32>
      tpu.vector_store %arg15[%swap3A_508, %swap3A_509], %swap3A_512 {add = true, strides = array<i32>} : memref<128x128xf32, #tpu.memory_space<vmem>>, vector<1x16xf32>,
      %swap3A_513 = arith.index_cast %add3A_487 : i32 to index
      %swap3A_514 = arith.constant 80 : index
      %swap3A_515 = tpu.vector_load %arg15[%swap3A_513, %swap3A_514] {strides = array<i32>} : memref<128x128xf32, #tpu.memory_space<vmem>>, vector<1x16xf32>,
      %swap3A_516 = vector.shape_cast %swap3A_515 : vector<1x16xf32> to vector<16xf32>
      %swap3A_517 = vector.shape_cast %get3A_70 : vector<16xf32> to vector<1x16xf32>
      tpu.vector_store %arg15[%swap3A_513, %swap3A_514], %swap3A_517 {add = true, strides = array<i32>} : memref<128x128xf32, #tpu.memory_space<vmem>>, vector<1x16xf32>,
      %swap3A_518 = arith.index_cast %add3A_487 : i32 to index
      %swap3A_519 = arith.constant 96 : index
      %swap3A_520 = tpu.vector_load %arg15[%swap3A_518, %swap3A_519] {strides = array<i32>} : memref<128x128xf32, #tpu.memory_space<vmem>>, vector<1x16xf32>,
      %swap3A_521 = vector.shape_cast %swap3A_520 : vector<1x16xf32> to vector<16xf32>
      %swap3A_522 = vector.shape_cast %get3A_75 : vector<16xf32> to vector<1x16xf32>
      tpu.vector_store %arg15[%swap3A_518, %swap3A_519], %swap3A_522 {add = true, strides = array<i32>} : memref<128x128xf32, #tpu.memory_space<vmem>>, vector<1x16xf32>,
      %swap3A_523 = arith.index_cast %add3A_487 : i32 to index
      %swap3A_524 = arith.constant 112 : index
      %swap3A_525 = tpu.vector_load %arg15[%swap3A_523, %swap3A_524] {strides = array<i32>} : memref<128x128xf32, #tpu.memory_space<vmem>>, vector<1x16xf32>,
      %swap3A_526 = vector.shape_cast %swap3A_525 : vector<1x16xf32> to vector<16xf32>
      %swap3A_527 = vector.shape_cast %get3A_80 : vector<16xf32> to vector<1x16xf32>
      tpu.vector_store %arg15[%swap3A_523, %swap3A_524], %swap3A_527 {add = true, strides = array<i32>} : memref<128x128xf32, #tpu.memory_space<vmem>>, vector<1x16xf32>,
      %mul3A_528 = arith.constant 4 : i32
      %mul3A_529 = arith.muli %scan3A_396, %mul3A_528 : i32
      %add3A_530 = arith.constant 3 : i32
      %add3A_531 = arith.addi %mul3A_529, %add3A_530 : i32
      %swap3A_532 = arith.index_cast %add3A_531 : i32 to index
      %swap3A_533 = arith.constant 0 : index
      %swap3A_534 = tpu.vector_load %arg15[%swap3A_532, %swap3A_533] {strides = array<i32>} : memref<128x128xf32, #tpu.memory_space<vmem>>, vector<1x16xf32>,
      %swap3A_535 = vector.shape_cast %swap3A_534 : vector<1x16xf32> to vector<16xf32>
      %swap3A_536 = vector.shape_cast %get3A_45 : vector<16xf32> to vector<1x16xf32>
      tpu.vector_store %arg15[%swap3A_532, %swap3A_533], %swap3A_536 {add = true, strides = array<i32>} : memref<128x128xf32, #tpu.memory_space<vmem>>, vector<1x16xf32>,
      %swap3A_537 = arith.index_cast %add3A_531 : i32 to index
      %swap3A_538 = arith.constant 16 : index
      %swap3A_539 = tpu.vector_load %arg15[%swap3A_537, %swap3A_538] {strides = array<i32>} : memref<128x128xf32, #tpu.memory_space<vmem>>, vector<1x16xf32>,
      %swap3A_540 = vector.shape_cast %swap3A_539 : vector<1x16xf32> to vector<16xf32>
      %swap3A_541 = vector.shape_cast %get3A_50 : vector<16xf32> to vector<1x16xf32>
      tpu.vector_store %arg15[%swap3A_537, %swap3A_538], %swap3A_541 {add = true, strides = array<i32>} : memref<128x128xf32, #tpu.memory_space<vmem>>, vector<1x16xf32>,
      %swap3A_542 = arith.index_cast %add3A_531 : i32 to index
      %swap3A_543 = arith.constant 32 : index
      %swap3A_544 = tpu.vector_load %arg15[%swap3A_542, %swap3A_543] {strides = array<i32>} : memref<128x128xf32, #tpu.memory_space<vmem>>, vector<1x16xf32>,
      %swap3A_545 = vector.shape_cast %swap3A_544 : vector<1x16xf32> to vector<16xf32>
      %swap3A_546 = vector.shape_cast %get3A_55 : vector<16xf32> to vector<1x16xf32>
      tpu.vector_store %arg15[%swap3A_542, %swap3A_543], %swap3A_546 {add = true, strides = array<i32>} : memref<128x128xf32, #tpu.memory_space<vmem>>, vector<1x16xf32>,
      %swap3A_547 = arith.index_cast %add3A_531 : i32 to index
      %swap3A_548 = arith.constant 48 : index
      %swap3A_549 = tpu.vector_load %arg15[%swap3A_547, %swap3A_548] {strides = array<i32>} : memref<128x128xf32, #tpu.memory_space<vmem>>, vector<1x16xf32>,
      %swap3A_550 = vector.shape_cast %swap3A_549 : vector<1x16xf32> to vector<16xf32>
      %swap3A_551 = vector.shape_cast %get3A_60 : vector<16xf32> to vector<1x16xf32>
      tpu.vector_store %arg15[%swap3A_547, %swap3A_548], %swap3A_551 {add = true, strides = array<i32>} : memref<128x128xf32, #tpu.memory_space<vmem>>, vector<1x16xf32>,
      %swap3A_552 = arith.index_cast %add3A_531 : i32 to index
      %swap3A_553 = arith.constant 64 : index
      %swap3A_554 = tpu.vector_load %arg15[%swap3A_552, %swap3A_553] {strides = array<i32>} : memref<128x128xf32, #tpu.memory_space<vmem>>, vector<1x16xf32>,
      %swap3A_555 = vector.shape_cast %swap3A_554 : vector<1x16xf32> to vector<16xf32>
      %swap3A_556 = vector.shape_cast %get3A_65 : vector<16xf32> to vector<1x16xf32>
      tpu.vector_store %arg15[%swap3A_552, %swap3A_553], %swap3A_556 {add = true, strides = array<i32>} : memref<128x128xf32, #tpu.memory_space<vmem>>, vector<1x16xf32>,
      %swap3A_557 = arith.index_cast %add3A_531 : i32 to index
      %swap3A_558 = arith.constant 80 : index
      %swap3A_559 = tpu.vector_load %arg15[%swap3A_557, %swap3A_558] {strides = array<i32>} : memref<128x128xf32, #tpu.memory_space<vmem>>, vector<1x16xf32>,
      %swap3A_560 = vector.shape_cast %swap3A_559 : vector<1x16xf32> to vector<16xf32>
      %swap3A_561 = vector.shape_cast %get3A_70 : vector<16xf32> to vector<1x16xf32>
      tpu.vector_store %arg15[%swap3A_557, %swap3A_558], %swap3A_561 {add = true, strides = array<i32>} : memref<128x128xf32, #tpu.memory_space<vmem>>, vector<1x16xf32>,
      %swap3A_562 = arith.index_cast %add3A_531 : i32 to index
      %swap3A_563 = arith.constant 96 : index
      %swap3A_564 = tpu.vector_load %arg15[%swap3A_562, %swap3A_563] {strides = array<i32>} : memref<128x128xf32, #tpu.memory_space<vmem>>, vector<1x16xf32>,
      %swap3A_565 = vector.shape_cast %swap3A_564 : vector<1x16xf32> to vector<16xf32>
      %swap3A_566 = vector.shape_cast %get3A_75 : vector<16xf32> to vector<1x16xf32>
      tpu.vector_store %arg15[%swap3A_562, %swap3A_563], %swap3A_566 {add = true, strides = array<i32>} : memref<128x128xf32, #tpu.memory_space<vmem>>, vector<1x16xf32>,
      %swap3A_567 = arith.index_cast %add3A_531 : i32 to index
      %swap3A_568 = arith.constant 112 : index
      %swap3A_569 = tpu.vector_load %arg15[%swap3A_567, %swap3A_568] {strides = array<i32>} : memref<128x128xf32, #tpu.memory_space<vmem>>, vector<1x16xf32>,
      %swap3A_570 = vector.shape_cast %swap3A_569 : vector<1x16xf32> to vector<16xf32>
      %swap3A_571 = vector.shape_cast %get3A_80 : vector<16xf32> to vector<1x16xf32>
      tpu.vector_store %arg15[%swap3A_567, %swap3A_568], %swap3A_571 {add = true, strides = array<i32>} : memref<128x128xf32, #tpu.memory_space<vmem>>, vector<1x16xf32>,
    }
    %scan3A_86 = arith.constant 32 : i32
    %dma_start3A_87 = arith.constant 0 : i32
    %dma_start3A_88 = arith.constant 0 : i32
    %dma_start3A_89 = tpu.memref_slice %arg8[%dma_start3A_87, %mul3A_2, %dma_start3A_88] : memref<125x4096x128xf32, #tpu.memory_space<hbm>> -> memref<1x128x128xf32, #tpu.memory_space<hbm>>
    %dma_start3A_90 = tpu.memref_squeeze %dma_start3A_89 : memref<1x128x128xf32, #tpu.memory_space<hbm>> -> memref<128x128xf32, #tpu.memory_space<hbm>>
    %dma_start3A_91 = arith.constant 0 : i32
    %dma_start3A_92 = tpu.memref_slice %arg8[%dma_start3A_87, %mul3A_2, %dma_start3A_91] : memref<125x4096x128xf32, #tpu.memory_space<hbm>> -> memref<1x128x128xf32, #tpu.memory_space<hbm>>
    %dma_start3A_93 = tpu.memref_squeeze %dma_start3A_92 : memref<1x128x128xf32, #tpu.memory_space<hbm>> -> memref<128x128xf32, #tpu.memory_space<hbm>>
    tpu.enqueue_dma source(%arg15 : memref<128x128xf32, #tpu.memory_space<vmem>>) target(%dma_start3A_93 : memref<128x128xf32, #tpu.memory_space<hbm>>) target_semaphore(%arg24 : memref<!tpu.dma_semaphore, #tpu.memory_space<semaphore_mem>>)
    %dma_start3A_94 = arith.constant 2 : i32
    %dma_start3A_95 = arith.constant 0 : i32
    %dma_start3A_96 = tpu.memref_slice %arg12[%dma_start3A_94, %dma_start3A_95] : memref<125x128xi32, #tpu.memory_space<vmem>> -> memref<1x128xi32, #tpu.memory_space<vmem>>
    %dma_start3A_97 = tpu.memref_squeeze %dma_start3A_96 : memref<1x128xi32, #tpu.memory_space<vmem>> -> memref<128xi32, #tpu.memory_space<vmem>>
    %dma_start3A_98 = arith.constant 0 : i32
    %dma_start3A_99 = arith.constant 0 : i32
    %dma_start3A_100 = tpu.memref_slice %arg11[%dma_start3A_98, %dma_start3A_99] : memref<1000x128xf32, #tpu.memory_space<vmem_shared>> -> memref<1000x128xf32, #tpu.memory_space<vmem_shared>>
    tpu.enqueue_indirect_dma source(%dma_start3A_100 : memref<1000x128xf32, #tpu.memory_space<vmem_shared>>) target(%arg17 : memref<128x128xf32, #tpu.memory_space<vmem>>) offsets(%dma_start3A_97 : memref<128xi32, #tpu.memory_space<vmem>>) semaphore(%arg22 : memref<!tpu.dma_semaphore, #tpu.memory_space<semaphore_mem>>)
    %dma_wait3A_101 = arith.constant 1 : i32
    %dma_wait3A_102 = arith.constant 0 : i32
    %dma_wait3A_103 = tpu.memref_slice %arg12[%dma_wait3A_101, %dma_wait3A_102] : memref<125x128xi32, #tpu.memory_space<vmem>> -> memref<1x128xi32, #tpu.memory_space<vmem>>
    %dma_wait3A_104 = tpu.memref_squeeze %dma_wait3A_103 : memref<1x128xi32, #tpu.memory_space<vmem>> -> memref<128xi32, #tpu.memory_space<vmem>>
    %dma_wait3A_105 = arith.constant 0 : i32
    %dma_wait3A_106 = arith.constant 0 : i32
    %dma_wait3A_107 = tpu.memref_slice %arg11[%dma_wait3A_105, %dma_wait3A_106] : memref<1000x128xf32, #tpu.memory_space<vmem_shared>> -> memref<1000x128xf32, #tpu.memory_space<vmem_shared>>
    tpu.wait_indirect_dma semaphore(%arg21 : memref<!tpu.dma_semaphore, #tpu.memory_space<semaphore_mem>>) src(%dma_wait3A_107 : memref<1000x128xf32, #tpu.memory_space<vmem_shared>>) dst(%arg16 : memref<128x128xf32, #tpu.memory_space<vmem>>)
    %get3A_108 = arith.constant 1 : i32
    %get3A_109 = arith.index_cast %get3A_108 : i32 to index
    %get3A_110 = arith.constant 0 : index
    %get3A_111 = tpu.vector_load %arg13[%get3A_109, %get3A_110] {strides = array<i32>} : memref<125x128xf32, #tpu.memory_space<vmem>>, vector<1x16xf32>,
    %get3A_112 = vector.shape_cast %get3A_111 : vector<1x16xf32> to vector<16xf32>
    %get3A_113 = arith.constant 1 : i32
    %get3A_114 = arith.index_cast %get3A_113 : i32 to index
    %get3A_115 = arith.constant 16 : index
    %get3A_116 = tpu.vector_load %arg13[%get3A_114, %get3A_115] {strides = array<i32>} : memref<125x128xf32, #tpu.memory_space<vmem>>, vector<1x16xf32>,
    %get3A_117 = vector.shape_cast %get3A_116 : vector<1x16xf32> to vector<16xf32>
    %get3A_118 = arith.constant 1 : i32
    %get3A_119 = arith.index_cast %get3A_118 : i32 to index
    %get3A_120 = arith.constant 32 : index
    %get3A_121 = tpu.vector_load %arg13[%get3A_119, %get3A_120] {strides = array<i32>} : memref<125x128xf32, #tpu.memory_space<vmem>>, vector<1x16xf32>,
    %get3A_122 = vector.shape_cast %get3A_121 : vector<1x16xf32> to vector<16xf32>
    %get3A_123 = arith.constant 1 : i32
    %get3A_124 = arith.index_cast %get3A_123 : i32 to index
    %get3A_125 = arith.constant 48 : index
    %get3A_126 = tpu.vector_load %arg13[%get3A_124, %get3A_125] {strides = array<i32>} : memref<125x128xf32, #tpu.memory_space<vmem>>, vector<1x16xf32>,
    %get3A_127 = vector.shape_cast %get3A_126 : vector<1x16xf32> to vector<16xf32>
    %get3A_128 = arith.constant 1 : i32
    %get3A_129 = arith.index_cast %get3A_128 : i32 to index
    %get3A_130 = arith.constant 64 : index
    %get3A_131 = tpu.vector_load %arg13[%get3A_129, %get3A_130] {strides = array<i32>} : memref<125x128xf32, #tpu.memory_space<vmem>>, vector<1x16xf32>,
    %get3A_132 = vector.shape_cast %get3A_131 : vector<1x16xf32> to vector<16xf32>
    %get3A_133 = arith.constant 1 : i32
    %get3A_134 = arith.index_cast %get3A_133 : i32 to index
    %get3A_135 = arith.constant 80 : index
    %get3A_136 = tpu.vector_load %arg13[%get3A_134, %get3A_135] {strides = array<i32>} : memref<125x128xf32, #tpu.memory_space<vmem>>, vector<1x16xf32>,
    %get3A_137 = vector.shape_cast %get3A_136 : vector<1x16xf32> to vector<16xf32>
    %get3A_138 = arith.constant 1 : i32
    %get3A_139 = arith.index_cast %get3A_138 : i32 to index
    %get3A_140 = arith.constant 96 : index
    %get3A_141 = tpu.vector_load %arg13[%get3A_139, %get3A_140] {strides = array<i32>} : memref<125x128xf32, #tpu.memory_space<vmem>>, vector<1x16xf32>,
    %get3A_142 = vector.shape_cast %get3A_141 : vector<1x16xf32> to vector<16xf32>
    %get3A_143 = arith.constant 1 : i32
    %get3A_144 = arith.index_cast %get3A_143 : i32 to index
    %get3A_145 = arith.constant 112 : index
    %get3A_146 = tpu.vector_load %arg13[%get3A_144, %get3A_145] {strides = array<i32>} : memref<125x128xf32, #tpu.memory_space<vmem>>, vector<1x16xf32>,
    %get3A_147 = vector.shape_cast %get3A_146 : vector<1x16xf32> to vector<16xf32>
    %scan3A_148 = arith.constant 0 : i32
    %scan3A_149 = arith.constant 0 : i32
    %scan3A_150 = arith.constant 32 : i32
    %scan3A_151 = arith.addi %scan3A_149, %scan3A_150 : i32
    %scan3A_152 = arith.constant 1 : i32
    scf.for %scan3A_396 = %scan3A_149 to %scan3A_151 step %scan3A_152  : i32 {
      %mul3A_397 = arith.constant 4 : i32
      %mul3A_398 = arith.muli %scan3A_396, %mul3A_397 : i32
      %add3A_399 = arith.constant 0 : i32
      %add3A_400 = arith.addi %mul3A_398, %add3A_399 : i32
      %swap3A = arith.index_cast %add3A_400 : i32 to index
      %swap3A_401 = arith.constant 0 : index
      %swap3A_402 = tpu.vector_load %arg16[%swap3A, %swap3A_401] {strides = array<i32>} : memref<128x128xf32, #tpu.memory_space<vmem>>, vector<1x16xf32>,
      %swap3A_403 = vector.shape_cast %swap3A_402 : vector<1x16xf32> to vector<16xf32>
      %swap3A_404 = vector.shape_cast %get3A_112 : vector<16xf32> to vector<1x16xf32>
      tpu.vector_store %arg16[%swap3A, %swap3A_401], %swap3A_404 {add = true, strides = array<i32>} : memref<128x128xf32, #tpu.memory_space<vmem>>, vector<1x16xf32>,
      %swap3A_405 = arith.index_cast %add3A_400 : i32 to index
      %swap3A_406 = arith.constant 16 : index
      %swap3A_407 = tpu.vector_load %arg16[%swap3A_405, %swap3A_406] {strides = array<i32>} : memref<128x128xf32, #tpu.memory_space<vmem>>, vector<1x16xf32>,
      %swap3A_408 = vector.shape_cast %swap3A_407 : vector<1x16xf32> to vector<16xf32>
      %swap3A_409 = vector.shape_cast %get3A_117 : vector<16xf32> to vector<1x16xf32>
      tpu.vector_store %arg16[%swap3A_405, %swap3A_406], %swap3A_409 {add = true, strides = array<i32>} : memref<128x128xf32, #tpu.memory_space<vmem>>, vector<1x16xf32>,
      %swap3A_410 = arith.index_cast %add3A_400 : i32 to index
      %swap3A_411 = arith.constant 32 : index
      %swap3A_412 = tpu.vector_load %arg16[%swap3A_410, %swap3A_411] {strides = array<i32>} : memref<128x128xf32, #tpu.memory_space<vmem>>, vector<1x16xf32>,
      %swap3A_413 = vector.shape_cast %swap3A_412 : vector<1x16xf32> to vector<16xf32>
      %swap3A_414 = vector.shape_cast %get3A_122 : vector<16xf32> to vector<1x16xf32>
      tpu.vector_store %arg16[%swap3A_410, %swap3A_411], %swap3A_414 {add = true, strides = array<i32>} : memref<128x128xf32, #tpu.memory_space<vmem>>, vector<1x16xf32>,
      %swap3A_415 = arith.index_cast %add3A_400 : i32 to index
      %swap3A_416 = arith.constant 48 : index
      %swap3A_417 = tpu.vector_load %arg16[%swap3A_415, %swap3A_416] {strides = array<i32>} : memref<128x128xf32, #tpu.memory_space<vmem>>, vector<1x16xf32>,
      %swap3A_418 = vector.shape_cast %swap3A_417 : vector<1x16xf32> to vector<16xf32>
      %swap3A_419 = vector.shape_cast %get3A_127 : vector<16xf32> to vector<1x16xf32>
      tpu.vector_store %arg16[%swap3A_415, %swap3A_416], %swap3A_419 {add = true, strides = array<i32>} : memref<128x128xf32, #tpu.memory_space<vmem>>, vector<1x16xf32>,
      %swap3A_420 = arith.index_cast %add3A_400 : i32 to index
      %swap3A_421 = arith.constant 64 : index
      %swap3A_422 = tpu.vector_load %arg16[%swap3A_420, %swap3A_421] {strides = array<i32>} : memref<128x128xf32, #tpu.memory_space<vmem>>, vector<1x16xf32>,
      %swap3A_423 = vector.shape_cast %swap3A_422 : vector<1x16xf32> to vector<16xf32>
      %swap3A_424 = vector.shape_cast %get3A_132 : vector<16xf32> to vector<1x16xf32>
      tpu.vector_store %arg16[%swap3A_420, %swap3A_421], %swap3A_424 {add = true, strides = array<i32>} : memref<128x128xf32, #tpu.memory_space<vmem>>, vector<1x16xf32>,
      %swap3A_425 = arith.index_cast %add3A_400 : i32 to index
      %swap3A_426 = arith.constant 80 : index
      %swap3A_427 = tpu.vector_load %arg16[%swap3A_425, %swap3A_426] {strides = array<i32>} : memref<128x128xf32, #tpu.memory_space<vmem>>, vector<1x16xf32>,
      %swap3A_428 = vector.shape_cast %swap3A_427 : vector<1x16xf32> to vector<16xf32>
      %swap3A_429 = vector.shape_cast %get3A_137 : vector<16xf32> to vector<1x16xf32>
      tpu.vector_store %arg16[%swap3A_425, %swap3A_426], %swap3A_429 {add = true, strides = array<i32>} : memref<128x128xf32, #tpu.memory_space<vmem>>, vector<1x16xf32>,
      %swap3A_430 = arith.index_cast %add3A_400 : i32 to index
      %swap3A_431 = arith.constant 96 : index
      %swap3A_432 = tpu.vector_load %arg16[%swap3A_430, %swap3A_431] {strides = array<i32>} : memref<128x128xf32, #tpu.memory_space<vmem>>, vector<1x16xf32>,
      %swap3A_433 = vector.shape_cast %swap3A_432 : vector<1x16xf32> to vector<16xf32>
      %swap3A_434 = vector.shape_cast %get3A_142 : vector<16xf32> to vector<1x16xf32>
      tpu.vector_store %arg16[%swap3A_430, %swap3A_431], %swap3A_434 {add = true, strides = array<i32>} : memref<128x128xf32, #tpu.memory_space<vmem>>, vector<1x16xf32>,
      %swap3A_435 = arith.index_cast %add3A_400 : i32 to index
      %swap3A_436 = arith.constant 112 : index
      %swap3A_437 = tpu.vector_load %arg16[%swap3A_435, %swap3A_436] {strides = array<i32>} : memref<128x128xf32, #tpu.memory_space<vmem>>, vector<1x16xf32>,
      %swap3A_438 = vector.shape_cast %swap3A_437 : vector<1x16xf32> to vector<16xf32>
      %swap3A_439 = vector.shape_cast %get3A_147 : vector<16xf32> to vector<1x16xf32>
      tpu.vector_store %arg16[%swap3A_435, %swap3A_436], %swap3A_439 {add = true, strides = array<i32>} : memref<128x128xf32, #tpu.memory_space<vmem>>, vector<1x16xf32>,
      %mul3A_440 = arith.constant 4 : i32
      %mul3A_441 = arith.muli %scan3A_396, %mul3A_440 : i32
      %add3A_442 = arith.constant 1 : i32
      %add3A_443 = arith.addi %mul3A_441, %add3A_442 : i32
      %swap3A_444 = arith.index_cast %add3A_443 : i32 to index
      %swap3A_445 = arith.constant 0 : index
      %swap3A_446 = tpu.vector_load %arg16[%swap3A_444, %swap3A_445] {strides = array<i32>} : memref<128x128xf32, #tpu.memory_space<vmem>>, vector<1x16xf32>,
      %swap3A_447 = vector.shape_cast %swap3A_446 : vector<1x16xf32> to vector<16xf32>
      %swap3A_448 = vector.shape_cast %get3A_112 : vector<16xf32> to vector<1x16xf32>
      tpu.vector_store %arg16[%swap3A_444, %swap3A_445], %swap3A_448 {add = true, strides = array<i32>} : memref<128x128xf32, #tpu.memory_space<vmem>>, vector<1x16xf32>,
      %swap3A_449 = arith.index_cast %add3A_443 : i32 to index
      %swap3A_450 = arith.constant 16 : index
      %swap3A_451 = tpu.vector_load %arg16[%swap3A_449, %swap3A_450] {strides = array<i32>} : memref<128x128xf32, #tpu.memory_space<vmem>>, vector<1x16xf32>,
      %swap3A_452 = vector.shape_cast %swap3A_451 : vector<1x16xf32> to vector<16xf32>
      %swap3A_453 = vector.shape_cast %get3A_117 : vector<16xf32> to vector<1x16xf32>
      tpu.vector_store %arg16[%swap3A_449, %swap3A_450], %swap3A_453 {add = true, strides = array<i32>} : memref<128x128xf32, #tpu.memory_space<vmem>>, vector<1x16xf32>,
      %swap3A_454 = arith.index_cast %add3A_443 : i32 to index
      %swap3A_455 = arith.constant 32 : index
      %swap3A_456 = tpu.vector_load %arg16[%swap3A_454, %swap3A_455] {strides = array<i32>} : memref<128x128xf32, #tpu.memory_space<vmem>>, vector<1x16xf32>,
      %swap3A_457 = vector.shape_cast %swap3A_456 : vector<1x16xf32> to vector<16xf32>
      %swap3A_458 = vector.shape_cast %get3A_122 : vector<16xf32> to vector<1x16xf32>
      tpu.vector_store %arg16[%swap3A_454, %swap3A_455], %swap3A_458 {add = true, strides = array<i32>} : memref<128x128xf32, #tpu.memory_space<vmem>>, vector<1x16xf32>,
      %swap3A_459 = arith.index_cast %add3A_443 : i32 to index
      %swap3A_460 = arith.constant 48 : index
      %swap3A_461 = tpu.vector_load %arg16[%swap3A_459, %swap3A_460] {strides = array<i32>} : memref<128x128xf32, #tpu.memory_space<vmem>>, vector<1x16xf32>,
      %swap3A_462 = vector.shape_cast %swap3A_461 : vector<1x16xf32> to vector<16xf32>
      %swap3A_463 = vector.shape_cast %get3A_127 : vector<16xf32> to vector<1x16xf32>
      tpu.vector_store %arg16[%swap3A_459, %swap3A_460], %swap3A_463 {add = true, strides = array<i32>} : memref<128x128xf32, #tpu.memory_space<vmem>>, vector<1x16xf32>,
      %swap3A_464 = arith.index_cast %add3A_443 : i32 to index
      %swap3A_465 = arith.constant 64 : index
      %swap3A_466 = tpu.vector_load %arg16[%swap3A_464, %swap3A_465] {strides = array<i32>} : memref<128x128xf32, #tpu.memory_space<vmem>>, vector<1x16xf32>,
      %swap3A_467 = vector.shape_cast %swap3A_466 : vector<1x16xf32> to vector<16xf32>
      %swap3A_468 = vector.shape_cast %get3A_132 : vector<16xf32> to vector<1x16xf32>
      tpu.vector_store %arg16[%swap3A_464, %swap3A_465], %swap3A_468 {add = true, strides = array<i32>} : memref<128x128xf32, #tpu.memory_space<vmem>>, vector<1x16xf32>,
      %swap3A_469 = arith.index_cast %add3A_443 : i32 to index
      %swap3A_470 = arith.constant 80 : index
      %swap3A_471 = tpu.vector_load %arg16[%swap3A_469, %swap3A_470] {strides = array<i32>} : memref<128x128xf32, #tpu.memory_space<vmem>>, vector<1x16xf32>,
      %swap3A_472 = vector.shape_cast %swap3A_471 : vector<1x16xf32> to vector<16xf32>
      %swap3A_473 = vector.shape_cast %get3A_137 : vector<16xf32> to vector<1x16xf32>
      tpu.vector_store %arg16[%swap3A_469, %swap3A_470], %swap3A_473 {add = true, strides = array<i32>} : memref<128x128xf32, #tpu.memory_space<vmem>>, vector<1x16xf32>,
      %swap3A_474 = arith.index_cast %add3A_443 : i32 to index
      %swap3A_475 = arith.constant 96 : index
      %swap3A_476 = tpu.vector_load %arg16[%swap3A_474, %swap3A_475] {strides = array<i32>} : memref<128x128xf32, #tpu.memory_space<vmem>>, vector<1x16xf32>,
      %swap3A_477 = vector.shape_cast %swap3A_476 : vector<1x16xf32> to vector<16xf32>
      %swap3A_478 = vector.shape_cast %get3A_142 : vector<16xf32> to vector<1x16xf32>
      tpu.vector_store %arg16[%swap3A_474, %swap3A_475], %swap3A_478 {add = true, strides = array<i32>} : memref<128x128xf32, #tpu.memory_space<vmem>>, vector<1x16xf32>,
      %swap3A_479 = arith.index_cast %add3A_443 : i32 to index
      %swap3A_480 = arith.constant 112 : index
      %swap3A_481 = tpu.vector_load %arg16[%swap3A_479, %swap3A_480] {strides = array<i32>} : memref<128x128xf32, #tpu.memory_space<vmem>>, vector<1x16xf32>,
      %swap3A_482 = vector.shape_cast %swap3A_481 : vector<1x16xf32> to vector<16xf32>
      %swap3A_483 = vector.shape_cast %get3A_147 : vector<16xf32> to vector<1x16xf32>
      tpu.vector_store %arg16[%swap3A_479, %swap3A_480], %swap3A_483 {add = true, strides = array<i32>} : memref<128x128xf32, #tpu.memory_space<vmem>>, vector<1x16xf32>,
      %mul3A_484 = arith.constant 4 : i32
      %mul3A_485 = arith.muli %scan3A_396, %mul3A_484 : i32
      %add3A_486 = arith.constant 2 : i32
      %add3A_487 = arith.addi %mul3A_485, %add3A_486 : i32
      %swap3A_488 = arith.index_cast %add3A_487 : i32 to index
      %swap3A_489 = arith.constant 0 : index
      %swap3A_490 = tpu.vector_load %arg16[%swap3A_488, %swap3A_489] {strides = array<i32>} : memref<128x128xf32, #tpu.memory_space<vmem>>, vector<1x16xf32>,
      %swap3A_491 = vector.shape_cast %swap3A_490 : vector<1x16xf32> to vector<16xf32>
      %swap3A_492 = vector.shape_cast %get3A_112 : vector<16xf32> to vector<1x16xf32>
      tpu.vector_store %arg16[%swap3A_488, %swap3A_489], %swap3A_492 {add = true, strides = array<i32>} : memref<128x128xf32, #tpu.memory_space<vmem>>, vector<1x16xf32>,
      %swap3A_493 = arith.index_cast %add3A_487 : i32 to index
      %swap3A_494 = arith.constant 16 : index
      %swap3A_495 = tpu.vector_load %arg16[%swap3A_493, %swap3A_494] {strides = array<i32>} : memref<128x128xf32, #tpu.memory_space<vmem>>, vector<1x16xf32>,
      %swap3A_496 = vector.shape_cast %swap3A_495 : vector<1x16xf32> to vector<16xf32>
      %swap3A_497 = vector.shape_cast %get3A_117 : vector<16xf32> to vector<1x16xf32>
      tpu.vector_store %arg16[%swap3A_493, %swap3A_494], %swap3A_497 {add = true, strides = array<i32>} : memref<128x128xf32, #tpu.memory_space<vmem>>, vector<1x16xf32>,
      %swap3A_498 = arith.index_cast %add3A_487 : i32 to index
      %swap3A_499 = arith.constant 32 : index
      %swap3A_500 = tpu.vector_load %arg16[%swap3A_498, %swap3A_499] {strides = array<i32>} : memref<128x128xf32, #tpu.memory_space<vmem>>, vector<1x16xf32>,
      %swap3A_501 = vector.shape_cast %swap3A_500 : vector<1x16xf32> to vector<16xf32>
      %swap3A_502 = vector.shape_cast %get3A_122 : vector<16xf32> to vector<1x16xf32>
      tpu.vector_store %arg16[%swap3A_498, %swap3A_499], %swap3A_502 {add = true, strides = array<i32>} : memref<128x128xf32, #tpu.memory_space<vmem>>, vector<1x16xf32>,
      %swap3A_503 = arith.index_cast %add3A_487 : i32 to index
      %swap3A_504 = arith.constant 48 : index
      %swap3A_505 = tpu.vector_load %arg16[%swap3A_503, %swap3A_504] {strides = array<i32>} : memref<128x128xf32, #tpu.memory_space<vmem>>, vector<1x16xf32>,
      %swap3A_506 = vector.shape_cast %swap3A_505 : vector<1x16xf32> to vector<16xf32>
      %swap3A_507 = vector.shape_cast %get3A_127 : vector<16xf32> to vector<1x16xf32>
      tpu.vector_store %arg16[%swap3A_503, %swap3A_504], %swap3A_507 {add = true, strides = array<i32>} : memref<128x128xf32, #tpu.memory_space<vmem>>, vector<1x16xf32>,
      %swap3A_508 = arith.index_cast %add3A_487 : i32 to index
      %swap3A_509 = arith.constant 64 : index
      %swap3A_510 = tpu.vector_load %arg16[%swap3A_508, %swap3A_509] {strides = array<i32>} : memref<128x128xf32, #tpu.memory_space<vmem>>, vector<1x16xf32>,
      %swap3A_511 = vector.shape_cast %swap3A_510 : vector<1x16xf32> to vector<16xf32>
      %swap3A_512 = vector.shape_cast %get3A_132 : vector<16xf32> to vector<1x16xf32>
      tpu.vector_store %arg16[%swap3A_508, %swap3A_509], %swap3A_512 {add = true, strides = array<i32>} : memref<128x128xf32, #tpu.memory_space<vmem>>, vector<1x16xf32>,
      %swap3A_513 = arith.index_cast %add3A_487 : i32 to index
      %swap3A_514 = arith.constant 80 : index
      %swap3A_515 = tpu.vector_load %arg16[%swap3A_513, %swap3A_514] {strides = array<i32>} : memref<128x128xf32, #tpu.memory_space<vmem>>, vector<1x16xf32>,
      %swap3A_516 = vector.shape_cast %swap3A_515 : vector<1x16xf32> to vector<16xf32>
      %swap3A_517 = vector.shape_cast %get3A_137 : vector<16xf32> to vector<1x16xf32>
      tpu.vector_store %arg16[%swap3A_513, %swap3A_514], %swap3A_517 {add = true, strides = array<i32>} : memref<128x128xf32, #tpu.memory_space<vmem>>, vector<1x16xf32>,
      %swap3A_518 = arith.index_cast %add3A_487 : i32 to index
      %swap3A_519 = arith.constant 96 : index
      %swap3A_520 = tpu.vector_load %arg16[%swap3A_518, %swap3A_519] {strides = array<i32>} : memref<128x128xf32, #tpu.memory_space<vmem>>, vector<1x16xf32>,
      %swap3A_521 = vector.shape_cast %swap3A_520 : vector<1x16xf32> to vector<16xf32>
      %swap3A_522 = vector.shape_cast %get3A_142 : vector<16xf32> to vector<1x16xf32>
      tpu.vector_store %arg16[%swap3A_518, %swap3A_519], %swap3A_522 {add = true, strides = array<i32>} : memref<128x128xf32, #tpu.memory_space<vmem>>, vector<1x16xf32>,
      %swap3A_523 = arith.index_cast %add3A_487 : i32 to index
      %swap3A_524 = arith.constant 112 : index
      %swap3A_525 = tpu.vector_load %arg16[%swap3A_523, %swap3A_524] {strides = array<i32>} : memref<128x128xf32, #tpu.memory_space<vmem>>, vector<1x16xf32>,
      %swap3A_526 = vector.shape_cast %swap3A_525 : vector<1x16xf32> to vector<16xf32>
      %swap3A_527 = vector.shape_cast %get3A_147 : vector<16xf32> to vector<1x16xf32>
      tpu.vector_store %arg16[%swap3A_523, %swap3A_524], %swap3A_527 {add = true, strides = array<i32>} : memref<128x128xf32, #tpu.memory_space<vmem>>, vector<1x16xf32>,
      %mul3A_528 = arith.constant 4 : i32
      %mul3A_529 = arith.muli %scan3A_396, %mul3A_528 : i32
      %add3A_530 = arith.constant 3 : i32
      %add3A_531 = arith.addi %mul3A_529, %add3A_530 : i32
      %swap3A_532 = arith.index_cast %add3A_531 : i32 to index
      %swap3A_533 = arith.constant 0 : index
      %swap3A_534 = tpu.vector_load %arg16[%swap3A_532, %swap3A_533] {strides = array<i32>} : memref<128x128xf32, #tpu.memory_space<vmem>>, vector<1x16xf32>,
      %swap3A_535 = vector.shape_cast %swap3A_534 : vector<1x16xf32> to vector<16xf32>
      %swap3A_536 = vector.shape_cast %get3A_112 : vector<16xf32> to vector<1x16xf32>
      tpu.vector_store %arg16[%swap3A_532, %swap3A_533], %swap3A_536 {add = true, strides = array<i32>} : memref<128x128xf32, #tpu.memory_space<vmem>>, vector<1x16xf32>,
      %swap3A_537 = arith.index_cast %add3A_531 : i32 to index
      %swap3A_538 = arith.constant 16 : index
      %swap3A_539 = tpu.vector_load %arg16[%swap3A_537, %swap3A_538] {strides = array<i32>} : memref<128x128xf32, #tpu.memory_space<vmem>>, vector<1x16xf32>,
      %swap3A_540 = vector.shape_cast %swap3A_539 : vector<1x16xf32> to vector<16xf32>
      %swap3A_541 = vector.shape_cast %get3A_117 : vector<16xf32> to vector<1x16xf32>
      tpu.vector_store %arg16[%swap3A_537, %swap3A_538], %swap3A_541 {add = true, strides = array<i32>} : memref<128x128xf32, #tpu.memory_space<vmem>>, vector<1x16xf32>,
      %swap3A_542 = arith.index_cast %add3A_531 : i32 to index
      %swap3A_543 = arith.constant 32 : index
      %swap3A_544 = tpu.vector_load %arg16[%swap3A_542, %swap3A_543] {strides = array<i32>} : memref<128x128xf32, #tpu.memory_space<vmem>>, vector<1x16xf32>,
      %swap3A_545 = vector.shape_cast %swap3A_544 : vector<1x16xf32> to vector<16xf32>
      %swap3A_546 = vector.shape_cast %get3A_122 : vector<16xf32> to vector<1x16xf32>
      tpu.vector_store %arg16[%swap3A_542, %swap3A_543], %swap3A_546 {add = true, strides = array<i32>} : memref<128x128xf32, #tpu.memory_space<vmem>>, vector<1x16xf32>,
      %swap3A_547 = arith.index_cast %add3A_531 : i32 to index
      %swap3A_548 = arith.constant 48 : index
      %swap3A_549 = tpu.vector_load %arg16[%swap3A_547, %swap3A_548] {strides = array<i32>} : memref<128x128xf32, #tpu.memory_space<vmem>>, vector<1x16xf32>,
      %swap3A_550 = vector.shape_cast %swap3A_549 : vector<1x16xf32> to vector<16xf32>
      %swap3A_551 = vector.shape_cast %get3A_127 : vector<16xf32> to vector<1x16xf32>
      tpu.vector_store %arg16[%swap3A_547, %swap3A_548], %swap3A_551 {add = true, strides = array<i32>} : memref<128x128xf32, #tpu.memory_space<vmem>>, vector<1x16xf32>,
      %swap3A_552 = arith.index_cast %add3A_531 : i32 to index
      %swap3A_553 = arith.constant 64 : index
      %swap3A_554 = tpu.vector_load %arg16[%swap3A_552, %swap3A_553] {strides = array<i32>} : memref<128x128xf32, #tpu.memory_space<vmem>>, vector<1x16xf32>,
      %swap3A_555 = vector.shape_cast %swap3A_554 : vector<1x16xf32> to vector<16xf32>
      %swap3A_556 = vector.shape_cast %get3A_132 : vector<16xf32> to vector<1x16xf32>
      tpu.vector_store %arg16[%swap3A_552, %swap3A_553], %swap3A_556 {add = true, strides = array<i32>} : memref<128x128xf32, #tpu.memory_space<vmem>>, vector<1x16xf32>,
      %swap3A_557 = arith.index_cast %add3A_531 : i32 to index
      %swap3A_558 = arith.constant 80 : index
      %swap3A_559 = tpu.vector_load %arg16[%swap3A_557, %swap3A_558] {strides = array<i32>} : memref<128x128xf32, #tpu.memory_space<vmem>>, vector<1x16xf32>,
      %swap3A_560 = vector.shape_cast %swap3A_559 : vector<1x16xf32> to vector<16xf32>
      %swap3A_561 = vector.shape_cast %get3A_137 : vector<16xf32> to vector<1x16xf32>
      tpu.vector_store %arg16[%swap3A_557, %swap3A_558], %swap3A_561 {add = true, strides = array<i32>} : memref<128x128xf32, #tpu.memory_space<vmem>>, vector<1x16xf32>,
      %swap3A_562 = arith.index_cast %add3A_531 : i32 to index
      %swap3A_563 = arith.constant 96 : index
      %swap3A_564 = tpu.vector_load %arg16[%swap3A_562, %swap3A_563] {strides = array<i32>} : memref<128x128xf32, #tpu.memory_space<vmem>>, vector<1x16xf32>,
      %swap3A_565 = vector.shape_cast %swap3A_564 : vector<1x16xf32> to vector<16xf32>
      %swap3A_566 = vector.shape_cast %get3A_142 : vector<16xf32> to vector<1x16xf32>
      tpu.vector_store %arg16[%swap3A_562, %swap3A_563], %swap3A_566 {add = true, strides = array<i32>} : memref<128x128xf32, #tpu.memory_space<vmem>>, vector<1x16xf32>,
      %swap3A_567 = arith.index_cast %add3A_531 : i32 to index
      %swap3A_568 = arith.constant 112 : index
      %swap3A_569 = tpu.vector_load %arg16[%swap3A_567, %swap3A_568] {strides = array<i32>} : memref<128x128xf32, #tpu.memory_space<vmem>>, vector<1x16xf32>,
      %swap3A_570 = vector.shape_cast %swap3A_569 : vector<1x16xf32> to vector<16xf32>
      %swap3A_571 = vector.shape_cast %get3A_147 : vector<16xf32> to vector<1x16xf32>
      tpu.vector_store %arg16[%swap3A_567, %swap3A_568], %swap3A_571 {add = true, strides = array<i32>} : memref<128x128xf32, #tpu.memory_space<vmem>>, vector<1x16xf32>,
    }
    %scan3A_153 = arith.constant 32 : i32
    %dma_start3A_154 = arith.constant 1 : i32
    %dma_start3A_155 = arith.constant 0 : i32
    %dma_start3A_156 = tpu.memref_slice %arg8[%dma_start3A_154, %mul3A_2, %dma_start3A_155] : memref<125x4096x128xf32, #tpu.memory_space<hbm>> -> memref<1x128x128xf32, #tpu.memory_space<hbm>>
    %dma_start3A_157 = tpu.memref_squeeze %dma_start3A_156 : memref<1x128x128xf32, #tpu.memory_space<hbm>> -> memref<128x128xf32, #tpu.memory_space<hbm>>
    %dma_start3A_158 = arith.constant 0 : i32
    %dma_start3A_159 = tpu.memref_slice %arg8[%dma_start3A_154, %mul3A_2, %dma_start3A_158] : memref<125x4096x128xf32, #tpu.memory_space<hbm>> -> memref<1x128x128xf32, #tpu.memory_space<hbm>>
    %dma_start3A_160 = tpu.memref_squeeze %dma_start3A_159 : memref<1x128x128xf32, #tpu.memory_space<hbm>> -> memref<128x128xf32, #tpu.memory_space<hbm>>
    tpu.enqueue_dma source(%arg16 : memref<128x128xf32, #tpu.memory_space<vmem>>) target(%dma_start3A_160 : memref<128x128xf32, #tpu.memory_space<hbm>>) target_semaphore(%arg25 : memref<!tpu.dma_semaphore, #tpu.memory_space<semaphore_mem>>)
    %dma_start3A_161 = arith.constant 3 : i32
    %dma_start3A_162 = arith.constant 0 : i32
    %dma_start3A_163 = tpu.memref_slice %arg12[%dma_start3A_161, %dma_start3A_162] : memref<125x128xi32, #tpu.memory_space<vmem>> -> memref<1x128xi32, #tpu.memory_space<vmem>>
    %dma_start3A_164 = tpu.memref_squeeze %dma_start3A_163 : memref<1x128xi32, #tpu.memory_space<vmem>> -> memref<128xi32, #tpu.memory_space<vmem>>
    %dma_start3A_165 = arith.constant 0 : i32
    %dma_start3A_166 = arith.constant 0 : i32
    %dma_start3A_167 = tpu.memref_slice %arg11[%dma_start3A_165, %dma_start3A_166] : memref<1000x128xf32, #tpu.memory_space<vmem_shared>> -> memref<1000x128xf32, #tpu.memory_space<vmem_shared>>
    tpu.enqueue_indirect_dma source(%dma_start3A_167 : memref<1000x128xf32, #tpu.memory_space<vmem_shared>>) target(%arg18 : memref<128x128xf32, #tpu.memory_space<vmem>>) offsets(%dma_start3A_164 : memref<128xi32, #tpu.memory_space<vmem>>) semaphore(%arg23 : memref<!tpu.dma_semaphore, #tpu.memory_space<semaphore_mem>>)
    %scan3A_168 = arith.constant 0 : i32
    %scan3A_169 = arith.constant 0 : i32
    %scan3A_170 = arith.constant 30 : i32
    %scan3A_171 = arith.addi %scan3A_169, %scan3A_170 : i32
    %scan3A_172 = arith.constant 1 : i32
    scf.for %scan3A_396 = %scan3A_169 to %scan3A_171 step %scan3A_172  : i32 {
      %mul3A_397 = arith.constant 4 : i32
      %mul3A_398 = arith.muli %scan3A_396, %mul3A_397 : i32
      %add3A_399 = arith.constant 2 : i32
      %add3A_400 = arith.addi %add3A_399, %mul3A_398 : i32
      %add3A_401 = arith.constant 0 : i32
      %add3A_402 = arith.addi %add3A_400, %add3A_401 : i32
      %dma_wait3A_403 = arith.constant 0 : i32
      %dma_wait3A_404 = tpu.memref_slice %arg12[%add3A_402, %dma_wait3A_403] : memref<125x128xi32, #tpu.memory_space<vmem>> -> memref<1x128xi32, #tpu.memory_space<vmem>>
      %dma_wait3A_405 = tpu.memref_squeeze %dma_wait3A_404 : memref<1x128xi32, #tpu.memory_space<vmem>> -> memref<128xi32, #tpu.memory_space<vmem>>
      %dma_wait3A_406 = arith.constant 0 : i32
      %dma_wait3A_407 = arith.constant 0 : i32
      %dma_wait3A_408 = tpu.memref_slice %arg11[%dma_wait3A_406, %dma_wait3A_407] : memref<1000x128xf32, #tpu.memory_space<vmem_shared>> -> memref<1000x128xf32, #tpu.memory_space<vmem_shared>>
      tpu.wait_indirect_dma semaphore(%arg22 : memref<!tpu.dma_semaphore, #tpu.memory_space<semaphore_mem>>) src(%dma_wait3A_408 : memref<1000x128xf32, #tpu.memory_space<vmem_shared>>) dst(%arg17 : memref<128x128xf32, #tpu.memory_space<vmem>>)
      %get3A_409 = arith.index_cast %add3A_402 : i32 to index
      %get3A_410 = arith.constant 0 : index
      %get3A_411 = tpu.vector_load %arg13[%get3A_409, %get3A_410] {strides = array<i32>} : memref<125x128xf32, #tpu.memory_space<vmem>>, vector<1x16xf32>,
      %get3A_412 = vector.shape_cast %get3A_411 : vector<1x16xf32> to vector<16xf32>
      %get3A_413 = arith.index_cast %add3A_402 : i32 to index
      %get3A_414 = arith.constant 16 : index
      %get3A_415 = tpu.vector_load %arg13[%get3A_413, %get3A_414] {strides = array<i32>} : memref<125x128xf32, #tpu.memory_space<vmem>>, vector<1x16xf32>,
      %get3A_416 = vector.shape_cast %get3A_415 : vector<1x16xf32> to vector<16xf32>
      %get3A_417 = arith.index_cast %add3A_402 : i32 to index
      %get3A_418 = arith.constant 32 : index
      %get3A_419 = tpu.vector_load %arg13[%get3A_417, %get3A_418] {strides = array<i32>} : memref<125x128xf32, #tpu.memory_space<vmem>>, vector<1x16xf32>,
      %get3A_420 = vector.shape_cast %get3A_419 : vector<1x16xf32> to vector<16xf32>
      %get3A_421 = arith.index_cast %add3A_402 : i32 to index
      %get3A_422 = arith.constant 48 : index
      %get3A_423 = tpu.vector_load %arg13[%get3A_421, %get3A_422] {strides = array<i32>} : memref<125x128xf32, #tpu.memory_space<vmem>>, vector<1x16xf32>,
      %get3A_424 = vector.shape_cast %get3A_423 : vector<1x16xf32> to vector<16xf32>
      %get3A_425 = arith.index_cast %add3A_402 : i32 to index
      %get3A_426 = arith.constant 64 : index
      %get3A_427 = tpu.vector_load %arg13[%get3A_425, %get3A_426] {strides = array<i32>} : memref<125x128xf32, #tpu.memory_space<vmem>>, vector<1x16xf32>,
      %get3A_428 = vector.shape_cast %get3A_427 : vector<1x16xf32> to vector<16xf32>
      %get3A_429 = arith.index_cast %add3A_402 : i32 to index
      %get3A_430 = arith.constant 80 : index
      %get3A_431 = tpu.vector_load %arg13[%get3A_429, %get3A_430] {strides = array<i32>} : memref<125x128xf32, #tpu.memory_space<vmem>>, vector<1x16xf32>,
      %get3A_432 = vector.shape_cast %get3A_431 : vector<1x16xf32> to vector<16xf32>
      %get3A_433 = arith.index_cast %add3A_402 : i32 to index
      %get3A_434 = arith.constant 96 : index
      %get3A_435 = tpu.vector_load %arg13[%get3A_433, %get3A_434] {strides = array<i32>} : memref<125x128xf32, #tpu.memory_space<vmem>>, vector<1x16xf32>,
      %get3A_436 = vector.shape_cast %get3A_435 : vector<1x16xf32> to vector<16xf32>
      %get3A_437 = arith.index_cast %add3A_402 : i32 to index
      %get3A_438 = arith.constant 112 : index
      %get3A_439 = tpu.vector_load %arg13[%get3A_437, %get3A_438] {strides = array<i32>} : memref<125x128xf32, #tpu.memory_space<vmem>>, vector<1x16xf32>,
      %get3A_440 = vector.shape_cast %get3A_439 : vector<1x16xf32> to vector<16xf32>
      %scan3A_441 = arith.constant 0 : i32
      %scan3A_442 = arith.constant 0 : i32
      %scan3A_443 = arith.constant 32 : i32
      %scan3A_444 = arith.addi %scan3A_442, %scan3A_443 : i32
      %scan3A_445 = arith.constant 1 : i32
      scf.for %scan3A_684 = %scan3A_442 to %scan3A_444 step %scan3A_445  : i32 {
        %mul3A_685 = arith.constant 4 : i32
        %mul3A_686 = arith.muli %scan3A_684, %mul3A_685 : i32
        %add3A_687 = arith.constant 0 : i32
        %add3A_688 = arith.addi %mul3A_686, %add3A_687 : i32
        %swap3A = arith.index_cast %add3A_688 : i32 to index
        %swap3A_689 = arith.constant 0 : index
        %swap3A_690 = tpu.vector_load %arg17[%swap3A, %swap3A_689] {strides = array<i32>} : memref<128x128xf32, #tpu.memory_space<vmem>>, vector<1x16xf32>,
        %swap3A_691 = vector.shape_cast %swap3A_690 : vector<1x16xf32> to vector<16xf32>
        %swap3A_692 = vector.shape_cast %get3A_412 : vector<16xf32> to vector<1x16xf32>
        tpu.vector_store %arg17[%swap3A, %swap3A_689], %swap3A_692 {add = true, strides = array<i32>} : memref<128x128xf32, #tpu.memory_space<vmem>>, vector<1x16xf32>,
        %swap3A_693 = arith.index_cast %add3A_688 : i32 to index
        %swap3A_694 = arith.constant 16 : index
        %swap3A_695 = tpu.vector_load %arg17[%swap3A_693, %swap3A_694] {strides = array<i32>} : memref<128x128xf32, #tpu.memory_space<vmem>>, vector<1x16xf32>,
        %swap3A_696 = vector.shape_cast %swap3A_695 : vector<1x16xf32> to vector<16xf32>
        %swap3A_697 = vector.shape_cast %get3A_416 : vector<16xf32> to vector<1x16xf32>
        tpu.vector_store %arg17[%swap3A_693, %swap3A_694], %swap3A_697 {add = true, strides = array<i32>} : memref<128x128xf32, #tpu.memory_space<vmem>>, vector<1x16xf32>,
        %swap3A_698 = arith.index_cast %add3A_688 : i32 to index
        %swap3A_699 = arith.constant 32 : index
        %swap3A_700 = tpu.vector_load %arg17[%swap3A_698, %swap3A_699] {strides = array<i32>} : memref<128x128xf32, #tpu.memory_space<vmem>>, vector<1x16xf32>,
        %swap3A_701 = vector.shape_cast %swap3A_700 : vector<1x16xf32> to vector<16xf32>
        %swap3A_702 = vector.shape_cast %get3A_420 : vector<16xf32> to vector<1x16xf32>
        tpu.vector_store %arg17[%swap3A_698, %swap3A_699], %swap3A_702 {add = true, strides = array<i32>} : memref<128x128xf32, #tpu.memory_space<vmem>>, vector<1x16xf32>,
        %swap3A_703 = arith.index_cast %add3A_688 : i32 to index
        %swap3A_704 = arith.constant 48 : index
        %swap3A_705 = tpu.vector_load %arg17[%swap3A_703, %swap3A_704] {strides = array<i32>} : memref<128x128xf32, #tpu.memory_space<vmem>>, vector<1x16xf32>,
        %swap3A_706 = vector.shape_cast %swap3A_705 : vector<1x16xf32> to vector<16xf32>
        %swap3A_707 = vector.shape_cast %get3A_424 : vector<16xf32> to vector<1x16xf32>
        tpu.vector_store %arg17[%swap3A_703, %swap3A_704], %swap3A_707 {add = true, strides = array<i32>} : memref<128x128xf32, #tpu.memory_space<vmem>>, vector<1x16xf32>,
        %swap3A_708 = arith.index_cast %add3A_688 : i32 to index
        %swap3A_709 = arith.constant 64 : index
        %swap3A_710 = tpu.vector_load %arg17[%swap3A_708, %swap3A_709] {strides = array<i32>} : memref<128x128xf32, #tpu.memory_space<vmem>>, vector<1x16xf32>,
        %swap3A_711 = vector.shape_cast %swap3A_710 : vector<1x16xf32> to vector<16xf32>
        %swap3A_712 = vector.shape_cast %get3A_428 : vector<16xf32> to vector<1x16xf32>
        tpu.vector_store %arg17[%swap3A_708, %swap3A_709], %swap3A_712 {add = true, strides = array<i32>} : memref<128x128xf32, #tpu.memory_space<vmem>>, vector<1x16xf32>,
        %swap3A_713 = arith.index_cast %add3A_688 : i32 to index
        %swap3A_714 = arith.constant 80 : index
        %swap3A_715 = tpu.vector_load %arg17[%swap3A_713, %swap3A_714] {strides = array<i32>} : memref<128x128xf32, #tpu.memory_space<vmem>>, vector<1x16xf32>,
        %swap3A_716 = vector.shape_cast %swap3A_715 : vector<1x16xf32> to vector<16xf32>
        %swap3A_717 = vector.shape_cast %get3A_432 : vector<16xf32> to vector<1x16xf32>
        tpu.vector_store %arg17[%swap3A_713, %swap3A_714], %swap3A_717 {add = true, strides = array<i32>} : memref<128x128xf32, #tpu.memory_space<vmem>>, vector<1x16xf32>,
        %swap3A_718 = arith.index_cast %add3A_688 : i32 to index
        %swap3A_719 = arith.constant 96 : index
        %swap3A_720 = tpu.vector_load %arg17[%swap3A_718, %swap3A_719] {strides = array<i32>} : memref<128x128xf32, #tpu.memory_space<vmem>>, vector<1x16xf32>,
        %swap3A_721 = vector.shape_cast %swap3A_720 : vector<1x16xf32> to vector<16xf32>
        %swap3A_722 = vector.shape_cast %get3A_436 : vector<16xf32> to vector<1x16xf32>
        tpu.vector_store %arg17[%swap3A_718, %swap3A_719], %swap3A_722 {add = true, strides = array<i32>} : memref<128x128xf32, #tpu.memory_space<vmem>>, vector<1x16xf32>,
        %swap3A_723 = arith.index_cast %add3A_688 : i32 to index
        %swap3A_724 = arith.constant 112 : index
        %swap3A_725 = tpu.vector_load %arg17[%swap3A_723, %swap3A_724] {strides = array<i32>} : memref<128x128xf32, #tpu.memory_space<vmem>>, vector<1x16xf32>,
        %swap3A_726 = vector.shape_cast %swap3A_725 : vector<1x16xf32> to vector<16xf32>
        %swap3A_727 = vector.shape_cast %get3A_440 : vector<16xf32> to vector<1x16xf32>
        tpu.vector_store %arg17[%swap3A_723, %swap3A_724], %swap3A_727 {add = true, strides = array<i32>} : memref<128x128xf32, #tpu.memory_space<vmem>>, vector<1x16xf32>,
        %mul3A_728 = arith.constant 4 : i32
        %mul3A_729 = arith.muli %scan3A_684, %mul3A_728 : i32
        %add3A_730 = arith.constant 1 : i32
        %add3A_731 = arith.addi %mul3A_729, %add3A_730 : i32
        %swap3A_732 = arith.index_cast %add3A_731 : i32 to index
        %swap3A_733 = arith.constant 0 : index
        %swap3A_734 = tpu.vector_load %arg17[%swap3A_732, %swap3A_733] {strides = array<i32>} : memref<128x128xf32, #tpu.memory_space<vmem>>, vector<1x16xf32>,
        %swap3A_735 = vector.shape_cast %swap3A_734 : vector<1x16xf32> to vector<16xf32>
        %swap3A_736 = vector.shape_cast %get3A_412 : vector<16xf32> to vector<1x16xf32>
        tpu.vector_store %arg17[%swap3A_732, %swap3A_733], %swap3A_736 {add = true, strides = array<i32>} : memref<128x128xf32, #tpu.memory_space<vmem>>, vector<1x16xf32>,
        %swap3A_737 = arith.index_cast %add3A_731 : i32 to index
        %swap3A_738 = arith.constant 16 : index
        %swap3A_739 = tpu.vector_load %arg17[%swap3A_737, %swap3A_738] {strides = array<i32>} : memref<128x128xf32, #tpu.memory_space<vmem>>, vector<1x16xf32>,
        %swap3A_740 = vector.shape_cast %swap3A_739 : vector<1x16xf32> to vector<16xf32>
        %swap3A_741 = vector.shape_cast %get3A_416 : vector<16xf32> to vector<1x16xf32>
        tpu.vector_store %arg17[%swap3A_737, %swap3A_738], %swap3A_741 {add = true, strides = array<i32>} : memref<128x128xf32, #tpu.memory_space<vmem>>, vector<1x16xf32>,
        %swap3A_742 = arith.index_cast %add3A_731 : i32 to index
        %swap3A_743 = arith.constant 32 : index
        %swap3A_744 = tpu.vector_load %arg17[%swap3A_742, %swap3A_743] {strides = array<i32>} : memref<128x128xf32, #tpu.memory_space<vmem>>, vector<1x16xf32>,
        %swap3A_745 = vector.shape_cast %swap3A_744 : vector<1x16xf32> to vector<16xf32>
        %swap3A_746 = vector.shape_cast %get3A_420 : vector<16xf32> to vector<1x16xf32>
        tpu.vector_store %arg17[%swap3A_742, %swap3A_743], %swap3A_746 {add = true, strides = array<i32>} : memref<128x128xf32, #tpu.memory_space<vmem>>, vector<1x16xf32>,
        %swap3A_747 = arith.index_cast %add3A_731 : i32 to index
        %swap3A_748 = arith.constant 48 : index
        %swap3A_749 = tpu.vector_load %arg17[%swap3A_747, %swap3A_748] {strides = array<i32>} : memref<128x128xf32, #tpu.memory_space<vmem>>, vector<1x16xf32>,
        %swap3A_750 = vector.shape_cast %swap3A_749 : vector<1x16xf32> to vector<16xf32>
        %swap3A_751 = vector.shape_cast %get3A_424 : vector<16xf32> to vector<1x16xf32>
        tpu.vector_store %arg17[%swap3A_747, %swap3A_748], %swap3A_751 {add = true, strides = array<i32>} : memref<128x128xf32, #tpu.memory_space<vmem>>, vector<1x16xf32>,
        %swap3A_752 = arith.index_cast %add3A_731 : i32 to index
        %swap3A_753 = arith.constant 64 : index
        %swap3A_754 = tpu.vector_load %arg17[%swap3A_752, %swap3A_753] {strides = array<i32>} : memref<128x128xf32, #tpu.memory_space<vmem>>, vector<1x16xf32>,
        %swap3A_755 = vector.shape_cast %swap3A_754 : vector<1x16xf32> to vector<16xf32>
        %swap3A_756 = vector.shape_cast %get3A_428 : vector<16xf32> to vector<1x16xf32>
        tpu.vector_store %arg17[%swap3A_752, %swap3A_753], %swap3A_756 {add = true, strides = array<i32>} : memref<128x128xf32, #tpu.memory_space<vmem>>, vector<1x16xf32>,
        %swap3A_757 = arith.index_cast %add3A_731 : i32 to index
        %swap3A_758 = arith.constant 80 : index
        %swap3A_759 = tpu.vector_load %arg17[%swap3A_757, %swap3A_758] {strides = array<i32>} : memref<128x128xf32, #tpu.memory_space<vmem>>, vector<1x16xf32>,
        %swap3A_760 = vector.shape_cast %swap3A_759 : vector<1x16xf32> to vector<16xf32>
        %swap3A_761 = vector.shape_cast %get3A_432 : vector<16xf32> to vector<1x16xf32>
        tpu.vector_store %arg17[%swap3A_757, %swap3A_758], %swap3A_761 {add = true, strides = array<i32>} : memref<128x128xf32, #tpu.memory_space<vmem>>, vector<1x16xf32>,
        %swap3A_762 = arith.index_cast %add3A_731 : i32 to index
        %swap3A_763 = arith.constant 96 : index
        %swap3A_764 = tpu.vector_load %arg17[%swap3A_762, %swap3A_763] {strides = array<i32>} : memref<128x128xf32, #tpu.memory_space<vmem>>, vector<1x16xf32>,
        %swap3A_765 = vector.shape_cast %swap3A_764 : vector<1x16xf32> to vector<16xf32>
        %swap3A_766 = vector.shape_cast %get3A_436 : vector<16xf32> to vector<1x16xf32>
        tpu.vector_store %arg17[%swap3A_762, %swap3A_763], %swap3A_766 {add = true, strides = array<i32>} : memref<128x128xf32, #tpu.memory_space<vmem>>, vector<1x16xf32>,
        %swap3A_767 = arith.index_cast %add3A_731 : i32 to index
        %swap3A_768 = arith.constant 112 : index
        %swap3A_769 = tpu.vector_load %arg17[%swap3A_767, %swap3A_768] {strides = array<i32>} : memref<128x128xf32, #tpu.memory_space<vmem>>, vector<1x16xf32>,
        %swap3A_770 = vector.shape_cast %swap3A_769 : vector<1x16xf32> to vector<16xf32>
        %swap3A_771 = vector.shape_cast %get3A_440 : vector<16xf32> to vector<1x16xf32>
        tpu.vector_store %arg17[%swap3A_767, %swap3A_768], %swap3A_771 {add = true, strides = array<i32>} : memref<128x128xf32, #tpu.memory_space<vmem>>, vector<1x16xf32>,
        %mul3A_772 = arith.constant 4 : i32
        %mul3A_773 = arith.muli %scan3A_684, %mul3A_772 : i32
        %add3A_774 = arith.constant 2 : i32
        %add3A_775 = arith.addi %mul3A_773, %add3A_774 : i32
        %swap3A_776 = arith.index_cast %add3A_775 : i32 to index
        %swap3A_777 = arith.constant 0 : index
        %swap3A_778 = tpu.vector_load %arg17[%swap3A_776, %swap3A_777] {strides = array<i32>} : memref<128x128xf32, #tpu.memory_space<vmem>>, vector<1x16xf32>,
        %swap3A_779 = vector.shape_cast %swap3A_778 : vector<1x16xf32> to vector<16xf32>
        %swap3A_780 = vector.shape_cast %get3A_412 : vector<16xf32> to vector<1x16xf32>
        tpu.vector_store %arg17[%swap3A_776, %swap3A_777], %swap3A_780 {add = true, strides = array<i32>} : memref<128x128xf32, #tpu.memory_space<vmem>>, vector<1x16xf32>,
        %swap3A_781 = arith.index_cast %add3A_775 : i32 to index
        %swap3A_782 = arith.constant 16 : index
        %swap3A_783 = tpu.vector_load %arg17[%swap3A_781, %swap3A_782] {strides = array<i32>} : memref<128x128xf32, #tpu.memory_space<vmem>>, vector<1x16xf32>,
        %swap3A_784 = vector.shape_cast %swap3A_783 : vector<1x16xf32> to vector<16xf32>
        %swap3A_785 = vector.shape_cast %get3A_416 : vector<16xf32> to vector<1x16xf32>
        tpu.vector_store %arg17[%swap3A_781, %swap3A_782], %swap3A_785 {add = true, strides = array<i32>} : memref<128x128xf32, #tpu.memory_space<vmem>>, vector<1x16xf32>,
        %swap3A_786 = arith.index_cast %add3A_775 : i32 to index
        %swap3A_787 = arith.constant 32 : index
        %swap3A_788 = tpu.vector_load %arg17[%swap3A_786, %swap3A_787] {strides = array<i32>} : memref<128x128xf32, #tpu.memory_space<vmem>>, vector<1x16xf32>,
        %swap3A_789 = vector.shape_cast %swap3A_788 : vector<1x16xf32> to vector<16xf32>
        %swap3A_790 = vector.shape_cast %get3A_420 : vector<16xf32> to vector<1x16xf32>
        tpu.vector_store %arg17[%swap3A_786, %swap3A_787], %swap3A_790 {add = true, strides = array<i32>} : memref<128x128xf32, #tpu.memory_space<vmem>>, vector<1x16xf32>,
        %swap3A_791 = arith.index_cast %add3A_775 : i32 to index
        %swap3A_792 = arith.constant 48 : index
        %swap3A_793 = tpu.vector_load %arg17[%swap3A_791, %swap3A_792] {strides = array<i32>} : memref<128x128xf32, #tpu.memory_space<vmem>>, vector<1x16xf32>,
        %swap3A_794 = vector.shape_cast %swap3A_793 : vector<1x16xf32> to vector<16xf32>
        %swap3A_795 = vector.shape_cast %get3A_424 : vector<16xf32> to vector<1x16xf32>
        tpu.vector_store %arg17[%swap3A_791, %swap3A_792], %swap3A_795 {add = true, strides = array<i32>} : memref<128x128xf32, #tpu.memory_space<vmem>>, vector<1x16xf32>,
        %swap3A_796 = arith.index_cast %add3A_775 : i32 to index
        %swap3A_797 = arith.constant 64 : index
        %swap3A_798 = tpu.vector_load %arg17[%swap3A_796, %swap3A_797] {strides = array<i32>} : memref<128x128xf32, #tpu.memory_space<vmem>>, vector<1x16xf32>,
        %swap3A_799 = vector.shape_cast %swap3A_798 : vector<1x16xf32> to vector<16xf32>
        %swap3A_800 = vector.shape_cast %get3A_428 : vector<16xf32> to vector<1x16xf32>
        tpu.vector_store %arg17[%swap3A_796, %swap3A_797], %swap3A_800 {add = true, strides = array<i32>} : memref<128x128xf32, #tpu.memory_space<vmem>>, vector<1x16xf32>,
        %swap3A_801 = arith.index_cast %add3A_775 : i32 to index
        %swap3A_802 = arith.constant 80 : index
        %swap3A_803 = tpu.vector_load %arg17[%swap3A_801, %swap3A_802] {strides = array<i32>} : memref<128x128xf32, #tpu.memory_space<vmem>>, vector<1x16xf32>,
        %swap3A_804 = vector.shape_cast %swap3A_803 : vector<1x16xf32> to vector<16xf32>
        %swap3A_805 = vector.shape_cast %get3A_432 : vector<16xf32> to vector<1x16xf32>
        tpu.vector_store %arg17[%swap3A_801, %swap3A_802], %swap3A_805 {add = true, strides = array<i32>} : memref<128x128xf32, #tpu.memory_space<vmem>>, vector<1x16xf32>,
        %swap3A_806 = arith.index_cast %add3A_775 : i32 to index
        %swap3A_807 = arith.constant 96 : index
        %swap3A_808 = tpu.vector_load %arg17[%swap3A_806, %swap3A_807] {strides = array<i32>} : memref<128x128xf32, #tpu.memory_space<vmem>>, vector<1x16xf32>,
        %swap3A_809 = vector.shape_cast %swap3A_808 : vector<1x16xf32> to vector<16xf32>
        %swap3A_810 = vector.shape_cast %get3A_436 : vector<16xf32> to vector<1x16xf32>
        tpu.vector_store %arg17[%swap3A_806, %swap3A_807], %swap3A_810 {add = true, strides = array<i32>} : memref<128x128xf32, #tpu.memory_space<vmem>>, vector<1x16xf32>,
        %swap3A_811 = arith.index_cast %add3A_775 : i32 to index
        %swap3A_812 = arith.constant 112 : index
        %swap3A_813 = tpu.vector_load %arg17[%swap3A_811, %swap3A_812] {strides = array<i32>} : memref<128x128xf32, #tpu.memory_space<vmem>>, vector<1x16xf32>,
        %swap3A_814 = vector.shape_cast %swap3A_813 : vector<1x16xf32> to vector<16xf32>
        %swap3A_815 = vector.shape_cast %get3A_440 : vector<16xf32> to vector<1x16xf32>
        tpu.vector_store %arg17[%swap3A_811, %swap3A_812], %swap3A_815 {add = true, strides = array<i32>} : memref<128x128xf32, #tpu.memory_space<vmem>>, vector<1x16xf32>,
        %mul3A_816 = arith.constant 4 : i32
        %mul3A_817 = arith.muli %scan3A_684, %mul3A_816 : i32
        %add3A_818 = arith.constant 3 : i32
        %add3A_819 = arith.addi %mul3A_817, %add3A_818 : i32
        %swap3A_820 = arith.index_cast %add3A_819 : i32 to index
        %swap3A_821 = arith.constant 0 : index
        %swap3A_822 = tpu.vector_load %arg17[%swap3A_820, %swap3A_821] {strides = array<i32>} : memref<128x128xf32, #tpu.memory_space<vmem>>, vector<1x16xf32>,
        %swap3A_823 = vector.shape_cast %swap3A_822 : vector<1x16xf32> to vector<16xf32>
        %swap3A_824 = vector.shape_cast %get3A_412 : vector<16xf32> to vector<1x16xf32>
        tpu.vector_store %arg17[%swap3A_820, %swap3A_821], %swap3A_824 {add = true, strides = array<i32>} : memref<128x128xf32, #tpu.memory_space<vmem>>, vector<1x16xf32>,
        %swap3A_825 = arith.index_cast %add3A_819 : i32 to index
        %swap3A_826 = arith.constant 16 : index
        %swap3A_827 = tpu.vector_load %arg17[%swap3A_825, %swap3A_826] {strides = array<i32>} : memref<128x128xf32, #tpu.memory_space<vmem>>, vector<1x16xf32>,
        %swap3A_828 = vector.shape_cast %swap3A_827 : vector<1x16xf32> to vector<16xf32>
        %swap3A_829 = vector.shape_cast %get3A_416 : vector<16xf32> to vector<1x16xf32>
        tpu.vector_store %arg17[%swap3A_825, %swap3A_826], %swap3A_829 {add = true, strides = array<i32>} : memref<128x128xf32, #tpu.memory_space<vmem>>, vector<1x16xf32>,
        %swap3A_830 = arith.index_cast %add3A_819 : i32 to index
        %swap3A_831 = arith.constant 32 : index
        %swap3A_832 = tpu.vector_load %arg17[%swap3A_830, %swap3A_831] {strides = array<i32>} : memref<128x128xf32, #tpu.memory_space<vmem>>, vector<1x16xf32>,
        %swap3A_833 = vector.shape_cast %swap3A_832 : vector<1x16xf32> to vector<16xf32>
        %swap3A_834 = vector.shape_cast %get3A_420 : vector<16xf32> to vector<1x16xf32>
        tpu.vector_store %arg17[%swap3A_830, %swap3A_831], %swap3A_834 {add = true, strides = array<i32>} : memref<128x128xf32, #tpu.memory_space<vmem>>, vector<1x16xf32>,
        %swap3A_835 = arith.index_cast %add3A_819 : i32 to index
        %swap3A_836 = arith.constant 48 : index
        %swap3A_837 = tpu.vector_load %arg17[%swap3A_835, %swap3A_836] {strides = array<i32>} : memref<128x128xf32, #tpu.memory_space<vmem>>, vector<1x16xf32>,
        %swap3A_838 = vector.shape_cast %swap3A_837 : vector<1x16xf32> to vector<16xf32>
        %swap3A_839 = vector.shape_cast %get3A_424 : vector<16xf32> to vector<1x16xf32>
        tpu.vector_store %arg17[%swap3A_835, %swap3A_836], %swap3A_839 {add = true, strides = array<i32>} : memref<128x128xf32, #tpu.memory_space<vmem>>, vector<1x16xf32>,
        %swap3A_840 = arith.index_cast %add3A_819 : i32 to index
        %swap3A_841 = arith.constant 64 : index
        %swap3A_842 = tpu.vector_load %arg17[%swap3A_840, %swap3A_841] {strides = array<i32>} : memref<128x128xf32, #tpu.memory_space<vmem>>, vector<1x16xf32>,
        %swap3A_843 = vector.shape_cast %swap3A_842 : vector<1x16xf32> to vector<16xf32>
        %swap3A_844 = vector.shape_cast %get3A_428 : vector<16xf32> to vector<1x16xf32>
        tpu.vector_store %arg17[%swap3A_840, %swap3A_841], %swap3A_844 {add = true, strides = array<i32>} : memref<128x128xf32, #tpu.memory_space<vmem>>, vector<1x16xf32>,
        %swap3A_845 = arith.index_cast %add3A_819 : i32 to index
        %swap3A_846 = arith.constant 80 : index
        %swap3A_847 = tpu.vector_load %arg17[%swap3A_845, %swap3A_846] {strides = array<i32>} : memref<128x128xf32, #tpu.memory_space<vmem>>, vector<1x16xf32>,
        %swap3A_848 = vector.shape_cast %swap3A_847 : vector<1x16xf32> to vector<16xf32>
        %swap3A_849 = vector.shape_cast %get3A_432 : vector<16xf32> to vector<1x16xf32>
        tpu.vector_store %arg17[%swap3A_845, %swap3A_846], %swap3A_849 {add = true, strides = array<i32>} : memref<128x128xf32, #tpu.memory_space<vmem>>, vector<1x16xf32>,
        %swap3A_850 = arith.index_cast %add3A_819 : i32 to index
        %swap3A_851 = arith.constant 96 : index
        %swap3A_852 = tpu.vector_load %arg17[%swap3A_850, %swap3A_851] {strides = array<i32>} : memref<128x128xf32, #tpu.memory_space<vmem>>, vector<1x16xf32>,
        %swap3A_853 = vector.shape_cast %swap3A_852 : vector<1x16xf32> to vector<16xf32>
        %swap3A_854 = vector.shape_cast %get3A_436 : vector<16xf32> to vector<1x16xf32>
        tpu.vector_store %arg17[%swap3A_850, %swap3A_851], %swap3A_854 {add = true, strides = array<i32>} : memref<128x128xf32, #tpu.memory_space<vmem>>, vector<1x16xf32>,
        %swap3A_855 = arith.index_cast %add3A_819 : i32 to index
        %swap3A_856 = arith.constant 112 : index
        %swap3A_857 = tpu.vector_load %arg17[%swap3A_855, %swap3A_856] {strides = array<i32>} : memref<128x128xf32, #tpu.memory_space<vmem>>, vector<1x16xf32>,
        %swap3A_858 = vector.shape_cast %swap3A_857 : vector<1x16xf32> to vector<16xf32>
        %swap3A_859 = vector.shape_cast %get3A_440 : vector<16xf32> to vector<1x16xf32>
        tpu.vector_store %arg17[%swap3A_855, %swap3A_856], %swap3A_859 {add = true, strides = array<i32>} : memref<128x128xf32, #tpu.memory_space<vmem>>, vector<1x16xf32>,
      }
      %scan3A_446 = arith.constant 32 : i32
      %dma_start3A_447 = arith.constant 0 : i32
      %dma_start3A_448 = tpu.memref_slice %arg8[%add3A_402, %mul3A_2, %dma_start3A_447] : memref<125x4096x128xf32, #tpu.memory_space<hbm>> -> memref<1x128x128xf32, #tpu.memory_space<hbm>>
      %dma_start3A_449 = tpu.memref_squeeze %dma_start3A_448 : memref<1x128x128xf32, #tpu.memory_space<hbm>> -> memref<128x128xf32, #tpu.memory_space<hbm>>
      %dma_start3A_450 = arith.constant 0 : i32
      %dma_start3A_451 = tpu.memref_slice %arg8[%add3A_402, %mul3A_2, %dma_start3A_450] : memref<125x4096x128xf32, #tpu.memory_space<hbm>> -> memref<1x128x128xf32, #tpu.memory_space<hbm>>
      %dma_start3A_452 = tpu.memref_squeeze %dma_start3A_451 : memref<1x128x128xf32, #tpu.memory_space<hbm>> -> memref<128x128xf32, #tpu.memory_space<hbm>>
      tpu.enqueue_dma source(%arg17 : memref<128x128xf32, #tpu.memory_space<vmem>>) target(%dma_start3A_452 : memref<128x128xf32, #tpu.memory_space<hbm>>) target_semaphore(%arg26 : memref<!tpu.dma_semaphore, #tpu.memory_space<semaphore_mem>>)
      %sub3A = arith.constant 2 : i32
      %sub3A_453 = arith.subi %add3A_402, %sub3A : i32
      %dma_wait3A_454 = arith.constant 0 : i32
      %dma_wait3A_455 = tpu.memref_slice %arg8[%sub3A_453, %mul3A_2, %dma_wait3A_454] : memref<125x4096x128xf32, #tpu.memory_space<hbm>> -> memref<1x128x128xf32, #tpu.memory_space<hbm>>
      %dma_wait3A_456 = tpu.memref_squeeze %dma_wait3A_455 : memref<1x128x128xf32, #tpu.memory_space<hbm>> -> memref<128x128xf32, #tpu.memory_space<hbm>>
      %dma_wait3A_457 = arith.constant 0 : i32
      %dma_wait3A_458 = tpu.memref_slice %arg8[%sub3A_453, %mul3A_2, %dma_wait3A_457] : memref<125x4096x128xf32, #tpu.memory_space<hbm>> -> memref<1x128x128xf32, #tpu.memory_space<hbm>>
      %dma_wait3A_459 = tpu.memref_squeeze %dma_wait3A_458 : memref<1x128x128xf32, #tpu.memory_space<hbm>> -> memref<128x128xf32, #tpu.memory_space<hbm>>
      tpu.wait_dma2 semaphore(%arg24 : memref<!tpu.dma_semaphore, #tpu.memory_space<semaphore_mem>>) src(%arg15 : memref<128x128xf32, #tpu.memory_space<vmem>>) dst(%dma_wait3A_459 : memref<128x128xf32, #tpu.memory_space<hbm>>)
      %add3A_460 = arith.constant 2 : i32
      %add3A_461 = arith.addi %add3A_402, %add3A_460 : i32
      %dma_start3A_462 = arith.constant 0 : i32
      %dma_start3A_463 = tpu.memref_slice %arg12[%add3A_461, %dma_start3A_462] : memref<125x128xi32, #tpu.memory_space<vmem>> -> memref<1x128xi32, #tpu.memory_space<vmem>>
      %dma_start3A_464 = tpu.memref_squeeze %dma_start3A_463 : memref<1x128xi32, #tpu.memory_space<vmem>> -> memref<128xi32, #tpu.memory_space<vmem>>
      %dma_start3A_465 = arith.constant 0 : i32
      %dma_start3A_466 = arith.constant 0 : i32
      %dma_start3A_467 = tpu.memref_slice %arg11[%dma_start3A_465, %dma_start3A_466] : memref<1000x128xf32, #tpu.memory_space<vmem_shared>> -> memref<1000x128xf32, #tpu.memory_space<vmem_shared>>
      tpu.enqueue_indirect_dma source(%dma_start3A_467 : memref<1000x128xf32, #tpu.memory_space<vmem_shared>>) target(%arg15 : memref<128x128xf32, #tpu.memory_space<vmem>>) offsets(%dma_start3A_464 : memref<128xi32, #tpu.memory_space<vmem>>) semaphore(%arg20 : memref<!tpu.dma_semaphore, #tpu.memory_space<semaphore_mem>>)
      %mul3A_468 = arith.constant 4 : i32
      %mul3A_469 = arith.muli %scan3A_396, %mul3A_468 : i32
      %add3A_470 = arith.constant 2 : i32
      %add3A_471 = arith.addi %add3A_470, %mul3A_469 : i32
      %add3A_472 = arith.constant 1 : i32
      %add3A_473 = arith.addi %add3A_471, %add3A_472 : i32
      %dma_wait3A_474 = arith.constant 0 : i32
      %dma_wait3A_475 = tpu.memref_slice %arg12[%add3A_473, %dma_wait3A_474] : memref<125x128xi32, #tpu.memory_space<vmem>> -> memref<1x128xi32, #tpu.memory_space<vmem>>
      %dma_wait3A_476 = tpu.memref_squeeze %dma_wait3A_475 : memref<1x128xi32, #tpu.memory_space<vmem>> -> memref<128xi32, #tpu.memory_space<vmem>>
      %dma_wait3A_477 = arith.constant 0 : i32
      %dma_wait3A_478 = arith.constant 0 : i32
      %dma_wait3A_479 = tpu.memref_slice %arg11[%dma_wait3A_477, %dma_wait3A_478] : memref<1000x128xf32, #tpu.memory_space<vmem_shared>> -> memref<1000x128xf32, #tpu.memory_space<vmem_shared>>
      tpu.wait_indirect_dma semaphore(%arg23 : memref<!tpu.dma_semaphore, #tpu.memory_space<semaphore_mem>>) src(%dma_wait3A_479 : memref<1000x128xf32, #tpu.memory_space<vmem_shared>>) dst(%arg18 : memref<128x128xf32, #tpu.memory_space<vmem>>)
      %get3A_480 = arith.index_cast %add3A_473 : i32 to index
      %get3A_481 = arith.constant 0 : index
      %get3A_482 = tpu.vector_load %arg13[%get3A_480, %get3A_481] {strides = array<i32>} : memref<125x128xf32, #tpu.memory_space<vmem>>, vector<1x16xf32>,
      %get3A_483 = vector.shape_cast %get3A_482 : vector<1x16xf32> to vector<16xf32>
      %get3A_484 = arith.index_cast %add3A_473 : i32 to index
      %get3A_485 = arith.constant 16 : index
      %get3A_486 = tpu.vector_load %arg13[%get3A_484, %get3A_485] {strides = array<i32>} : memref<125x128xf32, #tpu.memory_space<vmem>>, vector<1x16xf32>,
      %get3A_487 = vector.shape_cast %get3A_486 : vector<1x16xf32> to vector<16xf32>
      %get3A_488 = arith.index_cast %add3A_473 : i32 to index
      %get3A_489 = arith.constant 32 : index
      %get3A_490 = tpu.vector_load %arg13[%get3A_488, %get3A_489] {strides = array<i32>} : memref<125x128xf32, #tpu.memory_space<vmem>>, vector<1x16xf32>,
      %get3A_491 = vector.shape_cast %get3A_490 : vector<1x16xf32> to vector<16xf32>
      %get3A_492 = arith.index_cast %add3A_473 : i32 to index
      %get3A_493 = arith.constant 48 : index
      %get3A_494 = tpu.vector_load %arg13[%get3A_492, %get3A_493] {strides = array<i32>} : memref<125x128xf32, #tpu.memory_space<vmem>>, vector<1x16xf32>,
      %get3A_495 = vector.shape_cast %get3A_494 : vector<1x16xf32> to vector<16xf32>
      %get3A_496 = arith.index_cast %add3A_473 : i32 to index
      %get3A_497 = arith.constant 64 : index
      %get3A_498 = tpu.vector_load %arg13[%get3A_496, %get3A_497] {strides = array<i32>} : memref<125x128xf32, #tpu.memory_space<vmem>>, vector<1x16xf32>,
      %get3A_499 = vector.shape_cast %get3A_498 : vector<1x16xf32> to vector<16xf32>
      %get3A_500 = arith.index_cast %add3A_473 : i32 to index
      %get3A_501 = arith.constant 80 : index
      %get3A_502 = tpu.vector_load %arg13[%get3A_500, %get3A_501] {strides = array<i32>} : memref<125x128xf32, #tpu.memory_space<vmem>>, vector<1x16xf32>,
      %get3A_503 = vector.shape_cast %get3A_502 : vector<1x16xf32> to vector<16xf32>
      %get3A_504 = arith.index_cast %add3A_473 : i32 to index
      %get3A_505 = arith.constant 96 : index
      %get3A_506 = tpu.vector_load %arg13[%get3A_504, %get3A_505] {strides = array<i32>} : memref<125x128xf32, #tpu.memory_space<vmem>>, vector<1x16xf32>,
      %get3A_507 = vector.shape_cast %get3A_506 : vector<1x16xf32> to vector<16xf32>
      %get3A_508 = arith.index_cast %add3A_473 : i32 to index
      %get3A_509 = arith.constant 112 : index
      %get3A_510 = tpu.vector_load %arg13[%get3A_508, %get3A_509] {strides = array<i32>} : memref<125x128xf32, #tpu.memory_space<vmem>>, vector<1x16xf32>,
      %get3A_511 = vector.shape_cast %get3A_510 : vector<1x16xf32> to vector<16xf32>
      %scan3A_512 = arith.constant 0 : i32
      %scan3A_513 = arith.constant 0 : i32
      %scan3A_514 = arith.constant 32 : i32
      %scan3A_515 = arith.addi %scan3A_513, %scan3A_514 : i32
      %scan3A_516 = arith.constant 1 : i32
      scf.for %scan3A_684 = %scan3A_513 to %scan3A_515 step %scan3A_516  : i32 {
        %mul3A_685 = arith.constant 4 : i32
        %mul3A_686 = arith.muli %scan3A_684, %mul3A_685 : i32
        %add3A_687 = arith.constant 0 : i32
        %add3A_688 = arith.addi %mul3A_686, %add3A_687 : i32
        %swap3A = arith.index_cast %add3A_688 : i32 to index
        %swap3A_689 = arith.constant 0 : index
        %swap3A_690 = tpu.vector_load %arg18[%swap3A, %swap3A_689] {strides = array<i32>} : memref<128x128xf32, #tpu.memory_space<vmem>>, vector<1x16xf32>,
        %swap3A_691 = vector.shape_cast %swap3A_690 : vector<1x16xf32> to vector<16xf32>
        %swap3A_692 = vector.shape_cast %get3A_483 : vector<16xf32> to vector<1x16xf32>
        tpu.vector_store %arg18[%swap3A, %swap3A_689], %swap3A_692 {add = true, strides = array<i32>} : memref<128x128xf32, #tpu.memory_space<vmem>>, vector<1x16xf32>,
        %swap3A_693 = arith.index_cast %add3A_688 : i32 to index
        %swap3A_694 = arith.constant 16 : index
        %swap3A_695 = tpu.vector_load %arg18[%swap3A_693, %swap3A_694] {strides = array<i32>} : memref<128x128xf32, #tpu.memory_space<vmem>>, vector<1x16xf32>,
        %swap3A_696 = vector.shape_cast %swap3A_695 : vector<1x16xf32> to vector<16xf32>
        %swap3A_697 = vector.shape_cast %get3A_487 : vector<16xf32> to vector<1x16xf32>
        tpu.vector_store %arg18[%swap3A_693, %swap3A_694], %swap3A_697 {add = true, strides = array<i32>} : memref<128x128xf32, #tpu.memory_space<vmem>>, vector<1x16xf32>,
        %swap3A_698 = arith.index_cast %add3A_688 : i32 to index
        %swap3A_699 = arith.constant 32 : index
        %swap3A_700 = tpu.vector_load %arg18[%swap3A_698, %swap3A_699] {strides = array<i32>} : memref<128x128xf32, #tpu.memory_space<vmem>>, vector<1x16xf32>,
        %swap3A_701 = vector.shape_cast %swap3A_700 : vector<1x16xf32> to vector<16xf32>
        %swap3A_702 = vector.shape_cast %get3A_491 : vector<16xf32> to vector<1x16xf32>
        tpu.vector_store %arg18[%swap3A_698, %swap3A_699], %swap3A_702 {add = true, strides = array<i32>} : memref<128x128xf32, #tpu.memory_space<vmem>>, vector<1x16xf32>,
        %swap3A_703 = arith.index_cast %add3A_688 : i32 to index
        %swap3A_704 = arith.constant 48 : index
        %swap3A_705 = tpu.vector_load %arg18[%swap3A_703, %swap3A_704] {strides = array<i32>} : memref<128x128xf32, #tpu.memory_space<vmem>>, vector<1x16xf32>,
        %swap3A_706 = vector.shape_cast %swap3A_705 : vector<1x16xf32> to vector<16xf32>
        %swap3A_707 = vector.shape_cast %get3A_495 : vector<16xf32> to vector<1x16xf32>
        tpu.vector_store %arg18[%swap3A_703, %swap3A_704], %swap3A_707 {add = true, strides = array<i32>} : memref<128x128xf32, #tpu.memory_space<vmem>>, vector<1x16xf32>,
        %swap3A_708 = arith.index_cast %add3A_688 : i32 to index
        %swap3A_709 = arith.constant 64 : index
        %swap3A_710 = tpu.vector_load %arg18[%swap3A_708, %swap3A_709] {strides = array<i32>} : memref<128x128xf32, #tpu.memory_space<vmem>>, vector<1x16xf32>,
        %swap3A_711 = vector.shape_cast %swap3A_710 : vector<1x16xf32> to vector<16xf32>
        %swap3A_712 = vector.shape_cast %get3A_499 : vector<16xf32> to vector<1x16xf32>
        tpu.vector_store %arg18[%swap3A_708, %swap3A_709], %swap3A_712 {add = true, strides = array<i32>} : memref<128x128xf32, #tpu.memory_space<vmem>>, vector<1x16xf32>,
        %swap3A_713 = arith.index_cast %add3A_688 : i32 to index
        %swap3A_714 = arith.constant 80 : index
        %swap3A_715 = tpu.vector_load %arg18[%swap3A_713, %swap3A_714] {strides = array<i32>} : memref<128x128xf32, #tpu.memory_space<vmem>>, vector<1x16xf32>,
        %swap3A_716 = vector.shape_cast %swap3A_715 : vector<1x16xf32> to vector<16xf32>
        %swap3A_717 = vector.shape_cast %get3A_503 : vector<16xf32> to vector<1x16xf32>
        tpu.vector_store %arg18[%swap3A_713, %swap3A_714], %swap3A_717 {add = true, strides = array<i32>} : memref<128x128xf32, #tpu.memory_space<vmem>>, vector<1x16xf32>,
        %swap3A_718 = arith.index_cast %add3A_688 : i32 to index
        %swap3A_719 = arith.constant 96 : index
        %swap3A_720 = tpu.vector_load %arg18[%swap3A_718, %swap3A_719] {strides = array<i32>} : memref<128x128xf32, #tpu.memory_space<vmem>>, vector<1x16xf32>,
        %swap3A_721 = vector.shape_cast %swap3A_720 : vector<1x16xf32> to vector<16xf32>
        %swap3A_722 = vector.shape_cast %get3A_507 : vector<16xf32> to vector<1x16xf32>
        tpu.vector_store %arg18[%swap3A_718, %swap3A_719], %swap3A_722 {add = true, strides = array<i32>} : memref<128x128xf32, #tpu.memory_space<vmem>>, vector<1x16xf32>,
        %swap3A_723 = arith.index_cast %add3A_688 : i32 to index
        %swap3A_724 = arith.constant 112 : index
        %swap3A_725 = tpu.vector_load %arg18[%swap3A_723, %swap3A_724] {strides = array<i32>} : memref<128x128xf32, #tpu.memory_space<vmem>>, vector<1x16xf32>,
        %swap3A_726 = vector.shape_cast %swap3A_725 : vector<1x16xf32> to vector<16xf32>
        %swap3A_727 = vector.shape_cast %get3A_511 : vector<16xf32> to vector<1x16xf32>
        tpu.vector_store %arg18[%swap3A_723, %swap3A_724], %swap3A_727 {add = true, strides = array<i32>} : memref<128x128xf32, #tpu.memory_space<vmem>>, vector<1x16xf32>,
        %mul3A_728 = arith.constant 4 : i32
        %mul3A_729 = arith.muli %scan3A_684, %mul3A_728 : i32
        %add3A_730 = arith.constant 1 : i32
        %add3A_731 = arith.addi %mul3A_729, %add3A_730 : i32
        %swap3A_732 = arith.index_cast %add3A_731 : i32 to index
        %swap3A_733 = arith.constant 0 : index
        %swap3A_734 = tpu.vector_load %arg18[%swap3A_732, %swap3A_733] {strides = array<i32>} : memref<128x128xf32, #tpu.memory_space<vmem>>, vector<1x16xf32>,
        %swap3A_735 = vector.shape_cast %swap3A_734 : vector<1x16xf32> to vector<16xf32>
        %swap3A_736 = vector.shape_cast %get3A_483 : vector<16xf32> to vector<1x16xf32>
        tpu.vector_store %arg18[%swap3A_732, %swap3A_733], %swap3A_736 {add = true, strides = array<i32>} : memref<128x128xf32, #tpu.memory_space<vmem>>, vector<1x16xf32>,
        %swap3A_737 = arith.index_cast %add3A_731 : i32 to index
        %swap3A_738 = arith.constant 16 : index
        %swap3A_739 = tpu.vector_load %arg18[%swap3A_737, %swap3A_738] {strides = array<i32>} : memref<128x128xf32, #tpu.memory_space<vmem>>, vector<1x16xf32>,
        %swap3A_740 = vector.shape_cast %swap3A_739 : vector<1x16xf32> to vector<16xf32>
        %swap3A_741 = vector.shape_cast %get3A_487 : vector<16xf32> to vector<1x16xf32>
        tpu.vector_store %arg18[%swap3A_737, %swap3A_738], %swap3A_741 {add = true, strides = array<i32>} : memref<128x128xf32, #tpu.memory_space<vmem>>, vector<1x16xf32>,
        %swap3A_742 = arith.index_cast %add3A_731 : i32 to index
        %swap3A_743 = arith.constant 32 : index
        %swap3A_744 = tpu.vector_load %arg18[%swap3A_742, %swap3A_743] {strides = array<i32>} : memref<128x128xf32, #tpu.memory_space<vmem>>, vector<1x16xf32>,
        %swap3A_745 = vector.shape_cast %swap3A_744 : vector<1x16xf32> to vector<16xf32>
        %swap3A_746 = vector.shape_cast %get3A_491 : vector<16xf32> to vector<1x16xf32>
        tpu.vector_store %arg18[%swap3A_742, %swap3A_743], %swap3A_746 {add = true, strides = array<i32>} : memref<128x128xf32, #tpu.memory_space<vmem>>, vector<1x16xf32>,
        %swap3A_747 = arith.index_cast %add3A_731 : i32 to index
        %swap3A_748 = arith.constant 48 : index
        %swap3A_749 = tpu.vector_load %arg18[%swap3A_747, %swap3A_748] {strides = array<i32>} : memref<128x128xf32, #tpu.memory_space<vmem>>, vector<1x16xf32>,
        %swap3A_750 = vector.shape_cast %swap3A_749 : vector<1x16xf32> to vector<16xf32>
        %swap3A_751 = vector.shape_cast %get3A_495 : vector<16xf32> to vector<1x16xf32>
        tpu.vector_store %arg18[%swap3A_747, %swap3A_748], %swap3A_751 {add = true, strides = array<i32>} : memref<128x128xf32, #tpu.memory_space<vmem>>, vector<1x16xf32>,
        %swap3A_752 = arith.index_cast %add3A_731 : i32 to index
        %swap3A_753 = arith.constant 64 : index
        %swap3A_754 = tpu.vector_load %arg18[%swap3A_752, %swap3A_753] {strides = array<i32>} : memref<128x128xf32, #tpu.memory_space<vmem>>, vector<1x16xf32>,
        %swap3A_755 = vector.shape_cast %swap3A_754 : vector<1x16xf32> to vector<16xf32>
        %swap3A_756 = vector.shape_cast %get3A_499 : vector<16xf32> to vector<1x16xf32>
        tpu.vector_store %arg18[%swap3A_752, %swap3A_753], %swap3A_756 {add = true, strides = array<i32>} : memref<128x128xf32, #tpu.memory_space<vmem>>, vector<1x16xf32>,
        %swap3A_757 = arith.index_cast %add3A_731 : i32 to index
        %swap3A_758 = arith.constant 80 : index
        %swap3A_759 = tpu.vector_load %arg18[%swap3A_757, %swap3A_758] {strides = array<i32>} : memref<128x128xf32, #tpu.memory_space<vmem>>, vector<1x16xf32>,
        %swap3A_760 = vector.shape_cast %swap3A_759 : vector<1x16xf32> to vector<16xf32>
        %swap3A_761 = vector.shape_cast %get3A_503 : vector<16xf32> to vector<1x16xf32>
        tpu.vector_store %arg18[%swap3A_757, %swap3A_758], %swap3A_761 {add = true, strides = array<i32>} : memref<128x128xf32, #tpu.memory_space<vmem>>, vector<1x16xf32>,
        %swap3A_762 = arith.index_cast %add3A_731 : i32 to index
        %swap3A_763 = arith.constant 96 : index
        %swap3A_764 = tpu.vector_load %arg18[%swap3A_762, %swap3A_763] {strides = array<i32>} : memref<128x128xf32, #tpu.memory_space<vmem>>, vector<1x16xf32>,
        %swap3A_765 = vector.shape_cast %swap3A_764 : vector<1x16xf32> to vector<16xf32>
        %swap3A_766 = vector.shape_cast %get3A_507 : vector<16xf32> to vector<1x16xf32>
        tpu.vector_store %arg18[%swap3A_762, %swap3A_763], %swap3A_766 {add = true, strides = array<i32>} : memref<128x128xf32, #tpu.memory_space<vmem>>, vector<1x16xf32>,
        %swap3A_767 = arith.index_cast %add3A_731 : i32 to index
        %swap3A_768 = arith.constant 112 : index
        %swap3A_769 = tpu.vector_load %arg18[%swap3A_767, %swap3A_768] {strides = array<i32>} : memref<128x128xf32, #tpu.memory_space<vmem>>, vector<1x16xf32>,
        %swap3A_770 = vector.shape_cast %swap3A_769 : vector<1x16xf32> to vector<16xf32>
        %swap3A_771 = vector.shape_cast %get3A_511 : vector<16xf32> to vector<1x16xf32>
        tpu.vector_store %arg18[%swap3A_767, %swap3A_768], %swap3A_771 {add = true, strides = array<i32>} : memref<128x128xf32, #tpu.memory_space<vmem>>, vector<1x16xf32>,
        %mul3A_772 = arith.constant 4 : i32
        %mul3A_773 = arith.muli %scan3A_684, %mul3A_772 : i32
        %add3A_774 = arith.constant 2 : i32
        %add3A_775 = arith.addi %mul3A_773, %add3A_774 : i32
        %swap3A_776 = arith.index_cast %add3A_775 : i32 to index
        %swap3A_777 = arith.constant 0 : index
        %swap3A_778 = tpu.vector_load %arg18[%swap3A_776, %swap3A_777] {strides = array<i32>} : memref<128x128xf32, #tpu.memory_space<vmem>>, vector<1x16xf32>,
        %swap3A_779 = vector.shape_cast %swap3A_778 : vector<1x16xf32> to vector<16xf32>
        %swap3A_780 = vector.shape_cast %get3A_483 : vector<16xf32> to vector<1x16xf32>
        tpu.vector_store %arg18[%swap3A_776, %swap3A_777], %swap3A_780 {add = true, strides = array<i32>} : memref<128x128xf32, #tpu.memory_space<vmem>>, vector<1x16xf32>,
        %swap3A_781 = arith.index_cast %add3A_775 : i32 to index
        %swap3A_782 = arith.constant 16 : index
        %swap3A_783 = tpu.vector_load %arg18[%swap3A_781, %swap3A_782] {strides = array<i32>} : memref<128x128xf32, #tpu.memory_space<vmem>>, vector<1x16xf32>,
        %swap3A_784 = vector.shape_cast %swap3A_783 : vector<1x16xf32> to vector<16xf32>
        %swap3A_785 = vector.shape_cast %get3A_487 : vector<16xf32> to vector<1x16xf32>
        tpu.vector_store %arg18[%swap3A_781, %swap3A_782], %swap3A_785 {add = true, strides = array<i32>} : memref<128x128xf32, #tpu.memory_space<vmem>>, vector<1x16xf32>,
        %swap3A_786 = arith.index_cast %add3A_775 : i32 to index
        %swap3A_787 = arith.constant 32 : index
        %swap3A_788 = tpu.vector_load %arg18[%swap3A_786, %swap3A_787] {strides = array<i32>} : memref<128x128xf32, #tpu.memory_space<vmem>>, vector<1x16xf32>,
        %swap3A_789 = vector.shape_cast %swap3A_788 : vector<1x16xf32> to vector<16xf32>
        %swap3A_790 = vector.shape_cast %get3A_491 : vector<16xf32> to vector<1x16xf32>
        tpu.vector_store %arg18[%swap3A_786, %swap3A_787], %swap3A_790 {add = true, strides = array<i32>} : memref<128x128xf32, #tpu.memory_space<vmem>>, vector<1x16xf32>,
        %swap3A_791 = arith.index_cast %add3A_775 : i32 to index
        %swap3A_792 = arith.constant 48 : index
        %swap3A_793 = tpu.vector_load %arg18[%swap3A_791, %swap3A_792] {strides = array<i32>} : memref<128x128xf32, #tpu.memory_space<vmem>>, vector<1x16xf32>,
        %swap3A_794 = vector.shape_cast %swap3A_793 : vector<1x16xf32> to vector<16xf32>
        %swap3A_795 = vector.shape_cast %get3A_495 : vector<16xf32> to vector<1x16xf32>
        tpu.vector_store %arg18[%swap3A_791, %swap3A_792], %swap3A_795 {add = true, strides = array<i32>} : memref<128x128xf32, #tpu.memory_space<vmem>>, vector<1x16xf32>,
        %swap3A_796 = arith.index_cast %add3A_775 : i32 to index
        %swap3A_797 = arith.constant 64 : index
        %swap3A_798 = tpu.vector_load %arg18[%swap3A_796, %swap3A_797] {strides = array<i32>} : memref<128x128xf32, #tpu.memory_space<vmem>>, vector<1x16xf32>,
        %swap3A_799 = vector.shape_cast %swap3A_798 : vector<1x16xf32> to vector<16xf32>
        %swap3A_800 = vector.shape_cast %get3A_499 : vector<16xf32> to vector<1x16xf32>
        tpu.vector_store %arg18[%swap3A_796, %swap3A_797], %swap3A_800 {add = true, strides = array<i32>} : memref<128x128xf32, #tpu.memory_space<vmem>>, vector<1x16xf32>,
        %swap3A_801 = arith.index_cast %add3A_775 : i32 to index
        %swap3A_802 = arith.constant 80 : index
        %swap3A_803 = tpu.vector_load %arg18[%swap3A_801, %swap3A_802] {strides = array<i32>} : memref<128x128xf32, #tpu.memory_space<vmem>>, vector<1x16xf32>,
        %swap3A_804 = vector.shape_cast %swap3A_803 : vector<1x16xf32> to vector<16xf32>
        %swap3A_805 = vector.shape_cast %get3A_503 : vector<16xf32> to vector<1x16xf32>
        tpu.vector_store %arg18[%swap3A_801, %swap3A_802], %swap3A_805 {add = true, strides = array<i32>} : memref<128x128xf32, #tpu.memory_space<vmem>>, vector<1x16xf32>,
        %swap3A_806 = arith.index_cast %add3A_775 : i32 to index
        %swap3A_807 = arith.constant 96 : index
        %swap3A_808 = tpu.vector_load %arg18[%swap3A_806, %swap3A_807] {strides = array<i32>} : memref<128x128xf32, #tpu.memory_space<vmem>>, vector<1x16xf32>,
        %swap3A_809 = vector.shape_cast %swap3A_808 : vector<1x16xf32> to vector<16xf32>
        %swap3A_810 = vector.shape_cast %get3A_507 : vector<16xf32> to vector<1x16xf32>
        tpu.vector_store %arg18[%swap3A_806, %swap3A_807], %swap3A_810 {add = true, strides = array<i32>} : memref<128x128xf32, #tpu.memory_space<vmem>>, vector<1x16xf32>,
        %swap3A_811 = arith.index_cast %add3A_775 : i32 to index
        %swap3A_812 = arith.constant 112 : index
        %swap3A_813 = tpu.vector_load %arg18[%swap3A_811, %swap3A_812] {strides = array<i32>} : memref<128x128xf32, #tpu.memory_space<vmem>>, vector<1x16xf32>,
        %swap3A_814 = vector.shape_cast %swap3A_813 : vector<1x16xf32> to vector<16xf32>
        %swap3A_815 = vector.shape_cast %get3A_511 : vector<16xf32> to vector<1x16xf32>
        tpu.vector_store %arg18[%swap3A_811, %swap3A_812], %swap3A_815 {add = true, strides = array<i32>} : memref<128x128xf32, #tpu.memory_space<vmem>>, vector<1x16xf32>,
        %mul3A_816 = arith.constant 4 : i32
        %mul3A_817 = arith.muli %scan3A_684, %mul3A_816 : i32
        %add3A_818 = arith.constant 3 : i32
        %add3A_819 = arith.addi %mul3A_817, %add3A_818 : i32
        %swap3A_820 = arith.index_cast %add3A_819 : i32 to index
        %swap3A_821 = arith.constant 0 : index
        %swap3A_822 = tpu.vector_load %arg18[%swap3A_820, %swap3A_821] {strides = array<i32>} : memref<128x128xf32, #tpu.memory_space<vmem>>, vector<1x16xf32>,
        %swap3A_823 = vector.shape_cast %swap3A_822 : vector<1x16xf32> to vector<16xf32>
        %swap3A_824 = vector.shape_cast %get3A_483 : vector<16xf32> to vector<1x16xf32>
        tpu.vector_store %arg18[%swap3A_820, %swap3A_821], %swap3A_824 {add = true, strides = array<i32>} : memref<128x128xf32, #tpu.memory_space<vmem>>, vector<1x16xf32>,
        %swap3A_825 = arith.index_cast %add3A_819 : i32 to index
        %swap3A_826 = arith.constant 16 : index
        %swap3A_827 = tpu.vector_load %arg18[%swap3A_825, %swap3A_826] {strides = array<i32>} : memref<128x128xf32, #tpu.memory_space<vmem>>, vector<1x16xf32>,
        %swap3A_828 = vector.shape_cast %swap3A_827 : vector<1x16xf32> to vector<16xf32>
        %swap3A_829 = vector.shape_cast %get3A_487 : vector<16xf32> to vector<1x16xf32>
        tpu.vector_store %arg18[%swap3A_825, %swap3A_826], %swap3A_829 {add = true, strides = array<i32>} : memref<128x128xf32, #tpu.memory_space<vmem>>, vector<1x16xf32>,
        %swap3A_830 = arith.index_cast %add3A_819 : i32 to index
        %swap3A_831 = arith.constant 32 : index
        %swap3A_832 = tpu.vector_load %arg18[%swap3A_830, %swap3A_831] {strides = array<i32>} : memref<128x128xf32, #tpu.memory_space<vmem>>, vector<1x16xf32>,
        %swap3A_833 = vector.shape_cast %swap3A_832 : vector<1x16xf32> to vector<16xf32>
        %swap3A_834 = vector.shape_cast %get3A_491 : vector<16xf32> to vector<1x16xf32>
        tpu.vector_store %arg18[%swap3A_830, %swap3A_831], %swap3A_834 {add = true, strides = array<i32>} : memref<128x128xf32, #tpu.memory_space<vmem>>, vector<1x16xf32>,
        %swap3A_835 = arith.index_cast %add3A_819 : i32 to index
        %swap3A_836 = arith.constant 48 : index
        %swap3A_837 = tpu.vector_load %arg18[%swap3A_835, %swap3A_836] {strides = array<i32>} : memref<128x128xf32, #tpu.memory_space<vmem>>, vector<1x16xf32>,
        %swap3A_838 = vector.shape_cast %swap3A_837 : vector<1x16xf32> to vector<16xf32>
        %swap3A_839 = vector.shape_cast %get3A_495 : vector<16xf32> to vector<1x16xf32>
        tpu.vector_store %arg18[%swap3A_835, %swap3A_836], %swap3A_839 {add = true, strides = array<i32>} : memref<128x128xf32, #tpu.memory_space<vmem>>, vector<1x16xf32>,
        %swap3A_840 = arith.index_cast %add3A_819 : i32 to index
        %swap3A_841 = arith.constant 64 : index
        %swap3A_842 = tpu.vector_load %arg18[%swap3A_840, %swap3A_841] {strides = array<i32>} : memref<128x128xf32, #tpu.memory_space<vmem>>, vector<1x16xf32>,
        %swap3A_843 = vector.shape_cast %swap3A_842 : vector<1x16xf32> to vector<16xf32>
        %swap3A_844 = vector.shape_cast %get3A_499 : vector<16xf32> to vector<1x16xf32>
        tpu.vector_store %arg18[%swap3A_840, %swap3A_841], %swap3A_844 {add = true, strides = array<i32>} : memref<128x128xf32, #tpu.memory_space<vmem>>, vector<1x16xf32>,
        %swap3A_845 = arith.index_cast %add3A_819 : i32 to index
        %swap3A_846 = arith.constant 80 : index
        %swap3A_847 = tpu.vector_load %arg18[%swap3A_845, %swap3A_846] {strides = array<i32>} : memref<128x128xf32, #tpu.memory_space<vmem>>, vector<1x16xf32>,
        %swap3A_848 = vector.shape_cast %swap3A_847 : vector<1x16xf32> to vector<16xf32>
        %swap3A_849 = vector.shape_cast %get3A_503 : vector<16xf32> to vector<1x16xf32>
        tpu.vector_store %arg18[%swap3A_845, %swap3A_846], %swap3A_849 {add = true, strides = array<i32>} : memref<128x128xf32, #tpu.memory_space<vmem>>, vector<1x16xf32>,
        %swap3A_850 = arith.index_cast %add3A_819 : i32 to index
        %swap3A_851 = arith.constant 96 : index
        %swap3A_852 = tpu.vector_load %arg18[%swap3A_850, %swap3A_851] {strides = array<i32>} : memref<128x128xf32, #tpu.memory_space<vmem>>, vector<1x16xf32>,
        %swap3A_853 = vector.shape_cast %swap3A_852 : vector<1x16xf32> to vector<16xf32>
        %swap3A_854 = vector.shape_cast %get3A_507 : vector<16xf32> to vector<1x16xf32>
        tpu.vector_store %arg18[%swap3A_850, %swap3A_851], %swap3A_854 {add = true, strides = array<i32>} : memref<128x128xf32, #tpu.memory_space<vmem>>, vector<1x16xf32>,
        %swap3A_855 = arith.index_cast %add3A_819 : i32 to index
        %swap3A_856 = arith.constant 112 : index
        %swap3A_857 = tpu.vector_load %arg18[%swap3A_855, %swap3A_856] {strides = array<i32>} : memref<128x128xf32, #tpu.memory_space<vmem>>, vector<1x16xf32>,
        %swap3A_858 = vector.shape_cast %swap3A_857 : vector<1x16xf32> to vector<16xf32>
        %swap3A_859 = vector.shape_cast %get3A_511 : vector<16xf32> to vector<1x16xf32>
        tpu.vector_store %arg18[%swap3A_855, %swap3A_856], %swap3A_859 {add = true, strides = array<i32>} : memref<128x128xf32, #tpu.memory_space<vmem>>, vector<1x16xf32>,
      }
      %scan3A_517 = arith.constant 32 : i32
      %dma_start3A_518 = arith.constant 0 : i32
      %dma_start3A_519 = tpu.memref_slice %arg8[%add3A_473, %mul3A_2, %dma_start3A_518] : memref<125x4096x128xf32, #tpu.memory_space<hbm>> -> memref<1x128x128xf32, #tpu.memory_space<hbm>>
      %dma_start3A_520 = tpu.memref_squeeze %dma_start3A_519 : memref<1x128x128xf32, #tpu.memory_space<hbm>> -> memref<128x128xf32, #tpu.memory_space<hbm>>
      %dma_start3A_521 = arith.constant 0 : i32
      %dma_start3A_522 = tpu.memref_slice %arg8[%add3A_473, %mul3A_2, %dma_start3A_521] : memref<125x4096x128xf32, #tpu.memory_space<hbm>> -> memref<1x128x128xf32, #tpu.memory_space<hbm>>
      %dma_start3A_523 = tpu.memref_squeeze %dma_start3A_522 : memref<1x128x128xf32, #tpu.memory_space<hbm>> -> memref<128x128xf32, #tpu.memory_space<hbm>>
      tpu.enqueue_dma source(%arg18 : memref<128x128xf32, #tpu.memory_space<vmem>>) target(%dma_start3A_523 : memref<128x128xf32, #tpu.memory_space<hbm>>) target_semaphore(%arg27 : memref<!tpu.dma_semaphore, #tpu.memory_space<semaphore_mem>>)
      %sub3A_524 = arith.constant 2 : i32
      %sub3A_525 = arith.subi %add3A_473, %sub3A_524 : i32
      %dma_wait3A_526 = arith.constant 0 : i32
      %dma_wait3A_527 = tpu.memref_slice %arg8[%sub3A_525, %mul3A_2, %dma_wait3A_526] : memref<125x4096x128xf32, #tpu.memory_space<hbm>> -> memref<1x128x128xf32, #tpu.memory_space<hbm>>
      %dma_wait3A_528 = tpu.memref_squeeze %dma_wait3A_527 : memref<1x128x128xf32, #tpu.memory_space<hbm>> -> memref<128x128xf32, #tpu.memory_space<hbm>>
      %dma_wait3A_529 = arith.constant 0 : i32
      %dma_wait3A_530 = tpu.memref_slice %arg8[%sub3A_525, %mul3A_2, %dma_wait3A_529] : memref<125x4096x128xf32, #tpu.memory_space<hbm>> -> memref<1x128x128xf32, #tpu.memory_space<hbm>>
      %dma_wait3A_531 = tpu.memref_squeeze %dma_wait3A_530 : memref<1x128x128xf32, #tpu.memory_space<hbm>> -> memref<128x128xf32, #tpu.memory_space<hbm>>
      tpu.wait_dma2 semaphore(%arg25 : memref<!tpu.dma_semaphore, #tpu.memory_space<semaphore_mem>>) src(%arg16 : memref<128x128xf32, #tpu.memory_space<vmem>>) dst(%dma_wait3A_531 : memref<128x128xf32, #tpu.memory_space<hbm>>)
      %add3A_532 = arith.constant 2 : i32
      %add3A_533 = arith.addi %add3A_473, %add3A_532 : i32
      %dma_start3A_534 = arith.constant 0 : i32
      %dma_start3A_535 = tpu.memref_slice %arg12[%add3A_533, %dma_start3A_534] : memref<125x128xi32, #tpu.memory_space<vmem>> -> memref<1x128xi32, #tpu.memory_space<vmem>>
      %dma_start3A_536 = tpu.memref_squeeze %dma_start3A_535 : memref<1x128xi32, #tpu.memory_space<vmem>> -> memref<128xi32, #tpu.memory_space<vmem>>
      %dma_start3A_537 = arith.constant 0 : i32
      %dma_start3A_538 = arith.constant 0 : i32
      %dma_start3A_539 = tpu.memref_slice %arg11[%dma_start3A_537, %dma_start3A_538] : memref<1000x128xf32, #tpu.memory_space<vmem_shared>> -> memref<1000x128xf32, #tpu.memory_space<vmem_shared>>
      tpu.enqueue_indirect_dma source(%dma_start3A_539 : memref<1000x128xf32, #tpu.memory_space<vmem_shared>>) target(%arg16 : memref<128x128xf32, #tpu.memory_space<vmem>>) offsets(%dma_start3A_536 : memref<128xi32, #tpu.memory_space<vmem>>) semaphore(%arg21 : memref<!tpu.dma_semaphore, #tpu.memory_space<semaphore_mem>>)
      %mul3A_540 = arith.constant 4 : i32
      %mul3A_541 = arith.muli %scan3A_396, %mul3A_540 : i32
      %add3A_542 = arith.constant 2 : i32
      %add3A_543 = arith.addi %add3A_542, %mul3A_541 : i32
      %add3A_544 = arith.constant 2 : i32
      %add3A_545 = arith.addi %add3A_543, %add3A_544 : i32
      %dma_wait3A_546 = arith.constant 0 : i32
      %dma_wait3A_547 = tpu.memref_slice %arg12[%add3A_545, %dma_wait3A_546] : memref<125x128xi32, #tpu.memory_space<vmem>> -> memref<1x128xi32, #tpu.memory_space<vmem>>
      %dma_wait3A_548 = tpu.memref_squeeze %dma_wait3A_547 : memref<1x128xi32, #tpu.memory_space<vmem>> -> memref<128xi32, #tpu.memory_space<vmem>>
      %dma_wait3A_549 = arith.constant 0 : i32
      %dma_wait3A_550 = arith.constant 0 : i32
      %dma_wait3A_551 = tpu.memref_slice %arg11[%dma_wait3A_549, %dma_wait3A_550] : memref<1000x128xf32, #tpu.memory_space<vmem_shared>> -> memref<1000x128xf32, #tpu.memory_space<vmem_shared>>
      tpu.wait_indirect_dma semaphore(%arg20 : memref<!tpu.dma_semaphore, #tpu.memory_space<semaphore_mem>>) src(%dma_wait3A_551 : memref<1000x128xf32, #tpu.memory_space<vmem_shared>>) dst(%arg15 : memref<128x128xf32, #tpu.memory_space<vmem>>)
      %get3A_552 = arith.index_cast %add3A_545 : i32 to index
      %get3A_553 = arith.constant 0 : index
      %get3A_554 = tpu.vector_load %arg13[%get3A_552, %get3A_553] {strides = array<i32>} : memref<125x128xf32, #tpu.memory_space<vmem>>, vector<1x16xf32>,
      %get3A_555 = vector.shape_cast %get3A_554 : vector<1x16xf32> to vector<16xf32>
      %get3A_556 = arith.index_cast %add3A_545 : i32 to index
      %get3A_557 = arith.constant 16 : index
      %get3A_558 = tpu.vector_load %arg13[%get3A_556, %get3A_557] {strides = array<i32>} : memref<125x128xf32, #tpu.memory_space<vmem>>, vector<1x16xf32>,
      %get3A_559 = vector.shape_cast %get3A_558 : vector<1x16xf32> to vector<16xf32>
      %get3A_560 = arith.index_cast %add3A_545 : i32 to index
      %get3A_561 = arith.constant 32 : index
      %get3A_562 = tpu.vector_load %arg13[%get3A_560, %get3A_561] {strides = array<i32>} : memref<125x128xf32, #tpu.memory_space<vmem>>, vector<1x16xf32>,
      %get3A_563 = vector.shape_cast %get3A_562 : vector<1x16xf32> to vector<16xf32>
      %get3A_564 = arith.index_cast %add3A_545 : i32 to index
      %get3A_565 = arith.constant 48 : index
      %get3A_566 = tpu.vector_load %arg13[%get3A_564, %get3A_565] {strides = array<i32>} : memref<125x128xf32, #tpu.memory_space<vmem>>, vector<1x16xf32>,
      %get3A_567 = vector.shape_cast %get3A_566 : vector<1x16xf32> to vector<16xf32>
      %get3A_568 = arith.index_cast %add3A_545 : i32 to index
      %get3A_569 = arith.constant 64 : index
      %get3A_570 = tpu.vector_load %arg13[%get3A_568, %get3A_569] {strides = array<i32>} : memref<125x128xf32, #tpu.memory_space<vmem>>, vector<1x16xf32>,
      %get3A_571 = vector.shape_cast %get3A_570 : vector<1x16xf32> to vector<16xf32>
      %get3A_572 = arith.index_cast %add3A_545 : i32 to index
      %get3A_573 = arith.constant 80 : index
      %get3A_574 = tpu.vector_load %arg13[%get3A_572, %get3A_573] {strides = array<i32>} : memref<125x128xf32, #tpu.memory_space<vmem>>, vector<1x16xf32>,
      %get3A_575 = vector.shape_cast %get3A_574 : vector<1x16xf32> to vector<16xf32>
      %get3A_576 = arith.index_cast %add3A_545 : i32 to index
      %get3A_577 = arith.constant 96 : index
      %get3A_578 = tpu.vector_load %arg13[%get3A_576, %get3A_577] {strides = array<i32>} : memref<125x128xf32, #tpu.memory_space<vmem>>, vector<1x16xf32>,
      %get3A_579 = vector.shape_cast %get3A_578 : vector<1x16xf32> to vector<16xf32>
      %get3A_580 = arith.index_cast %add3A_545 : i32 to index
      %get3A_581 = arith.constant 112 : index
      %get3A_582 = tpu.vector_load %arg13[%get3A_580, %get3A_581] {strides = array<i32>} : memref<125x128xf32, #tpu.memory_space<vmem>>, vector<1x16xf32>,
      %get3A_583 = vector.shape_cast %get3A_582 : vector<1x16xf32> to vector<16xf32>
      %scan3A_584 = arith.constant 0 : i32
      %scan3A_585 = arith.constant 0 : i32
      %scan3A_586 = arith.constant 32 : i32
      %scan3A_587 = arith.addi %scan3A_585, %scan3A_586 : i32
      %scan3A_588 = arith.constant 1 : i32
      scf.for %scan3A_684 = %scan3A_585 to %scan3A_587 step %scan3A_588  : i32 {
        %mul3A_685 = arith.constant 4 : i32
        %mul3A_686 = arith.muli %scan3A_684, %mul3A_685 : i32
        %add3A_687 = arith.constant 0 : i32
        %add3A_688 = arith.addi %mul3A_686, %add3A_687 : i32
        %swap3A = arith.index_cast %add3A_688 : i32 to index
        %swap3A_689 = arith.constant 0 : index
        %swap3A_690 = tpu.vector_load %arg15[%swap3A, %swap3A_689] {strides = array<i32>} : memref<128x128xf32, #tpu.memory_space<vmem>>, vector<1x16xf32>,
        %swap3A_691 = vector.shape_cast %swap3A_690 : vector<1x16xf32> to vector<16xf32>
        %swap3A_692 = vector.shape_cast %get3A_555 : vector<16xf32> to vector<1x16xf32>
        tpu.vector_store %arg15[%swap3A, %swap3A_689], %swap3A_692 {add = true, strides = array<i32>} : memref<128x128xf32, #tpu.memory_space<vmem>>, vector<1x16xf32>,
        %swap3A_693 = arith.index_cast %add3A_688 : i32 to index
        %swap3A_694 = arith.constant 16 : index
        %swap3A_695 = tpu.vector_load %arg15[%swap3A_693, %swap3A_694] {strides = array<i32>} : memref<128x128xf32, #tpu.memory_space<vmem>>, vector<1x16xf32>,
        %swap3A_696 = vector.shape_cast %swap3A_695 : vector<1x16xf32> to vector<16xf32>
        %swap3A_697 = vector.shape_cast %get3A_559 : vector<16xf32> to vector<1x16xf32>
        tpu.vector_store %arg15[%swap3A_693, %swap3A_694], %swap3A_697 {add = true, strides = array<i32>} : memref<128x128xf32, #tpu.memory_space<vmem>>, vector<1x16xf32>,
        %swap3A_698 = arith.index_cast %add3A_688 : i32 to index
        %swap3A_699 = arith.constant 32 : index
        %swap3A_700 = tpu.vector_load %arg15[%swap3A_698, %swap3A_699] {strides = array<i32>} : memref<128x128xf32, #tpu.memory_space<vmem>>, vector<1x16xf32>,
        %swap3A_701 = vector.shape_cast %swap3A_700 : vector<1x16xf32> to vector<16xf32>
        %swap3A_702 = vector.shape_cast %get3A_563 : vector<16xf32> to vector<1x16xf32>
        tpu.vector_store %arg15[%swap3A_698, %swap3A_699], %swap3A_702 {add = true, strides = array<i32>} : memref<128x128xf32, #tpu.memory_space<vmem>>, vector<1x16xf32>,
        %swap3A_703 = arith.index_cast %add3A_688 : i32 to index
        %swap3A_704 = arith.constant 48 : index
        %swap3A_705 = tpu.vector_load %arg15[%swap3A_703, %swap3A_704] {strides = array<i32>} : memref<128x128xf32, #tpu.memory_space<vmem>>, vector<1x16xf32>,
        %swap3A_706 = vector.shape_cast %swap3A_705 : vector<1x16xf32> to vector<16xf32>
        %swap3A_707 = vector.shape_cast %get3A_567 : vector<16xf32> to vector<1x16xf32>
        tpu.vector_store %arg15[%swap3A_703, %swap3A_704], %swap3A_707 {add = true, strides = array<i32>} : memref<128x128xf32, #tpu.memory_space<vmem>>, vector<1x16xf32>,
        %swap3A_708 = arith.index_cast %add3A_688 : i32 to index
        %swap3A_709 = arith.constant 64 : index
        %swap3A_710 = tpu.vector_load %arg15[%swap3A_708, %swap3A_709] {strides = array<i32>} : memref<128x128xf32, #tpu.memory_space<vmem>>, vector<1x16xf32>,
        %swap3A_711 = vector.shape_cast %swap3A_710 : vector<1x16xf32> to vector<16xf32>
        %swap3A_712 = vector.shape_cast %get3A_571 : vector<16xf32> to vector<1x16xf32>
        tpu.vector_store %arg15[%swap3A_708, %swap3A_709], %swap3A_712 {add = true, strides = array<i32>} : memref<128x128xf32, #tpu.memory_space<vmem>>, vector<1x16xf32>,
        %swap3A_713 = arith.index_cast %add3A_688 : i32 to index
        %swap3A_714 = arith.constant 80 : index
        %swap3A_715 = tpu.vector_load %arg15[%swap3A_713, %swap3A_714] {strides = array<i32>} : memref<128x128xf32, #tpu.memory_space<vmem>>, vector<1x16xf32>,
        %swap3A_716 = vector.shape_cast %swap3A_715 : vector<1x16xf32> to vector<16xf32>
        %swap3A_717 = vector.shape_cast %get3A_575 : vector<16xf32> to vector<1x16xf32>
        tpu.vector_store %arg15[%swap3A_713, %swap3A_714], %swap3A_717 {add = true, strides = array<i32>} : memref<128x128xf32, #tpu.memory_space<vmem>>, vector<1x16xf32>,
        %swap3A_718 = arith.index_cast %add3A_688 : i32 to index
        %swap3A_719 = arith.constant 96 : index
        %swap3A_720 = tpu.vector_load %arg15[%swap3A_718, %swap3A_719] {strides = array<i32>} : memref<128x128xf32, #tpu.memory_space<vmem>>, vector<1x16xf32>,
        %swap3A_721 = vector.shape_cast %swap3A_720 : vector<1x16xf32> to vector<16xf32>
        %swap3A_722 = vector.shape_cast %get3A_579 : vector<16xf32> to vector<1x16xf32>
        tpu.vector_store %arg15[%swap3A_718, %swap3A_719], %swap3A_722 {add = true, strides = array<i32>} : memref<128x128xf32, #tpu.memory_space<vmem>>, vector<1x16xf32>,
        %swap3A_723 = arith.index_cast %add3A_688 : i32 to index
        %swap3A_724 = arith.constant 112 : index
        %swap3A_725 = tpu.vector_load %arg15[%swap3A_723, %swap3A_724] {strides = array<i32>} : memref<128x128xf32, #tpu.memory_space<vmem>>, vector<1x16xf32>,
        %swap3A_726 = vector.shape_cast %swap3A_725 : vector<1x16xf32> to vector<16xf32>
        %swap3A_727 = vector.shape_cast %get3A_583 : vector<16xf32> to vector<1x16xf32>
        tpu.vector_store %arg15[%swap3A_723, %swap3A_724], %swap3A_727 {add = true, strides = array<i32>} : memref<128x128xf32, #tpu.memory_space<vmem>>, vector<1x16xf32>,
        %mul3A_728 = arith.constant 4 : i32
        %mul3A_729 = arith.muli %scan3A_684, %mul3A_728 : i32
        %add3A_730 = arith.constant 1 : i32
        %add3A_731 = arith.addi %mul3A_729, %add3A_730 : i32
        %swap3A_732 = arith.index_cast %add3A_731 : i32 to index
        %swap3A_733 = arith.constant 0 : index
        %swap3A_734 = tpu.vector_load %arg15[%swap3A_732, %swap3A_733] {strides = array<i32>} : memref<128x128xf32, #tpu.memory_space<vmem>>, vector<1x16xf32>,
        %swap3A_735 = vector.shape_cast %swap3A_734 : vector<1x16xf32> to vector<16xf32>
        %swap3A_736 = vector.shape_cast %get3A_555 : vector<16xf32> to vector<1x16xf32>
        tpu.vector_store %arg15[%swap3A_732, %swap3A_733], %swap3A_736 {add = true, strides = array<i32>} : memref<128x128xf32, #tpu.memory_space<vmem>>, vector<1x16xf32>,
        %swap3A_737 = arith.index_cast %add3A_731 : i32 to index
        %swap3A_738 = arith.constant 16 : index
        %swap3A_739 = tpu.vector_load %arg15[%swap3A_737, %swap3A_738] {strides = array<i32>} : memref<128x128xf32, #tpu.memory_space<vmem>>, vector<1x16xf32>,
        %swap3A_740 = vector.shape_cast %swap3A_739 : vector<1x16xf32> to vector<16xf32>
        %swap3A_741 = vector.shape_cast %get3A_559 : vector<16xf32> to vector<1x16xf32>
        tpu.vector_store %arg15[%swap3A_737, %swap3A_738], %swap3A_741 {add = true, strides = array<i32>} : memref<128x128xf32, #tpu.memory_space<vmem>>, vector<1x16xf32>,
        %swap3A_742 = arith.index_cast %add3A_731 : i32 to index
        %swap3A_743 = arith.constant 32 : index
        %swap3A_744 = tpu.vector_load %arg15[%swap3A_742, %swap3A_743] {strides = array<i32>} : memref<128x128xf32, #tpu.memory_space<vmem>>, vector<1x16xf32>,
        %swap3A_745 = vector.shape_cast %swap3A_744 : vector<1x16xf32> to vector<16xf32>
        %swap3A_746 = vector.shape_cast %get3A_563 : vector<16xf32> to vector<1x16xf32>
        tpu.vector_store %arg15[%swap3A_742, %swap3A_743], %swap3A_746 {add = true, strides = array<i32>} : memref<128x128xf32, #tpu.memory_space<vmem>>, vector<1x16xf32>,
        %swap3A_747 = arith.index_cast %add3A_731 : i32 to index
        %swap3A_748 = arith.constant 48 : index
        %swap3A_749 = tpu.vector_load %arg15[%swap3A_747, %swap3A_748] {strides = array<i32>} : memref<128x128xf32, #tpu.memory_space<vmem>>, vector<1x16xf32>,
        %swap3A_750 = vector.shape_cast %swap3A_749 : vector<1x16xf32> to vector<16xf32>
        %swap3A_751 = vector.shape_cast %get3A_567 : vector<16xf32> to vector<1x16xf32>
        tpu.vector_store %arg15[%swap3A_747, %swap3A_748], %swap3A_751 {add = true, strides = array<i32>} : memref<128x128xf32, #tpu.memory_space<vmem>>, vector<1x16xf32>,
        %swap3A_752 = arith.index_cast %add3A_731 : i32 to index
        %swap3A_753 = arith.constant 64 : index
        %swap3A_754 = tpu.vector_load %arg15[%swap3A_752, %swap3A_753] {strides = array<i32>} : memref<128x128xf32, #tpu.memory_space<vmem>>, vector<1x16xf32>,
        %swap3A_755 = vector.shape_cast %swap3A_754 : vector<1x16xf32> to vector<16xf32>
        %swap3A_756 = vector.shape_cast %get3A_571 : vector<16xf32> to vector<1x16xf32>
        tpu.vector_store %arg15[%swap3A_752, %swap3A_753], %swap3A_756 {add = true, strides = array<i32>} : memref<128x128xf32, #tpu.memory_space<vmem>>, vector<1x16xf32>,
        %swap3A_757 = arith.index_cast %add3A_731 : i32 to index
        %swap3A_758 = arith.constant 80 : index
        %swap3A_759 = tpu.vector_load %arg15[%swap3A_757, %swap3A_758] {strides = array<i32>} : memref<128x128xf32, #tpu.memory_space<vmem>>, vector<1x16xf32>,
        %swap3A_760 = vector.shape_cast %swap3A_759 : vector<1x16xf32> to vector<16xf32>
        %swap3A_761 = vector.shape_cast %get3A_575 : vector<16xf32> to vector<1x16xf32>
        tpu.vector_store %arg15[%swap3A_757, %swap3A_758], %swap3A_761 {add = true, strides = array<i32>} : memref<128x128xf32, #tpu.memory_space<vmem>>, vector<1x16xf32>,
        %swap3A_762 = arith.index_cast %add3A_731 : i32 to index
        %swap3A_763 = arith.constant 96 : index
        %swap3A_764 = tpu.vector_load %arg15[%swap3A_762, %swap3A_763] {strides = array<i32>} : memref<128x128xf32, #tpu.memory_space<vmem>>, vector<1x16xf32>,
        %swap3A_765 = vector.shape_cast %swap3A_764 : vector<1x16xf32> to vector<16xf32>
        %swap3A_766 = vector.shape_cast %get3A_579 : vector<16xf32> to vector<1x16xf32>
        tpu.vector_store %arg15[%swap3A_762, %swap3A_763], %swap3A_766 {add = true, strides = array<i32>} : memref<128x128xf32, #tpu.memory_space<vmem>>, vector<1x16xf32>,
        %swap3A_767 = arith.index_cast %add3A_731 : i32 to index
        %swap3A_768 = arith.constant 112 : index
        %swap3A_769 = tpu.vector_load %arg15[%swap3A_767, %swap3A_768] {strides = array<i32>} : memref<128x128xf32, #tpu.memory_space<vmem>>, vector<1x16xf32>,
        %swap3A_770 = vector.shape_cast %swap3A_769 : vector<1x16xf32> to vector<16xf32>
        %swap3A_771 = vector.shape_cast %get3A_583 : vector<16xf32> to vector<1x16xf32>
        tpu.vector_store %arg15[%swap3A_767, %swap3A_768], %swap3A_771 {add = true, strides = array<i32>} : memref<128x128xf32, #tpu.memory_space<vmem>>, vector<1x16xf32>,
        %mul3A_772 = arith.constant 4 : i32
        %mul3A_773 = arith.muli %scan3A_684, %mul3A_772 : i32
        %add3A_774 = arith.constant 2 : i32
        %add3A_775 = arith.addi %mul3A_773, %add3A_774 : i32
        %swap3A_776 = arith.index_cast %add3A_775 : i32 to index
        %swap3A_777 = arith.constant 0 : index
        %swap3A_778 = tpu.vector_load %arg15[%swap3A_776, %swap3A_777] {strides = array<i32>} : memref<128x128xf32, #tpu.memory_space<vmem>>, vector<1x16xf32>,
        %swap3A_779 = vector.shape_cast %swap3A_778 : vector<1x16xf32> to vector<16xf32>
        %swap3A_780 = vector.shape_cast %get3A_555 : vector<16xf32> to vector<1x16xf32>
        tpu.vector_store %arg15[%swap3A_776, %swap3A_777], %swap3A_780 {add = true, strides = array<i32>} : memref<128x128xf32, #tpu.memory_space<vmem>>, vector<1x16xf32>,
        %swap3A_781 = arith.index_cast %add3A_775 : i32 to index
        %swap3A_782 = arith.constant 16 : index
        %swap3A_783 = tpu.vector_load %arg15[%swap3A_781, %swap3A_782] {strides = array<i32>} : memref<128x128xf32, #tpu.memory_space<vmem>>, vector<1x16xf32>,
        %swap3A_784 = vector.shape_cast %swap3A_783 : vector<1x16xf32> to vector<16xf32>
        %swap3A_785 = vector.shape_cast %get3A_559 : vector<16xf32> to vector<1x16xf32>
        tpu.vector_store %arg15[%swap3A_781, %swap3A_782], %swap3A_785 {add = true, strides = array<i32>} : memref<128x128xf32, #tpu.memory_space<vmem>>, vector<1x16xf32>,
        %swap3A_786 = arith.index_cast %add3A_775 : i32 to index
        %swap3A_787 = arith.constant 32 : index
        %swap3A_788 = tpu.vector_load %arg15[%swap3A_786, %swap3A_787] {strides = array<i32>} : memref<128x128xf32, #tpu.memory_space<vmem>>, vector<1x16xf32>,
        %swap3A_789 = vector.shape_cast %swap3A_788 : vector<1x16xf32> to vector<16xf32>
        %swap3A_790 = vector.shape_cast %get3A_563 : vector<16xf32> to vector<1x16xf32>
        tpu.vector_store %arg15[%swap3A_786, %swap3A_787], %swap3A_790 {add = true, strides = array<i32>} : memref<128x128xf32, #tpu.memory_space<vmem>>, vector<1x16xf32>,
        %swap3A_791 = arith.index_cast %add3A_775 : i32 to index
        %swap3A_792 = arith.constant 48 : index
        %swap3A_793 = tpu.vector_load %arg15[%swap3A_791, %swap3A_792] {strides = array<i32>} : memref<128x128xf32, #tpu.memory_space<vmem>>, vector<1x16xf32>,
        %swap3A_794 = vector.shape_cast %swap3A_793 : vector<1x16xf32> to vector<16xf32>
        %swap3A_795 = vector.shape_cast %get3A_567 : vector<16xf32> to vector<1x16xf32>
        tpu.vector_store %arg15[%swap3A_791, %swap3A_792], %swap3A_795 {add = true, strides = array<i32>} : memref<128x128xf32, #tpu.memory_space<vmem>>, vector<1x16xf32>,
        %swap3A_796 = arith.index_cast %add3A_775 : i32 to index
        %swap3A_797 = arith.constant 64 : index
        %swap3A_798 = tpu.vector_load %arg15[%swap3A_796, %swap3A_797] {strides = array<i32>} : memref<128x128xf32, #tpu.memory_space<vmem>>, vector<1x16xf32>,
        %swap3A_799 = vector.shape_cast %swap3A_798 : vector<1x16xf32> to vector<16xf32>
        %swap3A_800 = vector.shape_cast %get3A_571 : vector<16xf32> to vector<1x16xf32>
        tpu.vector_store %arg15[%swap3A_796, %swap3A_797], %swap3A_800 {add = true, strides = array<i32>} : memref<128x128xf32, #tpu.memory_space<vmem>>, vector<1x16xf32>,
        %swap3A_801 = arith.index_cast %add3A_775 : i32 to index
        %swap3A_802 = arith.constant 80 : index
        %swap3A_803 = tpu.vector_load %arg15[%swap3A_801, %swap3A_802] {strides = array<i32>} : memref<128x128xf32, #tpu.memory_space<vmem>>, vector<1x16xf32>,
        %swap3A_804 = vector.shape_cast %swap3A_803 : vector<1x16xf32> to vector<16xf32>
        %swap3A_805 = vector.shape_cast %get3A_575 : vector<16xf32> to vector<1x16xf32>
        tpu.vector_store %arg15[%swap3A_801, %swap3A_802], %swap3A_805 {add = true, strides = array<i32>} : memref<128x128xf32, #tpu.memory_space<vmem>>, vector<1x16xf32>,
        %swap3A_806 = arith.index_cast %add3A_775 : i32 to index
        %swap3A_807 = arith.constant 96 : index
        %swap3A_808 = tpu.vector_load %arg15[%swap3A_806, %swap3A_807] {strides = array<i32>} : memref<128x128xf32, #tpu.memory_space<vmem>>, vector<1x16xf32>,
        %swap3A_809 = vector.shape_cast %swap3A_808 : vector<1x16xf32> to vector<16xf32>
        %swap3A_810 = vector.shape_cast %get3A_579 : vector<16xf32> to vector<1x16xf32>
        tpu.vector_store %arg15[%swap3A_806, %swap3A_807], %swap3A_810 {add = true, strides = array<i32>} : memref<128x128xf32, #tpu.memory_space<vmem>>, vector<1x16xf32>,
        %swap3A_811 = arith.index_cast %add3A_775 : i32 to index
        %swap3A_812 = arith.constant 112 : index
        %swap3A_813 = tpu.vector_load %arg15[%swap3A_811, %swap3A_812] {strides = array<i32>} : memref<128x128xf32, #tpu.memory_space<vmem>>, vector<1x16xf32>,
        %swap3A_814 = vector.shape_cast %swap3A_813 : vector<1x16xf32> to vector<16xf32>
        %swap3A_815 = vector.shape_cast %get3A_583 : vector<16xf32> to vector<1x16xf32>
        tpu.vector_store %arg15[%swap3A_811, %swap3A_812], %swap3A_815 {add = true, strides = array<i32>} : memref<128x128xf32, #tpu.memory_space<vmem>>, vector<1x16xf32>,
        %mul3A_816 = arith.constant 4 : i32
        %mul3A_817 = arith.muli %scan3A_684, %mul3A_816 : i32
        %add3A_818 = arith.constant 3 : i32
        %add3A_819 = arith.addi %mul3A_817, %add3A_818 : i32
        %swap3A_820 = arith.index_cast %add3A_819 : i32 to index
        %swap3A_821 = arith.constant 0 : index
        %swap3A_822 = tpu.vector_load %arg15[%swap3A_820, %swap3A_821] {strides = array<i32>} : memref<128x128xf32, #tpu.memory_space<vmem>>, vector<1x16xf32>,
        %swap3A_823 = vector.shape_cast %swap3A_822 : vector<1x16xf32> to vector<16xf32>
        %swap3A_824 = vector.shape_cast %get3A_555 : vector<16xf32> to vector<1x16xf32>
        tpu.vector_store %arg15[%swap3A_820, %swap3A_821], %swap3A_824 {add = true, strides = array<i32>} : memref<128x128xf32, #tpu.memory_space<vmem>>, vector<1x16xf32>,
        %swap3A_825 = arith.index_cast %add3A_819 : i32 to index
        %swap3A_826 = arith.constant 16 : index
        %swap3A_827 = tpu.vector_load %arg15[%swap3A_825, %swap3A_826] {strides = array<i32>} : memref<128x128xf32, #tpu.memory_space<vmem>>, vector<1x16xf32>,
        %swap3A_828 = vector.shape_cast %swap3A_827 : vector<1x16xf32> to vector<16xf32>
        %swap3A_829 = vector.shape_cast %get3A_559 : vector<16xf32> to vector<1x16xf32>
        tpu.vector_store %arg15[%swap3A_825, %swap3A_826], %swap3A_829 {add = true, strides = array<i32>} : memref<128x128xf32, #tpu.memory_space<vmem>>, vector<1x16xf32>,
        %swap3A_830 = arith.index_cast %add3A_819 : i32 to index
        %swap3A_831 = arith.constant 32 : index
        %swap3A_832 = tpu.vector_load %arg15[%swap3A_830, %swap3A_831] {strides = array<i32>} : memref<128x128xf32, #tpu.memory_space<vmem>>, vector<1x16xf32>,
        %swap3A_833 = vector.shape_cast %swap3A_832 : vector<1x16xf32> to vector<16xf32>
        %swap3A_834 = vector.shape_cast %get3A_563 : vector<16xf32> to vector<1x16xf32>
        tpu.vector_store %arg15[%swap3A_830, %swap3A_831], %swap3A_834 {add = true, strides = array<i32>} : memref<128x128xf32, #tpu.memory_space<vmem>>, vector<1x16xf32>,
        %swap3A_835 = arith.index_cast %add3A_819 : i32 to index
        %swap3A_836 = arith.constant 48 : index
        %swap3A_837 = tpu.vector_load %arg15[%swap3A_835, %swap3A_836] {strides = array<i32>} : memref<128x128xf32, #tpu.memory_space<vmem>>, vector<1x16xf32>,
        %swap3A_838 = vector.shape_cast %swap3A_837 : vector<1x16xf32> to vector<16xf32>
        %swap3A_839 = vector.shape_cast %get3A_567 : vector<16xf32> to vector<1x16xf32>
        tpu.vector_store %arg15[%swap3A_835, %swap3A_836], %swap3A_839 {add = true, strides = array<i32>} : memref<128x128xf32, #tpu.memory_space<vmem>>, vector<1x16xf32>,
        %swap3A_840 = arith.index_cast %add3A_819 : i32 to index
        %swap3A_841 = arith.constant 64 : index
        %swap3A_842 = tpu.vector_load %arg15[%swap3A_840, %swap3A_841] {strides = array<i32>} : memref<128x128xf32, #tpu.memory_space<vmem>>, vector<1x16xf32>,
        %swap3A_843 = vector.shape_cast %swap3A_842 : vector<1x16xf32> to vector<16xf32>
        %swap3A_844 = vector.shape_cast %get3A_571 : vector<16xf32> to vector<1x16xf32>
        tpu.vector_store %arg15[%swap3A_840, %swap3A_841], %swap3A_844 {add = true, strides = array<i32>} : memref<128x128xf32, #tpu.memory_space<vmem>>, vector<1x16xf32>,
        %swap3A_845 = arith.index_cast %add3A_819 : i32 to index
        %swap3A_846 = arith.constant 80 : index
        %swap3A_847 = tpu.vector_load %arg15[%swap3A_845, %swap3A_846] {strides = array<i32>} : memref<128x128xf32, #tpu.memory_space<vmem>>, vector<1x16xf32>,
        %swap3A_848 = vector.shape_cast %swap3A_847 : vector<1x16xf32> to vector<16xf32>
        %swap3A_849 = vector.shape_cast %get3A_575 : vector<16xf32> to vector<1x16xf32>
        tpu.vector_store %arg15[%swap3A_845, %swap3A_846], %swap3A_849 {add = true, strides = array<i32>} : memref<128x128xf32, #tpu.memory_space<vmem>>, vector<1x16xf32>,
        %swap3A_850 = arith.index_cast %add3A_819 : i32 to index
        %swap3A_851 = arith.constant 96 : index
        %swap3A_852 = tpu.vector_load %arg15[%swap3A_850, %swap3A_851] {strides = array<i32>} : memref<128x128xf32, #tpu.memory_space<vmem>>, vector<1x16xf32>,
        %swap3A_853 = vector.shape_cast %swap3A_852 : vector<1x16xf32> to vector<16xf32>
        %swap3A_854 = vector.shape_cast %get3A_579 : vector<16xf32> to vector<1x16xf32>
        tpu.vector_store %arg15[%swap3A_850, %swap3A_851], %swap3A_854 {add = true, strides = array<i32>} : memref<128x128xf32, #tpu.memory_space<vmem>>, vector<1x16xf32>,
        %swap3A_855 = arith.index_cast %add3A_819 : i32 to index
        %swap3A_856 = arith.constant 112 : index
        %swap3A_857 = tpu.vector_load %arg15[%swap3A_855, %swap3A_856] {strides = array<i32>} : memref<128x128xf32, #tpu.memory_space<vmem>>, vector<1x16xf32>,
        %swap3A_858 = vector.shape_cast %swap3A_857 : vector<1x16xf32> to vector<16xf32>
        %swap3A_859 = vector.shape_cast %get3A_583 : vector<16xf32> to vector<1x16xf32>
        tpu.vector_store %arg15[%swap3A_855, %swap3A_856], %swap3A_859 {add = true, strides = array<i32>} : memref<128x128xf32, #tpu.memory_space<vmem>>, vector<1x16xf32>,
      }
      %scan3A_589 = arith.constant 32 : i32
      %dma_start3A_590 = arith.constant 0 : i32
      %dma_start3A_591 = tpu.memref_slice %arg8[%add3A_545, %mul3A_2, %dma_start3A_590] : memref<125x4096x128xf32, #tpu.memory_space<hbm>> -> memref<1x128x128xf32, #tpu.memory_space<hbm>>
      %dma_start3A_592 = tpu.memref_squeeze %dma_start3A_591 : memref<1x128x128xf32, #tpu.memory_space<hbm>> -> memref<128x128xf32, #tpu.memory_space<hbm>>
      %dma_start3A_593 = arith.constant 0 : i32
      %dma_start3A_594 = tpu.memref_slice %arg8[%add3A_545, %mul3A_2, %dma_start3A_593] : memref<125x4096x128xf32, #tpu.memory_space<hbm>> -> memref<1x128x128xf32, #tpu.memory_space<hbm>>
      %dma_start3A_595 = tpu.memref_squeeze %dma_start3A_594 : memref<1x128x128xf32, #tpu.memory_space<hbm>> -> memref<128x128xf32, #tpu.memory_space<hbm>>
      tpu.enqueue_dma source(%arg15 : memref<128x128xf32, #tpu.memory_space<vmem>>) target(%dma_start3A_595 : memref<128x128xf32, #tpu.memory_space<hbm>>) target_semaphore(%arg24 : memref<!tpu.dma_semaphore, #tpu.memory_space<semaphore_mem>>)
      %sub3A_596 = arith.constant 2 : i32
      %sub3A_597 = arith.subi %add3A_545, %sub3A_596 : i32
      %dma_wait3A_598 = arith.constant 0 : i32
      %dma_wait3A_599 = tpu.memref_slice %arg8[%sub3A_597, %mul3A_2, %dma_wait3A_598] : memref<125x4096x128xf32, #tpu.memory_space<hbm>> -> memref<1x128x128xf32, #tpu.memory_space<hbm>>
      %dma_wait3A_600 = tpu.memref_squeeze %dma_wait3A_599 : memref<1x128x128xf32, #tpu.memory_space<hbm>> -> memref<128x128xf32, #tpu.memory_space<hbm>>
      %dma_wait3A_601 = arith.constant 0 : i32
      %dma_wait3A_602 = tpu.memref_slice %arg8[%sub3A_597, %mul3A_2, %dma_wait3A_601] : memref<125x4096x128xf32, #tpu.memory_space<hbm>> -> memref<1x128x128xf32, #tpu.memory_space<hbm>>
      %dma_wait3A_603 = tpu.memref_squeeze %dma_wait3A_602 : memref<1x128x128xf32, #tpu.memory_space<hbm>> -> memref<128x128xf32, #tpu.memory_space<hbm>>
      tpu.wait_dma2 semaphore(%arg26 : memref<!tpu.dma_semaphore, #tpu.memory_space<semaphore_mem>>) src(%arg17 : memref<128x128xf32, #tpu.memory_space<vmem>>) dst(%dma_wait3A_603 : memref<128x128xf32, #tpu.memory_space<hbm>>)
      %add3A_604 = arith.constant 2 : i32
      %add3A_605 = arith.addi %add3A_545, %add3A_604 : i32
      %dma_start3A_606 = arith.constant 0 : i32
      %dma_start3A_607 = tpu.memref_slice %arg12[%add3A_605, %dma_start3A_606] : memref<125x128xi32, #tpu.memory_space<vmem>> -> memref<1x128xi32, #tpu.memory_space<vmem>>
      %dma_start3A_608 = tpu.memref_squeeze %dma_start3A_607 : memref<1x128xi32, #tpu.memory_space<vmem>> -> memref<128xi32, #tpu.memory_space<vmem>>
      %dma_start3A_609 = arith.constant 0 : i32
      %dma_start3A_610 = arith.constant 0 : i32
      %dma_start3A_611 = tpu.memref_slice %arg11[%dma_start3A_609, %dma_start3A_610] : memref<1000x128xf32, #tpu.memory_space<vmem_shared>> -> memref<1000x128xf32, #tpu.memory_space<vmem_shared>>
      tpu.enqueue_indirect_dma source(%dma_start3A_611 : memref<1000x128xf32, #tpu.memory_space<vmem_shared>>) target(%arg17 : memref<128x128xf32, #tpu.memory_space<vmem>>) offsets(%dma_start3A_608 : memref<128xi32, #tpu.memory_space<vmem>>) semaphore(%arg22 : memref<!tpu.dma_semaphore, #tpu.memory_space<semaphore_mem>>)
      %mul3A_612 = arith.constant 4 : i32
      %mul3A_613 = arith.muli %scan3A_396, %mul3A_612 : i32
      %add3A_614 = arith.constant 2 : i32
      %add3A_615 = arith.addi %add3A_614, %mul3A_613 : i32
      %add3A_616 = arith.constant 3 : i32
      %add3A_617 = arith.addi %add3A_615, %add3A_616 : i32
      %dma_wait3A_618 = arith.constant 0 : i32
      %dma_wait3A_619 = tpu.memref_slice %arg12[%add3A_617, %dma_wait3A_618] : memref<125x128xi32, #tpu.memory_space<vmem>> -> memref<1x128xi32, #tpu.memory_space<vmem>>
      %dma_wait3A_620 = tpu.memref_squeeze %dma_wait3A_619 : memref<1x128xi32, #tpu.memory_space<vmem>> -> memref<128xi32, #tpu.memory_space<vmem>>
      %dma_wait3A_621 = arith.constant 0 : i32
      %dma_wait3A_622 = arith.constant 0 : i32
      %dma_wait3A_623 = tpu.memref_slice %arg11[%dma_wait3A_621, %dma_wait3A_622] : memref<1000x128xf32, #tpu.memory_space<vmem_shared>> -> memref<1000x128xf32, #tpu.memory_space<vmem_shared>>
      tpu.wait_indirect_dma semaphore(%arg21 : memref<!tpu.dma_semaphore, #tpu.memory_space<semaphore_mem>>) src(%dma_wait3A_623 : memref<1000x128xf32, #tpu.memory_space<vmem_shared>>) dst(%arg16 : memref<128x128xf32, #tpu.memory_space<vmem>>)
      %get3A_624 = arith.index_cast %add3A_617 : i32 to index
      %get3A_625 = arith.constant 0 : index
      %get3A_626 = tpu.vector_load %arg13[%get3A_624, %get3A_625] {strides = array<i32>} : memref<125x128xf32, #tpu.memory_space<vmem>>, vector<1x16xf32>,
      %get3A_627 = vector.shape_cast %get3A_626 : vector<1x16xf32> to vector<16xf32>
      %get3A_628 = arith.index_cast %add3A_617 : i32 to index
      %get3A_629 = arith.constant 16 : index
      %get3A_630 = tpu.vector_load %arg13[%get3A_628, %get3A_629] {strides = array<i32>} : memref<125x128xf32, #tpu.memory_space<vmem>>, vector<1x16xf32>,
      %get3A_631 = vector.shape_cast %get3A_630 : vector<1x16xf32> to vector<16xf32>
      %get3A_632 = arith.index_cast %add3A_617 : i32 to index
      %get3A_633 = arith.constant 32 : index
      %get3A_634 = tpu.vector_load %arg13[%get3A_632, %get3A_633] {strides = array<i32>} : memref<125x128xf32, #tpu.memory_space<vmem>>, vector<1x16xf32>,
      %get3A_635 = vector.shape_cast %get3A_634 : vector<1x16xf32> to vector<16xf32>
      %get3A_636 = arith.index_cast %add3A_617 : i32 to index
      %get3A_637 = arith.constant 48 : index
      %get3A_638 = tpu.vector_load %arg13[%get3A_636, %get3A_637] {strides = array<i32>} : memref<125x128xf32, #tpu.memory_space<vmem>>, vector<1x16xf32>,
      %get3A_639 = vector.shape_cast %get3A_638 : vector<1x16xf32> to vector<16xf32>
      %get3A_640 = arith.index_cast %add3A_617 : i32 to index
      %get3A_641 = arith.constant 64 : index
      %get3A_642 = tpu.vector_load %arg13[%get3A_640, %get3A_641] {strides = array<i32>} : memref<125x128xf32, #tpu.memory_space<vmem>>, vector<1x16xf32>,
      %get3A_643 = vector.shape_cast %get3A_642 : vector<1x16xf32> to vector<16xf32>
      %get3A_644 = arith.index_cast %add3A_617 : i32 to index
      %get3A_645 = arith.constant 80 : index
      %get3A_646 = tpu.vector_load %arg13[%get3A_644, %get3A_645] {strides = array<i32>} : memref<125x128xf32, #tpu.memory_space<vmem>>, vector<1x16xf32>,
      %get3A_647 = vector.shape_cast %get3A_646 : vector<1x16xf32> to vector<16xf32>
      %get3A_648 = arith.index_cast %add3A_617 : i32 to index
      %get3A_649 = arith.constant 96 : index
      %get3A_650 = tpu.vector_load %arg13[%get3A_648, %get3A_649] {strides = array<i32>} : memref<125x128xf32, #tpu.memory_space<vmem>>, vector<1x16xf32>,
      %get3A_651 = vector.shape_cast %get3A_650 : vector<1x16xf32> to vector<16xf32>
      %get3A_652 = arith.index_cast %add3A_617 : i32 to index
      %get3A_653 = arith.constant 112 : index
      %get3A_654 = tpu.vector_load %arg13[%get3A_652, %get3A_653] {strides = array<i32>} : memref<125x128xf32, #tpu.memory_space<vmem>>, vector<1x16xf32>,
      %get3A_655 = vector.shape_cast %get3A_654 : vector<1x16xf32> to vector<16xf32>
      %scan3A_656 = arith.constant 0 : i32
      %scan3A_657 = arith.constant 0 : i32
      %scan3A_658 = arith.constant 32 : i32
      %scan3A_659 = arith.addi %scan3A_657, %scan3A_658 : i32
      %scan3A_660 = arith.constant 1 : i32
      scf.for %scan3A_684 = %scan3A_657 to %scan3A_659 step %scan3A_660  : i32 {
        %mul3A_685 = arith.constant 4 : i32
        %mul3A_686 = arith.muli %scan3A_684, %mul3A_685 : i32
        %add3A_687 = arith.constant 0 : i32
        %add3A_688 = arith.addi %mul3A_686, %add3A_687 : i32
        %swap3A = arith.index_cast %add3A_688 : i32 to index
        %swap3A_689 = arith.constant 0 : index
        %swap3A_690 = tpu.vector_load %arg16[%swap3A, %swap3A_689] {strides = array<i32>} : memref<128x128xf32, #tpu.memory_space<vmem>>, vector<1x16xf32>,
        %swap3A_691 = vector.shape_cast %swap3A_690 : vector<1x16xf32> to vector<16xf32>
        %swap3A_692 = vector.shape_cast %get3A_627 : vector<16xf32> to vector<1x16xf32>
        tpu.vector_store %arg16[%swap3A, %swap3A_689], %swap3A_692 {add = true, strides = array<i32>} : memref<128x128xf32, #tpu.memory_space<vmem>>, vector<1x16xf32>,
        %swap3A_693 = arith.index_cast %add3A_688 : i32 to index
        %swap3A_694 = arith.constant 16 : index
        %swap3A_695 = tpu.vector_load %arg16[%swap3A_693, %swap3A_694] {strides = array<i32>} : memref<128x128xf32, #tpu.memory_space<vmem>>, vector<1x16xf32>,
        %swap3A_696 = vector.shape_cast %swap3A_695 : vector<1x16xf32> to vector<16xf32>
        %swap3A_697 = vector.shape_cast %get3A_631 : vector<16xf32> to vector<1x16xf32>
        tpu.vector_store %arg16[%swap3A_693, %swap3A_694], %swap3A_697 {add = true, strides = array<i32>} : memref<128x128xf32, #tpu.memory_space<vmem>>, vector<1x16xf32>,
        %swap3A_698 = arith.index_cast %add3A_688 : i32 to index
        %swap3A_699 = arith.constant 32 : index
        %swap3A_700 = tpu.vector_load %arg16[%swap3A_698, %swap3A_699] {strides = array<i32>} : memref<128x128xf32, #tpu.memory_space<vmem>>, vector<1x16xf32>,
        %swap3A_701 = vector.shape_cast %swap3A_700 : vector<1x16xf32> to vector<16xf32>
        %swap3A_702 = vector.shape_cast %get3A_635 : vector<16xf32> to vector<1x16xf32>
        tpu.vector_store %arg16[%swap3A_698, %swap3A_699], %swap3A_702 {add = true, strides = array<i32>} : memref<128x128xf32, #tpu.memory_space<vmem>>, vector<1x16xf32>,
        %swap3A_703 = arith.index_cast %add3A_688 : i32 to index
        %swap3A_704 = arith.constant 48 : index
        %swap3A_705 = tpu.vector_load %arg16[%swap3A_703, %swap3A_704] {strides = array<i32>} : memref<128x128xf32, #tpu.memory_space<vmem>>, vector<1x16xf32>,
        %swap3A_706 = vector.shape_cast %swap3A_705 : vector<1x16xf32> to vector<16xf32>
        %swap3A_707 = vector.shape_cast %get3A_639 : vector<16xf32> to vector<1x16xf32>
        tpu.vector_store %arg16[%swap3A_703, %swap3A_704], %swap3A_707 {add = true, strides = array<i32>} : memref<128x128xf32, #tpu.memory_space<vmem>>, vector<1x16xf32>,
        %swap3A_708 = arith.index_cast %add3A_688 : i32 to index
        %swap3A_709 = arith.constant 64 : index
        %swap3A_710 = tpu.vector_load %arg16[%swap3A_708, %swap3A_709] {strides = array<i32>} : memref<128x128xf32, #tpu.memory_space<vmem>>, vector<1x16xf32>,
        %swap3A_711 = vector.shape_cast %swap3A_710 : vector<1x16xf32> to vector<16xf32>
        %swap3A_712 = vector.shape_cast %get3A_643 : vector<16xf32> to vector<1x16xf32>
        tpu.vector_store %arg16[%swap3A_708, %swap3A_709], %swap3A_712 {add = true, strides = array<i32>} : memref<128x128xf32, #tpu.memory_space<vmem>>, vector<1x16xf32>,
        %swap3A_713 = arith.index_cast %add3A_688 : i32 to index
        %swap3A_714 = arith.constant 80 : index
        %swap3A_715 = tpu.vector_load %arg16[%swap3A_713, %swap3A_714] {strides = array<i32>} : memref<128x128xf32, #tpu.memory_space<vmem>>, vector<1x16xf32>,
        %swap3A_716 = vector.shape_cast %swap3A_715 : vector<1x16xf32> to vector<16xf32>
        %swap3A_717 = vector.shape_cast %get3A_647 : vector<16xf32> to vector<1x16xf32>
        tpu.vector_store %arg16[%swap3A_713, %swap3A_714], %swap3A_717 {add = true, strides = array<i32>} : memref<128x128xf32, #tpu.memory_space<vmem>>, vector<1x16xf32>,
        %swap3A_718 = arith.index_cast %add3A_688 : i32 to index
        %swap3A_719 = arith.constant 96 : index
        %swap3A_720 = tpu.vector_load %arg16[%swap3A_718, %swap3A_719] {strides = array<i32>} : memref<128x128xf32, #tpu.memory_space<vmem>>, vector<1x16xf32>,
        %swap3A_721 = vector.shape_cast %swap3A_720 : vector<1x16xf32> to vector<16xf32>
        %swap3A_722 = vector.shape_cast %get3A_651 : vector<16xf32> to vector<1x16xf32>
        tpu.vector_store %arg16[%swap3A_718, %swap3A_719], %swap3A_722 {add = true, strides = array<i32>} : memref<128x128xf32, #tpu.memory_space<vmem>>, vector<1x16xf32>,
        %swap3A_723 = arith.index_cast %add3A_688 : i32 to index
        %swap3A_724 = arith.constant 112 : index
        %swap3A_725 = tpu.vector_load %arg16[%swap3A_723, %swap3A_724] {strides = array<i32>} : memref<128x128xf32, #tpu.memory_space<vmem>>, vector<1x16xf32>,
        %swap3A_726 = vector.shape_cast %swap3A_725 : vector<1x16xf32> to vector<16xf32>
        %swap3A_727 = vector.shape_cast %get3A_655 : vector<16xf32> to vector<1x16xf32>
        tpu.vector_store %arg16[%swap3A_723, %swap3A_724], %swap3A_727 {add = true, strides = array<i32>} : memref<128x128xf32, #tpu.memory_space<vmem>>, vector<1x16xf32>,
        %mul3A_728 = arith.constant 4 : i32
        %mul3A_729 = arith.muli %scan3A_684, %mul3A_728 : i32
        %add3A_730 = arith.constant 1 : i32
        %add3A_731 = arith.addi %mul3A_729, %add3A_730 : i32
        %swap3A_732 = arith.index_cast %add3A_731 : i32 to index
        %swap3A_733 = arith.constant 0 : index
        %swap3A_734 = tpu.vector_load %arg16[%swap3A_732, %swap3A_733] {strides = array<i32>} : memref<128x128xf32, #tpu.memory_space<vmem>>, vector<1x16xf32>,
        %swap3A_735 = vector.shape_cast %swap3A_734 : vector<1x16xf32> to vector<16xf32>
        %swap3A_736 = vector.shape_cast %get3A_627 : vector<16xf32> to vector<1x16xf32>
        tpu.vector_store %arg16[%swap3A_732, %swap3A_733], %swap3A_736 {add = true, strides = array<i32>} : memref<128x128xf32, #tpu.memory_space<vmem>>, vector<1x16xf32>,
        %swap3A_737 = arith.index_cast %add3A_731 : i32 to index
        %swap3A_738 = arith.constant 16 : index
        %swap3A_739 = tpu.vector_load %arg16[%swap3A_737, %swap3A_738] {strides = array<i32>} : memref<128x128xf32, #tpu.memory_space<vmem>>, vector<1x16xf32>,
        %swap3A_740 = vector.shape_cast %swap3A_739 : vector<1x16xf32> to vector<16xf32>
        %swap3A_741 = vector.shape_cast %get3A_631 : vector<16xf32> to vector<1x16xf32>
        tpu.vector_store %arg16[%swap3A_737, %swap3A_738], %swap3A_741 {add = true, strides = array<i32>} : memref<128x128xf32, #tpu.memory_space<vmem>>, vector<1x16xf32>,
        %swap3A_742 = arith.index_cast %add3A_731 : i32 to index
        %swap3A_743 = arith.constant 32 : index
        %swap3A_744 = tpu.vector_load %arg16[%swap3A_742, %swap3A_743] {strides = array<i32>} : memref<128x128xf32, #tpu.memory_space<vmem>>, vector<1x16xf32>,
        %swap3A_745 = vector.shape_cast %swap3A_744 : vector<1x16xf32> to vector<16xf32>
        %swap3A_746 = vector.shape_cast %get3A_635 : vector<16xf32> to vector<1x16xf32>
        tpu.vector_store %arg16[%swap3A_742, %swap3A_743], %swap3A_746 {add = true, strides = array<i32>} : memref<128x128xf32, #tpu.memory_space<vmem>>, vector<1x16xf32>,
        %swap3A_747 = arith.index_cast %add3A_731 : i32 to index
        %swap3A_748 = arith.constant 48 : index
        %swap3A_749 = tpu.vector_load %arg16[%swap3A_747, %swap3A_748] {strides = array<i32>} : memref<128x128xf32, #tpu.memory_space<vmem>>, vector<1x16xf32>,
        %swap3A_750 = vector.shape_cast %swap3A_749 : vector<1x16xf32> to vector<16xf32>
        %swap3A_751 = vector.shape_cast %get3A_639 : vector<16xf32> to vector<1x16xf32>
        tpu.vector_store %arg16[%swap3A_747, %swap3A_748], %swap3A_751 {add = true, strides = array<i32>} : memref<128x128xf32, #tpu.memory_space<vmem>>, vector<1x16xf32>,
        %swap3A_752 = arith.index_cast %add3A_731 : i32 to index
        %swap3A_753 = arith.constant 64 : index
        %swap3A_754 = tpu.vector_load %arg16[%swap3A_752, %swap3A_753] {strides = array<i32>} : memref<128x128xf32, #tpu.memory_space<vmem>>, vector<1x16xf32>,
        %swap3A_755 = vector.shape_cast %swap3A_754 : vector<1x16xf32> to vector<16xf32>
        %swap3A_756 = vector.shape_cast %get3A_643 : vector<16xf32> to vector<1x16xf32>
        tpu.vector_store %arg16[%swap3A_752, %swap3A_753], %swap3A_756 {add = true, strides = array<i32>} : memref<128x128xf32, #tpu.memory_space<vmem>>, vector<1x16xf32>,
        %swap3A_757 = arith.index_cast %add3A_731 : i32 to index
        %swap3A_758 = arith.constant 80 : index
        %swap3A_759 = tpu.vector_load %arg16[%swap3A_757, %swap3A_758] {strides = array<i32>} : memref<128x128xf32, #tpu.memory_space<vmem>>, vector<1x16xf32>,
        %swap3A_760 = vector.shape_cast %swap3A_759 : vector<1x16xf32> to vector<16xf32>
        %swap3A_761 = vector.shape_cast %get3A_647 : vector<16xf32> to vector<1x16xf32>
        tpu.vector_store %arg16[%swap3A_757, %swap3A_758], %swap3A_761 {add = true, strides = array<i32>} : memref<128x128xf32, #tpu.memory_space<vmem>>, vector<1x16xf32>,
        %swap3A_762 = arith.index_cast %add3A_731 : i32 to index
        %swap3A_763 = arith.constant 96 : index
        %swap3A_764 = tpu.vector_load %arg16[%swap3A_762, %swap3A_763] {strides = array<i32>} : memref<128x128xf32, #tpu.memory_space<vmem>>, vector<1x16xf32>,
        %swap3A_765 = vector.shape_cast %swap3A_764 : vector<1x16xf32> to vector<16xf32>
        %swap3A_766 = vector.shape_cast %get3A_651 : vector<16xf32> to vector<1x16xf32>
        tpu.vector_store %arg16[%swap3A_762, %swap3A_763], %swap3A_766 {add = true, strides = array<i32>} : memref<128x128xf32, #tpu.memory_space<vmem>>, vector<1x16xf32>,
        %swap3A_767 = arith.index_cast %add3A_731 : i32 to index
        %swap3A_768 = arith.constant 112 : index
        %swap3A_769 = tpu.vector_load %arg16[%swap3A_767, %swap3A_768] {strides = array<i32>} : memref<128x128xf32, #tpu.memory_space<vmem>>, vector<1x16xf32>,
        %swap3A_770 = vector.shape_cast %swap3A_769 : vector<1x16xf32> to vector<16xf32>
        %swap3A_771 = vector.shape_cast %get3A_655 : vector<16xf32> to vector<1x16xf32>
        tpu.vector_store %arg16[%swap3A_767, %swap3A_768], %swap3A_771 {add = true, strides = array<i32>} : memref<128x128xf32, #tpu.memory_space<vmem>>, vector<1x16xf32>,
        %mul3A_772 = arith.constant 4 : i32
        %mul3A_773 = arith.muli %scan3A_684, %mul3A_772 : i32
        %add3A_774 = arith.constant 2 : i32
        %add3A_775 = arith.addi %mul3A_773, %add3A_774 : i32
        %swap3A_776 = arith.index_cast %add3A_775 : i32 to index
        %swap3A_777 = arith.constant 0 : index
        %swap3A_778 = tpu.vector_load %arg16[%swap3A_776, %swap3A_777] {strides = array<i32>} : memref<128x128xf32, #tpu.memory_space<vmem>>, vector<1x16xf32>,
        %swap3A_779 = vector.shape_cast %swap3A_778 : vector<1x16xf32> to vector<16xf32>
        %swap3A_780 = vector.shape_cast %get3A_627 : vector<16xf32> to vector<1x16xf32>
        tpu.vector_store %arg16[%swap3A_776, %swap3A_777], %swap3A_780 {add = true, strides = array<i32>} : memref<128x128xf32, #tpu.memory_space<vmem>>, vector<1x16xf32>,
        %swap3A_781 = arith.index_cast %add3A_775 : i32 to index
        %swap3A_782 = arith.constant 16 : index
        %swap3A_783 = tpu.vector_load %arg16[%swap3A_781, %swap3A_782] {strides = array<i32>} : memref<128x128xf32, #tpu.memory_space<vmem>>, vector<1x16xf32>,
        %swap3A_784 = vector.shape_cast %swap3A_783 : vector<1x16xf32> to vector<16xf32>
        %swap3A_785 = vector.shape_cast %get3A_631 : vector<16xf32> to vector<1x16xf32>
        tpu.vector_store %arg16[%swap3A_781, %swap3A_782], %swap3A_785 {add = true, strides = array<i32>} : memref<128x128xf32, #tpu.memory_space<vmem>>, vector<1x16xf32>,
        %swap3A_786 = arith.index_cast %add3A_775 : i32 to index
        %swap3A_787 = arith.constant 32 : index
        %swap3A_788 = tpu.vector_load %arg16[%swap3A_786, %swap3A_787] {strides = array<i32>} : memref<128x128xf32, #tpu.memory_space<vmem>>, vector<1x16xf32>,
        %swap3A_789 = vector.shape_cast %swap3A_788 : vector<1x16xf32> to vector<16xf32>
        %swap3A_790 = vector.shape_cast %get3A_635 : vector<16xf32> to vector<1x16xf32>
        tpu.vector_store %arg16[%swap3A_786, %swap3A_787], %swap3A_790 {add = true, strides = array<i32>} : memref<128x128xf32, #tpu.memory_space<vmem>>, vector<1x16xf32>,
        %swap3A_791 = arith.index_cast %add3A_775 : i32 to index
        %swap3A_792 = arith.constant 48 : index
        %swap3A_793 = tpu.vector_load %arg16[%swap3A_791, %swap3A_792] {strides = array<i32>} : memref<128x128xf32, #tpu.memory_space<vmem>>, vector<1x16xf32>,
        %swap3A_794 = vector.shape_cast %swap3A_793 : vector<1x16xf32> to vector<16xf32>
        %swap3A_795 = vector.shape_cast %get3A_639 : vector<16xf32> to vector<1x16xf32>
        tpu.vector_store %arg16[%swap3A_791, %swap3A_792], %swap3A_795 {add = true, strides = array<i32>} : memref<128x128xf32, #tpu.memory_space<vmem>>, vector<1x16xf32>,
        %swap3A_796 = arith.index_cast %add3A_775 : i32 to index
        %swap3A_797 = arith.constant 64 : index
        %swap3A_798 = tpu.vector_load %arg16[%swap3A_796, %swap3A_797] {strides = array<i32>} : memref<128x128xf32, #tpu.memory_space<vmem>>, vector<1x16xf32>,
        %swap3A_799 = vector.shape_cast %swap3A_798 : vector<1x16xf32> to vector<16xf32>
        %swap3A_800 = vector.shape_cast %get3A_643 : vector<16xf32> to vector<1x16xf32>
        tpu.vector_store %arg16[%swap3A_796, %swap3A_797], %swap3A_800 {add = true, strides = array<i32>} : memref<128x128xf32, #tpu.memory_space<vmem>>, vector<1x16xf32>,
        %swap3A_801 = arith.index_cast %add3A_775 : i32 to index
        %swap3A_802 = arith.constant 80 : index
        %swap3A_803 = tpu.vector_load %arg16[%swap3A_801, %swap3A_802] {strides = array<i32>} : memref<128x128xf32, #tpu.memory_space<vmem>>, vector<1x16xf32>,
        %swap3A_804 = vector.shape_cast %swap3A_803 : vector<1x16xf32> to vector<16xf32>
        %swap3A_805 = vector.shape_cast %get3A_647 : vector<16xf32> to vector<1x16xf32>
        tpu.vector_store %arg16[%swap3A_801, %swap3A_802], %swap3A_805 {add = true, strides = array<i32>} : memref<128x128xf32, #tpu.memory_space<vmem>>, vector<1x16xf32>,
        %swap3A_806 = arith.index_cast %add3A_775 : i32 to index
        %swap3A_807 = arith.constant 96 : index
        %swap3A_808 = tpu.vector_load %arg16[%swap3A_806, %swap3A_807] {strides = array<i32>} : memref<128x128xf32, #tpu.memory_space<vmem>>, vector<1x16xf32>,
        %swap3A_809 = vector.shape_cast %swap3A_808 : vector<1x16xf32> to vector<16xf32>
        %swap3A_810 = vector.shape_cast %get3A_651 : vector<16xf32> to vector<1x16xf32>
        tpu.vector_store %arg16[%swap3A_806, %swap3A_807], %swap3A_810 {add = true, strides = array<i32>} : memref<128x128xf32, #tpu.memory_space<vmem>>, vector<1x16xf32>,
        %swap3A_811 = arith.index_cast %add3A_775 : i32 to index
        %swap3A_812 = arith.constant 112 : index
        %swap3A_813 = tpu.vector_load %arg16[%swap3A_811, %swap3A_812] {strides = array<i32>} : memref<128x128xf32, #tpu.memory_space<vmem>>, vector<1x16xf32>,
        %swap3A_814 = vector.shape_cast %swap3A_813 : vector<1x16xf32> to vector<16xf32>
        %swap3A_815 = vector.shape_cast %get3A_655 : vector<16xf32> to vector<1x16xf32>
        tpu.vector_store %arg16[%swap3A_811, %swap3A_812], %swap3A_815 {add = true, strides = array<i32>} : memref<128x128xf32, #tpu.memory_space<vmem>>, vector<1x16xf32>,
        %mul3A_816 = arith.constant 4 : i32
        %mul3A_817 = arith.muli %scan3A_684, %mul3A_816 : i32
        %add3A_818 = arith.constant 3 : i32
        %add3A_819 = arith.addi %mul3A_817, %add3A_818 : i32
        %swap3A_820 = arith.index_cast %add3A_819 : i32 to index
        %swap3A_821 = arith.constant 0 : index
        %swap3A_822 = tpu.vector_load %arg16[%swap3A_820, %swap3A_821] {strides = array<i32>} : memref<128x128xf32, #tpu.memory_space<vmem>>, vector<1x16xf32>,
        %swap3A_823 = vector.shape_cast %swap3A_822 : vector<1x16xf32> to vector<16xf32>
        %swap3A_824 = vector.shape_cast %get3A_627 : vector<16xf32> to vector<1x16xf32>
        tpu.vector_store %arg16[%swap3A_820, %swap3A_821], %swap3A_824 {add = true, strides = array<i32>} : memref<128x128xf32, #tpu.memory_space<vmem>>, vector<1x16xf32>,
        %swap3A_825 = arith.index_cast %add3A_819 : i32 to index
        %swap3A_826 = arith.constant 16 : index
        %swap3A_827 = tpu.vector_load %arg16[%swap3A_825, %swap3A_826] {strides = array<i32>} : memref<128x128xf32, #tpu.memory_space<vmem>>, vector<1x16xf32>,
        %swap3A_828 = vector.shape_cast %swap3A_827 : vector<1x16xf32> to vector<16xf32>
        %swap3A_829 = vector.shape_cast %get3A_631 : vector<16xf32> to vector<1x16xf32>
        tpu.vector_store %arg16[%swap3A_825, %swap3A_826], %swap3A_829 {add = true, strides = array<i32>} : memref<128x128xf32, #tpu.memory_space<vmem>>, vector<1x16xf32>,
        %swap3A_830 = arith.index_cast %add3A_819 : i32 to index
        %swap3A_831 = arith.constant 32 : index
        %swap3A_832 = tpu.vector_load %arg16[%swap3A_830, %swap3A_831] {strides = array<i32>} : memref<128x128xf32, #tpu.memory_space<vmem>>, vector<1x16xf32>,
        %swap3A_833 = vector.shape_cast %swap3A_832 : vector<1x16xf32> to vector<16xf32>
        %swap3A_834 = vector.shape_cast %get3A_635 : vector<16xf32> to vector<1x16xf32>
        tpu.vector_store %arg16[%swap3A_830, %swap3A_831], %swap3A_834 {add = true, strides = array<i32>} : memref<128x128xf32, #tpu.memory_space<vmem>>, vector<1x16xf32>,
        %swap3A_835 = arith.index_cast %add3A_819 : i32 to index
        %swap3A_836 = arith.constant 48 : index
        %swap3A_837 = tpu.vector_load %arg16[%swap3A_835, %swap3A_836] {strides = array<i32>} : memref<128x128xf32, #tpu.memory_space<vmem>>, vector<1x16xf32>,
        %swap3A_838 = vector.shape_cast %swap3A_837 : vector<1x16xf32> to vector<16xf32>
        %swap3A_839 = vector.shape_cast %get3A_639 : vector<16xf32> to vector<1x16xf32>
        tpu.vector_store %arg16[%swap3A_835, %swap3A_836], %swap3A_839 {add = true, strides = array<i32>} : memref<128x128xf32, #tpu.memory_space<vmem>>, vector<1x16xf32>,
        %swap3A_840 = arith.index_cast %add3A_819 : i32 to index
        %swap3A_841 = arith.constant 64 : index
        %swap3A_842 = tpu.vector_load %arg16[%swap3A_840, %swap3A_841] {strides = array<i32>} : memref<128x128xf32, #tpu.memory_space<vmem>>, vector<1x16xf32>,
        %swap3A_843 = vector.shape_cast %swap3A_842 : vector<1x16xf32> to vector<16xf32>
        %swap3A_844 = vector.shape_cast %get3A_643 : vector<16xf32> to vector<1x16xf32>
        tpu.vector_store %arg16[%swap3A_840, %swap3A_841], %swap3A_844 {add = true, strides = array<i32>} : memref<128x128xf32, #tpu.memory_space<vmem>>, vector<1x16xf32>,
        %swap3A_845 = arith.index_cast %add3A_819 : i32 to index
        %swap3A_846 = arith.constant 80 : index
        %swap3A_847 = tpu.vector_load %arg16[%swap3A_845, %swap3A_846] {strides = array<i32>} : memref<128x128xf32, #tpu.memory_space<vmem>>, vector<1x16xf32>,
        %swap3A_848 = vector.shape_cast %swap3A_847 : vector<1x16xf32> to vector<16xf32>
        %swap3A_849 = vector.shape_cast %get3A_647 : vector<16xf32> to vector<1x16xf32>
        tpu.vector_store %arg16[%swap3A_845, %swap3A_846], %swap3A_849 {add = true, strides = array<i32>} : memref<128x128xf32, #tpu.memory_space<vmem>>, vector<1x16xf32>,
        %swap3A_850 = arith.index_cast %add3A_819 : i32 to index
        %swap3A_851 = arith.constant 96 : index
        %swap3A_852 = tpu.vector_load %arg16[%swap3A_850, %swap3A_851] {strides = array<i32>} : memref<128x128xf32, #tpu.memory_space<vmem>>, vector<1x16xf32>,
        %swap3A_853 = vector.shape_cast %swap3A_852 : vector<1x16xf32> to vector<16xf32>
        %swap3A_854 = vector.shape_cast %get3A_651 : vector<16xf32> to vector<1x16xf32>
        tpu.vector_store %arg16[%swap3A_850, %swap3A_851], %swap3A_854 {add = true, strides = array<i32>} : memref<128x128xf32, #tpu.memory_space<vmem>>, vector<1x16xf32>,
        %swap3A_855 = arith.index_cast %add3A_819 : i32 to index
        %swap3A_856 = arith.constant 112 : index
        %swap3A_857 = tpu.vector_load %arg16[%swap3A_855, %swap3A_856] {strides = array<i32>} : memref<128x128xf32, #tpu.memory_space<vmem>>, vector<1x16xf32>,
        %swap3A_858 = vector.shape_cast %swap3A_857 : vector<1x16xf32> to vector<16xf32>
        %swap3A_859 = vector.shape_cast %get3A_655 : vector<16xf32> to vector<1x16xf32>
        tpu.vector_store %arg16[%swap3A_855, %swap3A_856], %swap3A_859 {add = true, strides = array<i32>} : memref<128x128xf32, #tpu.memory_space<vmem>>, vector<1x16xf32>,
      }
      %scan3A_661 = arith.constant 32 : i32
      %dma_start3A_662 = arith.constant 0 : i32
      %dma_start3A_663 = tpu.memref_slice %arg8[%add3A_617, %mul3A_2, %dma_start3A_662] : memref<125x4096x128xf32, #tpu.memory_space<hbm>> -> memref<1x128x128xf32, #tpu.memory_space<hbm>>
      %dma_start3A_664 = tpu.memref_squeeze %dma_start3A_663 : memref<1x128x128xf32, #tpu.memory_space<hbm>> -> memref<128x128xf32, #tpu.memory_space<hbm>>
      %dma_start3A_665 = arith.constant 0 : i32
      %dma_start3A_666 = tpu.memref_slice %arg8[%add3A_617, %mul3A_2, %dma_start3A_665] : memref<125x4096x128xf32, #tpu.memory_space<hbm>> -> memref<1x128x128xf32, #tpu.memory_space<hbm>>
      %dma_start3A_667 = tpu.memref_squeeze %dma_start3A_666 : memref<1x128x128xf32, #tpu.memory_space<hbm>> -> memref<128x128xf32, #tpu.memory_space<hbm>>
      tpu.enqueue_dma source(%arg16 : memref<128x128xf32, #tpu.memory_space<vmem>>) target(%dma_start3A_667 : memref<128x128xf32, #tpu.memory_space<hbm>>) target_semaphore(%arg25 : memref<!tpu.dma_semaphore, #tpu.memory_space<semaphore_mem>>)
      %sub3A_668 = arith.constant 2 : i32
      %sub3A_669 = arith.subi %add3A_617, %sub3A_668 : i32
      %dma_wait3A_670 = arith.constant 0 : i32
      %dma_wait3A_671 = tpu.memref_slice %arg8[%sub3A_669, %mul3A_2, %dma_wait3A_670] : memref<125x4096x128xf32, #tpu.memory_space<hbm>> -> memref<1x128x128xf32, #tpu.memory_space<hbm>>
      %dma_wait3A_672 = tpu.memref_squeeze %dma_wait3A_671 : memref<1x128x128xf32, #tpu.memory_space<hbm>> -> memref<128x128xf32, #tpu.memory_space<hbm>>
      %dma_wait3A_673 = arith.constant 0 : i32
      %dma_wait3A_674 = tpu.memref_slice %arg8[%sub3A_669, %mul3A_2, %dma_wait3A_673] : memref<125x4096x128xf32, #tpu.memory_space<hbm>> -> memref<1x128x128xf32, #tpu.memory_space<hbm>>
      %dma_wait3A_675 = tpu.memref_squeeze %dma_wait3A_674 : memref<1x128x128xf32, #tpu.memory_space<hbm>> -> memref<128x128xf32, #tpu.memory_space<hbm>>
      tpu.wait_dma2 semaphore(%arg27 : memref<!tpu.dma_semaphore, #tpu.memory_space<semaphore_mem>>) src(%arg18 : memref<128x128xf32, #tpu.memory_space<vmem>>) dst(%dma_wait3A_675 : memref<128x128xf32, #tpu.memory_space<hbm>>)
      %add3A_676 = arith.constant 2 : i32
      %add3A_677 = arith.addi %add3A_617, %add3A_676 : i32
      %dma_start3A_678 = arith.constant 0 : i32
      %dma_start3A_679 = tpu.memref_slice %arg12[%add3A_677, %dma_start3A_678] : memref<125x128xi32, #tpu.memory_space<vmem>> -> memref<1x128xi32, #tpu.memory_space<vmem>>
      %dma_start3A_680 = tpu.memref_squeeze %dma_start3A_679 : memref<1x128xi32, #tpu.memory_space<vmem>> -> memref<128xi32, #tpu.memory_space<vmem>>
      %dma_start3A_681 = arith.constant 0 : i32
      %dma_start3A_682 = arith.constant 0 : i32
      %dma_start3A_683 = tpu.memref_slice %arg11[%dma_start3A_681, %dma_start3A_682] : memref<1000x128xf32, #tpu.memory_space<vmem_shared>> -> memref<1000x128xf32, #tpu.memory_space<vmem_shared>>
      tpu.enqueue_indirect_dma source(%dma_start3A_683 : memref<1000x128xf32, #tpu.memory_space<vmem_shared>>) target(%arg18 : memref<128x128xf32, #tpu.memory_space<vmem>>) offsets(%dma_start3A_680 : memref<128xi32, #tpu.memory_space<vmem>>) semaphore(%arg23 : memref<!tpu.dma_semaphore, #tpu.memory_space<semaphore_mem>>)
    }
    %scan3A_173 = arith.constant 30 : i32
    %dma_wait3A_174 = arith.constant 120 : i32
    %dma_wait3A_175 = arith.constant 0 : i32
    %dma_wait3A_176 = tpu.memref_slice %arg8[%dma_wait3A_174, %mul3A_2, %dma_wait3A_175] : memref<125x4096x128xf32, #tpu.memory_space<hbm>> -> memref<1x128x128xf32, #tpu.memory_space<hbm>>
    %dma_wait3A_177 = tpu.memref_squeeze %dma_wait3A_176 : memref<1x128x128xf32, #tpu.memory_space<hbm>> -> memref<128x128xf32, #tpu.memory_space<hbm>>
    %dma_wait3A_178 = arith.constant 0 : i32
    %dma_wait3A_179 = tpu.memref_slice %arg8[%dma_wait3A_174, %mul3A_2, %dma_wait3A_178] : memref<125x4096x128xf32, #tpu.memory_space<hbm>> -> memref<1x128x128xf32, #tpu.memory_space<hbm>>
    %dma_wait3A_180 = tpu.memref_squeeze %dma_wait3A_179 : memref<1x128x128xf32, #tpu.memory_space<hbm>> -> memref<128x128xf32, #tpu.memory_space<hbm>>
    tpu.wait_dma2 semaphore(%arg24 : memref<!tpu.dma_semaphore, #tpu.memory_space<semaphore_mem>>) src(%arg15 : memref<128x128xf32, #tpu.memory_space<vmem>>) dst(%dma_wait3A_180 : memref<128x128xf32, #tpu.memory_space<hbm>>)
    %dma_start3A_181 = arith.constant 124 : i32
    %dma_start3A_182 = arith.constant 0 : i32
    %dma_start3A_183 = tpu.memref_slice %arg12[%dma_start3A_181, %dma_start3A_182] : memref<125x128xi32, #tpu.memory_space<vmem>> -> memref<1x128xi32, #tpu.memory_space<vmem>>
    %dma_start3A_184 = tpu.memref_squeeze %dma_start3A_183 : memref<1x128xi32, #tpu.memory_space<vmem>> -> memref<128xi32, #tpu.memory_space<vmem>>
    %dma_start3A_185 = arith.constant 0 : i32
    %dma_start3A_186 = arith.constant 0 : i32
    %dma_start3A_187 = tpu.memref_slice %arg11[%dma_start3A_185, %dma_start3A_186] : memref<1000x128xf32, #tpu.memory_space<vmem_shared>> -> memref<1000x128xf32, #tpu.memory_space<vmem_shared>>
    tpu.enqueue_indirect_dma source(%dma_start3A_187 : memref<1000x128xf32, #tpu.memory_space<vmem_shared>>) target(%arg15 : memref<128x128xf32, #tpu.memory_space<vmem>>) offsets(%dma_start3A_184 : memref<128xi32, #tpu.memory_space<vmem>>) semaphore(%arg20 : memref<!tpu.dma_semaphore, #tpu.memory_space<semaphore_mem>>)
    %dma_wait3A_188 = arith.constant 122 : i32
    %dma_wait3A_189 = arith.constant 0 : i32
    %dma_wait3A_190 = tpu.memref_slice %arg12[%dma_wait3A_188, %dma_wait3A_189] : memref<125x128xi32, #tpu.memory_space<vmem>> -> memref<1x128xi32, #tpu.memory_space<vmem>>
    %dma_wait3A_191 = tpu.memref_squeeze %dma_wait3A_190 : memref<1x128xi32, #tpu.memory_space<vmem>> -> memref<128xi32, #tpu.memory_space<vmem>>
    %dma_wait3A_192 = arith.constant 0 : i32
    %dma_wait3A_193 = arith.constant 0 : i32
    %dma_wait3A_194 = tpu.memref_slice %arg11[%dma_wait3A_192, %dma_wait3A_193] : memref<1000x128xf32, #tpu.memory_space<vmem_shared>> -> memref<1000x128xf32, #tpu.memory_space<vmem_shared>>
    tpu.wait_indirect_dma semaphore(%arg22 : memref<!tpu.dma_semaphore, #tpu.memory_space<semaphore_mem>>) src(%dma_wait3A_194 : memref<1000x128xf32, #tpu.memory_space<vmem_shared>>) dst(%arg17 : memref<128x128xf32, #tpu.memory_space<vmem>>)
    %get3A_195 = arith.constant 122 : i32
    %get3A_196 = arith.index_cast %get3A_195 : i32 to index
    %get3A_197 = arith.constant 0 : index
    %get3A_198 = tpu.vector_load %arg13[%get3A_196, %get3A_197] {strides = array<i32>} : memref<125x128xf32, #tpu.memory_space<vmem>>, vector<1x16xf32>,
    %get3A_199 = vector.shape_cast %get3A_198 : vector<1x16xf32> to vector<16xf32>
    %get3A_200 = arith.constant 122 : i32
    %get3A_201 = arith.index_cast %get3A_200 : i32 to index
    %get3A_202 = arith.constant 16 : index
    %get3A_203 = tpu.vector_load %arg13[%get3A_201, %get3A_202] {strides = array<i32>} : memref<125x128xf32, #tpu.memory_space<vmem>>, vector<1x16xf32>,
    %get3A_204 = vector.shape_cast %get3A_203 : vector<1x16xf32> to vector<16xf32>
    %get3A_205 = arith.constant 122 : i32
    %get3A_206 = arith.index_cast %get3A_205 : i32 to index
    %get3A_207 = arith.constant 32 : index
    %get3A_208 = tpu.vector_load %arg13[%get3A_206, %get3A_207] {strides = array<i32>} : memref<125x128xf32, #tpu.memory_space<vmem>>, vector<1x16xf32>,
    %get3A_209 = vector.shape_cast %get3A_208 : vector<1x16xf32> to vector<16xf32>
    %get3A_210 = arith.constant 122 : i32
    %get3A_211 = arith.index_cast %get3A_210 : i32 to index
    %get3A_212 = arith.constant 48 : index
    %get3A_213 = tpu.vector_load %arg13[%get3A_211, %get3A_212] {strides = array<i32>} : memref<125x128xf32, #tpu.memory_space<vmem>>, vector<1x16xf32>,
    %get3A_214 = vector.shape_cast %get3A_213 : vector<1x16xf32> to vector<16xf32>
    %get3A_215 = arith.constant 122 : i32
    %get3A_216 = arith.index_cast %get3A_215 : i32 to index
    %get3A_217 = arith.constant 64 : index
    %get3A_218 = tpu.vector_load %arg13[%get3A_216, %get3A_217] {strides = array<i32>} : memref<125x128xf32, #tpu.memory_space<vmem>>, vector<1x16xf32>,
    %get3A_219 = vector.shape_cast %get3A_218 : vector<1x16xf32> to vector<16xf32>
    %get3A_220 = arith.constant 122 : i32
    %get3A_221 = arith.index_cast %get3A_220 : i32 to index
    %get3A_222 = arith.constant 80 : index
    %get3A_223 = tpu.vector_load %arg13[%get3A_221, %get3A_222] {strides = array<i32>} : memref<125x128xf32, #tpu.memory_space<vmem>>, vector<1x16xf32>,
    %get3A_224 = vector.shape_cast %get3A_223 : vector<1x16xf32> to vector<16xf32>
    %get3A_225 = arith.constant 122 : i32
    %get3A_226 = arith.index_cast %get3A_225 : i32 to index
    %get3A_227 = arith.constant 96 : index
    %get3A_228 = tpu.vector_load %arg13[%get3A_226, %get3A_227] {strides = array<i32>} : memref<125x128xf32, #tpu.memory_space<vmem>>, vector<1x16xf32>,
    %get3A_229 = vector.shape_cast %get3A_228 : vector<1x16xf32> to vector<16xf32>
    %get3A_230 = arith.constant 122 : i32
    %get3A_231 = arith.index_cast %get3A_230 : i32 to index
    %get3A_232 = arith.constant 112 : index
    %get3A_233 = tpu.vector_load %arg13[%get3A_231, %get3A_232] {strides = array<i32>} : memref<125x128xf32, #tpu.memory_space<vmem>>, vector<1x16xf32>,
    %get3A_234 = vector.shape_cast %get3A_233 : vector<1x16xf32> to vector<16xf32>
    %scan3A_235 = arith.constant 0 : i32
    %scan3A_236 = arith.constant 0 : i32
    %scan3A_237 = arith.constant 32 : i32
    %scan3A_238 = arith.addi %scan3A_236, %scan3A_237 : i32
    %scan3A_239 = arith.constant 1 : i32
    scf.for %scan3A_396 = %scan3A_236 to %scan3A_238 step %scan3A_239  : i32 {
      %mul3A_397 = arith.constant 4 : i32
      %mul3A_398 = arith.muli %scan3A_396, %mul3A_397 : i32
      %add3A_399 = arith.constant 0 : i32
      %add3A_400 = arith.addi %mul3A_398, %add3A_399 : i32
      %swap3A = arith.index_cast %add3A_400 : i32 to index
      %swap3A_401 = arith.constant 0 : index
      %swap3A_402 = tpu.vector_load %arg17[%swap3A, %swap3A_401] {strides = array<i32>} : memref<128x128xf32, #tpu.memory_space<vmem>>, vector<1x16xf32>,
      %swap3A_403 = vector.shape_cast %swap3A_402 : vector<1x16xf32> to vector<16xf32>
      %swap3A_404 = vector.shape_cast %get3A_199 : vector<16xf32> to vector<1x16xf32>
      tpu.vector_store %arg17[%swap3A, %swap3A_401], %swap3A_404 {add = true, strides = array<i32>} : memref<128x128xf32, #tpu.memory_space<vmem>>, vector<1x16xf32>,
      %swap3A_405 = arith.index_cast %add3A_400 : i32 to index
      %swap3A_406 = arith.constant 16 : index
      %swap3A_407 = tpu.vector_load %arg17[%swap3A_405, %swap3A_406] {strides = array<i32>} : memref<128x128xf32, #tpu.memory_space<vmem>>, vector<1x16xf32>,
      %swap3A_408 = vector.shape_cast %swap3A_407 : vector<1x16xf32> to vector<16xf32>
      %swap3A_409 = vector.shape_cast %get3A_204 : vector<16xf32> to vector<1x16xf32>
      tpu.vector_store %arg17[%swap3A_405, %swap3A_406], %swap3A_409 {add = true, strides = array<i32>} : memref<128x128xf32, #tpu.memory_space<vmem>>, vector<1x16xf32>,
      %swap3A_410 = arith.index_cast %add3A_400 : i32 to index
      %swap3A_411 = arith.constant 32 : index
      %swap3A_412 = tpu.vector_load %arg17[%swap3A_410, %swap3A_411] {strides = array<i32>} : memref<128x128xf32, #tpu.memory_space<vmem>>, vector<1x16xf32>,
      %swap3A_413 = vector.shape_cast %swap3A_412 : vector<1x16xf32> to vector<16xf32>
      %swap3A_414 = vector.shape_cast %get3A_209 : vector<16xf32> to vector<1x16xf32>
      tpu.vector_store %arg17[%swap3A_410, %swap3A_411], %swap3A_414 {add = true, strides = array<i32>} : memref<128x128xf32, #tpu.memory_space<vmem>>, vector<1x16xf32>,
      %swap3A_415 = arith.index_cast %add3A_400 : i32 to index
      %swap3A_416 = arith.constant 48 : index
      %swap3A_417 = tpu.vector_load %arg17[%swap3A_415, %swap3A_416] {strides = array<i32>} : memref<128x128xf32, #tpu.memory_space<vmem>>, vector<1x16xf32>,
      %swap3A_418 = vector.shape_cast %swap3A_417 : vector<1x16xf32> to vector<16xf32>
      %swap3A_419 = vector.shape_cast %get3A_214 : vector<16xf32> to vector<1x16xf32>
      tpu.vector_store %arg17[%swap3A_415, %swap3A_416], %swap3A_419 {add = true, strides = array<i32>} : memref<128x128xf32, #tpu.memory_space<vmem>>, vector<1x16xf32>,
      %swap3A_420 = arith.index_cast %add3A_400 : i32 to index
      %swap3A_421 = arith.constant 64 : index
      %swap3A_422 = tpu.vector_load %arg17[%swap3A_420, %swap3A_421] {strides = array<i32>} : memref<128x128xf32, #tpu.memory_space<vmem>>, vector<1x16xf32>,
      %swap3A_423 = vector.shape_cast %swap3A_422 : vector<1x16xf32> to vector<16xf32>
      %swap3A_424 = vector.shape_cast %get3A_219 : vector<16xf32> to vector<1x16xf32>
      tpu.vector_store %arg17[%swap3A_420, %swap3A_421], %swap3A_424 {add = true, strides = array<i32>} : memref<128x128xf32, #tpu.memory_space<vmem>>, vector<1x16xf32>,
      %swap3A_425 = arith.index_cast %add3A_400 : i32 to index
      %swap3A_426 = arith.constant 80 : index
      %swap3A_427 = tpu.vector_load %arg17[%swap3A_425, %swap3A_426] {strides = array<i32>} : memref<128x128xf32, #tpu.memory_space<vmem>>, vector<1x16xf32>,
      %swap3A_428 = vector.shape_cast %swap3A_427 : vector<1x16xf32> to vector<16xf32>
      %swap3A_429 = vector.shape_cast %get3A_224 : vector<16xf32> to vector<1x16xf32>
      tpu.vector_store %arg17[%swap3A_425, %swap3A_426], %swap3A_429 {add = true, strides = array<i32>} : memref<128x128xf32, #tpu.memory_space<vmem>>, vector<1x16xf32>,
      %swap3A_430 = arith.index_cast %add3A_400 : i32 to index
      %swap3A_431 = arith.constant 96 : index
      %swap3A_432 = tpu.vector_load %arg17[%swap3A_430, %swap3A_431] {strides = array<i32>} : memref<128x128xf32, #tpu.memory_space<vmem>>, vector<1x16xf32>,
      %swap3A_433 = vector.shape_cast %swap3A_432 : vector<1x16xf32> to vector<16xf32>
      %swap3A_434 = vector.shape_cast %get3A_229 : vector<16xf32> to vector<1x16xf32>
      tpu.vector_store %arg17[%swap3A_430, %swap3A_431], %swap3A_434 {add = true, strides = array<i32>} : memref<128x128xf32, #tpu.memory_space<vmem>>, vector<1x16xf32>,
      %swap3A_435 = arith.index_cast %add3A_400 : i32 to index
      %swap3A_436 = arith.constant 112 : index
      %swap3A_437 = tpu.vector_load %arg17[%swap3A_435, %swap3A_436] {strides = array<i32>} : memref<128x128xf32, #tpu.memory_space<vmem>>, vector<1x16xf32>,
      %swap3A_438 = vector.shape_cast %swap3A_437 : vector<1x16xf32> to vector<16xf32>
      %swap3A_439 = vector.shape_cast %get3A_234 : vector<16xf32> to vector<1x16xf32>
      tpu.vector_store %arg17[%swap3A_435, %swap3A_436], %swap3A_439 {add = true, strides = array<i32>} : memref<128x128xf32, #tpu.memory_space<vmem>>, vector<1x16xf32>,
      %mul3A_440 = arith.constant 4 : i32
      %mul3A_441 = arith.muli %scan3A_396, %mul3A_440 : i32
      %add3A_442 = arith.constant 1 : i32
      %add3A_443 = arith.addi %mul3A_441, %add3A_442 : i32
      %swap3A_444 = arith.index_cast %add3A_443 : i32 to index
      %swap3A_445 = arith.constant 0 : index
      %swap3A_446 = tpu.vector_load %arg17[%swap3A_444, %swap3A_445] {strides = array<i32>} : memref<128x128xf32, #tpu.memory_space<vmem>>, vector<1x16xf32>,
      %swap3A_447 = vector.shape_cast %swap3A_446 : vector<1x16xf32> to vector<16xf32>
      %swap3A_448 = vector.shape_cast %get3A_199 : vector<16xf32> to vector<1x16xf32>
      tpu.vector_store %arg17[%swap3A_444, %swap3A_445], %swap3A_448 {add = true, strides = array<i32>} : memref<128x128xf32, #tpu.memory_space<vmem>>, vector<1x16xf32>,
      %swap3A_449 = arith.index_cast %add3A_443 : i32 to index
      %swap3A_450 = arith.constant 16 : index
      %swap3A_451 = tpu.vector_load %arg17[%swap3A_449, %swap3A_450] {strides = array<i32>} : memref<128x128xf32, #tpu.memory_space<vmem>>, vector<1x16xf32>,
      %swap3A_452 = vector.shape_cast %swap3A_451 : vector<1x16xf32> to vector<16xf32>
      %swap3A_453 = vector.shape_cast %get3A_204 : vector<16xf32> to vector<1x16xf32>
      tpu.vector_store %arg17[%swap3A_449, %swap3A_450], %swap3A_453 {add = true, strides = array<i32>} : memref<128x128xf32, #tpu.memory_space<vmem>>, vector<1x16xf32>,
      %swap3A_454 = arith.index_cast %add3A_443 : i32 to index
      %swap3A_455 = arith.constant 32 : index
      %swap3A_456 = tpu.vector_load %arg17[%swap3A_454, %swap3A_455] {strides = array<i32>} : memref<128x128xf32, #tpu.memory_space<vmem>>, vector<1x16xf32>,
      %swap3A_457 = vector.shape_cast %swap3A_456 : vector<1x16xf32> to vector<16xf32>
      %swap3A_458 = vector.shape_cast %get3A_209 : vector<16xf32> to vector<1x16xf32>
      tpu.vector_store %arg17[%swap3A_454, %swap3A_455], %swap3A_458 {add = true, strides = array<i32>} : memref<128x128xf32, #tpu.memory_space<vmem>>, vector<1x16xf32>,
      %swap3A_459 = arith.index_cast %add3A_443 : i32 to index
      %swap3A_460 = arith.constant 48 : index
      %swap3A_461 = tpu.vector_load %arg17[%swap3A_459, %swap3A_460] {strides = array<i32>} : memref<128x128xf32, #tpu.memory_space<vmem>>, vector<1x16xf32>,
      %swap3A_462 = vector.shape_cast %swap3A_461 : vector<1x16xf32> to vector<16xf32>
      %swap3A_463 = vector.shape_cast %get3A_214 : vector<16xf32> to vector<1x16xf32>
      tpu.vector_store %arg17[%swap3A_459, %swap3A_460], %swap3A_463 {add = true, strides = array<i32>} : memref<128x128xf32, #tpu.memory_space<vmem>>, vector<1x16xf32>,
      %swap3A_464 = arith.index_cast %add3A_443 : i32 to index
      %swap3A_465 = arith.constant 64 : index
      %swap3A_466 = tpu.vector_load %arg17[%swap3A_464, %swap3A_465] {strides = array<i32>} : memref<128x128xf32, #tpu.memory_space<vmem>>, vector<1x16xf32>,
      %swap3A_467 = vector.shape_cast %swap3A_466 : vector<1x16xf32> to vector<16xf32>
      %swap3A_468 = vector.shape_cast %get3A_219 : vector<16xf32> to vector<1x16xf32>
      tpu.vector_store %arg17[%swap3A_464, %swap3A_465], %swap3A_468 {add = true, strides = array<i32>} : memref<128x128xf32, #tpu.memory_space<vmem>>, vector<1x16xf32>,
      %swap3A_469 = arith.index_cast %add3A_443 : i32 to index
      %swap3A_470 = arith.constant 80 : index
      %swap3A_471 = tpu.vector_load %arg17[%swap3A_469, %swap3A_470] {strides = array<i32>} : memref<128x128xf32, #tpu.memory_space<vmem>>, vector<1x16xf32>,
      %swap3A_472 = vector.shape_cast %swap3A_471 : vector<1x16xf32> to vector<16xf32>
      %swap3A_473 = vector.shape_cast %get3A_224 : vector<16xf32> to vector<1x16xf32>
      tpu.vector_store %arg17[%swap3A_469, %swap3A_470], %swap3A_473 {add = true, strides = array<i32>} : memref<128x128xf32, #tpu.memory_space<vmem>>, vector<1x16xf32>,
      %swap3A_474 = arith.index_cast %add3A_443 : i32 to index
      %swap3A_475 = arith.constant 96 : index
      %swap3A_476 = tpu.vector_load %arg17[%swap3A_474, %swap3A_475] {strides = array<i32>} : memref<128x128xf32, #tpu.memory_space<vmem>>, vector<1x16xf32>,
      %swap3A_477 = vector.shape_cast %swap3A_476 : vector<1x16xf32> to vector<16xf32>
      %swap3A_478 = vector.shape_cast %get3A_229 : vector<16xf32> to vector<1x16xf32>
      tpu.vector_store %arg17[%swap3A_474, %swap3A_475], %swap3A_478 {add = true, strides = array<i32>} : memref<128x128xf32, #tpu.memory_space<vmem>>, vector<1x16xf32>,
      %swap3A_479 = arith.index_cast %add3A_443 : i32 to index
      %swap3A_480 = arith.constant 112 : index
      %swap3A_481 = tpu.vector_load %arg17[%swap3A_479, %swap3A_480] {strides = array<i32>} : memref<128x128xf32, #tpu.memory_space<vmem>>, vector<1x16xf32>,
      %swap3A_482 = vector.shape_cast %swap3A_481 : vector<1x16xf32> to vector<16xf32>
      %swap3A_483 = vector.shape_cast %get3A_234 : vector<16xf32> to vector<1x16xf32>
      tpu.vector_store %arg17[%swap3A_479, %swap3A_480], %swap3A_483 {add = true, strides = array<i32>} : memref<128x128xf32, #tpu.memory_space<vmem>>, vector<1x16xf32>,
      %mul3A_484 = arith.constant 4 : i32
      %mul3A_485 = arith.muli %scan3A_396, %mul3A_484 : i32
      %add3A_486 = arith.constant 2 : i32
      %add3A_487 = arith.addi %mul3A_485, %add3A_486 : i32
      %swap3A_488 = arith.index_cast %add3A_487 : i32 to index
      %swap3A_489 = arith.constant 0 : index
      %swap3A_490 = tpu.vector_load %arg17[%swap3A_488, %swap3A_489] {strides = array<i32>} : memref<128x128xf32, #tpu.memory_space<vmem>>, vector<1x16xf32>,
      %swap3A_491 = vector.shape_cast %swap3A_490 : vector<1x16xf32> to vector<16xf32>
      %swap3A_492 = vector.shape_cast %get3A_199 : vector<16xf32> to vector<1x16xf32>
      tpu.vector_store %arg17[%swap3A_488, %swap3A_489], %swap3A_492 {add = true, strides = array<i32>} : memref<128x128xf32, #tpu.memory_space<vmem>>, vector<1x16xf32>,
      %swap3A_493 = arith.index_cast %add3A_487 : i32 to index
      %swap3A_494 = arith.constant 16 : index
      %swap3A_495 = tpu.vector_load %arg17[%swap3A_493, %swap3A_494] {strides = array<i32>} : memref<128x128xf32, #tpu.memory_space<vmem>>, vector<1x16xf32>,
      %swap3A_496 = vector.shape_cast %swap3A_495 : vector<1x16xf32> to vector<16xf32>
      %swap3A_497 = vector.shape_cast %get3A_204 : vector<16xf32> to vector<1x16xf32>
      tpu.vector_store %arg17[%swap3A_493, %swap3A_494], %swap3A_497 {add = true, strides = array<i32>} : memref<128x128xf32, #tpu.memory_space<vmem>>, vector<1x16xf32>,
      %swap3A_498 = arith.index_cast %add3A_487 : i32 to index
      %swap3A_499 = arith.constant 32 : index
      %swap3A_500 = tpu.vector_load %arg17[%swap3A_498, %swap3A_499] {strides = array<i32>} : memref<128x128xf32, #tpu.memory_space<vmem>>, vector<1x16xf32>,
      %swap3A_501 = vector.shape_cast %swap3A_500 : vector<1x16xf32> to vector<16xf32>
      %swap3A_502 = vector.shape_cast %get3A_209 : vector<16xf32> to vector<1x16xf32>
      tpu.vector_store %arg17[%swap3A_498, %swap3A_499], %swap3A_502 {add = true, strides = array<i32>} : memref<128x128xf32, #tpu.memory_space<vmem>>, vector<1x16xf32>,
      %swap3A_503 = arith.index_cast %add3A_487 : i32 to index
      %swap3A_504 = arith.constant 48 : index
      %swap3A_505 = tpu.vector_load %arg17[%swap3A_503, %swap3A_504] {strides = array<i32>} : memref<128x128xf32, #tpu.memory_space<vmem>>, vector<1x16xf32>,
      %swap3A_506 = vector.shape_cast %swap3A_505 : vector<1x16xf32> to vector<16xf32>
      %swap3A_507 = vector.shape_cast %get3A_214 : vector<16xf32> to vector<1x16xf32>
      tpu.vector_store %arg17[%swap3A_503, %swap3A_504], %swap3A_507 {add = true, strides = array<i32>} : memref<128x128xf32, #tpu.memory_space<vmem>>, vector<1x16xf32>,
      %swap3A_508 = arith.index_cast %add3A_487 : i32 to index
      %swap3A_509 = arith.constant 64 : index
      %swap3A_510 = tpu.vector_load %arg17[%swap3A_508, %swap3A_509] {strides = array<i32>} : memref<128x128xf32, #tpu.memory_space<vmem>>, vector<1x16xf32>,
      %swap3A_511 = vector.shape_cast %swap3A_510 : vector<1x16xf32> to vector<16xf32>
      %swap3A_512 = vector.shape_cast %get3A_219 : vector<16xf32> to vector<1x16xf32>
      tpu.vector_store %arg17[%swap3A_508, %swap3A_509], %swap3A_512 {add = true, strides = array<i32>} : memref<128x128xf32, #tpu.memory_space<vmem>>, vector<1x16xf32>,
      %swap3A_513 = arith.index_cast %add3A_487 : i32 to index
      %swap3A_514 = arith.constant 80 : index
      %swap3A_515 = tpu.vector_load %arg17[%swap3A_513, %swap3A_514] {strides = array<i32>} : memref<128x128xf32, #tpu.memory_space<vmem>>, vector<1x16xf32>,
      %swap3A_516 = vector.shape_cast %swap3A_515 : vector<1x16xf32> to vector<16xf32>
      %swap3A_517 = vector.shape_cast %get3A_224 : vector<16xf32> to vector<1x16xf32>
      tpu.vector_store %arg17[%swap3A_513, %swap3A_514], %swap3A_517 {add = true, strides = array<i32>} : memref<128x128xf32, #tpu.memory_space<vmem>>, vector<1x16xf32>,
      %swap3A_518 = arith.index_cast %add3A_487 : i32 to index
      %swap3A_519 = arith.constant 96 : index
      %swap3A_520 = tpu.vector_load %arg17[%swap3A_518, %swap3A_519] {strides = array<i32>} : memref<128x128xf32, #tpu.memory_space<vmem>>, vector<1x16xf32>,
      %swap3A_521 = vector.shape_cast %swap3A_520 : vector<1x16xf32> to vector<16xf32>
      %swap3A_522 = vector.shape_cast %get3A_229 : vector<16xf32> to vector<1x16xf32>
      tpu.vector_store %arg17[%swap3A_518, %swap3A_519], %swap3A_522 {add = true, strides = array<i32>} : memref<128x128xf32, #tpu.memory_space<vmem>>, vector<1x16xf32>,
      %swap3A_523 = arith.index_cast %add3A_487 : i32 to index
      %swap3A_524 = arith.constant 112 : index
      %swap3A_525 = tpu.vector_load %arg17[%swap3A_523, %swap3A_524] {strides = array<i32>} : memref<128x128xf32, #tpu.memory_space<vmem>>, vector<1x16xf32>,
      %swap3A_526 = vector.shape_cast %swap3A_525 : vector<1x16xf32> to vector<16xf32>
      %swap3A_527 = vector.shape_cast %get3A_234 : vector<16xf32> to vector<1x16xf32>
      tpu.vector_store %arg17[%swap3A_523, %swap3A_524], %swap3A_527 {add = true, strides = array<i32>} : memref<128x128xf32, #tpu.memory_space<vmem>>, vector<1x16xf32>,
      %mul3A_528 = arith.constant 4 : i32
      %mul3A_529 = arith.muli %scan3A_396, %mul3A_528 : i32
      %add3A_530 = arith.constant 3 : i32
      %add3A_531 = arith.addi %mul3A_529, %add3A_530 : i32
      %swap3A_532 = arith.index_cast %add3A_531 : i32 to index
      %swap3A_533 = arith.constant 0 : index
      %swap3A_534 = tpu.vector_load %arg17[%swap3A_532, %swap3A_533] {strides = array<i32>} : memref<128x128xf32, #tpu.memory_space<vmem>>, vector<1x16xf32>,
      %swap3A_535 = vector.shape_cast %swap3A_534 : vector<1x16xf32> to vector<16xf32>
      %swap3A_536 = vector.shape_cast %get3A_199 : vector<16xf32> to vector<1x16xf32>
      tpu.vector_store %arg17[%swap3A_532, %swap3A_533], %swap3A_536 {add = true, strides = array<i32>} : memref<128x128xf32, #tpu.memory_space<vmem>>, vector<1x16xf32>,
      %swap3A_537 = arith.index_cast %add3A_531 : i32 to index
      %swap3A_538 = arith.constant 16 : index
      %swap3A_539 = tpu.vector_load %arg17[%swap3A_537, %swap3A_538] {strides = array<i32>} : memref<128x128xf32, #tpu.memory_space<vmem>>, vector<1x16xf32>,
      %swap3A_540 = vector.shape_cast %swap3A_539 : vector<1x16xf32> to vector<16xf32>
      %swap3A_541 = vector.shape_cast %get3A_204 : vector<16xf32> to vector<1x16xf32>
      tpu.vector_store %arg17[%swap3A_537, %swap3A_538], %swap3A_541 {add = true, strides = array<i32>} : memref<128x128xf32, #tpu.memory_space<vmem>>, vector<1x16xf32>,
      %swap3A_542 = arith.index_cast %add3A_531 : i32 to index
      %swap3A_543 = arith.constant 32 : index
      %swap3A_544 = tpu.vector_load %arg17[%swap3A_542, %swap3A_543] {strides = array<i32>} : memref<128x128xf32, #tpu.memory_space<vmem>>, vector<1x16xf32>,
      %swap3A_545 = vector.shape_cast %swap3A_544 : vector<1x16xf32> to vector<16xf32>
      %swap3A_546 = vector.shape_cast %get3A_209 : vector<16xf32> to vector<1x16xf32>
      tpu.vector_store %arg17[%swap3A_542, %swap3A_543], %swap3A_546 {add = true, strides = array<i32>} : memref<128x128xf32, #tpu.memory_space<vmem>>, vector<1x16xf32>,
      %swap3A_547 = arith.index_cast %add3A_531 : i32 to index
      %swap3A_548 = arith.constant 48 : index
      %swap3A_549 = tpu.vector_load %arg17[%swap3A_547, %swap3A_548] {strides = array<i32>} : memref<128x128xf32, #tpu.memory_space<vmem>>, vector<1x16xf32>,
      %swap3A_550 = vector.shape_cast %swap3A_549 : vector<1x16xf32> to vector<16xf32>
      %swap3A_551 = vector.shape_cast %get3A_214 : vector<16xf32> to vector<1x16xf32>
      tpu.vector_store %arg17[%swap3A_547, %swap3A_548], %swap3A_551 {add = true, strides = array<i32>} : memref<128x128xf32, #tpu.memory_space<vmem>>, vector<1x16xf32>,
      %swap3A_552 = arith.index_cast %add3A_531 : i32 to index
      %swap3A_553 = arith.constant 64 : index
      %swap3A_554 = tpu.vector_load %arg17[%swap3A_552, %swap3A_553] {strides = array<i32>} : memref<128x128xf32, #tpu.memory_space<vmem>>, vector<1x16xf32>,
      %swap3A_555 = vector.shape_cast %swap3A_554 : vector<1x16xf32> to vector<16xf32>
      %swap3A_556 = vector.shape_cast %get3A_219 : vector<16xf32> to vector<1x16xf32>
      tpu.vector_store %arg17[%swap3A_552, %swap3A_553], %swap3A_556 {add = true, strides = array<i32>} : memref<128x128xf32, #tpu.memory_space<vmem>>, vector<1x16xf32>,
      %swap3A_557 = arith.index_cast %add3A_531 : i32 to index
      %swap3A_558 = arith.constant 80 : index
      %swap3A_559 = tpu.vector_load %arg17[%swap3A_557, %swap3A_558] {strides = array<i32>} : memref<128x128xf32, #tpu.memory_space<vmem>>, vector<1x16xf32>,
      %swap3A_560 = vector.shape_cast %swap3A_559 : vector<1x16xf32> to vector<16xf32>
      %swap3A_561 = vector.shape_cast %get3A_224 : vector<16xf32> to vector<1x16xf32>
      tpu.vector_store %arg17[%swap3A_557, %swap3A_558], %swap3A_561 {add = true, strides = array<i32>} : memref<128x128xf32, #tpu.memory_space<vmem>>, vector<1x16xf32>,
      %swap3A_562 = arith.index_cast %add3A_531 : i32 to index
      %swap3A_563 = arith.constant 96 : index
      %swap3A_564 = tpu.vector_load %arg17[%swap3A_562, %swap3A_563] {strides = array<i32>} : memref<128x128xf32, #tpu.memory_space<vmem>>, vector<1x16xf32>,
      %swap3A_565 = vector.shape_cast %swap3A_564 : vector<1x16xf32> to vector<16xf32>
      %swap3A_566 = vector.shape_cast %get3A_229 : vector<16xf32> to vector<1x16xf32>
      tpu.vector_store %arg17[%swap3A_562, %swap3A_563], %swap3A_566 {add = true, strides = array<i32>} : memref<128x128xf32, #tpu.memory_space<vmem>>, vector<1x16xf32>,
      %swap3A_567 = arith.index_cast %add3A_531 : i32 to index
      %swap3A_568 = arith.constant 112 : index
      %swap3A_569 = tpu.vector_load %arg17[%swap3A_567, %swap3A_568] {strides = array<i32>} : memref<128x128xf32, #tpu.memory_space<vmem>>, vector<1x16xf32>,
      %swap3A_570 = vector.shape_cast %swap3A_569 : vector<1x16xf32> to vector<16xf32>
      %swap3A_571 = vector.shape_cast %get3A_234 : vector<16xf32> to vector<1x16xf32>
      tpu.vector_store %arg17[%swap3A_567, %swap3A_568], %swap3A_571 {add = true, strides = array<i32>} : memref<128x128xf32, #tpu.memory_space<vmem>>, vector<1x16xf32>,
    }
    %scan3A_240 = arith.constant 32 : i32
    %dma_start3A_241 = arith.constant 122 : i32
    %dma_start3A_242 = arith.constant 0 : i32
    %dma_start3A_243 = tpu.memref_slice %arg8[%dma_start3A_241, %mul3A_2, %dma_start3A_242] : memref<125x4096x128xf32, #tpu.memory_space<hbm>> -> memref<1x128x128xf32, #tpu.memory_space<hbm>>
    %dma_start3A_244 = tpu.memref_squeeze %dma_start3A_243 : memref<1x128x128xf32, #tpu.memory_space<hbm>> -> memref<128x128xf32, #tpu.memory_space<hbm>>
    %dma_start3A_245 = arith.constant 0 : i32
    %dma_start3A_246 = tpu.memref_slice %arg8[%dma_start3A_241, %mul3A_2, %dma_start3A_245] : memref<125x4096x128xf32, #tpu.memory_space<hbm>> -> memref<1x128x128xf32, #tpu.memory_space<hbm>>
    %dma_start3A_247 = tpu.memref_squeeze %dma_start3A_246 : memref<1x128x128xf32, #tpu.memory_space<hbm>> -> memref<128x128xf32, #tpu.memory_space<hbm>>
    tpu.enqueue_dma source(%arg17 : memref<128x128xf32, #tpu.memory_space<vmem>>) target(%dma_start3A_247 : memref<128x128xf32, #tpu.memory_space<hbm>>) target_semaphore(%arg26 : memref<!tpu.dma_semaphore, #tpu.memory_space<semaphore_mem>>)
    %dma_wait3A_248 = arith.constant 123 : i32
    %dma_wait3A_249 = arith.constant 0 : i32
    %dma_wait3A_250 = tpu.memref_slice %arg12[%dma_wait3A_248, %dma_wait3A_249] : memref<125x128xi32, #tpu.memory_space<vmem>> -> memref<1x128xi32, #tpu.memory_space<vmem>>
    %dma_wait3A_251 = tpu.memref_squeeze %dma_wait3A_250 : memref<1x128xi32, #tpu.memory_space<vmem>> -> memref<128xi32, #tpu.memory_space<vmem>>
    %dma_wait3A_252 = arith.constant 0 : i32
    %dma_wait3A_253 = arith.constant 0 : i32
    %dma_wait3A_254 = tpu.memref_slice %arg11[%dma_wait3A_252, %dma_wait3A_253] : memref<1000x128xf32, #tpu.memory_space<vmem_shared>> -> memref<1000x128xf32, #tpu.memory_space<vmem_shared>>
    tpu.wait_indirect_dma semaphore(%arg23 : memref<!tpu.dma_semaphore, #tpu.memory_space<semaphore_mem>>) src(%dma_wait3A_254 : memref<1000x128xf32, #tpu.memory_space<vmem_shared>>) dst(%arg18 : memref<128x128xf32, #tpu.memory_space<vmem>>)
    %get3A_255 = arith.constant 123 : i32
    %get3A_256 = arith.index_cast %get3A_255 : i32 to index
    %get3A_257 = arith.constant 0 : index
    %get3A_258 = tpu.vector_load %arg13[%get3A_256, %get3A_257] {strides = array<i32>} : memref<125x128xf32, #tpu.memory_space<vmem>>, vector<1x16xf32>,
    %get3A_259 = vector.shape_cast %get3A_258 : vector<1x16xf32> to vector<16xf32>
    %get3A_260 = arith.constant 123 : i32
    %get3A_261 = arith.index_cast %get3A_260 : i32 to index
    %get3A_262 = arith.constant 16 : index
    %get3A_263 = tpu.vector_load %arg13[%get3A_261, %get3A_262] {strides = array<i32>} : memref<125x128xf32, #tpu.memory_space<vmem>>, vector<1x16xf32>,
    %get3A_264 = vector.shape_cast %get3A_263 : vector<1x16xf32> to vector<16xf32>
    %get3A_265 = arith.constant 123 : i32
    %get3A_266 = arith.index_cast %get3A_265 : i32 to index
    %get3A_267 = arith.constant 32 : index
    %get3A_268 = tpu.vector_load %arg13[%get3A_266, %get3A_267] {strides = array<i32>} : memref<125x128xf32, #tpu.memory_space<vmem>>, vector<1x16xf32>,
    %get3A_269 = vector.shape_cast %get3A_268 : vector<1x16xf32> to vector<16xf32>
    %get3A_270 = arith.constant 123 : i32
    %get3A_271 = arith.index_cast %get3A_270 : i32 to index
    %get3A_272 = arith.constant 48 : index
    %get3A_273 = tpu.vector_load %arg13[%get3A_271, %get3A_272] {strides = array<i32>} : memref<125x128xf32, #tpu.memory_space<vmem>>, vector<1x16xf32>,
    %get3A_274 = vector.shape_cast %get3A_273 : vector<1x16xf32> to vector<16xf32>
    %get3A_275 = arith.constant 123 : i32
    %get3A_276 = arith.index_cast %get3A_275 : i32 to index
    %get3A_277 = arith.constant 64 : index
    %get3A_278 = tpu.vector_load %arg13[%get3A_276, %get3A_277] {strides = array<i32>} : memref<125x128xf32, #tpu.memory_space<vmem>>, vector<1x16xf32>,
    %get3A_279 = vector.shape_cast %get3A_278 : vector<1x16xf32> to vector<16xf32>
    %get3A_280 = arith.constant 123 : i32
    %get3A_281 = arith.index_cast %get3A_280 : i32 to index
    %get3A_282 = arith.constant 80 : index
    %get3A_283 = tpu.vector_load %arg13[%get3A_281, %get3A_282] {strides = array<i32>} : memref<125x128xf32, #tpu.memory_space<vmem>>, vector<1x16xf32>,
    %get3A_284 = vector.shape_cast %get3A_283 : vector<1x16xf32> to vector<16xf32>
    %get3A_285 = arith.constant 123 : i32
    %get3A_286 = arith.index_cast %get3A_285 : i32 to index
    %get3A_287 = arith.constant 96 : index
    %get3A_288 = tpu.vector_load %arg13[%get3A_286, %get3A_287] {strides = array<i32>} : memref<125x128xf32, #tpu.memory_space<vmem>>, vector<1x16xf32>,
    %get3A_289 = vector.shape_cast %get3A_288 : vector<1x16xf32> to vector<16xf32>
    %get3A_290 = arith.constant 123 : i32
    %get3A_291 = arith.index_cast %get3A_290 : i32 to index
    %get3A_292 = arith.constant 112 : index
    %get3A_293 = tpu.vector_load %arg13[%get3A_291, %get3A_292] {strides = array<i32>} : memref<125x128xf32, #tpu.memory_space<vmem>>, vector<1x16xf32>,
    %get3A_294 = vector.shape_cast %get3A_293 : vector<1x16xf32> to vector<16xf32>
    %scan3A_295 = arith.constant 0 : i32
    %scan3A_296 = arith.constant 0 : i32
    %scan3A_297 = arith.constant 32 : i32
    %scan3A_298 = arith.addi %scan3A_296, %scan3A_297 : i32
    %scan3A_299 = arith.constant 1 : i32
    scf.for %scan3A_396 = %scan3A_296 to %scan3A_298 step %scan3A_299  : i32 {
      %mul3A_397 = arith.constant 4 : i32
      %mul3A_398 = arith.muli %scan3A_396, %mul3A_397 : i32
      %add3A_399 = arith.constant 0 : i32
      %add3A_400 = arith.addi %mul3A_398, %add3A_399 : i32
      %swap3A = arith.index_cast %add3A_400 : i32 to index
      %swap3A_401 = arith.constant 0 : index
      %swap3A_402 = tpu.vector_load %arg18[%swap3A, %swap3A_401] {strides = array<i32>} : memref<128x128xf32, #tpu.memory_space<vmem>>, vector<1x16xf32>,
      %swap3A_403 = vector.shape_cast %swap3A_402 : vector<1x16xf32> to vector<16xf32>
      %swap3A_404 = vector.shape_cast %get3A_259 : vector<16xf32> to vector<1x16xf32>
      tpu.vector_store %arg18[%swap3A, %swap3A_401], %swap3A_404 {add = true, strides = array<i32>} : memref<128x128xf32, #tpu.memory_space<vmem>>, vector<1x16xf32>,
      %swap3A_405 = arith.index_cast %add3A_400 : i32 to index
      %swap3A_406 = arith.constant 16 : index
      %swap3A_407 = tpu.vector_load %arg18[%swap3A_405, %swap3A_406] {strides = array<i32>} : memref<128x128xf32, #tpu.memory_space<vmem>>, vector<1x16xf32>,
      %swap3A_408 = vector.shape_cast %swap3A_407 : vector<1x16xf32> to vector<16xf32>
      %swap3A_409 = vector.shape_cast %get3A_264 : vector<16xf32> to vector<1x16xf32>
      tpu.vector_store %arg18[%swap3A_405, %swap3A_406], %swap3A_409 {add = true, strides = array<i32>} : memref<128x128xf32, #tpu.memory_space<vmem>>, vector<1x16xf32>,
      %swap3A_410 = arith.index_cast %add3A_400 : i32 to index
      %swap3A_411 = arith.constant 32 : index
      %swap3A_412 = tpu.vector_load %arg18[%swap3A_410, %swap3A_411] {strides = array<i32>} : memref<128x128xf32, #tpu.memory_space<vmem>>, vector<1x16xf32>,
      %swap3A_413 = vector.shape_cast %swap3A_412 : vector<1x16xf32> to vector<16xf32>
      %swap3A_414 = vector.shape_cast %get3A_269 : vector<16xf32> to vector<1x16xf32>
      tpu.vector_store %arg18[%swap3A_410, %swap3A_411], %swap3A_414 {add = true, strides = array<i32>} : memref<128x128xf32, #tpu.memory_space<vmem>>, vector<1x16xf32>,
      %swap3A_415 = arith.index_cast %add3A_400 : i32 to index
      %swap3A_416 = arith.constant 48 : index
      %swap3A_417 = tpu.vector_load %arg18[%swap3A_415, %swap3A_416] {strides = array<i32>} : memref<128x128xf32, #tpu.memory_space<vmem>>, vector<1x16xf32>,
      %swap3A_418 = vector.shape_cast %swap3A_417 : vector<1x16xf32> to vector<16xf32>
      %swap3A_419 = vector.shape_cast %get3A_274 : vector<16xf32> to vector<1x16xf32>
      tpu.vector_store %arg18[%swap3A_415, %swap3A_416], %swap3A_419 {add = true, strides = array<i32>} : memref<128x128xf32, #tpu.memory_space<vmem>>, vector<1x16xf32>,
      %swap3A_420 = arith.index_cast %add3A_400 : i32 to index
      %swap3A_421 = arith.constant 64 : index
      %swap3A_422 = tpu.vector_load %arg18[%swap3A_420, %swap3A_421] {strides = array<i32>} : memref<128x128xf32, #tpu.memory_space<vmem>>, vector<1x16xf32>,
      %swap3A_423 = vector.shape_cast %swap3A_422 : vector<1x16xf32> to vector<16xf32>
      %swap3A_424 = vector.shape_cast %get3A_279 : vector<16xf32> to vector<1x16xf32>
      tpu.vector_store %arg18[%swap3A_420, %swap3A_421], %swap3A_424 {add = true, strides = array<i32>} : memref<128x128xf32, #tpu.memory_space<vmem>>, vector<1x16xf32>,
      %swap3A_425 = arith.index_cast %add3A_400 : i32 to index
      %swap3A_426 = arith.constant 80 : index
      %swap3A_427 = tpu.vector_load %arg18[%swap3A_425, %swap3A_426] {strides = array<i32>} : memref<128x128xf32, #tpu.memory_space<vmem>>, vector<1x16xf32>,
      %swap3A_428 = vector.shape_cast %swap3A_427 : vector<1x16xf32> to vector<16xf32>
      %swap3A_429 = vector.shape_cast %get3A_284 : vector<16xf32> to vector<1x16xf32>
      tpu.vector_store %arg18[%swap3A_425, %swap3A_426], %swap3A_429 {add = true, strides = array<i32>} : memref<128x128xf32, #tpu.memory_space<vmem>>, vector<1x16xf32>,
      %swap3A_430 = arith.index_cast %add3A_400 : i32 to index
      %swap3A_431 = arith.constant 96 : index
      %swap3A_432 = tpu.vector_load %arg18[%swap3A_430, %swap3A_431] {strides = array<i32>} : memref<128x128xf32, #tpu.memory_space<vmem>>, vector<1x16xf32>,
      %swap3A_433 = vector.shape_cast %swap3A_432 : vector<1x16xf32> to vector<16xf32>
      %swap3A_434 = vector.shape_cast %get3A_289 : vector<16xf32> to vector<1x16xf32>
      tpu.vector_store %arg18[%swap3A_430, %swap3A_431], %swap3A_434 {add = true, strides = array<i32>} : memref<128x128xf32, #tpu.memory_space<vmem>>, vector<1x16xf32>,
      %swap3A_435 = arith.index_cast %add3A_400 : i32 to index
      %swap3A_436 = arith.constant 112 : index
      %swap3A_437 = tpu.vector_load %arg18[%swap3A_435, %swap3A_436] {strides = array<i32>} : memref<128x128xf32, #tpu.memory_space<vmem>>, vector<1x16xf32>,
      %swap3A_438 = vector.shape_cast %swap3A_437 : vector<1x16xf32> to vector<16xf32>
      %swap3A_439 = vector.shape_cast %get3A_294 : vector<16xf32> to vector<1x16xf32>
      tpu.vector_store %arg18[%swap3A_435, %swap3A_436], %swap3A_439 {add = true, strides = array<i32>} : memref<128x128xf32, #tpu.memory_space<vmem>>, vector<1x16xf32>,
      %mul3A_440 = arith.constant 4 : i32
      %mul3A_441 = arith.muli %scan3A_396, %mul3A_440 : i32
      %add3A_442 = arith.constant 1 : i32
      %add3A_443 = arith.addi %mul3A_441, %add3A_442 : i32
      %swap3A_444 = arith.index_cast %add3A_443 : i32 to index
      %swap3A_445 = arith.constant 0 : index
      %swap3A_446 = tpu.vector_load %arg18[%swap3A_444, %swap3A_445] {strides = array<i32>} : memref<128x128xf32, #tpu.memory_space<vmem>>, vector<1x16xf32>,
      %swap3A_447 = vector.shape_cast %swap3A_446 : vector<1x16xf32> to vector<16xf32>
      %swap3A_448 = vector.shape_cast %get3A_259 : vector<16xf32> to vector<1x16xf32>
      tpu.vector_store %arg18[%swap3A_444, %swap3A_445], %swap3A_448 {add = true, strides = array<i32>} : memref<128x128xf32, #tpu.memory_space<vmem>>, vector<1x16xf32>,
      %swap3A_449 = arith.index_cast %add3A_443 : i32 to index
      %swap3A_450 = arith.constant 16 : index
      %swap3A_451 = tpu.vector_load %arg18[%swap3A_449, %swap3A_450] {strides = array<i32>} : memref<128x128xf32, #tpu.memory_space<vmem>>, vector<1x16xf32>,
      %swap3A_452 = vector.shape_cast %swap3A_451 : vector<1x16xf32> to vector<16xf32>
      %swap3A_453 = vector.shape_cast %get3A_264 : vector<16xf32> to vector<1x16xf32>
      tpu.vector_store %arg18[%swap3A_449, %swap3A_450], %swap3A_453 {add = true, strides = array<i32>} : memref<128x128xf32, #tpu.memory_space<vmem>>, vector<1x16xf32>,
      %swap3A_454 = arith.index_cast %add3A_443 : i32 to index
      %swap3A_455 = arith.constant 32 : index
      %swap3A_456 = tpu.vector_load %arg18[%swap3A_454, %swap3A_455] {strides = array<i32>} : memref<128x128xf32, #tpu.memory_space<vmem>>, vector<1x16xf32>,
      %swap3A_457 = vector.shape_cast %swap3A_456 : vector<1x16xf32> to vector<16xf32>
      %swap3A_458 = vector.shape_cast %get3A_269 : vector<16xf32> to vector<1x16xf32>
      tpu.vector_store %arg18[%swap3A_454, %swap3A_455], %swap3A_458 {add = true, strides = array<i32>} : memref<128x128xf32, #tpu.memory_space<vmem>>, vector<1x16xf32>,
      %swap3A_459 = arith.index_cast %add3A_443 : i32 to index
      %swap3A_460 = arith.constant 48 : index
      %swap3A_461 = tpu.vector_load %arg18[%swap3A_459, %swap3A_460] {strides = array<i32>} : memref<128x128xf32, #tpu.memory_space<vmem>>, vector<1x16xf32>,
      %swap3A_462 = vector.shape_cast %swap3A_461 : vector<1x16xf32> to vector<16xf32>
      %swap3A_463 = vector.shape_cast %get3A_274 : vector<16xf32> to vector<1x16xf32>
      tpu.vector_store %arg18[%swap3A_459, %swap3A_460], %swap3A_463 {add = true, strides = array<i32>} : memref<128x128xf32, #tpu.memory_space<vmem>>, vector<1x16xf32>,
      %swap3A_464 = arith.index_cast %add3A_443 : i32 to index
      %swap3A_465 = arith.constant 64 : index
      %swap3A_466 = tpu.vector_load %arg18[%swap3A_464, %swap3A_465] {strides = array<i32>} : memref<128x128xf32, #tpu.memory_space<vmem>>, vector<1x16xf32>,
      %swap3A_467 = vector.shape_cast %swap3A_466 : vector<1x16xf32> to vector<16xf32>
      %swap3A_468 = vector.shape_cast %get3A_279 : vector<16xf32> to vector<1x16xf32>
      tpu.vector_store %arg18[%swap3A_464, %swap3A_465], %swap3A_468 {add = true, strides = array<i32>} : memref<128x128xf32, #tpu.memory_space<vmem>>, vector<1x16xf32>,
      %swap3A_469 = arith.index_cast %add3A_443 : i32 to index
      %swap3A_470 = arith.constant 80 : index
      %swap3A_471 = tpu.vector_load %arg18[%swap3A_469, %swap3A_470] {strides = array<i32>} : memref<128x128xf32, #tpu.memory_space<vmem>>, vector<1x16xf32>,
      %swap3A_472 = vector.shape_cast %swap3A_471 : vector<1x16xf32> to vector<16xf32>
      %swap3A_473 = vector.shape_cast %get3A_284 : vector<16xf32> to vector<1x16xf32>
      tpu.vector_store %arg18[%swap3A_469, %swap3A_470], %swap3A_473 {add = true, strides = array<i32>} : memref<128x128xf32, #tpu.memory_space<vmem>>, vector<1x16xf32>,
      %swap3A_474 = arith.index_cast %add3A_443 : i32 to index
      %swap3A_475 = arith.constant 96 : index
      %swap3A_476 = tpu.vector_load %arg18[%swap3A_474, %swap3A_475] {strides = array<i32>} : memref<128x128xf32, #tpu.memory_space<vmem>>, vector<1x16xf32>,
      %swap3A_477 = vector.shape_cast %swap3A_476 : vector<1x16xf32> to vector<16xf32>
      %swap3A_478 = vector.shape_cast %get3A_289 : vector<16xf32> to vector<1x16xf32>
      tpu.vector_store %arg18[%swap3A_474, %swap3A_475], %swap3A_478 {add = true, strides = array<i32>} : memref<128x128xf32, #tpu.memory_space<vmem>>, vector<1x16xf32>,
      %swap3A_479 = arith.index_cast %add3A_443 : i32 to index
      %swap3A_480 = arith.constant 112 : index
      %swap3A_481 = tpu.vector_load %arg18[%swap3A_479, %swap3A_480] {strides = array<i32>} : memref<128x128xf32, #tpu.memory_space<vmem>>, vector<1x16xf32>,
      %swap3A_482 = vector.shape_cast %swap3A_481 : vector<1x16xf32> to vector<16xf32>
      %swap3A_483 = vector.shape_cast %get3A_294 : vector<16xf32> to vector<1x16xf32>
      tpu.vector_store %arg18[%swap3A_479, %swap3A_480], %swap3A_483 {add = true, strides = array<i32>} : memref<128x128xf32, #tpu.memory_space<vmem>>, vector<1x16xf32>,
      %mul3A_484 = arith.constant 4 : i32
      %mul3A_485 = arith.muli %scan3A_396, %mul3A_484 : i32
      %add3A_486 = arith.constant 2 : i32
      %add3A_487 = arith.addi %mul3A_485, %add3A_486 : i32
      %swap3A_488 = arith.index_cast %add3A_487 : i32 to index
      %swap3A_489 = arith.constant 0 : index
      %swap3A_490 = tpu.vector_load %arg18[%swap3A_488, %swap3A_489] {strides = array<i32>} : memref<128x128xf32, #tpu.memory_space<vmem>>, vector<1x16xf32>,
      %swap3A_491 = vector.shape_cast %swap3A_490 : vector<1x16xf32> to vector<16xf32>
      %swap3A_492 = vector.shape_cast %get3A_259 : vector<16xf32> to vector<1x16xf32>
      tpu.vector_store %arg18[%swap3A_488, %swap3A_489], %swap3A_492 {add = true, strides = array<i32>} : memref<128x128xf32, #tpu.memory_space<vmem>>, vector<1x16xf32>,
      %swap3A_493 = arith.index_cast %add3A_487 : i32 to index
      %swap3A_494 = arith.constant 16 : index
      %swap3A_495 = tpu.vector_load %arg18[%swap3A_493, %swap3A_494] {strides = array<i32>} : memref<128x128xf32, #tpu.memory_space<vmem>>, vector<1x16xf32>,
      %swap3A_496 = vector.shape_cast %swap3A_495 : vector<1x16xf32> to vector<16xf32>
      %swap3A_497 = vector.shape_cast %get3A_264 : vector<16xf32> to vector<1x16xf32>
      tpu.vector_store %arg18[%swap3A_493, %swap3A_494], %swap3A_497 {add = true, strides = array<i32>} : memref<128x128xf32, #tpu.memory_space<vmem>>, vector<1x16xf32>,
      %swap3A_498 = arith.index_cast %add3A_487 : i32 to index
      %swap3A_499 = arith.constant 32 : index
      %swap3A_500 = tpu.vector_load %arg18[%swap3A_498, %swap3A_499] {strides = array<i32>} : memref<128x128xf32, #tpu.memory_space<vmem>>, vector<1x16xf32>,
      %swap3A_501 = vector.shape_cast %swap3A_500 : vector<1x16xf32> to vector<16xf32>
      %swap3A_502 = vector.shape_cast %get3A_269 : vector<16xf32> to vector<1x16xf32>
      tpu.vector_store %arg18[%swap3A_498, %swap3A_499], %swap3A_502 {add = true, strides = array<i32>} : memref<128x128xf32, #tpu.memory_space<vmem>>, vector<1x16xf32>,
      %swap3A_503 = arith.index_cast %add3A_487 : i32 to index
      %swap3A_504 = arith.constant 48 : index
      %swap3A_505 = tpu.vector_load %arg18[%swap3A_503, %swap3A_504] {strides = array<i32>} : memref<128x128xf32, #tpu.memory_space<vmem>>, vector<1x16xf32>,
      %swap3A_506 = vector.shape_cast %swap3A_505 : vector<1x16xf32> to vector<16xf32>
      %swap3A_507 = vector.shape_cast %get3A_274 : vector<16xf32> to vector<1x16xf32>
      tpu.vector_store %arg18[%swap3A_503, %swap3A_504], %swap3A_507 {add = true, strides = array<i32>} : memref<128x128xf32, #tpu.memory_space<vmem>>, vector<1x16xf32>,
      %swap3A_508 = arith.index_cast %add3A_487 : i32 to index
      %swap3A_509 = arith.constant 64 : index
      %swap3A_510 = tpu.vector_load %arg18[%swap3A_508, %swap3A_509] {strides = array<i32>} : memref<128x128xf32, #tpu.memory_space<vmem>>, vector<1x16xf32>,
      %swap3A_511 = vector.shape_cast %swap3A_510 : vector<1x16xf32> to vector<16xf32>
      %swap3A_512 = vector.shape_cast %get3A_279 : vector<16xf32> to vector<1x16xf32>
      tpu.vector_store %arg18[%swap3A_508, %swap3A_509], %swap3A_512 {add = true, strides = array<i32>} : memref<128x128xf32, #tpu.memory_space<vmem>>, vector<1x16xf32>,
      %swap3A_513 = arith.index_cast %add3A_487 : i32 to index
      %swap3A_514 = arith.constant 80 : index
      %swap3A_515 = tpu.vector_load %arg18[%swap3A_513, %swap3A_514] {strides = array<i32>} : memref<128x128xf32, #tpu.memory_space<vmem>>, vector<1x16xf32>,
      %swap3A_516 = vector.shape_cast %swap3A_515 : vector<1x16xf32> to vector<16xf32>
      %swap3A_517 = vector.shape_cast %get3A_284 : vector<16xf32> to vector<1x16xf32>
      tpu.vector_store %arg18[%swap3A_513, %swap3A_514], %swap3A_517 {add = true, strides = array<i32>} : memref<128x128xf32, #tpu.memory_space<vmem>>, vector<1x16xf32>,
      %swap3A_518 = arith.index_cast %add3A_487 : i32 to index
      %swap3A_519 = arith.constant 96 : index
      %swap3A_520 = tpu.vector_load %arg18[%swap3A_518, %swap3A_519] {strides = array<i32>} : memref<128x128xf32, #tpu.memory_space<vmem>>, vector<1x16xf32>,
      %swap3A_521 = vector.shape_cast %swap3A_520 : vector<1x16xf32> to vector<16xf32>
      %swap3A_522 = vector.shape_cast %get3A_289 : vector<16xf32> to vector<1x16xf32>
      tpu.vector_store %arg18[%swap3A_518, %swap3A_519], %swap3A_522 {add = true, strides = array<i32>} : memref<128x128xf32, #tpu.memory_space<vmem>>, vector<1x16xf32>,
      %swap3A_523 = arith.index_cast %add3A_487 : i32 to index
      %swap3A_524 = arith.constant 112 : index
      %swap3A_525 = tpu.vector_load %arg18[%swap3A_523, %swap3A_524] {strides = array<i32>} : memref<128x128xf32, #tpu.memory_space<vmem>>, vector<1x16xf32>,
      %swap3A_526 = vector.shape_cast %swap3A_525 : vector<1x16xf32> to vector<16xf32>
      %swap3A_527 = vector.shape_cast %get3A_294 : vector<16xf32> to vector<1x16xf32>
      tpu.vector_store %arg18[%swap3A_523, %swap3A_524], %swap3A_527 {add = true, strides = array<i32>} : memref<128x128xf32, #tpu.memory_space<vmem>>, vector<1x16xf32>,
      %mul3A_528 = arith.constant 4 : i32
      %mul3A_529 = arith.muli %scan3A_396, %mul3A_528 : i32
      %add3A_530 = arith.constant 3 : i32
      %add3A_531 = arith.addi %mul3A_529, %add3A_530 : i32
      %swap3A_532 = arith.index_cast %add3A_531 : i32 to index
      %swap3A_533 = arith.constant 0 : index
      %swap3A_534 = tpu.vector_load %arg18[%swap3A_532, %swap3A_533] {strides = array<i32>} : memref<128x128xf32, #tpu.memory_space<vmem>>, vector<1x16xf32>,
      %swap3A_535 = vector.shape_cast %swap3A_534 : vector<1x16xf32> to vector<16xf32>
      %swap3A_536 = vector.shape_cast %get3A_259 : vector<16xf32> to vector<1x16xf32>
      tpu.vector_store %arg18[%swap3A_532, %swap3A_533], %swap3A_536 {add = true, strides = array<i32>} : memref<128x128xf32, #tpu.memory_space<vmem>>, vector<1x16xf32>,
      %swap3A_537 = arith.index_cast %add3A_531 : i32 to index
      %swap3A_538 = arith.constant 16 : index
      %swap3A_539 = tpu.vector_load %arg18[%swap3A_537, %swap3A_538] {strides = array<i32>} : memref<128x128xf32, #tpu.memory_space<vmem>>, vector<1x16xf32>,
      %swap3A_540 = vector.shape_cast %swap3A_539 : vector<1x16xf32> to vector<16xf32>
      %swap3A_541 = vector.shape_cast %get3A_264 : vector<16xf32> to vector<1x16xf32>
      tpu.vector_store %arg18[%swap3A_537, %swap3A_538], %swap3A_541 {add = true, strides = array<i32>} : memref<128x128xf32, #tpu.memory_space<vmem>>, vector<1x16xf32>,
      %swap3A_542 = arith.index_cast %add3A_531 : i32 to index
      %swap3A_543 = arith.constant 32 : index
      %swap3A_544 = tpu.vector_load %arg18[%swap3A_542, %swap3A_543] {strides = array<i32>} : memref<128x128xf32, #tpu.memory_space<vmem>>, vector<1x16xf32>,
      %swap3A_545 = vector.shape_cast %swap3A_544 : vector<1x16xf32> to vector<16xf32>
      %swap3A_546 = vector.shape_cast %get3A_269 : vector<16xf32> to vector<1x16xf32>
      tpu.vector_store %arg18[%swap3A_542, %swap3A_543], %swap3A_546 {add = true, strides = array<i32>} : memref<128x128xf32, #tpu.memory_space<vmem>>, vector<1x16xf32>,
      %swap3A_547 = arith.index_cast %add3A_531 : i32 to index
      %swap3A_548 = arith.constant 48 : index
      %swap3A_549 = tpu.vector_load %arg18[%swap3A_547, %swap3A_548] {strides = array<i32>} : memref<128x128xf32, #tpu.memory_space<vmem>>, vector<1x16xf32>,
      %swap3A_550 = vector.shape_cast %swap3A_549 : vector<1x16xf32> to vector<16xf32>
      %swap3A_551 = vector.shape_cast %get3A_274 : vector<16xf32> to vector<1x16xf32>
      tpu.vector_store %arg18[%swap3A_547, %swap3A_548], %swap3A_551 {add = true, strides = array<i32>} : memref<128x128xf32, #tpu.memory_space<vmem>>, vector<1x16xf32>,
      %swap3A_552 = arith.index_cast %add3A_531 : i32 to index
      %swap3A_553 = arith.constant 64 : index
      %swap3A_554 = tpu.vector_load %arg18[%swap3A_552, %swap3A_553] {strides = array<i32>} : memref<128x128xf32, #tpu.memory_space<vmem>>, vector<1x16xf32>,
      %swap3A_555 = vector.shape_cast %swap3A_554 : vector<1x16xf32> to vector<16xf32>
      %swap3A_556 = vector.shape_cast %get3A_279 : vector<16xf32> to vector<1x16xf32>
      tpu.vector_store %arg18[%swap3A_552, %swap3A_553], %swap3A_556 {add = true, strides = array<i32>} : memref<128x128xf32, #tpu.memory_space<vmem>>, vector<1x16xf32>,
      %swap3A_557 = arith.index_cast %add3A_531 : i32 to index
      %swap3A_558 = arith.constant 80 : index
      %swap3A_559 = tpu.vector_load %arg18[%swap3A_557, %swap3A_558] {strides = array<i32>} : memref<128x128xf32, #tpu.memory_space<vmem>>, vector<1x16xf32>,
      %swap3A_560 = vector.shape_cast %swap3A_559 : vector<1x16xf32> to vector<16xf32>
      %swap3A_561 = vector.shape_cast %get3A_284 : vector<16xf32> to vector<1x16xf32>
      tpu.vector_store %arg18[%swap3A_557, %swap3A_558], %swap3A_561 {add = true, strides = array<i32>} : memref<128x128xf32, #tpu.memory_space<vmem>>, vector<1x16xf32>,
      %swap3A_562 = arith.index_cast %add3A_531 : i32 to index
      %swap3A_563 = arith.constant 96 : index
      %swap3A_564 = tpu.vector_load %arg18[%swap3A_562, %swap3A_563] {strides = array<i32>} : memref<128x128xf32, #tpu.memory_space<vmem>>, vector<1x16xf32>,
      %swap3A_565 = vector.shape_cast %swap3A_564 : vector<1x16xf32> to vector<16xf32>
      %swap3A_566 = vector.shape_cast %get3A_289 : vector<16xf32> to vector<1x16xf32>
      tpu.vector_store %arg18[%swap3A_562, %swap3A_563], %swap3A_566 {add = true, strides = array<i32>} : memref<128x128xf32, #tpu.memory_space<vmem>>, vector<1x16xf32>,
      %swap3A_567 = arith.index_cast %add3A_531 : i32 to index
      %swap3A_568 = arith.constant 112 : index
      %swap3A_569 = tpu.vector_load %arg18[%swap3A_567, %swap3A_568] {strides = array<i32>} : memref<128x128xf32, #tpu.memory_space<vmem>>, vector<1x16xf32>,
      %swap3A_570 = vector.shape_cast %swap3A_569 : vector<1x16xf32> to vector<16xf32>
      %swap3A_571 = vector.shape_cast %get3A_294 : vector<16xf32> to vector<1x16xf32>
      tpu.vector_store %arg18[%swap3A_567, %swap3A_568], %swap3A_571 {add = true, strides = array<i32>} : memref<128x128xf32, #tpu.memory_space<vmem>>, vector<1x16xf32>,
    }
    %scan3A_300 = arith.constant 32 : i32
    %dma_start3A_301 = arith.constant 123 : i32
    %dma_start3A_302 = arith.constant 0 : i32
    %dma_start3A_303 = tpu.memref_slice %arg8[%dma_start3A_301, %mul3A_2, %dma_start3A_302] : memref<125x4096x128xf32, #tpu.memory_space<hbm>> -> memref<1x128x128xf32, #tpu.memory_space<hbm>>
    %dma_start3A_304 = tpu.memref_squeeze %dma_start3A_303 : memref<1x128x128xf32, #tpu.memory_space<hbm>> -> memref<128x128xf32, #tpu.memory_space<hbm>>
    %dma_start3A_305 = arith.constant 0 : i32
    %dma_start3A_306 = tpu.memref_slice %arg8[%dma_start3A_301, %mul3A_2, %dma_start3A_305] : memref<125x4096x128xf32, #tpu.memory_space<hbm>> -> memref<1x128x128xf32, #tpu.memory_space<hbm>>
    %dma_start3A_307 = tpu.memref_squeeze %dma_start3A_306 : memref<1x128x128xf32, #tpu.memory_space<hbm>> -> memref<128x128xf32, #tpu.memory_space<hbm>>
    tpu.enqueue_dma source(%arg18 : memref<128x128xf32, #tpu.memory_space<vmem>>) target(%dma_start3A_307 : memref<128x128xf32, #tpu.memory_space<hbm>>) target_semaphore(%arg27 : memref<!tpu.dma_semaphore, #tpu.memory_space<semaphore_mem>>)
    %dma_wait3A_308 = arith.constant 124 : i32
    %dma_wait3A_309 = arith.constant 0 : i32
    %dma_wait3A_310 = tpu.memref_slice %arg12[%dma_wait3A_308, %dma_wait3A_309] : memref<125x128xi32, #tpu.memory_space<vmem>> -> memref<1x128xi32, #tpu.memory_space<vmem>>
    %dma_wait3A_311 = tpu.memref_squeeze %dma_wait3A_310 : memref<1x128xi32, #tpu.memory_space<vmem>> -> memref<128xi32, #tpu.memory_space<vmem>>
    %dma_wait3A_312 = arith.constant 0 : i32
    %dma_wait3A_313 = arith.constant 0 : i32
    %dma_wait3A_314 = tpu.memref_slice %arg11[%dma_wait3A_312, %dma_wait3A_313] : memref<1000x128xf32, #tpu.memory_space<vmem_shared>> -> memref<1000x128xf32, #tpu.memory_space<vmem_shared>>
    tpu.wait_indirect_dma semaphore(%arg20 : memref<!tpu.dma_semaphore, #tpu.memory_space<semaphore_mem>>) src(%dma_wait3A_314 : memref<1000x128xf32, #tpu.memory_space<vmem_shared>>) dst(%arg15 : memref<128x128xf32, #tpu.memory_space<vmem>>)
    %get3A_315 = arith.constant 124 : i32
    %get3A_316 = arith.index_cast %get3A_315 : i32 to index
    %get3A_317 = arith.constant 0 : index
    %get3A_318 = tpu.vector_load %arg13[%get3A_316, %get3A_317] {strides = array<i32>} : memref<125x128xf32, #tpu.memory_space<vmem>>, vector<1x16xf32>,
    %get3A_319 = vector.shape_cast %get3A_318 : vector<1x16xf32> to vector<16xf32>
    %get3A_320 = arith.constant 124 : i32
    %get3A_321 = arith.index_cast %get3A_320 : i32 to index
    %get3A_322 = arith.constant 16 : index
    %get3A_323 = tpu.vector_load %arg13[%get3A_321, %get3A_322] {strides = array<i32>} : memref<125x128xf32, #tpu.memory_space<vmem>>, vector<1x16xf32>,
    %get3A_324 = vector.shape_cast %get3A_323 : vector<1x16xf32> to vector<16xf32>
    %get3A_325 = arith.constant 124 : i32
    %get3A_326 = arith.index_cast %get3A_325 : i32 to index
    %get3A_327 = arith.constant 32 : index
    %get3A_328 = tpu.vector_load %arg13[%get3A_326, %get3A_327] {strides = array<i32>} : memref<125x128xf32, #tpu.memory_space<vmem>>, vector<1x16xf32>,
    %get3A_329 = vector.shape_cast %get3A_328 : vector<1x16xf32> to vector<16xf32>
    %get3A_330 = arith.constant 124 : i32
    %get3A_331 = arith.index_cast %get3A_330 : i32 to index
    %get3A_332 = arith.constant 48 : index
    %get3A_333 = tpu.vector_load %arg13[%get3A_331, %get3A_332] {strides = array<i32>} : memref<125x128xf32, #tpu.memory_space<vmem>>, vector<1x16xf32>,
    %get3A_334 = vector.shape_cast %get3A_333 : vector<1x16xf32> to vector<16xf32>
    %get3A_335 = arith.constant 124 : i32
    %get3A_336 = arith.index_cast %get3A_335 : i32 to index
    %get3A_337 = arith.constant 64 : index
    %get3A_338 = tpu.vector_load %arg13[%get3A_336, %get3A_337] {strides = array<i32>} : memref<125x128xf32, #tpu.memory_space<vmem>>, vector<1x16xf32>,
    %get3A_339 = vector.shape_cast %get3A_338 : vector<1x16xf32> to vector<16xf32>
    %get3A_340 = arith.constant 124 : i32
    %get3A_341 = arith.index_cast %get3A_340 : i32 to index
    %get3A_342 = arith.constant 80 : index
    %get3A_343 = tpu.vector_load %arg13[%get3A_341, %get3A_342] {strides = array<i32>} : memref<125x128xf32, #tpu.memory_space<vmem>>, vector<1x16xf32>,
    %get3A_344 = vector.shape_cast %get3A_343 : vector<1x16xf32> to vector<16xf32>
    %get3A_345 = arith.constant 124 : i32
    %get3A_346 = arith.index_cast %get3A_345 : i32 to index
    %get3A_347 = arith.constant 96 : index
    %get3A_348 = tpu.vector_load %arg13[%get3A_346, %get3A_347] {strides = array<i32>} : memref<125x128xf32, #tpu.memory_space<vmem>>, vector<1x16xf32>,
    %get3A_349 = vector.shape_cast %get3A_348 : vector<1x16xf32> to vector<16xf32>
    %get3A_350 = arith.constant 124 : i32
    %get3A_351 = arith.index_cast %get3A_350 : i32 to index
    %get3A_352 = arith.constant 112 : index
    %get3A_353 = tpu.vector_load %arg13[%get3A_351, %get3A_352] {strides = array<i32>} : memref<125x128xf32, #tpu.memory_space<vmem>>, vector<1x16xf32>,
    %get3A_354 = vector.shape_cast %get3A_353 : vector<1x16xf32> to vector<16xf32>
    %scan3A_355 = arith.constant 0 : i32
    %scan3A_356 = arith.constant 0 : i32
    %scan3A_357 = arith.constant 32 : i32
    %scan3A_358 = arith.addi %scan3A_356, %scan3A_357 : i32
    %scan3A_359 = arith.constant 1 : i32
    scf.for %scan3A_396 = %scan3A_356 to %scan3A_358 step %scan3A_359  : i32 {
      %mul3A_397 = arith.constant 4 : i32
      %mul3A_398 = arith.muli %scan3A_396, %mul3A_397 : i32
      %add3A_399 = arith.constant 0 : i32
      %add3A_400 = arith.addi %mul3A_398, %add3A_399 : i32
      %swap3A = arith.index_cast %add3A_400 : i32 to index
      %swap3A_401 = arith.constant 0 : index
      %swap3A_402 = tpu.vector_load %arg15[%swap3A, %swap3A_401] {strides = array<i32>} : memref<128x128xf32, #tpu.memory_space<vmem>>, vector<1x16xf32>,
      %swap3A_403 = vector.shape_cast %swap3A_402 : vector<1x16xf32> to vector<16xf32>
      %swap3A_404 = vector.shape_cast %get3A_319 : vector<16xf32> to vector<1x16xf32>
      tpu.vector_store %arg15[%swap3A, %swap3A_401], %swap3A_404 {add = true, strides = array<i32>} : memref<128x128xf32, #tpu.memory_space<vmem>>, vector<1x16xf32>,
      %swap3A_405 = arith.index_cast %add3A_400 : i32 to index
      %swap3A_406 = arith.constant 16 : index
      %swap3A_407 = tpu.vector_load %arg15[%swap3A_405, %swap3A_406] {strides = array<i32>} : memref<128x128xf32, #tpu.memory_space<vmem>>, vector<1x16xf32>,
      %swap3A_408 = vector.shape_cast %swap3A_407 : vector<1x16xf32> to vector<16xf32>
      %swap3A_409 = vector.shape_cast %get3A_324 : vector<16xf32> to vector<1x16xf32>
      tpu.vector_store %arg15[%swap3A_405, %swap3A_406], %swap3A_409 {add = true, strides = array<i32>} : memref<128x128xf32, #tpu.memory_space<vmem>>, vector<1x16xf32>,
      %swap3A_410 = arith.index_cast %add3A_400 : i32 to index
      %swap3A_411 = arith.constant 32 : index
      %swap3A_412 = tpu.vector_load %arg15[%swap3A_410, %swap3A_411] {strides = array<i32>} : memref<128x128xf32, #tpu.memory_space<vmem>>, vector<1x16xf32>,
      %swap3A_413 = vector.shape_cast %swap3A_412 : vector<1x16xf32> to vector<16xf32>
      %swap3A_414 = vector.shape_cast %get3A_329 : vector<16xf32> to vector<1x16xf32>
      tpu.vector_store %arg15[%swap3A_410, %swap3A_411], %swap3A_414 {add = true, strides = array<i32>} : memref<128x128xf32, #tpu.memory_space<vmem>>, vector<1x16xf32>,
      %swap3A_415 = arith.index_cast %add3A_400 : i32 to index
      %swap3A_416 = arith.constant 48 : index
      %swap3A_417 = tpu.vector_load %arg15[%swap3A_415, %swap3A_416] {strides = array<i32>} : memref<128x128xf32, #tpu.memory_space<vmem>>, vector<1x16xf32>,
      %swap3A_418 = vector.shape_cast %swap3A_417 : vector<1x16xf32> to vector<16xf32>
      %swap3A_419 = vector.shape_cast %get3A_334 : vector<16xf32> to vector<1x16xf32>
      tpu.vector_store %arg15[%swap3A_415, %swap3A_416], %swap3A_419 {add = true, strides = array<i32>} : memref<128x128xf32, #tpu.memory_space<vmem>>, vector<1x16xf32>,
      %swap3A_420 = arith.index_cast %add3A_400 : i32 to index
      %swap3A_421 = arith.constant 64 : index
      %swap3A_422 = tpu.vector_load %arg15[%swap3A_420, %swap3A_421] {strides = array<i32>} : memref<128x128xf32, #tpu.memory_space<vmem>>, vector<1x16xf32>,
      %swap3A_423 = vector.shape_cast %swap3A_422 : vector<1x16xf32> to vector<16xf32>
      %swap3A_424 = vector.shape_cast %get3A_339 : vector<16xf32> to vector<1x16xf32>
      tpu.vector_store %arg15[%swap3A_420, %swap3A_421], %swap3A_424 {add = true, strides = array<i32>} : memref<128x128xf32, #tpu.memory_space<vmem>>, vector<1x16xf32>,
      %swap3A_425 = arith.index_cast %add3A_400 : i32 to index
      %swap3A_426 = arith.constant 80 : index
      %swap3A_427 = tpu.vector_load %arg15[%swap3A_425, %swap3A_426] {strides = array<i32>} : memref<128x128xf32, #tpu.memory_space<vmem>>, vector<1x16xf32>,
      %swap3A_428 = vector.shape_cast %swap3A_427 : vector<1x16xf32> to vector<16xf32>
      %swap3A_429 = vector.shape_cast %get3A_344 : vector<16xf32> to vector<1x16xf32>
      tpu.vector_store %arg15[%swap3A_425, %swap3A_426], %swap3A_429 {add = true, strides = array<i32>} : memref<128x128xf32, #tpu.memory_space<vmem>>, vector<1x16xf32>,
      %swap3A_430 = arith.index_cast %add3A_400 : i32 to index
      %swap3A_431 = arith.constant 96 : index
      %swap3A_432 = tpu.vector_load %arg15[%swap3A_430, %swap3A_431] {strides = array<i32>} : memref<128x128xf32, #tpu.memory_space<vmem>>, vector<1x16xf32>,
      %swap3A_433 = vector.shape_cast %swap3A_432 : vector<1x16xf32> to vector<16xf32>
      %swap3A_434 = vector.shape_cast %get3A_349 : vector<16xf32> to vector<1x16xf32>
      tpu.vector_store %arg15[%swap3A_430, %swap3A_431], %swap3A_434 {add = true, strides = array<i32>} : memref<128x128xf32, #tpu.memory_space<vmem>>, vector<1x16xf32>,
      %swap3A_435 = arith.index_cast %add3A_400 : i32 to index
      %swap3A_436 = arith.constant 112 : index
      %swap3A_437 = tpu.vector_load %arg15[%swap3A_435, %swap3A_436] {strides = array<i32>} : memref<128x128xf32, #tpu.memory_space<vmem>>, vector<1x16xf32>,
      %swap3A_438 = vector.shape_cast %swap3A_437 : vector<1x16xf32> to vector<16xf32>
      %swap3A_439 = vector.shape_cast %get3A_354 : vector<16xf32> to vector<1x16xf32>
      tpu.vector_store %arg15[%swap3A_435, %swap3A_436], %swap3A_439 {add = true, strides = array<i32>} : memref<128x128xf32, #tpu.memory_space<vmem>>, vector<1x16xf32>,
      %mul3A_440 = arith.constant 4 : i32
      %mul3A_441 = arith.muli %scan3A_396, %mul3A_440 : i32
      %add3A_442 = arith.constant 1 : i32
      %add3A_443 = arith.addi %mul3A_441, %add3A_442 : i32
      %swap3A_444 = arith.index_cast %add3A_443 : i32 to index
      %swap3A_445 = arith.constant 0 : index
      %swap3A_446 = tpu.vector_load %arg15[%swap3A_444, %swap3A_445] {strides = array<i32>} : memref<128x128xf32, #tpu.memory_space<vmem>>, vector<1x16xf32>,
      %swap3A_447 = vector.shape_cast %swap3A_446 : vector<1x16xf32> to vector<16xf32>
      %swap3A_448 = vector.shape_cast %get3A_319 : vector<16xf32> to vector<1x16xf32>
      tpu.vector_store %arg15[%swap3A_444, %swap3A_445], %swap3A_448 {add = true, strides = array<i32>} : memref<128x128xf32, #tpu.memory_space<vmem>>, vector<1x16xf32>,
      %swap3A_449 = arith.index_cast %add3A_443 : i32 to index
      %swap3A_450 = arith.constant 16 : index
      %swap3A_451 = tpu.vector_load %arg15[%swap3A_449, %swap3A_450] {strides = array<i32>} : memref<128x128xf32, #tpu.memory_space<vmem>>, vector<1x16xf32>,
      %swap3A_452 = vector.shape_cast %swap3A_451 : vector<1x16xf32> to vector<16xf32>
      %swap3A_453 = vector.shape_cast %get3A_324 : vector<16xf32> to vector<1x16xf32>
      tpu.vector_store %arg15[%swap3A_449, %swap3A_450], %swap3A_453 {add = true, strides = array<i32>} : memref<128x128xf32, #tpu.memory_space<vmem>>, vector<1x16xf32>,
      %swap3A_454 = arith.index_cast %add3A_443 : i32 to index
      %swap3A_455 = arith.constant 32 : index
      %swap3A_456 = tpu.vector_load %arg15[%swap3A_454, %swap3A_455] {strides = array<i32>} : memref<128x128xf32, #tpu.memory_space<vmem>>, vector<1x16xf32>,
      %swap3A_457 = vector.shape_cast %swap3A_456 : vector<1x16xf32> to vector<16xf32>
      %swap3A_458 = vector.shape_cast %get3A_329 : vector<16xf32> to vector<1x16xf32>
      tpu.vector_store %arg15[%swap3A_454, %swap3A_455], %swap3A_458 {add = true, strides = array<i32>} : memref<128x128xf32, #tpu.memory_space<vmem>>, vector<1x16xf32>,
      %swap3A_459 = arith.index_cast %add3A_443 : i32 to index
      %swap3A_460 = arith.constant 48 : index
      %swap3A_461 = tpu.vector_load %arg15[%swap3A_459, %swap3A_460] {strides = array<i32>} : memref<128x128xf32, #tpu.memory_space<vmem>>, vector<1x16xf32>,
      %swap3A_462 = vector.shape_cast %swap3A_461 : vector<1x16xf32> to vector<16xf32>
      %swap3A_463 = vector.shape_cast %get3A_334 : vector<16xf32> to vector<1x16xf32>
      tpu.vector_store %arg15[%swap3A_459, %swap3A_460], %swap3A_463 {add = true, strides = array<i32>} : memref<128x128xf32, #tpu.memory_space<vmem>>, vector<1x16xf32>,
      %swap3A_464 = arith.index_cast %add3A_443 : i32 to index
      %swap3A_465 = arith.constant 64 : index
      %swap3A_466 = tpu.vector_load %arg15[%swap3A_464, %swap3A_465] {strides = array<i32>} : memref<128x128xf32, #tpu.memory_space<vmem>>, vector<1x16xf32>,
      %swap3A_467 = vector.shape_cast %swap3A_466 : vector<1x16xf32> to vector<16xf32>
      %swap3A_468 = vector.shape_cast %get3A_339 : vector<16xf32> to vector<1x16xf32>
      tpu.vector_store %arg15[%swap3A_464, %swap3A_465], %swap3A_468 {add = true, strides = array<i32>} : memref<128x128xf32, #tpu.memory_space<vmem>>, vector<1x16xf32>,
      %swap3A_469 = arith.index_cast %add3A_443 : i32 to index
      %swap3A_470 = arith.constant 80 : index
      %swap3A_471 = tpu.vector_load %arg15[%swap3A_469, %swap3A_470] {strides = array<i32>} : memref<128x128xf32, #tpu.memory_space<vmem>>, vector<1x16xf32>,
      %swap3A_472 = vector.shape_cast %swap3A_471 : vector<1x16xf32> to vector<16xf32>
      %swap3A_473 = vector.shape_cast %get3A_344 : vector<16xf32> to vector<1x16xf32>
      tpu.vector_store %arg15[%swap3A_469, %swap3A_470], %swap3A_473 {add = true, strides = array<i32>} : memref<128x128xf32, #tpu.memory_space<vmem>>, vector<1x16xf32>,
      %swap3A_474 = arith.index_cast %add3A_443 : i32 to index
      %swap3A_475 = arith.constant 96 : index
      %swap3A_476 = tpu.vector_load %arg15[%swap3A_474, %swap3A_475] {strides = array<i32>} : memref<128x128xf32, #tpu.memory_space<vmem>>, vector<1x16xf32>,
      %swap3A_477 = vector.shape_cast %swap3A_476 : vector<1x16xf32> to vector<16xf32>
      %swap3A_478 = vector.shape_cast %get3A_349 : vector<16xf32> to vector<1x16xf32>
      tpu.vector_store %arg15[%swap3A_474, %swap3A_475], %swap3A_478 {add = true, strides = array<i32>} : memref<128x128xf32, #tpu.memory_space<vmem>>, vector<1x16xf32>,
      %swap3A_479 = arith.index_cast %add3A_443 : i32 to index
      %swap3A_480 = arith.constant 112 : index
      %swap3A_481 = tpu.vector_load %arg15[%swap3A_479, %swap3A_480] {strides = array<i32>} : memref<128x128xf32, #tpu.memory_space<vmem>>, vector<1x16xf32>,
      %swap3A_482 = vector.shape_cast %swap3A_481 : vector<1x16xf32> to vector<16xf32>
      %swap3A_483 = vector.shape_cast %get3A_354 : vector<16xf32> to vector<1x16xf32>
      tpu.vector_store %arg15[%swap3A_479, %swap3A_480], %swap3A_483 {add = true, strides = array<i32>} : memref<128x128xf32, #tpu.memory_space<vmem>>, vector<1x16xf32>,
      %mul3A_484 = arith.constant 4 : i32
      %mul3A_485 = arith.muli %scan3A_396, %mul3A_484 : i32
      %add3A_486 = arith.constant 2 : i32
      %add3A_487 = arith.addi %mul3A_485, %add3A_486 : i32
      %swap3A_488 = arith.index_cast %add3A_487 : i32 to index
      %swap3A_489 = arith.constant 0 : index
      %swap3A_490 = tpu.vector_load %arg15[%swap3A_488, %swap3A_489] {strides = array<i32>} : memref<128x128xf32, #tpu.memory_space<vmem>>, vector<1x16xf32>,
      %swap3A_491 = vector.shape_cast %swap3A_490 : vector<1x16xf32> to vector<16xf32>
      %swap3A_492 = vector.shape_cast %get3A_319 : vector<16xf32> to vector<1x16xf32>
      tpu.vector_store %arg15[%swap3A_488, %swap3A_489], %swap3A_492 {add = true, strides = array<i32>} : memref<128x128xf32, #tpu.memory_space<vmem>>, vector<1x16xf32>,
      %swap3A_493 = arith.index_cast %add3A_487 : i32 to index
      %swap3A_494 = arith.constant 16 : index
      %swap3A_495 = tpu.vector_load %arg15[%swap3A_493, %swap3A_494] {strides = array<i32>} : memref<128x128xf32, #tpu.memory_space<vmem>>, vector<1x16xf32>,
      %swap3A_496 = vector.shape_cast %swap3A_495 : vector<1x16xf32> to vector<16xf32>
      %swap3A_497 = vector.shape_cast %get3A_324 : vector<16xf32> to vector<1x16xf32>
      tpu.vector_store %arg15[%swap3A_493, %swap3A_494], %swap3A_497 {add = true, strides = array<i32>} : memref<128x128xf32, #tpu.memory_space<vmem>>, vector<1x16xf32>,
      %swap3A_498 = arith.index_cast %add3A_487 : i32 to index
      %swap3A_499 = arith.constant 32 : index
      %swap3A_500 = tpu.vector_load %arg15[%swap3A_498, %swap3A_499] {strides = array<i32>} : memref<128x128xf32, #tpu.memory_space<vmem>>, vector<1x16xf32>,
      %swap3A_501 = vector.shape_cast %swap3A_500 : vector<1x16xf32> to vector<16xf32>
      %swap3A_502 = vector.shape_cast %get3A_329 : vector<16xf32> to vector<1x16xf32>
      tpu.vector_store %arg15[%swap3A_498, %swap3A_499], %swap3A_502 {add = true, strides = array<i32>} : memref<128x128xf32, #tpu.memory_space<vmem>>, vector<1x16xf32>,
      %swap3A_503 = arith.index_cast %add3A_487 : i32 to index
      %swap3A_504 = arith.constant 48 : index
      %swap3A_505 = tpu.vector_load %arg15[%swap3A_503, %swap3A_504] {strides = array<i32>} : memref<128x128xf32, #tpu.memory_space<vmem>>, vector<1x16xf32>,
      %swap3A_506 = vector.shape_cast %swap3A_505 : vector<1x16xf32> to vector<16xf32>
      %swap3A_507 = vector.shape_cast %get3A_334 : vector<16xf32> to vector<1x16xf32>
      tpu.vector_store %arg15[%swap3A_503, %swap3A_504], %swap3A_507 {add = true, strides = array<i32>} : memref<128x128xf32, #tpu.memory_space<vmem>>, vector<1x16xf32>,
      %swap3A_508 = arith.index_cast %add3A_487 : i32 to index
      %swap3A_509 = arith.constant 64 : index
      %swap3A_510 = tpu.vector_load %arg15[%swap3A_508, %swap3A_509] {strides = array<i32>} : memref<128x128xf32, #tpu.memory_space<vmem>>, vector<1x16xf32>,
      %swap3A_511 = vector.shape_cast %swap3A_510 : vector<1x16xf32> to vector<16xf32>
      %swap3A_512 = vector.shape_cast %get3A_339 : vector<16xf32> to vector<1x16xf32>
      tpu.vector_store %arg15[%swap3A_508, %swap3A_509], %swap3A_512 {add = true, strides = array<i32>} : memref<128x128xf32, #tpu.memory_space<vmem>>, vector<1x16xf32>,
      %swap3A_513 = arith.index_cast %add3A_487 : i32 to index
      %swap3A_514 = arith.constant 80 : index
      %swap3A_515 = tpu.vector_load %arg15[%swap3A_513, %swap3A_514] {strides = array<i32>} : memref<128x128xf32, #tpu.memory_space<vmem>>, vector<1x16xf32>,
      %swap3A_516 = vector.shape_cast %swap3A_515 : vector<1x16xf32> to vector<16xf32>
      %swap3A_517 = vector.shape_cast %get3A_344 : vector<16xf32> to vector<1x16xf32>
      tpu.vector_store %arg15[%swap3A_513, %swap3A_514], %swap3A_517 {add = true, strides = array<i32>} : memref<128x128xf32, #tpu.memory_space<vmem>>, vector<1x16xf32>,
      %swap3A_518 = arith.index_cast %add3A_487 : i32 to index
      %swap3A_519 = arith.constant 96 : index
      %swap3A_520 = tpu.vector_load %arg15[%swap3A_518, %swap3A_519] {strides = array<i32>} : memref<128x128xf32, #tpu.memory_space<vmem>>, vector<1x16xf32>,
      %swap3A_521 = vector.shape_cast %swap3A_520 : vector<1x16xf32> to vector<16xf32>
      %swap3A_522 = vector.shape_cast %get3A_349 : vector<16xf32> to vector<1x16xf32>
      tpu.vector_store %arg15[%swap3A_518, %swap3A_519], %swap3A_522 {add = true, strides = array<i32>} : memref<128x128xf32, #tpu.memory_space<vmem>>, vector<1x16xf32>,
      %swap3A_523 = arith.index_cast %add3A_487 : i32 to index
      %swap3A_524 = arith.constant 112 : index
      %swap3A_525 = tpu.vector_load %arg15[%swap3A_523, %swap3A_524] {strides = array<i32>} : memref<128x128xf32, #tpu.memory_space<vmem>>, vector<1x16xf32>,
      %swap3A_526 = vector.shape_cast %swap3A_525 : vector<1x16xf32> to vector<16xf32>
      %swap3A_527 = vector.shape_cast %get3A_354 : vector<16xf32> to vector<1x16xf32>
      tpu.vector_store %arg15[%swap3A_523, %swap3A_524], %swap3A_527 {add = true, strides = array<i32>} : memref<128x128xf32, #tpu.memory_space<vmem>>, vector<1x16xf32>,
      %mul3A_528 = arith.constant 4 : i32
      %mul3A_529 = arith.muli %scan3A_396, %mul3A_528 : i32
      %add3A_530 = arith.constant 3 : i32
      %add3A_531 = arith.addi %mul3A_529, %add3A_530 : i32
      %swap3A_532 = arith.index_cast %add3A_531 : i32 to index
      %swap3A_533 = arith.constant 0 : index
      %swap3A_534 = tpu.vector_load %arg15[%swap3A_532, %swap3A_533] {strides = array<i32>} : memref<128x128xf32, #tpu.memory_space<vmem>>, vector<1x16xf32>,
      %swap3A_535 = vector.shape_cast %swap3A_534 : vector<1x16xf32> to vector<16xf32>
      %swap3A_536 = vector.shape_cast %get3A_319 : vector<16xf32> to vector<1x16xf32>
      tpu.vector_store %arg15[%swap3A_532, %swap3A_533], %swap3A_536 {add = true, strides = array<i32>} : memref<128x128xf32, #tpu.memory_space<vmem>>, vector<1x16xf32>,
      %swap3A_537 = arith.index_cast %add3A_531 : i32 to index
      %swap3A_538 = arith.constant 16 : index
      %swap3A_539 = tpu.vector_load %arg15[%swap3A_537, %swap3A_538] {strides = array<i32>} : memref<128x128xf32, #tpu.memory_space<vmem>>, vector<1x16xf32>,
      %swap3A_540 = vector.shape_cast %swap3A_539 : vector<1x16xf32> to vector<16xf32>
      %swap3A_541 = vector.shape_cast %get3A_324 : vector<16xf32> to vector<1x16xf32>
      tpu.vector_store %arg15[%swap3A_537, %swap3A_538], %swap3A_541 {add = true, strides = array<i32>} : memref<128x128xf32, #tpu.memory_space<vmem>>, vector<1x16xf32>,
      %swap3A_542 = arith.index_cast %add3A_531 : i32 to index
      %swap3A_543 = arith.constant 32 : index
      %swap3A_544 = tpu.vector_load %arg15[%swap3A_542, %swap3A_543] {strides = array<i32>} : memref<128x128xf32, #tpu.memory_space<vmem>>, vector<1x16xf32>,
      %swap3A_545 = vector.shape_cast %swap3A_544 : vector<1x16xf32> to vector<16xf32>
      %swap3A_546 = vector.shape_cast %get3A_329 : vector<16xf32> to vector<1x16xf32>
      tpu.vector_store %arg15[%swap3A_542, %swap3A_543], %swap3A_546 {add = true, strides = array<i32>} : memref<128x128xf32, #tpu.memory_space<vmem>>, vector<1x16xf32>,
      %swap3A_547 = arith.index_cast %add3A_531 : i32 to index
      %swap3A_548 = arith.constant 48 : index
      %swap3A_549 = tpu.vector_load %arg15[%swap3A_547, %swap3A_548] {strides = array<i32>} : memref<128x128xf32, #tpu.memory_space<vmem>>, vector<1x16xf32>,
      %swap3A_550 = vector.shape_cast %swap3A_549 : vector<1x16xf32> to vector<16xf32>
      %swap3A_551 = vector.shape_cast %get3A_334 : vector<16xf32> to vector<1x16xf32>
      tpu.vector_store %arg15[%swap3A_547, %swap3A_548], %swap3A_551 {add = true, strides = array<i32>} : memref<128x128xf32, #tpu.memory_space<vmem>>, vector<1x16xf32>,
      %swap3A_552 = arith.index_cast %add3A_531 : i32 to index
      %swap3A_553 = arith.constant 64 : index
      %swap3A_554 = tpu.vector_load %arg15[%swap3A_552, %swap3A_553] {strides = array<i32>} : memref<128x128xf32, #tpu.memory_space<vmem>>, vector<1x16xf32>,
      %swap3A_555 = vector.shape_cast %swap3A_554 : vector<1x16xf32> to vector<16xf32>
      %swap3A_556 = vector.shape_cast %get3A_339 : vector<16xf32> to vector<1x16xf32>
      tpu.vector_store %arg15[%swap3A_552, %swap3A_553], %swap3A_556 {add = true, strides = array<i32>} : memref<128x128xf32, #tpu.memory_space<vmem>>, vector<1x16xf32>,
      %swap3A_557 = arith.index_cast %add3A_531 : i32 to index
      %swap3A_558 = arith.constant 80 : index
      %swap3A_559 = tpu.vector_load %arg15[%swap3A_557, %swap3A_558] {strides = array<i32>} : memref<128x128xf32, #tpu.memory_space<vmem>>, vector<1x16xf32>,
      %swap3A_560 = vector.shape_cast %swap3A_559 : vector<1x16xf32> to vector<16xf32>
      %swap3A_561 = vector.shape_cast %get3A_344 : vector<16xf32> to vector<1x16xf32>
      tpu.vector_store %arg15[%swap3A_557, %swap3A_558], %swap3A_561 {add = true, strides = array<i32>} : memref<128x128xf32, #tpu.memory_space<vmem>>, vector<1x16xf32>,
      %swap3A_562 = arith.index_cast %add3A_531 : i32 to index
      %swap3A_563 = arith.constant 96 : index
      %swap3A_564 = tpu.vector_load %arg15[%swap3A_562, %swap3A_563] {strides = array<i32>} : memref<128x128xf32, #tpu.memory_space<vmem>>, vector<1x16xf32>,
      %swap3A_565 = vector.shape_cast %swap3A_564 : vector<1x16xf32> to vector<16xf32>
      %swap3A_566 = vector.shape_cast %get3A_349 : vector<16xf32> to vector<1x16xf32>
      tpu.vector_store %arg15[%swap3A_562, %swap3A_563], %swap3A_566 {add = true, strides = array<i32>} : memref<128x128xf32, #tpu.memory_space<vmem>>, vector<1x16xf32>,
      %swap3A_567 = arith.index_cast %add3A_531 : i32 to index
      %swap3A_568 = arith.constant 112 : index
      %swap3A_569 = tpu.vector_load %arg15[%swap3A_567, %swap3A_568] {strides = array<i32>} : memref<128x128xf32, #tpu.memory_space<vmem>>, vector<1x16xf32>,
      %swap3A_570 = vector.shape_cast %swap3A_569 : vector<1x16xf32> to vector<16xf32>
      %swap3A_571 = vector.shape_cast %get3A_354 : vector<16xf32> to vector<1x16xf32>
      tpu.vector_store %arg15[%swap3A_567, %swap3A_568], %swap3A_571 {add = true, strides = array<i32>} : memref<128x128xf32, #tpu.memory_space<vmem>>, vector<1x16xf32>,
    }
    %scan3A_360 = arith.constant 32 : i32
    %dma_start3A_361 = arith.constant 124 : i32
    %dma_start3A_362 = arith.constant 0 : i32
    %dma_start3A_363 = tpu.memref_slice %arg8[%dma_start3A_361, %mul3A_2, %dma_start3A_362] : memref<125x4096x128xf32, #tpu.memory_space<hbm>> -> memref<1x128x128xf32, #tpu.memory_space<hbm>>
    %dma_start3A_364 = tpu.memref_squeeze %dma_start3A_363 : memref<1x128x128xf32, #tpu.memory_space<hbm>> -> memref<128x128xf32, #tpu.memory_space<hbm>>
    %dma_start3A_365 = arith.constant 0 : i32
    %dma_start3A_366 = tpu.memref_slice %arg8[%dma_start3A_361, %mul3A_2, %dma_start3A_365] : memref<125x4096x128xf32, #tpu.memory_space<hbm>> -> memref<1x128x128xf32, #tpu.memory_space<hbm>>
    %dma_start3A_367 = tpu.memref_squeeze %dma_start3A_366 : memref<1x128x128xf32, #tpu.memory_space<hbm>> -> memref<128x128xf32, #tpu.memory_space<hbm>>
    tpu.enqueue_dma source(%arg15 : memref<128x128xf32, #tpu.memory_space<vmem>>) target(%dma_start3A_367 : memref<128x128xf32, #tpu.memory_space<hbm>>) target_semaphore(%arg24 : memref<!tpu.dma_semaphore, #tpu.memory_space<semaphore_mem>>)
    %dma_wait3A_368 = arith.constant 121 : i32
    %dma_wait3A_369 = arith.constant 0 : i32
    %dma_wait3A_370 = tpu.memref_slice %arg8[%dma_wait3A_368, %mul3A_2, %dma_wait3A_369] : memref<125x4096x128xf32, #tpu.memory_space<hbm>> -> memref<1x128x128xf32, #tpu.memory_space<hbm>>
    %dma_wait3A_371 = tpu.memref_squeeze %dma_wait3A_370 : memref<1x128x128xf32, #tpu.memory_space<hbm>> -> memref<128x128xf32, #tpu.memory_space<hbm>>
    %dma_wait3A_372 = arith.constant 0 : i32
    %dma_wait3A_373 = tpu.memref_slice %arg8[%dma_wait3A_368, %mul3A_2, %dma_wait3A_372] : memref<125x4096x128xf32, #tpu.memory_space<hbm>> -> memref<1x128x128xf32, #tpu.memory_space<hbm>>
    %dma_wait3A_374 = tpu.memref_squeeze %dma_wait3A_373 : memref<1x128x128xf32, #tpu.memory_space<hbm>> -> memref<128x128xf32, #tpu.memory_space<hbm>>
    tpu.wait_dma2 semaphore(%arg25 : memref<!tpu.dma_semaphore, #tpu.memory_space<semaphore_mem>>) src(%arg16 : memref<128x128xf32, #tpu.memory_space<vmem>>) dst(%dma_wait3A_374 : memref<128x128xf32, #tpu.memory_space<hbm>>)
    %dma_wait3A_375 = arith.constant 122 : i32
    %dma_wait3A_376 = arith.constant 0 : i32
    %dma_wait3A_377 = tpu.memref_slice %arg8[%dma_wait3A_375, %mul3A_2, %dma_wait3A_376] : memref<125x4096x128xf32, #tpu.memory_space<hbm>> -> memref<1x128x128xf32, #tpu.memory_space<hbm>>
    %dma_wait3A_378 = tpu.memref_squeeze %dma_wait3A_377 : memref<1x128x128xf32, #tpu.memory_space<hbm>> -> memref<128x128xf32, #tpu.memory_space<hbm>>
    %dma_wait3A_379 = arith.constant 0 : i32
    %dma_wait3A_380 = tpu.memref_slice %arg8[%dma_wait3A_375, %mul3A_2, %dma_wait3A_379] : memref<125x4096x128xf32, #tpu.memory_space<hbm>> -> memref<1x128x128xf32, #tpu.memory_space<hbm>>
    %dma_wait3A_381 = tpu.memref_squeeze %dma_wait3A_380 : memref<1x128x128xf32, #tpu.memory_space<hbm>> -> memref<128x128xf32, #tpu.memory_space<hbm>>
    tpu.wait_dma2 semaphore(%arg26 : memref<!tpu.dma_semaphore, #tpu.memory_space<semaphore_mem>>) src(%arg17 : memref<128x128xf32, #tpu.memory_space<vmem>>) dst(%dma_wait3A_381 : memref<128x128xf32, #tpu.memory_space<hbm>>)
    %dma_wait3A_382 = arith.constant 123 : i32
    %dma_wait3A_383 = arith.constant 0 : i32
    %dma_wait3A_384 = tpu.memref_slice %arg8[%dma_wait3A_382, %mul3A_2, %dma_wait3A_383] : memref<125x4096x128xf32, #tpu.memory_space<hbm>> -> memref<1x128x128xf32, #tpu.memory_space<hbm>>
    %dma_wait3A_385 = tpu.memref_squeeze %dma_wait3A_384 : memref<1x128x128xf32, #tpu.memory_space<hbm>> -> memref<128x128xf32, #tpu.memory_space<hbm>>
    %dma_wait3A_386 = arith.constant 0 : i32
    %dma_wait3A_387 = tpu.memref_slice %arg8[%dma_wait3A_382, %mul3A_2, %dma_wait3A_386] : memref<125x4096x128xf32, #tpu.memory_space<hbm>> -> memref<1x128x128xf32, #tpu.memory_space<hbm>>
    %dma_wait3A_388 = tpu.memref_squeeze %dma_wait3A_387 : memref<1x128x128xf32, #tpu.memory_space<hbm>> -> memref<128x128xf32, #tpu.memory_space<hbm>>
    tpu.wait_dma2 semaphore(%arg27 : memref<!tpu.dma_semaphore, #tpu.memory_space<semaphore_mem>>) src(%arg18 : memref<128x128xf32, #tpu.memory_space<vmem>>) dst(%dma_wait3A_388 : memref<128x128xf32, #tpu.memory_space<hbm>>)
    %dma_wait3A_389 = arith.constant 124 : i32
    %dma_wait3A_390 = arith.constant 0 : i32
    %dma_wait3A_391 = tpu.memref_slice %arg8[%dma_wait3A_389, %mul3A_2, %dma_wait3A_390] : memref<125x4096x128xf32, #tpu.memory_space<hbm>> -> memref<1x128x128xf32, #tpu.memory_space<hbm>>
    %dma_wait3A_392 = tpu.memref_squeeze %dma_wait3A_391 : memref<1x128x128xf32, #tpu.memory_space<hbm>> -> memref<128x128xf32, #tpu.memory_space<hbm>>
    %dma_wait3A_393 = arith.constant 0 : i32
    %dma_wait3A_394 = tpu.memref_slice %arg8[%dma_wait3A_389, %mul3A_2, %dma_wait3A_393] : memref<125x4096x128xf32, #tpu.memory_space<hbm>> -> memref<1x128x128xf32, #tpu.memory_space<hbm>>
    %dma_wait3A_395 = tpu.memref_squeeze %dma_wait3A_394 : memref<1x128x128xf32, #tpu.memory_space<hbm>> -> memref<128x128xf32, #tpu.memory_space<hbm>>
    tpu.wait_dma2 semaphore(%arg24 : memref<!tpu.dma_semaphore, #tpu.memory_space<semaphore_mem>>) src(%arg15 : memref<128x128xf32, #tpu.memory_space<vmem>>) dst(%dma_wait3A_395 : memref<128x128xf32, #tpu.memory_space<hbm>>)
    return
  }
}

</mosaic_0001>

<sc_bundles>
// kernel: kernel.3.cloned.1.call-start
scs
__scs_entry_jumppad:
0x0: {  	(pc) =	sbr.rel $0x88, $3  }
0x1: {  	(tag) =	ssettag $0x0;
	lr =	simm.s32 $0x1  }
0x2: {  	[smem:$0x3F9B] =	sst lr;
	_ =	strace $0xD0000000  }
0x3: {  	_ = 	snop  }
0x4: {  	_ = 	snop  }
0x5: {  	_ = 	snop  }
0x6: {  	_ = 	snop  }
0x7: {  	_ = 	snop  }
__scs_overlays_trampoline_lowered:
0x8: {  	[smem:$0x3FAA] =	sst s0  }
0x9: {  	[smem:$0x3FAB] =	sst s1  }
0xa: {  	[smem:$0x3FAC] =	sst s2  }
0xb: {  	[smem:$0x3FAD] =	sst s3  }
0xc: {  	[smem:$0x3FAE] =	sst s4  }
0xd: {  	[smem:$0x3FAF] =	sst s5  }
0xe: {  	[smem:$0x3FB0] =	sst s6  }
0xf: {  	[smem:$0x3FB1] =	sst s7  }
0x10: {  	[smem:$0x3FB2] =	sst s8  }
0x11: {  	[smem:$0x3FB3] =	sst s9;
	s0 =	simm.s32 @!p0 $0x0  }
0x12: {  	s1 =	sld [smem:$0x3F99];
	s0 =	simm.s32 @p0 $0x1  }
0x13: {  	[smem:$0x3FB4] =	sst s0;
	s0 =	simm.s32 @!p1 $0x0  }
0x14: {  	s2 =	sld [smem:$0x3F98];
	s0 =	simm.s32 @p1 $0x1  }
0x15: {  	[smem:$0x3FB5] =	sst s0;
	s0 =	simm.s32 @!p2 $0x0  }
0x16: {  	s3 =	sld [smem:$0x3FDB];
	s0 =	simm.s32 @p2 $0x1  }
0x17: {  	s4 =	simm.s32 $0x1BF5;
	[smem:$0x3FB7] =	sst s0  }
0x18: {  	s0 =	sld [smem:$0x3F9A];
	_ =	swait.ge [sflag:s4], $0x0  }
0x19: {  	s7 =	sld [smem:$0x3F9B]  }
0x1a: {  	s8 =	sadd.s32 $0xFFFFE003, lr  }
0x1b: {  	s9 =	sadd.s32 $0xFFFFFEF7, lr;
	s5 =	simm.s32 $0xFFFFFFFF;
	p2 =	slt.u32 s8, $0xFFFFF086  }
0x1c: {  	p1 =	slt.u32 s9, $0xF7A;
	s5 =	simm.s32 @!p2 $0x0  }
0x1d: {  	s5 =	simm.s32 @p1 $0x1;
	p0 =	seq.s32 s7, s2  }
0x1e: {  	s7 =	smul.u32 @!p0 $0xF7A, s2;
	p2 =	seq.s32 @!p0 s5, $0x0  }
0x1f: {  	s9 =	smul.u32 $0xF7A, s1;
	s8 =	simm.s32 @!p0 $0x1BF5;
	p2 =	por !p2, p0  }
0x20: {  	[sflag:s8] =	ssyncset.s32 @!p0 $0xFFFFF086;
	s6 =	sadd.s32 @!p0 s3, s7;
	s7 =	simm.s32 @!p0 $0x108  }
0x21: {  	s3 =	sadd.s32 s3, s9;
	s6 =	sadd.s32 @!p0 $0x88, s6;
	s7 =	simm.s32 @p2 $0x1082  }
0x22: {  	[simem:s7], [sflag:s8] =	dma.local @!p0 [hbm:s6], $0xF7A  }
0x23: {  	s9 =	sor.u32 $0xD0000000, s2;
	s6 =	simm.s32 $0x108;
	_ =	swait.ge @!p0 [sflag:s8], $0x0  }
0x24: {  	s3 =	sadd.s32 $0x88, s3;
	s6 =	simm.s32 @!p1 $0x1082;
	[sflag:s4] =	ssyncset.s32 $0xFFFFF086  }
0x25: {  	[simem:s6], [sflag:s4] =	dma.local [hbm:s3], $0xF7A  }
0x26: {  	[smem:$0x3F9B] =	sst s1;
	(tag) =	ssettag s2;
	_ =	strace s9  }
0x27: {  	s1 =	sld [smem:$0x3FAB]  }
0x28: {  	s2 =	sld [smem:$0x3FAC]  }
0x29: {  	s4 =	sld [smem:$0x3FAE]  }
0x2a: {  	p0 =	seq.s32 s5, $0x0;
	s5 =	sld [smem:$0x3FAF]  }
0x2b: {  	s6 =	sld [smem:$0x3FB0]  }
0x2c: {  	s7 =	sld [smem:$0x3FB1]  }
0x2d: {  	s3 =	simm.s32 $0x108;
	s8 =	sld [smem:$0x3FB2]  }
0x2e: {  	s3 =	simm.s32 @!p0 $0x1082;
	s9 =	sld [smem:$0x3FB3]  }
0x2f: {  	lr =	sadd.s32 s0, s3;
	s0 =	sld [smem:$0x3FAA]  }
0x30: {  	s3 =	sld [smem:$0x3FAD]  }
0x31: {  	[smem:$0x3FB6] =	sst s10  }
0x32: {  	s10 =	sld [smem:$0x3FB4];
	_ =	sdelay $0x3  }
0x33: {  	p0 =	seq.s32 s10, $0x1;
	s10 =	sld [smem:$0x3FB6];
	_ =	sdelay $0x3  }
0x34: {  	[smem:$0x3FB6] =	sst s10  }
0x35: {  	s10 =	sld [smem:$0x3FB5];
	_ =	sdelay $0x3  }
0x36: {  	p1 =	seq.s32 s10, $0x1;
	s10 =	sld [smem:$0x3FB6];
	_ =	sdelay $0x3  }
0x37: {  	[smem:$0x3FB6] =	sst s10  }
0x38: {  	s10 =	sld [smem:$0x3FB7]  }
0x39: {  	_ = 	snop;
	(pc) =	sbr.ind lr, $3  }
0x3a: {  	_ = 	snop  }
0x3b: {  	_ = 	snop  }
0x3c: {  	p2 =	seq.s32 s10, $0x1;
	s10 =	sld [smem:$0x3FB6]  }
0x3d: {  	_ =	shalt  }
0x3e: {  	_ =	shalt  }
0x3f: {  	_ =	shalt  }
0x40: {  	_ =	shalt  }
0x41: {  	_ =	shalt  }
0x42: {  	_ =	shalt  }
0x43: {  	_ =	shalt  }
0x44: {  	_ =	shalt  }
0x45: {  	_ =	shalt  }
0x46: {  	_ =	shalt  }
0x47: {  	_ =	shalt  }
0x48: {  	_ =	shalt  }
0x49: {  	_ =	shalt  }
0x4a: {  	_ =	shalt  }
0x4b: {  	_ =	shalt  }
0x4c: {  	_ =	shalt  }
0x4d: {  	_ =	shalt  }
0x4e: {  	_ =	shalt  }
0x4f: {  	_ =	shalt  }
0x50: {  	_ =	shalt  }
0x51: {  	_ =	shalt  }
0x52: {  	_ =	shalt  }
0x53: {  	_ =	shalt  }
0x54: {  	_ =	shalt  }
0x55: {  	_ =	shalt  }
0x56: {  	_ =	shalt  }
0x57: {  	_ =	shalt  }
0x58: {  	_ =	shalt  }
0x59: {  	_ =	shalt  }
0x5a: {  	_ =	shalt  }
0x5b: {  	_ =	shalt  }
0x5c: {  	_ =	shalt  }
0x5d: {  	_ =	shalt  }
0x5e: {  	_ =	shalt  }
0x5f: {  	_ =	shalt  }
0x60: {  	_ =	shalt  }
0x61: {  	_ =	shalt  }
0x62: {  	_ =	shalt  }
0x63: {  	_ =	shalt  }
0x64: {  	_ =	shalt  }
0x65: {  	_ =	shalt  }
0x66: {  	_ =	shalt  }
0x67: {  	_ =	shalt  }
0x68: {  	_ =	shalt  }
0x69: {  	_ =	shalt  }
0x6a: {  	_ =	shalt  }
0x6b: {  	_ =	shalt  }
0x6c: {  	_ =	shalt  }
0x6d: {  	_ =	shalt  }
0x6e: {  	_ =	shalt  }
0x6f: {  	_ =	shalt  }
0x70: {  	_ =	shalt  }
0x71: {  	_ =	shalt  }
0x72: {  	_ =	shalt  }
0x73: {  	_ =	shalt  }
0x74: {  	_ =	shalt  }
0x75: {  	_ =	shalt  }
0x76: {  	_ =	shalt  }
0x77: {  	_ =	shalt  }
0x78: {  	_ =	shalt  }
0x79: {  	_ =	shalt  }
0x7a: {  	_ =	shalt  }
0x7b: {  	_ =	shalt  }
0x7c: {  	_ =	shalt  }
0x7d: {  	_ =	shalt  }
0x7e: {  	_ =	shalt  }
0x7f: {  	_ =	shalt  }
0x80: {  	_ =	shalt  }
0x81: {  	_ =	shalt  }
0x82: {  	_ =	shalt  }
0x83: {  	_ =	shalt  }
0x84: {  	_ =	shalt  }
0x85: {  	_ =	shalt  }
0x86: {  	_ =	shalt  }
0x87: {  	_ =	shalt  }
.Lfunc_end0:
.L_simem_size_0:
called_computation_lowered:
.L_overlay_start_0:
0x88: {  	s2 =	sld [smem:$0x3FD9]  }
0x89: {  	s3 =	sld [smem:$0x3FFE];
	_ =	sdelay $0x1  }
0x8a: {  	s1 =	srdreg.scid  }
0x8b: {  	s0 =	sand.u32 $0x1, s1  }
0x8c: {  	s14 =	sshll.u32 s0, $0xA;
	s2 =	sadd.s32 s3, s2  }
0x8d: {  	s2 =	sadd.s32 s2, s14  }
0x8e: {  	[smem:$0x3FC2] =	sst s2  }
0x8f: {  	_ = 	snop  }
0x90: {  	s2 =	sld [smem:$0x3FC9]  }
0x91: {  	s15 =	sld [smem:$0x3FD0]  }
0x92: {  	s4 =	sld [smem:$0x3FC8]  }
0x93: {  	s5 =	sld [smem:$0x3FC6]  }
0x94: {  	s7 =	simm.s32 $0xA;
	s8 =	simm.s32 $0x10;
	s6 =	sld [smem:$0x3FC5]  }
0x95: {  	[smem:s8], [sflag:s7] =	dma.local [hbm:s15], $0x1  }
0x96: {  	_ =	swait.eq [sflag:s7], $0x1  }
0x97: {  	s16 =	sld [smem:$0x10];
	[sflag:s7] =	ssyncset.done $0x0  }
0x98: {  	s17 =	sld [smem:$0x11];
	[sflag:s7] =	ssyncadd.s32 $0xFFFFFFFF  }
0x99: {  	s18 =	sld [smem:$0x12];
	(tm) =	ssettm $0x1  }
0x9a: {  	s9 =	sld [smem:$0x3FFB];
	_ =	sdelay $0x3  }
0x9b: {  	_ =	strace s9  }
0x9c: {  	s9 =	sld [smem:$0x3FFC];
	_ =	sdelay $0x3  }
0x9d: {  	_ =	strace s9  }
0x9e: {  	s9 =	sld [smem:$0x3FFD];
	_ =	sdelay $0x3  }
0x9f: {  	_ =	strace s9  }
0xa0: {  	_ =	strace $0x8FFFFFFF  }
0xa1: {  	s19 =	sld [smem:$0x3FDB];
	_ =	sdelay $0x1  }
0xa2: {  	s10 =	simm.s32 $_scs_section_size  }
0xa3: {  	s11 =	simm.s32 $_size__tile_overlayer_lowered;
	s12 =	simm.s32 $_tile_overlayer_lowered  }
0xa4: {  	s22 =	simm.s32 $0x1BFF;
	s21 =	sshll.u32 s12, $0x1;
	s9 =	sadd.s32 s10, s19  }
0xa5: {  	s13 =	simm.s32 $0x0;
	s20 =	sshll.u32 s11, $0x1;
	s11 =	sadd.s32 s21, s9  }
0xa6: {  	[timem:s13], [sflag:s22] =	dma.local [hbm:s11], s20  }
0xa7: {  	_ =	swait.ge [sflag:s22], s20  }
0xa8: {  	s10 =	ssub.s32 $0x0, s20;
	[sflag:s22] =	ssyncset.done $0x0  }
0xa9: {  	[sflag:s22] =	ssyncadd.s32 s10;
	_ =	sdelay $0x1  }
0xaa: {  	s23 =	simm.s32 $0x1B8B  }
0xab: {  	_ =	swait.ge [sflag:s23], $0x1  }
0xac: {  	[sflag:s23] =	ssyncset.done $0x0  }
0xad: {  	s25 =	simm.s32 $0x1B8E;
	s24 =	sld [smem:$0x3FFE];
	[sflag:s23] =	ssyncadd.s32 $0xFFFFFFFF  }
0xae: {  	s26 =	simm.s32 $execute0_lowered;
	[smem:$0x3FD2] =	sst s25  }
0xaf: {  	s11 =	sshll.u32 s26, $0x1;
	_ =	strace $0x80000046;
	[dreg:$0x1] =	wrdreg $0xFFFFFFFF  }
0xb0: {  	s28 =	simm.s32 $_size_execute0_lowered;
	s9 =	sadd.s32 s9, s11;
	[dreg:$0x0] =	wrdreg $0x0  }
0xb1: {  	s11 =	sshll.u32 s28, $0x1;
	[dreg:$0x2] =	wrdreg s9  }
0xb2: {  	[dreg:$0x3] =	wrdreg s11  }
0xb3: {  	[dreg:$0x4] =	wrdreg $0xC0  }
0xb4: {  	_ =	task [dreg:s13], $0x5FFFF  }
0xb5: {  	[dreg:$0x1] =	wrdreg $0xFFFFFFFF  }
0xb6: {  	[dreg:$0x0] =	wrdreg $0x60  }
0xb7: {  	[dreg:$0x2] =	wrdreg s2  }
0xb8: {  	[dreg:$0x3] =	wrdreg s4  }
0xb9: {  	[dreg:$0x4] =	wrdreg s24  }
0xba: {  	[dreg:$0x5] =	wrdreg s5  }
0xbb: {  	[dreg:$0x6] =	wrdreg s6  }
0xbc: {  	[dreg:$0x7] =	wrdreg s16  }
0xbd: {  	[dreg:$0x8] =	wrdreg s17  }
0xbe: {  	[dreg:$0x9] =	wrdreg s18  }
0xbf: {  	[dreg:$0xa] =	wrdreg $0x0  }
0xc0: {  	[dreg:$0xb] =	wrdreg $0x9  }
0xc1: {  	_ =	task.clear_ibuf [dreg:s13], $0xCFFFF;
	_ =	strace $0x90000046  }
0xc2: {  	s29 =	simm.s32 $0x9;
	_ =	strace $0x80000048  }
0xc3: {  	_ =	swait.ge [sflag:s29], $0x1  }
0xc4: {  	[sflag:s29] =	ssyncadd.s32 $0xFFFFFFFF  }
0xc5: {  	_ =	strace $0x90000048  }
0xc6: {  	_ =	sfence  }
0xc7: {  	s30 =	sld [smem:$0x0];
	_ =	sdelay $0x2  }
0xc8: {  	s31 =	sshll.u32 s1, $0xD;
	s1 =	sshrl.u32 s1, $0x2  }
0xc9: {  	s3 =	sand.u32 $0x4000, s31;
	s1 =	sadd.s32 s1, s30  }
0xca: {  	s0 =	sor.u32 s3, s0;
	s1 =	sshll.u32 s1, $0x11  }
0xcb: {  	s0 =	sor.u32 s1, s0  }
0xcc: {  	s0 =	sadd.s32 $0x8F2B, s0  }
0xcd: {  	[sflag:s0] =	ssyncadd.remote.s32 $0x1  }
0xce: {  	_ =	sfence.sel $0xFFFF  }
0xcf: {  	[dreg:$0x0] =	wrdreg $0xFFFFFFFF;
	(pc) =	sbr.abs _section_cstart, $3  }
0xd0: {  	[dreg:$0x1] =	wrdreg $0xFFFFFFFF  }
0xd1: {  	_ =	task.clear_ibuf [dreg:s13], $0x2FFFF;
	_ =	strace $0x9FFFFFFF  }
0xd2: {  	(tm) =	ssettm $0x7FFFFFFF  }
0xd3: {  	_ =	shalt  }
tec
execute0_lowered:
.L_overlay_start_1:
0x0: {  	(tag) =	ssettag $0x1  }
0x1: {  	s0 =	rddreg [dreg:$0x0]  }
0x2: {  	s1 =	rddreg [dreg:$0x1]  }
0x3: {  	s2 =	rddreg [dreg:$0x2]  }
0x4: {  	s3 =	rddreg [dreg:$0x5]  }
0x5: {  	s6 =	rddreg [dreg:$0x6]  }
0x6: {  	s8 =	rddreg [dreg:$0x7]  }
0x7: {  	s4 =	rddreg [dreg:$0x8];
	s7 =	srdreg.scid  }
0x8: {  	s5 =	simm.s32 $0x0;
	s9 =	stileid.u32;
	s14 =	simm.s32 $0x1F40  }
0x9: {  	s28 =	simm.s32 $0x1A140;
	s29 =	simm.s32 $0x80;
	s30 =	simm.s32 $0xA140  }
0xa: {  	s31 =	simm.s32 $0x5;
	s7 =	sand.u32 $0x1, s7;
	[smem:$0x7FF] =	sst s5  }
0xb: {  	s10 =	sshll.u32 s9, $0x8;
	p0 =	sne.s32 s9, $0x0;
	s11 =	sshll.u32 s7, $0x7  }
0xc: {  	_ =	strace $0x80000047;
	s7 =	ssub.s32 $0x2, s7;
	s10 =	sor.u32 s11, s10  }
0xd: {  	s18 =	sshrl.u32 s7, $0x1;
	s11 =	sadd.s32 s10, s2;
	s2 =	sadd.s32 $0x800, s2  }
0xe: {  	s19 =	sshll.u32 s10, $0x4;
	s12 =	sshll.u32 s10, $0x7;
	[dreg:$0xa] =	wrdreg s2  }
0xf: {  	s2 =	ssub.s32 s7, s18;
	s7 =	sadd.s32 $0x1000, s11;
	s0 =	sadd.s32 s0, s19  }
0x10: {  	s20 =	sadd.s32 s6, s19;
	s21 =	sadd.s32 s1, s19;
	[dreg:$0xb] =	wrdreg s0  }
0x11: {  	s22 =	sadd.s32 s8, s19;
	s13 =	sadd.s32 s3, s19;
	[dreg:$0xc] =	wrdreg s20  }
0x12: {  	s19 =	sshrl.u32 @!p0 s4, $0x3;
	s1 =	simm.s32 $0xE140;
	[dreg:$0xd] =	wrdreg s21  }
0x13: {  	s6 =	simm.s32 $0x8;
	s8 =	simm.s32 $0x0;
	[dreg:$0xe] =	wrdreg s22  }
0x14: {  	s23 =	sadd.s32 $0x10000, s13;
	s24 =	sadd.s32 $0x7A0000, s13;
	s25 =	sadd.s32 $0x7B0000, s13  }
0x15: {  	s26 =	sadd.s32 $0x7C0000, s13;
	s18 =	smax.u32 s2, $0x1;
	[dreg:$0xf] =	wrdreg s23  }
0x16: {  	s21 =	simm.s32 $0x9;
	s0 =	simm.s32 $0x1;
	[dreg:$0x10] =	wrdreg s24  }
0x17: {  	s20 =	simm.s32 $0x12140;
	s22 =	simm.s32 $0x2;
	[dreg:$0x11] =	wrdreg s25  }
0x18: {  	s2 =	simm.s32 $0x4;
	[dreg:$0x12] =	wrdreg s26;
	s24 =	simm.s32 $0x16140  }
0x19: {  	s26 =	simm.s32 $0x3;
	s23 =	simm.s32 $0x6;
	s25 =	simm.s32 $0x7  }
.LBB2_1:
0x1a: {  	s9 =	simm.s32 @!p0 $0x1C09;
	s10 =	rddreg [dreg:$0x3]  }
0x1b: {  	[spmem:s19], [sflag:s9] =	dma.local @!p0 [hbm:s10], $0x3E80  }
0x1c: {  	s9 =	simm.s32 @!p0 $0x9  }
0x1d: {  	_ =	swait.ge @!p0 [sflag:s9], $0x3E80  }
0x1e: {  	[sflag:s9] =	ssyncset.done @!p0 $0x0  }
0x1f: {  	[sflag:s9] =	ssyncadd.s32 @!p0 $0xFFFFC180  }
0x20: {  	[bflag:$0x0] =	sbarrier.arrive $0xFFFF  }
0x21: {  	s15 =	simm.s32 $0x9F40;
	s11 =	rddreg [dreg:$0x4]  }
0x22: {  	[tilespmem:s15], [sflag:$0x9] =	stream.linear.gather [hbm4b:s11+s5], $0x180, $0x38;
	[tilespmem:$0x1E140] =	vst v63  }
0x23: {  	_ =	swait.ge [sflag:s21], $0x180  }
0x24: {  	[sflag:s21] =	ssyncset.done $0x0  }
0x25: {  	s17 =	simm.s32 $0x5F40;
	s16 =	rddreg [dreg:$0xa];
	[sflag:s21] =	ssyncadd.s32 $0xFFFFFE80  }
0x26: {  	[tilespmem:s17], [sflag:$0x9] =	stream.linear.gather [hbm4b:s16+s5], $0x3E80, $0x38;
	[tilespmem:$0x1E140] =	vst v63  }
0x27: {  	_ =	swait.ge [sflag:s21], $0x3E80  }
0x28: {  	[sflag:s21] =	ssyncset.done $0x0  }
0x29: {  	s11 =	simm.s32 $0x400;
	s15 =	simm.s32 $0x8000;
	[sflag:s21] =	ssyncadd.s32 $0xFFFFC180  }
0x2a: {  	[tilespmem:s14], [sflag:$0x9] =	stream.strided.gather [hbm4b:s7+s11], $0x3C00, s15, s11, $0x38;
	[tilespmem:$0x1E140] =	vst v63  }
0x2b: {  	s16 =	sadd.s32 $0xF000, s7;
	s17 =	simm.s32 $0x5B40  }
0x2c: {  	[tilespmem:s17], [sflag:$0x9] =	stream.linear.gather [hbm4b:s16+s5], $0x280, $0x38;
	[tilespmem:$0x1E140] =	vst v63  }
0x2d: {  	_ =	swait.ge [sflag:s21], $0x3E80  }
0x2e: {  	[sflag:s21] =	ssyncset.done $0x0  }
0x2f: {  	[sflag:s21] =	ssyncadd.s32 $0xFFFFC180  }
0x30: {  	s10 =	simm.s32 $0x0;
	s9 =	simm.s32 $0xA00;
	v0 =	vld [tilespmem:$0xA040]  }
.LBB2_2:
0x31: {  	p1 =	sne.s32 s9, $0xF000;
	_ =	sdelay $0x2  }
0x32: {  	s11 =	sshra.s32 s10, $0x2;
	s10 =	smov.u32 s9  }
0x33: {  	[tilespmem:s11+$0x5F40] =	vst.add.f32.msk $0xffff, v0  }
0x34: {  	v0 =	vld [tilespmem:$0xA050];
	_ =	sdelay $0x4  }
0x35: {  	[tilespmem:s11+$0x5F50] =	vst.add.f32.msk $0xffff, v0  }
0x36: {  	v0 =	vld [tilespmem:$0xA060];
	_ =	sdelay $0x4  }
0x37: {  	[tilespmem:s11+$0x5F60] =	vst.add.f32.msk $0xffff, v0  }
0x38: {  	v0 =	vld [tilespmem:$0xA070];
	_ =	sdelay $0x4  }
0x39: {  	[tilespmem:s11+$0x5F70] =	vst.add.f32.msk $0xffff, v0  }
0x3a: {  	v0 =	vld [tilespmem:$0xA080];
	_ =	sdelay $0x4  }
0x3b: {  	[tilespmem:s11+$0x5F80] =	vst.add.f32.msk $0xffff, v0  }
0x3c: {  	v0 =	vld [tilespmem:$0xA090];
	_ =	sdelay $0x4  }
0x3d: {  	[tilespmem:s11+$0x5F90] =	vst.add.f32.msk $0xffff, v0  }
0x3e: {  	v0 =	vld [tilespmem:$0xA0A0];
	_ =	sdelay $0x4  }
0x3f: {  	[tilespmem:s11+$0x5FA0] =	vst.add.f32.msk $0xffff, v0  }
0x40: {  	v0 =	vld [tilespmem:$0xA0B0];
	_ =	sdelay $0x4  }
0x41: {  	[tilespmem:s11+$0x5FB0] =	vst.add.f32.msk $0xffff, v0  }
0x42: {  	v0 =	vld [tilespmem:$0xA040];
	_ =	sdelay $0x4  }
0x43: {  	[tilespmem:s11+$0x5FC0] =	vst.add.f32.msk $0xffff, v0  }
0x44: {  	v0 =	vld [tilespmem:$0xA050];
	_ =	sdelay $0x4  }
0x45: {  	[tilespmem:s11+$0x5FD0] =	vst.add.f32.msk $0xffff, v0  }
0x46: {  	v0 =	vld [tilespmem:$0xA060];
	_ =	sdelay $0x4  }
0x47: {  	[tilespmem:s11+$0x5FE0] =	vst.add.f32.msk $0xffff, v0  }
0x48: {  	v0 =	vld [tilespmem:$0xA070];
	_ =	sdelay $0x4  }
0x49: {  	[tilespmem:s11+$0x5FF0] =	vst.add.f32.msk $0xffff, v0  }
0x4a: {  	v0 =	vld [tilespmem:$0xA080];
	_ =	sdelay $0x4  }
0x4b: {  	[tilespmem:s11+$0x6000] =	vst.add.f32.msk $0xffff, v0  }
0x4c: {  	v0 =	vld [tilespmem:$0xA090];
	_ =	sdelay $0x4  }
0x4d: {  	[tilespmem:s11+$0x6010] =	vst.add.f32.msk $0xffff, v0  }
0x4e: {  	v0 =	vld [tilespmem:$0xA0A0];
	_ =	sdelay $0x4  }
0x4f: {  	[tilespmem:s11+$0x6020] =	vst.add.f32.msk $0xffff, v0  }
0x50: {  	v0 =	vld [tilespmem:$0xA0B0];
	_ =	sdelay $0x4  }
0x51: {  	[tilespmem:s11+$0x6030] =	vst.add.f32.msk $0xffff, v0  }
0x52: {  	v0 =	vld [tilespmem:$0xA040];
	_ =	sdelay $0x4  }
0x53: {  	[tilespmem:s11+$0x6040] =	vst.add.f32.msk $0xffff, v0  }
0x54: {  	v0 =	vld [tilespmem:$0xA050];
	_ =	sdelay $0x4  }
0x55: {  	[tilespmem:s11+$0x6050] =	vst.add.f32.msk $0xffff, v0  }
0x56: {  	v0 =	vld [tilespmem:$0xA060];
	_ =	sdelay $0x4  }
0x57: {  	[tilespmem:s11+$0x6060] =	vst.add.f32.msk $0xffff, v0  }
0x58: {  	v0 =	vld [tilespmem:$0xA070];
	_ =	sdelay $0x4  }
0x59: {  	[tilespmem:s11+$0x6070] =	vst.add.f32.msk $0xffff, v0  }
0x5a: {  	v0 =	vld [tilespmem:$0xA080];
	_ =	sdelay $0x4  }
0x5b: {  	[tilespmem:s11+$0x6080] =	vst.add.f32.msk $0xffff, v0  }
0x5c: {  	v0 =	vld [tilespmem:$0xA090];
	_ =	sdelay $0x4  }
0x5d: {  	[tilespmem:s11+$0x6090] =	vst.add.f32.msk $0xffff, v0  }
0x5e: {  	v0 =	vld [tilespmem:$0xA0A0];
	_ =	sdelay $0x4  }
0x5f: {  	[tilespmem:s11+$0x60A0] =	vst.add.f32.msk $0xffff, v0  }
0x60: {  	v0 =	vld [tilespmem:$0xA0B0];
	_ =	sdelay $0x4  }
0x61: {  	[tilespmem:s11+$0x60B0] =	vst.add.f32.msk $0xffff, v0  }
0x62: {  	v0 =	vld [tilespmem:$0xA040];
	_ =	sdelay $0x4  }
0x63: {  	[tilespmem:s11+$0x60C0] =	vst.add.f32.msk $0xffff, v0  }
0x64: {  	v0 =	vld [tilespmem:$0xA050];
	_ =	sdelay $0x4  }
0x65: {  	[tilespmem:s11+$0x60D0] =	vst.add.f32.msk $0xffff, v0  }
0x66: {  	v0 =	vld [tilespmem:$0xA060];
	_ =	sdelay $0x4  }
0x67: {  	[tilespmem:s11+$0x60E0] =	vst.add.f32.msk $0xffff, v0  }
0x68: {  	v0 =	vld [tilespmem:$0xA070];
	_ =	sdelay $0x4  }
0x69: {  	[tilespmem:s11+$0x60F0] =	vst.add.f32.msk $0xffff, v0  }
0x6a: {  	v0 =	vld [tilespmem:$0xA080];
	_ =	sdelay $0x4  }
0x6b: {  	[tilespmem:s11+$0x6100] =	vst.add.f32.msk $0xffff, v0  }
0x6c: {  	v0 =	vld [tilespmem:$0xA090];
	_ =	sdelay $0x4  }
0x6d: {  	[tilespmem:s11+$0x6110] =	vst.add.f32.msk $0xffff, v0  }
0x6e: {  	v0 =	vld [tilespmem:$0xA0A0];
	_ =	sdelay $0x4  }
0x6f: {  	[tilespmem:s11+$0x6120] =	vst.add.f32.msk $0xffff, v0  }
0x70: {  	v0 =	vld [tilespmem:$0xA0B0];
	_ =	sdelay $0x4  }
0x71: {  	[tilespmem:s11+$0x6130] =	vst.add.f32.msk $0xffff, v0  }
0x72: {  	v0 =	vld [tilespmem:$0xA040];
	_ =	sdelay $0x4  }
0x73: {  	[tilespmem:s11+$0x6140] =	vst.add.f32.msk $0xffff, v0  }
0x74: {  	v0 =	vld [tilespmem:$0xA050];
	_ =	sdelay $0x4  }
0x75: {  	[tilespmem:s11+$0x6150] =	vst.add.f32.msk $0xffff, v0  }
0x76: {  	v0 =	vld [tilespmem:$0xA060];
	_ =	sdelay $0x4  }
0x77: {  	[tilespmem:s11+$0x6160] =	vst.add.f32.msk $0xffff, v0  }
0x78: {  	v0 =	vld [tilespmem:$0xA070];
	_ =	sdelay $0x4  }
0x79: {  	[tilespmem:s11+$0x6170] =	vst.add.f32.msk $0xffff, v0  }
0x7a: {  	v0 =	vld [tilespmem:$0xA080];
	_ =	sdelay $0x4  }
0x7b: {  	[tilespmem:s11+$0x6180] =	vst.add.f32.msk $0xffff, v0  }
0x7c: {  	v0 =	vld [tilespmem:$0xA090];
	_ =	sdelay $0x4  }
0x7d: {  	[tilespmem:s11+$0x6190] =	vst.add.f32.msk $0xffff, v0  }
0x7e: {  	v0 =	vld [tilespmem:$0xA0A0];
	_ =	sdelay $0x4  }
0x7f: {  	[tilespmem:s11+$0x61A0] =	vst.add.f32.msk $0xffff, v0  }
0x80: {  	v0 =	vld [tilespmem:$0xA0B0];
	_ =	sdelay $0x1  }
.Ltmp0:
0x81: {  	(pc) =	sbr.rel @p1 .LBB2_2-.Ltmp0, $3  }
0x82: {  	_ =	sdelay $0x1  }
0x83: {  	[tilespmem:s11+$0x61B0] =	vst.add.f32.msk $0xffff, v0  }
0x84: {  	s9 =	sadd.s32 $0xA00, s9;
	v0 =	vld [tilespmem:$0xA040]  }
0x85: {  	_ =	sdelay $0x2  }
0x86: {  	s9 =	sshra.s32 s10, $0x2  }
0x87: {  	[tilespmem:s9+$0x5F40] =	vst.add.f32.msk $0xffff, v0  }
0x88: {  	v0 =	vld [tilespmem:$0xA050];
	_ =	sdelay $0x4  }
0x89: {  	[tilespmem:s9+$0x5F50] =	vst.add.f32.msk $0xffff, v0  }
0x8a: {  	v0 =	vld [tilespmem:$0xA060];
	_ =	sdelay $0x4  }
0x8b: {  	[tilespmem:s9+$0x5F60] =	vst.add.f32.msk $0xffff, v0  }
0x8c: {  	v0 =	vld [tilespmem:$0xA070];
	_ =	sdelay $0x4  }
0x8d: {  	[tilespmem:s9+$0x5F70] =	vst.add.f32.msk $0xffff, v0  }
0x8e: {  	v0 =	vld [tilespmem:$0xA080];
	_ =	sdelay $0x4  }
0x8f: {  	[tilespmem:s9+$0x5F80] =	vst.add.f32.msk $0xffff, v0  }
0x90: {  	v0 =	vld [tilespmem:$0xA090];
	_ =	sdelay $0x4  }
0x91: {  	[tilespmem:s9+$0x5F90] =	vst.add.f32.msk $0xffff, v0  }
0x92: {  	v0 =	vld [tilespmem:$0xA0A0];
	_ =	sdelay $0x4  }
0x93: {  	[tilespmem:s9+$0x5FA0] =	vst.add.f32.msk $0xffff, v0  }
0x94: {  	v0 =	vld [tilespmem:$0xA0B0];
	_ =	sdelay $0x4  }
0x95: {  	[tilespmem:s9+$0x5FB0] =	vst.add.f32.msk $0xffff, v0  }
0x96: {  	v0 =	vld [tilespmem:$0xA040];
	_ =	sdelay $0x4  }
0x97: {  	[tilespmem:s9+$0x5FC0] =	vst.add.f32.msk $0xffff, v0  }
0x98: {  	v0 =	vld [tilespmem:$0xA050];
	_ =	sdelay $0x4  }
0x99: {  	[tilespmem:s9+$0x5FD0] =	vst.add.f32.msk $0xffff, v0  }
0x9a: {  	v0 =	vld [tilespmem:$0xA060];
	_ =	sdelay $0x4  }
0x9b: {  	[tilespmem:s9+$0x5FE0] =	vst.add.f32.msk $0xffff, v0  }
0x9c: {  	v0 =	vld [tilespmem:$0xA070];
	_ =	sdelay $0x4  }
0x9d: {  	[tilespmem:s9+$0x5FF0] =	vst.add.f32.msk $0xffff, v0  }
0x9e: {  	v0 =	vld [tilespmem:$0xA080];
	_ =	sdelay $0x4  }
0x9f: {  	[tilespmem:s9+$0x6000] =	vst.add.f32.msk $0xffff, v0  }
0xa0: {  	v0 =	vld [tilespmem:$0xA090];
	_ =	sdelay $0x4  }
0xa1: {  	[tilespmem:s9+$0x6010] =	vst.add.f32.msk $0xffff, v0  }
0xa2: {  	v0 =	vld [tilespmem:$0xA0A0];
	_ =	sdelay $0x4  }
0xa3: {  	[tilespmem:s9+$0x6020] =	vst.add.f32.msk $0xffff, v0  }
0xa4: {  	v0 =	vld [tilespmem:$0xA0B0];
	_ =	sdelay $0x4  }
0xa5: {  	[tilespmem:s9+$0x6030] =	vst.add.f32.msk $0xffff, v0  }
0xa6: {  	v0 =	vld [tilespmem:$0xA040];
	_ =	sdelay $0x4  }
0xa7: {  	[tilespmem:s9+$0x6040] =	vst.add.f32.msk $0xffff, v0  }
0xa8: {  	v0 =	vld [tilespmem:$0xA050];
	_ =	sdelay $0x4  }
0xa9: {  	[tilespmem:s9+$0x6050] =	vst.add.f32.msk $0xffff, v0  }
0xaa: {  	v0 =	vld [tilespmem:$0xA060];
	_ =	sdelay $0x4  }
0xab: {  	[tilespmem:s9+$0x6060] =	vst.add.f32.msk $0xffff, v0  }
0xac: {  	v0 =	vld [tilespmem:$0xA070];
	_ =	sdelay $0x4  }
0xad: {  	[tilespmem:s9+$0x6070] =	vst.add.f32.msk $0xffff, v0  }
0xae: {  	v0 =	vld [tilespmem:$0xA080];
	_ =	sdelay $0x4  }
0xaf: {  	[tilespmem:s9+$0x6080] =	vst.add.f32.msk $0xffff, v0  }
0xb0: {  	v0 =	vld [tilespmem:$0xA090];
	_ =	sdelay $0x4  }
0xb1: {  	[tilespmem:s9+$0x6090] =	vst.add.f32.msk $0xffff, v0  }
0xb2: {  	v0 =	vld [tilespmem:$0xA0A0];
	_ =	sdelay $0x4  }
0xb3: {  	[tilespmem:s9+$0x60A0] =	vst.add.f32.msk $0xffff, v0  }
0xb4: {  	v0 =	vld [tilespmem:$0xA0B0];
	_ =	sdelay $0x4  }
0xb5: {  	[tilespmem:s9+$0x60B0] =	vst.add.f32.msk $0xffff, v0  }
0xb6: {  	v0 =	vld [tilespmem:$0xA040];
	_ =	sdelay $0x4  }
0xb7: {  	[tilespmem:s9+$0x60C0] =	vst.add.f32.msk $0xffff, v0  }
0xb8: {  	v0 =	vld [tilespmem:$0xA050];
	_ =	sdelay $0x4  }
0xb9: {  	[tilespmem:s9+$0x60D0] =	vst.add.f32.msk $0xffff, v0  }
0xba: {  	v0 =	vld [tilespmem:$0xA060];
	_ =	sdelay $0x4  }
0xbb: {  	[tilespmem:s9+$0x60E0] =	vst.add.f32.msk $0xffff, v0  }
0xbc: {  	v0 =	vld [tilespmem:$0xA070];
	_ =	sdelay $0x4  }
0xbd: {  	[tilespmem:s9+$0x60F0] =	vst.add.f32.msk $0xffff, v0  }
0xbe: {  	v0 =	vld [tilespmem:$0xA080];
	_ =	sdelay $0x4  }
0xbf: {  	[tilespmem:s9+$0x6100] =	vst.add.f32.msk $0xffff, v0  }
0xc0: {  	v0 =	vld [tilespmem:$0xA090];
	_ =	sdelay $0x4  }
0xc1: {  	[tilespmem:s9+$0x6110] =	vst.add.f32.msk $0xffff, v0  }
0xc2: {  	v0 =	vld [tilespmem:$0xA0A0];
	_ =	sdelay $0x4  }
0xc3: {  	[tilespmem:s9+$0x6120] =	vst.add.f32.msk $0xffff, v0  }
0xc4: {  	v0 =	vld [tilespmem:$0xA0B0];
	_ =	sdelay $0x4  }
0xc5: {  	[tilespmem:s9+$0x6130] =	vst.add.f32.msk $0xffff, v0  }
0xc6: {  	v0 =	vld [tilespmem:$0xA040];
	_ =	sdelay $0x4  }
0xc7: {  	[tilespmem:s9+$0x6140] =	vst.add.f32.msk $0xffff, v0  }
0xc8: {  	v0 =	vld [tilespmem:$0xA050];
	_ =	sdelay $0x4  }
0xc9: {  	[tilespmem:s9+$0x6150] =	vst.add.f32.msk $0xffff, v0  }
0xca: {  	v0 =	vld [tilespmem:$0xA060];
	_ =	sdelay $0x4  }
0xcb: {  	[tilespmem:s9+$0x6160] =	vst.add.f32.msk $0xffff, v0  }
0xcc: {  	v0 =	vld [tilespmem:$0xA070];
	_ =	sdelay $0x4  }
0xcd: {  	[tilespmem:s9+$0x6170] =	vst.add.f32.msk $0xffff, v0  }
0xce: {  	v0 =	vld [tilespmem:$0xA080];
	_ =	sdelay $0x4  }
0xcf: {  	[tilespmem:s9+$0x6180] =	vst.add.f32.msk $0xffff, v0  }
0xd0: {  	v0 =	vld [tilespmem:$0xA090];
	_ =	sdelay $0x4  }
0xd1: {  	[tilespmem:s9+$0x6190] =	vst.add.f32.msk $0xffff, v0  }
0xd2: {  	v0 =	vld [tilespmem:$0xA0A0];
	_ =	sdelay $0x4  }
0xd3: {  	[tilespmem:s9+$0x61A0] =	vst.add.f32.msk $0xffff, v0  }
0xd4: {  	v0 =	vld [tilespmem:$0xA0B0];
	_ =	sdelay $0x4  }
0xd5: {  	s17 =	rddreg [dreg:$0xb];
	[tilespmem:s9+$0x61B0] =	vst.add.f32.msk $0xffff, v0;
	s9 =	simm.s32 $0x0  }
0xd6: {  	[tilespmem:s28], [sflag:$0x9] =	stream.linear.gather [hbm4b:s17+s9], $0x4000, $0x38;
	[tilespmem:$0x1E140] =	vst v63  }
0xd7: {  	_ =	swait.ge [sflag:s21], $0x4000  }
0xd8: {  	[sflag:s21] =	ssyncset.done $0x0  }
0xd9: {  	[sflag:s21] =	ssyncadd.s32 $0xFFFFC000  }
0xda: {  	s10 =	simm.s32 $0x200;
	v0 =	vld [tilespmem:$0x9F40]  }
.LBB2_4:
0xdb: {  	p1 =	sne.s32 s10, $0xFE00;
	_ =	sdelay $0x2  }
0xdc: {  	s11 =	sshra.s32 s9, $0x2;
	s9 =	smov.u32 s10  }
0xdd: {  	[tilespmem:s11+$0x1A140] =	vst.add.f32.msk $0xffff, v0  }
0xde: {  	v0 =	vld [tilespmem:$0x9F50];
	_ =	sdelay $0x4  }
0xdf: {  	[tilespmem:s11+$0x1A150] =	vst.add.f32.msk $0xffff, v0  }
0xe0: {  	v0 =	vld [tilespmem:$0x9F60];
	_ =	sdelay $0x4  }
0xe1: {  	[tilespmem:s11+$0x1A160] =	vst.add.f32.msk $0xffff, v0  }
0xe2: {  	v0 =	vld [tilespmem:$0x9F70];
	_ =	sdelay $0x4  }
0xe3: {  	[tilespmem:s11+$0x1A170] =	vst.add.f32.msk $0xffff, v0  }
0xe4: {  	v0 =	vld [tilespmem:$0x9F80];
	_ =	sdelay $0x4  }
0xe5: {  	[tilespmem:s11+$0x1A180] =	vst.add.f32.msk $0xffff, v0  }
0xe6: {  	v0 =	vld [tilespmem:$0x9F90];
	_ =	sdelay $0x4  }
0xe7: {  	[tilespmem:s11+$0x1A190] =	vst.add.f32.msk $0xffff, v0  }
0xe8: {  	v0 =	vld [tilespmem:$0x9FA0];
	_ =	sdelay $0x4  }
0xe9: {  	[tilespmem:s11+$0x1A1A0] =	vst.add.f32.msk $0xffff, v0  }
0xea: {  	v0 =	vld [tilespmem:$0x9FB0];
	_ =	sdelay $0x1  }
.Ltmp1:
0xeb: {  	(pc) =	sbr.rel @p1 .LBB2_4-.Ltmp1, $3  }
0xec: {  	_ =	sdelay $0x1  }
0xed: {  	[tilespmem:s11+$0x1A1B0] =	vst.add.f32.msk $0xffff, v0  }
0xee: {  	s10 =	sadd.s32 $0x200, s10;
	v0 =	vld [tilespmem:$0x9F40]  }
0xef: {  	_ =	sdelay $0x2  }
0xf0: {  	s9 =	sshra.s32 s9, $0x2  }
0xf1: {  	[tilespmem:s9+$0x1A140] =	vst.add.f32.msk $0xffff, v0  }
0xf2: {  	v0 =	vld [tilespmem:$0x9F50];
	_ =	sdelay $0x4  }
0xf3: {  	[tilespmem:s9+$0x1A150] =	vst.add.f32.msk $0xffff, v0  }
0xf4: {  	v0 =	vld [tilespmem:$0x9F60];
	_ =	sdelay $0x4  }
0xf5: {  	[tilespmem:s9+$0x1A160] =	vst.add.f32.msk $0xffff, v0  }
0xf6: {  	v0 =	vld [tilespmem:$0x9F70];
	_ =	sdelay $0x4  }
0xf7: {  	[tilespmem:s9+$0x1A170] =	vst.add.f32.msk $0xffff, v0  }
0xf8: {  	v0 =	vld [tilespmem:$0x9F80];
	_ =	sdelay $0x4  }
0xf9: {  	[tilespmem:s9+$0x1A180] =	vst.add.f32.msk $0xffff, v0  }
0xfa: {  	v0 =	vld [tilespmem:$0x9F90];
	_ =	sdelay $0x4  }
0xfb: {  	[tilespmem:s9+$0x1A190] =	vst.add.f32.msk $0xffff, v0  }
0xfc: {  	v0 =	vld [tilespmem:$0x9FA0];
	_ =	sdelay $0x4  }
0xfd: {  	[tilespmem:s9+$0x1A1A0] =	vst.add.f32.msk $0xffff, v0  }
0xfe: {  	v0 =	vld [tilespmem:$0x9FB0];
	_ =	sdelay $0x4  }
0xff: {  	s10 =	rddreg [dreg:$0xc];
	[tilespmem:s9+$0x1A1B0] =	vst.add.f32.msk $0xffff, v0;
	s9 =	simm.s32 $0x0  }
0x100: {  	[hbm4b:s10+s9] =	stream.linear.scatter [tilespmem:s28], [sflag:$0x9], $0x4000, $0x38;
	[tilespmem:$0x1E140] =	vst v63  }
0x101: {  	_ =	swait.ge [sflag:s21], $0x4000  }
0x102: {  	[sflag:s21] =	ssyncset.done $0x0  }
0x103: {  	s17 =	rddreg [dreg:$0xd];
	[sflag:s21] =	ssyncadd.s32 $0xFFFFC000  }
0x104: {  	[tilespmem:s28], [sflag:$0x9] =	stream.linear.gather [hbm4b:s17+s9], $0x4000, $0x38;
	[tilespmem:$0x1E140] =	vst v63  }
0x105: {  	_ =	swait.ge [sflag:s21], $0x4000  }
0x106: {  	[sflag:s21] =	ssyncset.done $0x0  }
0x107: {  	[sflag:s21] =	ssyncadd.s32 $0xFFFFC000  }
0x108: {  	s10 =	simm.s32 $0x200;
	v0 =	vld [tilespmem:$0x9FC0]  }
.LBB2_6:
0x109: {  	p1 =	sne.s32 s10, $0xFE00;
	_ =	sdelay $0x2  }
0x10a: {  	s11 =	sshra.s32 s9, $0x2;
	s9 =	smov.u32 s10  }
0x10b: {  	[tilespmem:s11+$0x1A140] =	vst.add.f32.msk $0xffff, v0  }
0x10c: {  	v0 =	vld [tilespmem:$0x9FD0];
	_ =	sdelay $0x4  }
0x10d: {  	[tilespmem:s11+$0x1A150] =	vst.add.f32.msk $0xffff, v0  }
0x10e: {  	v0 =	vld [tilespmem:$0x9FE0];
	_ =	sdelay $0x4  }
0x10f: {  	[tilespmem:s11+$0x1A160] =	vst.add.f32.msk $0xffff, v0  }
0x110: {  	v0 =	vld [tilespmem:$0x9FF0];
	_ =	sdelay $0x4  }
0x111: {  	[tilespmem:s11+$0x1A170] =	vst.add.f32.msk $0xffff, v0  }
0x112: {  	v0 =	vld [tilespmem:$0xA000];
	_ =	sdelay $0x4  }
0x113: {  	[tilespmem:s11+$0x1A180] =	vst.add.f32.msk $0xffff, v0  }
0x114: {  	v0 =	vld [tilespmem:$0xA010];
	_ =	sdelay $0x4  }
0x115: {  	[tilespmem:s11+$0x1A190] =	vst.add.f32.msk $0xffff, v0  }
0x116: {  	v0 =	vld [tilespmem:$0xA020];
	_ =	sdelay $0x4  }
0x117: {  	[tilespmem:s11+$0x1A1A0] =	vst.add.f32.msk $0xffff, v0  }
0x118: {  	v0 =	vld [tilespmem:$0xA030];
	_ =	sdelay $0x1  }
.Ltmp2:
0x119: {  	(pc) =	sbr.rel @p1 .LBB2_6-.Ltmp2, $3  }
0x11a: {  	_ =	sdelay $0x1  }
0x11b: {  	[tilespmem:s11+$0x1A1B0] =	vst.add.f32.msk $0xffff, v0  }
0x11c: {  	s10 =	sadd.s32 $0x200, s10;
	v0 =	vld [tilespmem:$0x9FC0]  }
0x11d: {  	_ =	sdelay $0x2  }
0x11e: {  	s9 =	sshra.s32 s9, $0x2  }
0x11f: {  	[tilespmem:s9+$0x1A140] =	vst.add.f32.msk $0xffff, v0  }
0x120: {  	v0 =	vld [tilespmem:$0x9FD0];
	_ =	sdelay $0x4  }
0x121: {  	[tilespmem:s9+$0x1A150] =	vst.add.f32.msk $0xffff, v0  }
0x122: {  	v0 =	vld [tilespmem:$0x9FE0];
	_ =	sdelay $0x4  }
0x123: {  	[tilespmem:s9+$0x1A160] =	vst.add.f32.msk $0xffff, v0  }
0x124: {  	v0 =	vld [tilespmem:$0x9FF0];
	_ =	sdelay $0x4  }
0x125: {  	[tilespmem:s9+$0x1A170] =	vst.add.f32.msk $0xffff, v0  }
0x126: {  	v0 =	vld [tilespmem:$0xA000];
	_ =	sdelay $0x4  }
0x127: {  	[tilespmem:s9+$0x1A180] =	vst.add.f32.msk $0xffff, v0  }
0x128: {  	v0 =	vld [tilespmem:$0xA010];
	_ =	sdelay $0x4  }
0x129: {  	[tilespmem:s9+$0x1A190] =	vst.add.f32.msk $0xffff, v0  }
0x12a: {  	v0 =	vld [tilespmem:$0xA020];
	_ =	sdelay $0x4  }
0x12b: {  	[tilespmem:s9+$0x1A1A0] =	vst.add.f32.msk $0xffff, v0  }
0x12c: {  	v0 =	vld [tilespmem:$0xA030];
	_ =	sdelay $0x4  }
0x12d: {  	s16 =	simm.s32 $0x0;
	s10 =	rddreg [dreg:$0xe];
	[tilespmem:s9+$0x1A1B0] =	vst.add.f32.msk $0xffff, v0  }
0x12e: {  	[hbm4b:s10+s16] =	stream.linear.scatter [tilespmem:s28], [sflag:$0x9], $0x4000, $0x38;
	[tilespmem:$0x1E140] =	vst v63  }
0x12f: {  	_ =	swait.ge [sflag:s21], $0x4000  }
0x130: {  	[sflag:s21] =	ssyncset.done $0x0  }
0x131: {  	[sflag:s21] =	ssyncadd.s32 $0xFFFFC000  }
0x132: {  	[bflag:$0x0] =	sbarrier.arrive $0xFFFF  }
0x133: {  	[tilespmem:s30], [sflag:$0x1] =	stream.indirect.gather [spmem:s4], $0x80, s14, s29, $0xb8;
	[tilespmem:$0x1E140] =	vst v63  }
0x134: {  	s17 =	simm.s32 $0x1FC0  }
0x135: {  	[tilespmem:s1], [sflag:$0x2] =	stream.indirect.gather [spmem:s4], $0x80, s17, s29, $0xb8;
	[tilespmem:$0x1E140] =	vst v63  }
0x136: {  	_ =	swait.ge [sflag:s0], $0x4000  }
0x137: {  	[sflag:s0] =	ssyncset.done $0x0  }
0x138: {  	[sflag:s0] =	ssyncadd.s32 $0xFFFFC000  }
0x139: {  	v0 =	vld [tilespmem:$0x5F40]  }
0x13a: {  	v1 =	vld [tilespmem:$0x5F50]  }
0x13b: {  	v2 =	vld [tilespmem:$0x5F60]  }
0x13c: {  	v7 =	vld [tilespmem:$0x5FB0]  }
0x13d: {  	v3 =	vld [tilespmem:$0x5F70]  }
0x13e: {  	v4 =	vld [tilespmem:$0x5F80]  }
0x13f: {  	v5 =	vld [tilespmem:$0x5F90]  }
0x140: {  	s9 =	simm.s32 $0x0;
	s10 =	simm.s32 $0x800;
	v6 =	vld [tilespmem:$0x5FA0]  }
.LBB2_8:
0x141: {  	p1 =	sne.s32 s10, $0xF800;
	[tilespmem:s9+$0xA330] =	vst.add.f32.msk $0xffff, v7  }
0x142: {  	[tilespmem:s9+$0xA140] =	vst.add.f32.msk $0xffff, v0  }
0x143: {  	[tilespmem:s9+$0xA150] =	vst.add.f32.msk $0xffff, v1  }
0x144: {  	[tilespmem:s9+$0xA160] =	vst.add.f32.msk $0xffff, v2  }
0x145: {  	[tilespmem:s9+$0xA170] =	vst.add.f32.msk $0xffff, v3  }
0x146: {  	[tilespmem:s9+$0xA180] =	vst.add.f32.msk $0xffff, v4  }
0x147: {  	[tilespmem:s9+$0xA190] =	vst.add.f32.msk $0xffff, v5  }
0x148: {  	[tilespmem:s9+$0xA1A0] =	vst.add.f32.msk $0xffff, v6  }
0x149: {  	[tilespmem:s9+$0xA1B0] =	vst.add.f32.msk $0xffff, v7  }
0x14a: {  	[tilespmem:s9+$0xA1C0] =	vst.add.f32.msk $0xffff, v0  }
0x14b: {  	[tilespmem:s9+$0xA1D0] =	vst.add.f32.msk $0xffff, v1  }
0x14c: {  	[tilespmem:s9+$0xA1E0] =	vst.add.f32.msk $0xffff, v2  }
0x14d: {  	[tilespmem:s9+$0xA1F0] =	vst.add.f32.msk $0xffff, v3  }
0x14e: {  	[tilespmem:s9+$0xA200] =	vst.add.f32.msk $0xffff, v4  }
0x14f: {  	[tilespmem:s9+$0xA210] =	vst.add.f32.msk $0xffff, v5  }
0x150: {  	[tilespmem:s9+$0xA220] =	vst.add.f32.msk $0xffff, v6  }
0x151: {  	[tilespmem:s9+$0xA230] =	vst.add.f32.msk $0xffff, v7  }
0x152: {  	[tilespmem:s9+$0xA240] =	vst.add.f32.msk $0xffff, v0  }
0x153: {  	[tilespmem:s9+$0xA250] =	vst.add.f32.msk $0xffff, v1  }
0x154: {  	[tilespmem:s9+$0xA260] =	vst.add.f32.msk $0xffff, v2  }
0x155: {  	[tilespmem:s9+$0xA270] =	vst.add.f32.msk $0xffff, v3  }
0x156: {  	[tilespmem:s9+$0xA280] =	vst.add.f32.msk $0xffff, v4  }
0x157: {  	[tilespmem:s9+$0xA290] =	vst.add.f32.msk $0xffff, v5  }
0x158: {  	[tilespmem:s9+$0xA2A0] =	vst.add.f32.msk $0xffff, v6  }
0x159: {  	[tilespmem:s9+$0xA2B0] =	vst.add.f32.msk $0xffff, v7  }
0x15a: {  	[tilespmem:s9+$0xA2C0] =	vst.add.f32.msk $0xffff, v0  }
0x15b: {  	[tilespmem:s9+$0xA2D0] =	vst.add.f32.msk $0xffff, v1  }
.Ltmp3:
0x15c: {  	[tilespmem:s9+$0xA2E0] =	vst.add.f32.msk $0xffff, v2;
	(pc) =	sbr.rel @p1 .LBB2_8-.Ltmp3, $4  }
0x15d: {  	[tilespmem:s9+$0xA2F0] =	vst.add.f32.msk $0xffff, v3  }
0x15e: {  	[tilespmem:s9+$0xA300] =	vst.add.f32.msk $0xffff, v4  }
0x15f: {  	[tilespmem:s9+$0xA310] =	vst.add.f32.msk $0xffff, v5  }
0x160: {  	[tilespmem:s9+$0xA320] =	vst.add.f32.msk $0xffff, v6;
	s9 =	sshra.s32 s10, $0x2;
	s10 =	sadd.s32 $0x800, s10  }
0x161: {  	[tilespmem:s9+$0xA330] =	vst.add.f32.msk $0xffff, v7  }
0x162: {  	[tilespmem:s9+$0xA140] =	vst.add.f32.msk $0xffff, v0  }
0x163: {  	[tilespmem:s9+$0xA150] =	vst.add.f32.msk $0xffff, v1  }
0x164: {  	[tilespmem:s9+$0xA160] =	vst.add.f32.msk $0xffff, v2  }
0x165: {  	[tilespmem:s9+$0xA170] =	vst.add.f32.msk $0xffff, v3  }
0x166: {  	[tilespmem:s9+$0xA180] =	vst.add.f32.msk $0xffff, v4  }
0x167: {  	[tilespmem:s9+$0xA190] =	vst.add.f32.msk $0xffff, v5  }
0x168: {  	[tilespmem:s9+$0xA1A0] =	vst.add.f32.msk $0xffff, v6  }
0x169: {  	[tilespmem:s9+$0xA1B0] =	vst.add.f32.msk $0xffff, v7  }
0x16a: {  	[tilespmem:s9+$0xA1C0] =	vst.add.f32.msk $0xffff, v0  }
0x16b: {  	[tilespmem:s9+$0xA1D0] =	vst.add.f32.msk $0xffff, v1  }
0x16c: {  	[tilespmem:s9+$0xA1E0] =	vst.add.f32.msk $0xffff, v2  }
0x16d: {  	[tilespmem:s9+$0xA1F0] =	vst.add.f32.msk $0xffff, v3  }
0x16e: {  	[tilespmem:s9+$0xA200] =	vst.add.f32.msk $0xffff, v4  }
0x16f: {  	[tilespmem:s9+$0xA210] =	vst.add.f32.msk $0xffff, v5  }
0x170: {  	[tilespmem:s9+$0xA220] =	vst.add.f32.msk $0xffff, v6  }
0x171: {  	[tilespmem:s9+$0xA230] =	vst.add.f32.msk $0xffff, v7  }
0x172: {  	[tilespmem:s9+$0xA240] =	vst.add.f32.msk $0xffff, v0  }
0x173: {  	[tilespmem:s9+$0xA250] =	vst.add.f32.msk $0xffff, v1  }
0x174: {  	[tilespmem:s9+$0xA260] =	vst.add.f32.msk $0xffff, v2  }
0x175: {  	[tilespmem:s9+$0xA270] =	vst.add.f32.msk $0xffff, v3  }
0x176: {  	[tilespmem:s9+$0xA280] =	vst.add.f32.msk $0xffff, v4  }
0x177: {  	[tilespmem:s9+$0xA290] =	vst.add.f32.msk $0xffff, v5  }
0x178: {  	[tilespmem:s9+$0xA2A0] =	vst.add.f32.msk $0xffff, v6  }
0x179: {  	[tilespmem:s9+$0xA2B0] =	vst.add.f32.msk $0xffff, v7  }
0x17a: {  	[tilespmem:s9+$0xA2C0] =	vst.add.f32.msk $0xffff, v0  }
0x17b: {  	[tilespmem:s9+$0xA2D0] =	vst.add.f32.msk $0xffff, v1  }
0x17c: {  	[tilespmem:s9+$0xA2E0] =	vst.add.f32.msk $0xffff, v2  }
0x17d: {  	[tilespmem:s9+$0xA2F0] =	vst.add.f32.msk $0xffff, v3  }
0x17e: {  	[tilespmem:s9+$0xA300] =	vst.add.f32.msk $0xffff, v4  }
0x17f: {  	[tilespmem:s9+$0xA310] =	vst.add.f32.msk $0xffff, v5  }
0x180: {  	[tilespmem:s9+$0xA320] =	vst.add.f32.msk $0xffff, v6;
	s16 =	simm.s32 $0x0  }
0x181: {  	[hbm4b:s13+s16] =	stream.linear.scatter [tilespmem:s30], [sflag:$0x5], $0x4000, $0x38;
	[tilespmem:$0x1E140] =	vst v63  }
0x182: {  	s17 =	simm.s32 $0x2040  }
0x183: {  	[tilespmem:s20], [sflag:$0x3] =	stream.indirect.gather [spmem:s4], $0x80, s17, s29, $0xb8;
	[tilespmem:$0x1E140] =	vst v63  }
0x184: {  	_ =	swait.ge [sflag:s22], $0x4000  }
0x185: {  	[sflag:s22] =	ssyncset.done $0x0  }
0x186: {  	[sflag:s22] =	ssyncadd.s32 $0xFFFFC000  }
0x187: {  	v0 =	vld [tilespmem:$0x5FC0]  }
0x188: {  	v1 =	vld [tilespmem:$0x5FD0]  }
0x189: {  	v2 =	vld [tilespmem:$0x5FE0]  }
0x18a: {  	v7 =	vld [tilespmem:$0x6030]  }
0x18b: {  	v3 =	vld [tilespmem:$0x5FF0]  }
0x18c: {  	v4 =	vld [tilespmem:$0x6000]  }
0x18d: {  	v5 =	vld [tilespmem:$0x6010]  }
0x18e: {  	s9 =	simm.s32 $0x0;
	s10 =	simm.s32 $0x800;
	v6 =	vld [tilespmem:$0x6020]  }
.LBB2_10:
0x18f: {  	p1 =	sne.s32 s10, $0xF800;
	[tilespmem:s9+$0xE330] =	vst.add.f32.msk $0xffff, v7  }
0x190: {  	[tilespmem:s9+$0xE140] =	vst.add.f32.msk $0xffff, v0  }
0x191: {  	[tilespmem:s9+$0xE150] =	vst.add.f32.msk $0xffff, v1  }
0x192: {  	[tilespmem:s9+$0xE160] =	vst.add.f32.msk $0xffff, v2  }
0x193: {  	[tilespmem:s9+$0xE170] =	vst.add.f32.msk $0xffff, v3  }
0x194: {  	[tilespmem:s9+$0xE180] =	vst.add.f32.msk $0xffff, v4  }
0x195: {  	[tilespmem:s9+$0xE190] =	vst.add.f32.msk $0xffff, v5  }
0x196: {  	[tilespmem:s9+$0xE1A0] =	vst.add.f32.msk $0xffff, v6  }
0x197: {  	[tilespmem:s9+$0xE1B0] =	vst.add.f32.msk $0xffff, v7  }
0x198: {  	[tilespmem:s9+$0xE1C0] =	vst.add.f32.msk $0xffff, v0  }
0x199: {  	[tilespmem:s9+$0xE1D0] =	vst.add.f32.msk $0xffff, v1  }
0x19a: {  	[tilespmem:s9+$0xE1E0] =	vst.add.f32.msk $0xffff, v2  }
0x19b: {  	[tilespmem:s9+$0xE1F0] =	vst.add.f32.msk $0xffff, v3  }
0x19c: {  	[tilespmem:s9+$0xE200] =	vst.add.f32.msk $0xffff, v4  }
0x19d: {  	[tilespmem:s9+$0xE210] =	vst.add.f32.msk $0xffff, v5  }
0x19e: {  	[tilespmem:s9+$0xE220] =	vst.add.f32.msk $0xffff, v6  }
0x19f: {  	[tilespmem:s9+$0xE230] =	vst.add.f32.msk $0xffff, v7  }
0x1a0: {  	[tilespmem:s9+$0xE240] =	vst.add.f32.msk $0xffff, v0  }
0x1a1: {  	[tilespmem:s9+$0xE250] =	vst.add.f32.msk $0xffff, v1  }
0x1a2: {  	[tilespmem:s9+$0xE260] =	vst.add.f32.msk $0xffff, v2  }
0x1a3: {  	[tilespmem:s9+$0xE270] =	vst.add.f32.msk $0xffff, v3  }
0x1a4: {  	[tilespmem:s9+$0xE280] =	vst.add.f32.msk $0xffff, v4  }
0x1a5: {  	[tilespmem:s9+$0xE290] =	vst.add.f32.msk $0xffff, v5  }
0x1a6: {  	[tilespmem:s9+$0xE2A0] =	vst.add.f32.msk $0xffff, v6  }
0x1a7: {  	[tilespmem:s9+$0xE2B0] =	vst.add.f32.msk $0xffff, v7  }
0x1a8: {  	[tilespmem:s9+$0xE2C0] =	vst.add.f32.msk $0xffff, v0  }
0x1a9: {  	[tilespmem:s9+$0xE2D0] =	vst.add.f32.msk $0xffff, v1  }
.Ltmp4:
0x1aa: {  	[tilespmem:s9+$0xE2E0] =	vst.add.f32.msk $0xffff, v2;
	(pc) =	sbr.rel @p1 .LBB2_10-.Ltmp4, $4  }
0x1ab: {  	[tilespmem:s9+$0xE2F0] =	vst.add.f32.msk $0xffff, v3  }
0x1ac: {  	[tilespmem:s9+$0xE300] =	vst.add.f32.msk $0xffff, v4  }
0x1ad: {  	[tilespmem:s9+$0xE310] =	vst.add.f32.msk $0xffff, v5  }
0x1ae: {  	[tilespmem:s9+$0xE320] =	vst.add.f32.msk $0xffff, v6;
	s9 =	sshra.s32 s10, $0x2;
	s10 =	sadd.s32 $0x800, s10  }
0x1af: {  	[tilespmem:s9+$0xE330] =	vst.add.f32.msk $0xffff, v7  }
0x1b0: {  	[tilespmem:s9+$0xE140] =	vst.add.f32.msk $0xffff, v0  }
0x1b1: {  	[tilespmem:s9+$0xE150] =	vst.add.f32.msk $0xffff, v1  }
0x1b2: {  	[tilespmem:s9+$0xE160] =	vst.add.f32.msk $0xffff, v2  }
0x1b3: {  	[tilespmem:s9+$0xE170] =	vst.add.f32.msk $0xffff, v3  }
0x1b4: {  	[tilespmem:s9+$0xE180] =	vst.add.f32.msk $0xffff, v4  }
0x1b5: {  	[tilespmem:s9+$0xE190] =	vst.add.f32.msk $0xffff, v5  }
0x1b6: {  	[tilespmem:s9+$0xE1A0] =	vst.add.f32.msk $0xffff, v6  }
0x1b7: {  	[tilespmem:s9+$0xE1B0] =	vst.add.f32.msk $0xffff, v7  }
0x1b8: {  	[tilespmem:s9+$0xE1C0] =	vst.add.f32.msk $0xffff, v0  }
0x1b9: {  	[tilespmem:s9+$0xE1D0] =	vst.add.f32.msk $0xffff, v1  }
0x1ba: {  	[tilespmem:s9+$0xE1E0] =	vst.add.f32.msk $0xffff, v2  }
0x1bb: {  	[tilespmem:s9+$0xE1F0] =	vst.add.f32.msk $0xffff, v3  }
0x1bc: {  	[tilespmem:s9+$0xE200] =	vst.add.f32.msk $0xffff, v4  }
0x1bd: {  	[tilespmem:s9+$0xE210] =	vst.add.f32.msk $0xffff, v5  }
0x1be: {  	[tilespmem:s9+$0xE220] =	vst.add.f32.msk $0xffff, v6  }
0x1bf: {  	[tilespmem:s9+$0xE230] =	vst.add.f32.msk $0xffff, v7  }
0x1c0: {  	[tilespmem:s9+$0xE240] =	vst.add.f32.msk $0xffff, v0  }
0x1c1: {  	[tilespmem:s9+$0xE250] =	vst.add.f32.msk $0xffff, v1  }
0x1c2: {  	[tilespmem:s9+$0xE260] =	vst.add.f32.msk $0xffff, v2  }
0x1c3: {  	[tilespmem:s9+$0xE270] =	vst.add.f32.msk $0xffff, v3  }
0x1c4: {  	[tilespmem:s9+$0xE280] =	vst.add.f32.msk $0xffff, v4  }
0x1c5: {  	[tilespmem:s9+$0xE290] =	vst.add.f32.msk $0xffff, v5  }
0x1c6: {  	[tilespmem:s9+$0xE2A0] =	vst.add.f32.msk $0xffff, v6  }
0x1c7: {  	[tilespmem:s9+$0xE2B0] =	vst.add.f32.msk $0xffff, v7  }
0x1c8: {  	[tilespmem:s9+$0xE2C0] =	vst.add.f32.msk $0xffff, v0  }
0x1c9: {  	[tilespmem:s9+$0xE2D0] =	vst.add.f32.msk $0xffff, v1  }
0x1ca: {  	[tilespmem:s9+$0xE2E0] =	vst.add.f32.msk $0xffff, v2  }
0x1cb: {  	[tilespmem:s9+$0xE2F0] =	vst.add.f32.msk $0xffff, v3  }
0x1cc: {  	[tilespmem:s9+$0xE300] =	vst.add.f32.msk $0xffff, v4  }
0x1cd: {  	[tilespmem:s9+$0xE310] =	vst.add.f32.msk $0xffff, v5  }
0x1ce: {  	[tilespmem:s9+$0xE320] =	vst.add.f32.msk $0xffff, v6;
	s9 =	simm.s32 $0x0;
	s10 =	rddreg [dreg:$0xf]  }
0x1cf: {  	[hbm4b:s10+s9] =	stream.linear.scatter [tilespmem:s1], [sflag:$0x6], $0x4000, $0x38;
	[tilespmem:$0x1E140] =	vst v63  }
0x1d0: {  	s17 =	simm.s32 $0x20C0  }
0x1d1: {  	[tilespmem:s24], [sflag:$0x4] =	stream.indirect.gather [spmem:s4], $0x80, s17, s29, $0xb8;
	[tilespmem:$0x1E140] =	vst v63  }
.LBB2_12:
0x1d2: {  	s10 =	sshll.u32 s9, $0x2  }
0x1d3: {  	_ =	swait.ge [sflag:s26], $0x4000;
	s11 =	sor.u32 $0x2, s10  }
0x1d4: {  	[sflag:s26] =	ssyncset.done $0x0;
	s14 =	sshll.u32 s11, $0x7  }
0x1d5: {  	[sflag:s26] =	ssyncadd.s32 $0xFFFFC000;
	s14 =	sand.u32 $0x3FFFFF00, s14  }
0x1d6: {  	v3 =	vld [tilespmem:s14+$0x5F40]  }
0x1d7: {  	v4 =	vld [tilespmem:s14+$0x5F50]  }
0x1d8: {  	v5 =	vld [tilespmem:s14+$0x5F60]  }
0x1d9: {  	v7 =	vld [tilespmem:s14+$0x5FB0]  }
0x1da: {  	v6 =	vld [tilespmem:s14+$0x5F70]  }
0x1db: {  	v2 =	vld [tilespmem:s14+$0x5F80]  }
0x1dc: {  	v1 =	vld [tilespmem:s14+$0x5F90]  }
0x1dd: {  	s15 =	simm.s32 $0x800;
	v0 =	vld [tilespmem:s14+$0x5FA0];
	s14 =	simm.s32 $0x0  }
.LBB2_13:
0x1de: {  	p1 =	sne.s32 s15, $0xF800;
	[tilespmem:s14+$0x12330] =	vst.add.f32.msk $0xffff, v7  }
0x1df: {  	[tilespmem:s14+$0x12140] =	vst.add.f32.msk $0xffff, v3  }
0x1e0: {  	[tilespmem:s14+$0x12150] =	vst.add.f32.msk $0xffff, v4  }
0x1e1: {  	[tilespmem:s14+$0x12160] =	vst.add.f32.msk $0xffff, v5  }
0x1e2: {  	[tilespmem:s14+$0x12170] =	vst.add.f32.msk $0xffff, v6  }
0x1e3: {  	[tilespmem:s14+$0x12180] =	vst.add.f32.msk $0xffff, v2  }
0x1e4: {  	[tilespmem:s14+$0x12190] =	vst.add.f32.msk $0xffff, v1  }
0x1e5: {  	[tilespmem:s14+$0x121A0] =	vst.add.f32.msk $0xffff, v0  }
0x1e6: {  	[tilespmem:s14+$0x121B0] =	vst.add.f32.msk $0xffff, v7  }
0x1e7: {  	[tilespmem:s14+$0x121C0] =	vst.add.f32.msk $0xffff, v3  }
0x1e8: {  	[tilespmem:s14+$0x121D0] =	vst.add.f32.msk $0xffff, v4  }
0x1e9: {  	[tilespmem:s14+$0x121E0] =	vst.add.f32.msk $0xffff, v5  }
0x1ea: {  	[tilespmem:s14+$0x121F0] =	vst.add.f32.msk $0xffff, v6  }
0x1eb: {  	[tilespmem:s14+$0x12200] =	vst.add.f32.msk $0xffff, v2  }
0x1ec: {  	[tilespmem:s14+$0x12210] =	vst.add.f32.msk $0xffff, v1  }
0x1ed: {  	[tilespmem:s14+$0x12220] =	vst.add.f32.msk $0xffff, v0  }
0x1ee: {  	[tilespmem:s14+$0x12230] =	vst.add.f32.msk $0xffff, v7  }
0x1ef: {  	[tilespmem:s14+$0x12240] =	vst.add.f32.msk $0xffff, v3  }
0x1f0: {  	[tilespmem:s14+$0x12250] =	vst.add.f32.msk $0xffff, v4  }
0x1f1: {  	[tilespmem:s14+$0x12260] =	vst.add.f32.msk $0xffff, v5  }
0x1f2: {  	[tilespmem:s14+$0x12270] =	vst.add.f32.msk $0xffff, v6  }
0x1f3: {  	[tilespmem:s14+$0x12280] =	vst.add.f32.msk $0xffff, v2  }
0x1f4: {  	[tilespmem:s14+$0x12290] =	vst.add.f32.msk $0xffff, v1  }
0x1f5: {  	[tilespmem:s14+$0x122A0] =	vst.add.f32.msk $0xffff, v0  }
0x1f6: {  	[tilespmem:s14+$0x122B0] =	vst.add.f32.msk $0xffff, v7  }
0x1f7: {  	[tilespmem:s14+$0x122C0] =	vst.add.f32.msk $0xffff, v3  }
0x1f8: {  	[tilespmem:s14+$0x122D0] =	vst.add.f32.msk $0xffff, v4  }
.Ltmp5:
0x1f9: {  	[tilespmem:s14+$0x122E0] =	vst.add.f32.msk $0xffff, v5;
	(pc) =	sbr.rel @p1 .LBB2_13-.Ltmp5, $4  }
0x1fa: {  	[tilespmem:s14+$0x122F0] =	vst.add.f32.msk $0xffff, v6  }
0x1fb: {  	[tilespmem:s14+$0x12300] =	vst.add.f32.msk $0xffff, v2  }
0x1fc: {  	[tilespmem:s14+$0x12310] =	vst.add.f32.msk $0xffff, v1  }
0x1fd: {  	[tilespmem:s14+$0x12320] =	vst.add.f32.msk $0xffff, v0;
	s14 =	sshra.s32 s15, $0x2;
	s15 =	sadd.s32 $0x800, s15  }
0x1fe: {  	[tilespmem:s14+$0x12330] =	vst.add.f32.msk $0xffff, v7  }
0x1ff: {  	[tilespmem:s14+$0x12140] =	vst.add.f32.msk $0xffff, v3  }
0x200: {  	[tilespmem:s14+$0x12150] =	vst.add.f32.msk $0xffff, v4  }
0x201: {  	[tilespmem:s14+$0x12160] =	vst.add.f32.msk $0xffff, v5  }
0x202: {  	[tilespmem:s14+$0x12170] =	vst.add.f32.msk $0xffff, v6  }
0x203: {  	[tilespmem:s14+$0x12180] =	vst.add.f32.msk $0xffff, v2  }
0x204: {  	[tilespmem:s14+$0x12190] =	vst.add.f32.msk $0xffff, v1  }
0x205: {  	[tilespmem:s14+$0x121A0] =	vst.add.f32.msk $0xffff, v0  }
0x206: {  	[tilespmem:s14+$0x121B0] =	vst.add.f32.msk $0xffff, v7  }
0x207: {  	[tilespmem:s14+$0x121C0] =	vst.add.f32.msk $0xffff, v3  }
0x208: {  	[tilespmem:s14+$0x121D0] =	vst.add.f32.msk $0xffff, v4  }
0x209: {  	[tilespmem:s14+$0x121E0] =	vst.add.f32.msk $0xffff, v5  }
0x20a: {  	[tilespmem:s14+$0x121F0] =	vst.add.f32.msk $0xffff, v6  }
0x20b: {  	[tilespmem:s14+$0x12200] =	vst.add.f32.msk $0xffff, v2  }
0x20c: {  	[tilespmem:s14+$0x12210] =	vst.add.f32.msk $0xffff, v1  }
0x20d: {  	[tilespmem:s14+$0x12220] =	vst.add.f32.msk $0xffff, v0  }
0x20e: {  	[tilespmem:s14+$0x12230] =	vst.add.f32.msk $0xffff, v7  }
0x20f: {  	[tilespmem:s14+$0x12240] =	vst.add.f32.msk $0xffff, v3  }
0x210: {  	[tilespmem:s14+$0x12250] =	vst.add.f32.msk $0xffff, v4  }
0x211: {  	[tilespmem:s14+$0x12260] =	vst.add.f32.msk $0xffff, v5  }
0x212: {  	[tilespmem:s14+$0x12270] =	vst.add.f32.msk $0xffff, v6  }
0x213: {  	[tilespmem:s14+$0x12280] =	vst.add.f32.msk $0xffff, v2  }
0x214: {  	[tilespmem:s14+$0x12290] =	vst.add.f32.msk $0xffff, v1  }
0x215: {  	[tilespmem:s14+$0x122A0] =	vst.add.f32.msk $0xffff, v0  }
0x216: {  	[tilespmem:s14+$0x122B0] =	vst.add.f32.msk $0xffff, v7  }
0x217: {  	[tilespmem:s14+$0x122C0] =	vst.add.f32.msk $0xffff, v3  }
0x218: {  	[tilespmem:s14+$0x122D0] =	vst.add.f32.msk $0xffff, v4  }
0x219: {  	[tilespmem:s14+$0x122E0] =	vst.add.f32.msk $0xffff, v5  }
0x21a: {  	[tilespmem:s14+$0x122F0] =	vst.add.f32.msk $0xffff, v6;
	s11 =	sshll.u32 s11, $0x13  }
0x21b: {  	[tilespmem:s14+$0x12300] =	vst.add.f32.msk $0xffff, v2;
	s11 =	sor.u32 s12, s11  }
0x21c: {  	[tilespmem:s14+$0x12310] =	vst.add.f32.msk $0xffff, v1;
	s11 =	sshrl.u32 s11, $0x3  }
0x21d: {  	[tilespmem:s14+$0x12320] =	vst.add.f32.msk $0xffff, v0;
	s17 =	simm.s32 $0x0;
	s11 =	sadd.s32 s3, s11  }
0x21e: {  	[hbm4b:s11+s17] =	stream.linear.scatter [tilespmem:s20], [sflag:$0x7], $0x4000, $0x38;
	[tilespmem:$0x1E140] =	vst v63  }
0x21f: {  	s11 =	sadd.s32 $0x4, s10;
	_ =	swait.ge [sflag:s31], $0x4000  }
0x220: {  	s14 =	sshll.u32 s11, $0x7;
	[sflag:s31] =	ssyncset.done $0x0  }
0x221: {  	s15 =	sadd.s32 $0x1F40, s14;
	[sflag:s31] =	ssyncadd.s32 $0xFFFFC000  }
0x222: {  	[tilespmem:s30], [sflag:$0x1] =	stream.indirect.gather [spmem:s4], $0x80, s15, s29, $0xb8;
	[tilespmem:$0x1E140] =	vst v63  }
0x223: {  	s15 =	sor.u32 $0x3, s10;
	_ =	swait.ge [sflag:s2], $0x4000  }
0x224: {  	s16 =	sshll.u32 s15, $0x7;
	[sflag:s2] =	ssyncset.done $0x0  }
0x225: {  	s16 =	sand.u32 $0x3FFFFF80, s16;
	[sflag:s2] =	ssyncadd.s32 $0xFFFFC000  }
0x226: {  	v3 =	vld [tilespmem:s16+$0x5F40]  }
0x227: {  	v4 =	vld [tilespmem:s16+$0x5F50]  }
0x228: {  	v5 =	vld [tilespmem:s16+$0x5F60]  }
0x229: {  	v7 =	vld [tilespmem:s16+$0x5FB0]  }
0x22a: {  	v6 =	vld [tilespmem:s16+$0x5F70]  }
0x22b: {  	v2 =	vld [tilespmem:s16+$0x5F80]  }
0x22c: {  	v1 =	vld [tilespmem:s16+$0x5F90]  }
0x22d: {  	s17 =	simm.s32 $0x800;
	v0 =	vld [tilespmem:s16+$0x5FA0];
	s16 =	simm.s32 $0x0  }
.LBB2_15:
0x22e: {  	p1 =	sne.s32 s17, $0xF800;
	[tilespmem:s16+$0x16330] =	vst.add.f32.msk $0xffff, v7  }
0x22f: {  	[tilespmem:s16+$0x16140] =	vst.add.f32.msk $0xffff, v3  }
0x230: {  	[tilespmem:s16+$0x16150] =	vst.add.f32.msk $0xffff, v4  }
0x231: {  	[tilespmem:s16+$0x16160] =	vst.add.f32.msk $0xffff, v5  }
0x232: {  	[tilespmem:s16+$0x16170] =	vst.add.f32.msk $0xffff, v6  }
0x233: {  	[tilespmem:s16+$0x16180] =	vst.add.f32.msk $0xffff, v2  }
0x234: {  	[tilespmem:s16+$0x16190] =	vst.add.f32.msk $0xffff, v1  }
0x235: {  	[tilespmem:s16+$0x161A0] =	vst.add.f32.msk $0xffff, v0  }
0x236: {  	[tilespmem:s16+$0x161B0] =	vst.add.f32.msk $0xffff, v7  }
0x237: {  	[tilespmem:s16+$0x161C0] =	vst.add.f32.msk $0xffff, v3  }
0x238: {  	[tilespmem:s16+$0x161D0] =	vst.add.f32.msk $0xffff, v4  }
0x239: {  	[tilespmem:s16+$0x161E0] =	vst.add.f32.msk $0xffff, v5  }
0x23a: {  	[tilespmem:s16+$0x161F0] =	vst.add.f32.msk $0xffff, v6  }
0x23b: {  	[tilespmem:s16+$0x16200] =	vst.add.f32.msk $0xffff, v2  }
0x23c: {  	[tilespmem:s16+$0x16210] =	vst.add.f32.msk $0xffff, v1  }
0x23d: {  	[tilespmem:s16+$0x16220] =	vst.add.f32.msk $0xffff, v0  }
0x23e: {  	[tilespmem:s16+$0x16230] =	vst.add.f32.msk $0xffff, v7  }
0x23f: {  	[tilespmem:s16+$0x16240] =	vst.add.f32.msk $0xffff, v3  }
0x240: {  	[tilespmem:s16+$0x16250] =	vst.add.f32.msk $0xffff, v4  }
0x241: {  	[tilespmem:s16+$0x16260] =	vst.add.f32.msk $0xffff, v5  }
0x242: {  	[tilespmem:s16+$0x16270] =	vst.add.f32.msk $0xffff, v6  }
0x243: {  	[tilespmem:s16+$0x16280] =	vst.add.f32.msk $0xffff, v2  }
0x244: {  	[tilespmem:s16+$0x16290] =	vst.add.f32.msk $0xffff, v1  }
0x245: {  	[tilespmem:s16+$0x162A0] =	vst.add.f32.msk $0xffff, v0  }
0x246: {  	[tilespmem:s16+$0x162B0] =	vst.add.f32.msk $0xffff, v7  }
0x247: {  	[tilespmem:s16+$0x162C0] =	vst.add.f32.msk $0xffff, v3  }
0x248: {  	[tilespmem:s16+$0x162D0] =	vst.add.f32.msk $0xffff, v4  }
.Ltmp6:
0x249: {  	[tilespmem:s16+$0x162E0] =	vst.add.f32.msk $0xffff, v5;
	(pc) =	sbr.rel @p1 .LBB2_15-.Ltmp6, $4  }
0x24a: {  	[tilespmem:s16+$0x162F0] =	vst.add.f32.msk $0xffff, v6  }
0x24b: {  	[tilespmem:s16+$0x16300] =	vst.add.f32.msk $0xffff, v2  }
0x24c: {  	[tilespmem:s16+$0x16310] =	vst.add.f32.msk $0xffff, v1  }
0x24d: {  	[tilespmem:s16+$0x16320] =	vst.add.f32.msk $0xffff, v0;
	s16 =	sshra.s32 s17, $0x2;
	s17 =	sadd.s32 $0x800, s17  }
0x24e: {  	[tilespmem:s16+$0x16330] =	vst.add.f32.msk $0xffff, v7  }
0x24f: {  	[tilespmem:s16+$0x16140] =	vst.add.f32.msk $0xffff, v3  }
0x250: {  	[tilespmem:s16+$0x16150] =	vst.add.f32.msk $0xffff, v4  }
0x251: {  	[tilespmem:s16+$0x16160] =	vst.add.f32.msk $0xffff, v5  }
0x252: {  	[tilespmem:s16+$0x16170] =	vst.add.f32.msk $0xffff, v6  }
0x253: {  	[tilespmem:s16+$0x16180] =	vst.add.f32.msk $0xffff, v2  }
0x254: {  	[tilespmem:s16+$0x16190] =	vst.add.f32.msk $0xffff, v1  }
0x255: {  	[tilespmem:s16+$0x161A0] =	vst.add.f32.msk $0xffff, v0  }
0x256: {  	[tilespmem:s16+$0x161B0] =	vst.add.f32.msk $0xffff, v7  }
0x257: {  	[tilespmem:s16+$0x161C0] =	vst.add.f32.msk $0xffff, v3  }
0x258: {  	[tilespmem:s16+$0x161D0] =	vst.add.f32.msk $0xffff, v4  }
0x259: {  	[tilespmem:s16+$0x161E0] =	vst.add.f32.msk $0xffff, v5  }
0x25a: {  	[tilespmem:s16+$0x161F0] =	vst.add.f32.msk $0xffff, v6  }
0x25b: {  	[tilespmem:s16+$0x16200] =	vst.add.f32.msk $0xffff, v2  }
0x25c: {  	[tilespmem:s16+$0x16210] =	vst.add.f32.msk $0xffff, v1  }
0x25d: {  	[tilespmem:s16+$0x16220] =	vst.add.f32.msk $0xffff, v0  }
0x25e: {  	[tilespmem:s16+$0x16230] =	vst.add.f32.msk $0xffff, v7  }
0x25f: {  	[tilespmem:s16+$0x16240] =	vst.add.f32.msk $0xffff, v3  }
0x260: {  	[tilespmem:s16+$0x16250] =	vst.add.f32.msk $0xffff, v4  }
0x261: {  	[tilespmem:s16+$0x16260] =	vst.add.f32.msk $0xffff, v5  }
0x262: {  	[tilespmem:s16+$0x16270] =	vst.add.f32.msk $0xffff, v6  }
0x263: {  	[tilespmem:s16+$0x16280] =	vst.add.f32.msk $0xffff, v2  }
0x264: {  	[tilespmem:s16+$0x16290] =	vst.add.f32.msk $0xffff, v1  }
0x265: {  	[tilespmem:s16+$0x162A0] =	vst.add.f32.msk $0xffff, v0  }
0x266: {  	[tilespmem:s16+$0x162B0] =	vst.add.f32.msk $0xffff, v7  }
0x267: {  	[tilespmem:s16+$0x162C0] =	vst.add.f32.msk $0xffff, v3  }
0x268: {  	[tilespmem:s16+$0x162D0] =	vst.add.f32.msk $0xffff, v4  }
0x269: {  	[tilespmem:s16+$0x162E0] =	vst.add.f32.msk $0xffff, v5  }
0x26a: {  	[tilespmem:s16+$0x162F0] =	vst.add.f32.msk $0xffff, v6;
	s15 =	sshll.u32 s15, $0x13  }
0x26b: {  	[tilespmem:s16+$0x16300] =	vst.add.f32.msk $0xffff, v2;
	s15 =	sor.u32 s12, s15  }
0x26c: {  	[tilespmem:s16+$0x16310] =	vst.add.f32.msk $0xffff, v1;
	s15 =	sshrl.u32 s15, $0x3  }
0x26d: {  	[tilespmem:s16+$0x16320] =	vst.add.f32.msk $0xffff, v0;
	s17 =	simm.s32 $0x0;
	s15 =	sadd.s32 s3, s15  }
0x26e: {  	[hbm4b:s15+s17] =	stream.linear.scatter [tilespmem:s24], [sflag:$0x8], $0x4000, $0x38;
	[tilespmem:$0x1E140] =	vst v63  }
0x26f: {  	s10 =	sadd.s32 $0x5, s10;
	_ =	swait.ge [sflag:s23], $0x4000  }
0x270: {  	s15 =	sshll.u32 s10, $0x7;
	[sflag:s23] =	ssyncset.done $0x0  }
0x271: {  	s17 =	sadd.s32 $0x1F40, s15;
	[sflag:s23] =	ssyncadd.s32 $0xFFFFC000  }
0x272: {  	[tilespmem:s1], [sflag:$0x2] =	stream.indirect.gather [spmem:s4], $0x80, s17, s29, $0xb8;
	[tilespmem:$0x1E140] =	vst v63  }
0x273: {  	_ =	swait.ge [sflag:s0], $0x4000  }
0x274: {  	[sflag:s0] =	ssyncset.done $0x0  }
0x275: {  	[sflag:s0] =	ssyncadd.s32 $0xFFFFC000  }
0x276: {  	v3 =	vld [tilespmem:s14+$0x5F40]  }
0x277: {  	v4 =	vld [tilespmem:s14+$0x5F50]  }
0x278: {  	v5 =	vld [tilespmem:s14+$0x5F60]  }
0x279: {  	v7 =	vld [tilespmem:s14+$0x5FB0]  }
0x27a: {  	v6 =	vld [tilespmem:s14+$0x5F70]  }
0x27b: {  	v2 =	vld [tilespmem:s14+$0x5F80]  }
0x27c: {  	v1 =	vld [tilespmem:s14+$0x5F90]  }
0x27d: {  	s16 =	simm.s32 $0x800;
	v0 =	vld [tilespmem:s14+$0x5FA0];
	s14 =	simm.s32 $0x0  }
.LBB2_17:
0x27e: {  	p1 =	sne.s32 s16, $0xF800;
	[tilespmem:s14+$0xA330] =	vst.add.f32.msk $0xffff, v7  }
0x27f: {  	[tilespmem:s14+$0xA140] =	vst.add.f32.msk $0xffff, v3  }
0x280: {  	[tilespmem:s14+$0xA150] =	vst.add.f32.msk $0xffff, v4  }
0x281: {  	[tilespmem:s14+$0xA160] =	vst.add.f32.msk $0xffff, v5  }
0x282: {  	[tilespmem:s14+$0xA170] =	vst.add.f32.msk $0xffff, v6  }
0x283: {  	[tilespmem:s14+$0xA180] =	vst.add.f32.msk $0xffff, v2  }
0x284: {  	[tilespmem:s14+$0xA190] =	vst.add.f32.msk $0xffff, v1  }
0x285: {  	[tilespmem:s14+$0xA1A0] =	vst.add.f32.msk $0xffff, v0  }
0x286: {  	[tilespmem:s14+$0xA1B0] =	vst.add.f32.msk $0xffff, v7  }
0x287: {  	[tilespmem:s14+$0xA1C0] =	vst.add.f32.msk $0xffff, v3  }
0x288: {  	[tilespmem:s14+$0xA1D0] =	vst.add.f32.msk $0xffff, v4  }
0x289: {  	[tilespmem:s14+$0xA1E0] =	vst.add.f32.msk $0xffff, v5  }
0x28a: {  	[tilespmem:s14+$0xA1F0] =	vst.add.f32.msk $0xffff, v6  }
0x28b: {  	[tilespmem:s14+$0xA200] =	vst.add.f32.msk $0xffff, v2  }
0x28c: {  	[tilespmem:s14+$0xA210] =	vst.add.f32.msk $0xffff, v1  }
0x28d: {  	[tilespmem:s14+$0xA220] =	vst.add.f32.msk $0xffff, v0  }
0x28e: {  	[tilespmem:s14+$0xA230] =	vst.add.f32.msk $0xffff, v7  }
0x28f: {  	[tilespmem:s14+$0xA240] =	vst.add.f32.msk $0xffff, v3  }
0x290: {  	[tilespmem:s14+$0xA250] =	vst.add.f32.msk $0xffff, v4  }
0x291: {  	[tilespmem:s14+$0xA260] =	vst.add.f32.msk $0xffff, v5  }
0x292: {  	[tilespmem:s14+$0xA270] =	vst.add.f32.msk $0xffff, v6  }
0x293: {  	[tilespmem:s14+$0xA280] =	vst.add.f32.msk $0xffff, v2  }
0x294: {  	[tilespmem:s14+$0xA290] =	vst.add.f32.msk $0xffff, v1  }
0x295: {  	[tilespmem:s14+$0xA2A0] =	vst.add.f32.msk $0xffff, v0  }
0x296: {  	[tilespmem:s14+$0xA2B0] =	vst.add.f32.msk $0xffff, v7  }
0x297: {  	[tilespmem:s14+$0xA2C0] =	vst.add.f32.msk $0xffff, v3  }
0x298: {  	[tilespmem:s14+$0xA2D0] =	vst.add.f32.msk $0xffff, v4  }
.Ltmp7:
0x299: {  	[tilespmem:s14+$0xA2E0] =	vst.add.f32.msk $0xffff, v5;
	(pc) =	sbr.rel @p1 .LBB2_17-.Ltmp7, $4  }
0x29a: {  	[tilespmem:s14+$0xA2F0] =	vst.add.f32.msk $0xffff, v6  }
0x29b: {  	[tilespmem:s14+$0xA300] =	vst.add.f32.msk $0xffff, v2  }
0x29c: {  	[tilespmem:s14+$0xA310] =	vst.add.f32.msk $0xffff, v1  }
0x29d: {  	[tilespmem:s14+$0xA320] =	vst.add.f32.msk $0xffff, v0;
	s14 =	sshra.s32 s16, $0x2;
	s16 =	sadd.s32 $0x800, s16  }
0x29e: {  	[tilespmem:s14+$0xA330] =	vst.add.f32.msk $0xffff, v7  }
0x29f: {  	[tilespmem:s14+$0xA140] =	vst.add.f32.msk $0xffff, v3  }
0x2a0: {  	[tilespmem:s14+$0xA150] =	vst.add.f32.msk $0xffff, v4  }
0x2a1: {  	[tilespmem:s14+$0xA160] =	vst.add.f32.msk $0xffff, v5  }
0x2a2: {  	[tilespmem:s14+$0xA170] =	vst.add.f32.msk $0xffff, v6  }
0x2a3: {  	[tilespmem:s14+$0xA180] =	vst.add.f32.msk $0xffff, v2  }
0x2a4: {  	[tilespmem:s14+$0xA190] =	vst.add.f32.msk $0xffff, v1  }
0x2a5: {  	[tilespmem:s14+$0xA1A0] =	vst.add.f32.msk $0xffff, v0  }
0x2a6: {  	[tilespmem:s14+$0xA1B0] =	vst.add.f32.msk $0xffff, v7  }
0x2a7: {  	[tilespmem:s14+$0xA1C0] =	vst.add.f32.msk $0xffff, v3  }
0x2a8: {  	[tilespmem:s14+$0xA1D0] =	vst.add.f32.msk $0xffff, v4  }
0x2a9: {  	[tilespmem:s14+$0xA1E0] =	vst.add.f32.msk $0xffff, v5  }
0x2aa: {  	[tilespmem:s14+$0xA1F0] =	vst.add.f32.msk $0xffff, v6  }
0x2ab: {  	[tilespmem:s14+$0xA200] =	vst.add.f32.msk $0xffff, v2  }
0x2ac: {  	[tilespmem:s14+$0xA210] =	vst.add.f32.msk $0xffff, v1  }
0x2ad: {  	[tilespmem:s14+$0xA220] =	vst.add.f32.msk $0xffff, v0  }
0x2ae: {  	[tilespmem:s14+$0xA230] =	vst.add.f32.msk $0xffff, v7  }
0x2af: {  	[tilespmem:s14+$0xA240] =	vst.add.f32.msk $0xffff, v3  }
0x2b0: {  	[tilespmem:s14+$0xA250] =	vst.add.f32.msk $0xffff, v4  }
0x2b1: {  	[tilespmem:s14+$0xA260] =	vst.add.f32.msk $0xffff, v5  }
0x2b2: {  	[tilespmem:s14+$0xA270] =	vst.add.f32.msk $0xffff, v6  }
0x2b3: {  	[tilespmem:s14+$0xA280] =	vst.add.f32.msk $0xffff, v2  }
0x2b4: {  	[tilespmem:s14+$0xA290] =	vst.add.f32.msk $0xffff, v1  }
0x2b5: {  	[tilespmem:s14+$0xA2A0] =	vst.add.f32.msk $0xffff, v0  }
0x2b6: {  	[tilespmem:s14+$0xA2B0] =	vst.add.f32.msk $0xffff, v7  }
0x2b7: {  	[tilespmem:s14+$0xA2C0] =	vst.add.f32.msk $0xffff, v3  }
0x2b8: {  	[tilespmem:s14+$0xA2D0] =	vst.add.f32.msk $0xffff, v4  }
0x2b9: {  	[tilespmem:s14+$0xA2E0] =	vst.add.f32.msk $0xffff, v5  }
0x2ba: {  	[tilespmem:s14+$0xA2F0] =	vst.add.f32.msk $0xffff, v6;
	s11 =	sshll.u32 s11, $0x13  }
0x2bb: {  	[tilespmem:s14+$0xA300] =	vst.add.f32.msk $0xffff, v2;
	s11 =	sor.u32 s12, s11  }
0x2bc: {  	[tilespmem:s14+$0xA310] =	vst.add.f32.msk $0xffff, v1;
	s11 =	sshrl.u32 s11, $0x3  }
0x2bd: {  	[tilespmem:s14+$0xA320] =	vst.add.f32.msk $0xffff, v0;
	s17 =	simm.s32 $0x0;
	s11 =	sadd.s32 s3, s11  }
0x2be: {  	[hbm4b:s11+s17] =	stream.linear.scatter [tilespmem:s30], [sflag:$0x5], $0x4000, $0x38;
	[tilespmem:$0x1E140] =	vst v63  }
0x2bf: {  	s16 =	sshll.u32 s9, $0x9;
	_ =	swait.ge [sflag:s25], $0x4000  }
0x2c0: {  	s11 =	sand.u32 $0x3FFFFE00, s16;
	[sflag:s25] =	ssyncset.done $0x0  }
0x2c1: {  	s17 =	sadd.s32 $0x2240, s11;
	[sflag:s25] =	ssyncadd.s32 $0xFFFFC000  }
0x2c2: {  	[tilespmem:s20], [sflag:$0x3] =	stream.indirect.gather [spmem:s4], $0x80, s17, s29, $0xb8;
	[tilespmem:$0x1E140] =	vst v63  }
0x2c3: {  	_ =	swait.ge [sflag:s22], $0x4000  }
0x2c4: {  	[sflag:s22] =	ssyncset.done $0x0  }
0x2c5: {  	[sflag:s22] =	ssyncadd.s32 $0xFFFFC000  }
0x2c6: {  	v3 =	vld [tilespmem:s15+$0x5F40]  }
0x2c7: {  	v4 =	vld [tilespmem:s15+$0x5F50]  }
0x2c8: {  	v5 =	vld [tilespmem:s15+$0x5F60]  }
0x2c9: {  	v7 =	vld [tilespmem:s15+$0x5FB0]  }
0x2ca: {  	v6 =	vld [tilespmem:s15+$0x5F70]  }
0x2cb: {  	v2 =	vld [tilespmem:s15+$0x5F80]  }
0x2cc: {  	v1 =	vld [tilespmem:s15+$0x5F90]  }
0x2cd: {  	s14 =	simm.s32 $0x0;
	v0 =	vld [tilespmem:s15+$0x5FA0];
	s15 =	simm.s32 $0x800  }
.LBB2_19:
0x2ce: {  	p1 =	sne.s32 s15, $0xF800;
	[tilespmem:s14+$0xE330] =	vst.add.f32.msk $0xffff, v7  }
0x2cf: {  	[tilespmem:s14+$0xE140] =	vst.add.f32.msk $0xffff, v3  }
0x2d0: {  	[tilespmem:s14+$0xE150] =	vst.add.f32.msk $0xffff, v4  }
0x2d1: {  	[tilespmem:s14+$0xE160] =	vst.add.f32.msk $0xffff, v5  }
0x2d2: {  	[tilespmem:s14+$0xE170] =	vst.add.f32.msk $0xffff, v6  }
0x2d3: {  	[tilespmem:s14+$0xE180] =	vst.add.f32.msk $0xffff, v2  }
0x2d4: {  	[tilespmem:s14+$0xE190] =	vst.add.f32.msk $0xffff, v1  }
0x2d5: {  	[tilespmem:s14+$0xE1A0] =	vst.add.f32.msk $0xffff, v0  }
0x2d6: {  	[tilespmem:s14+$0xE1B0] =	vst.add.f32.msk $0xffff, v7  }
0x2d7: {  	[tilespmem:s14+$0xE1C0] =	vst.add.f32.msk $0xffff, v3  }
0x2d8: {  	[tilespmem:s14+$0xE1D0] =	vst.add.f32.msk $0xffff, v4  }
0x2d9: {  	[tilespmem:s14+$0xE1E0] =	vst.add.f32.msk $0xffff, v5  }
0x2da: {  	[tilespmem:s14+$0xE1F0] =	vst.add.f32.msk $0xffff, v6  }
0x2db: {  	[tilespmem:s14+$0xE200] =	vst.add.f32.msk $0xffff, v2  }
0x2dc: {  	[tilespmem:s14+$0xE210] =	vst.add.f32.msk $0xffff, v1  }
0x2dd: {  	[tilespmem:s14+$0xE220] =	vst.add.f32.msk $0xffff, v0  }
0x2de: {  	[tilespmem:s14+$0xE230] =	vst.add.f32.msk $0xffff, v7  }
0x2df: {  	[tilespmem:s14+$0xE240] =	vst.add.f32.msk $0xffff, v3  }
0x2e0: {  	[tilespmem:s14+$0xE250] =	vst.add.f32.msk $0xffff, v4  }
0x2e1: {  	[tilespmem:s14+$0xE260] =	vst.add.f32.msk $0xffff, v5  }
0x2e2: {  	[tilespmem:s14+$0xE270] =	vst.add.f32.msk $0xffff, v6  }
0x2e3: {  	[tilespmem:s14+$0xE280] =	vst.add.f32.msk $0xffff, v2  }
0x2e4: {  	[tilespmem:s14+$0xE290] =	vst.add.f32.msk $0xffff, v1  }
0x2e5: {  	[tilespmem:s14+$0xE2A0] =	vst.add.f32.msk $0xffff, v0  }
0x2e6: {  	[tilespmem:s14+$0xE2B0] =	vst.add.f32.msk $0xffff, v7  }
0x2e7: {  	[tilespmem:s14+$0xE2C0] =	vst.add.f32.msk $0xffff, v3  }
0x2e8: {  	[tilespmem:s14+$0xE2D0] =	vst.add.f32.msk $0xffff, v4  }
.Ltmp8:
0x2e9: {  	[tilespmem:s14+$0xE2E0] =	vst.add.f32.msk $0xffff, v5;
	(pc) =	sbr.rel @p1 .LBB2_19-.Ltmp8, $4  }
0x2ea: {  	[tilespmem:s14+$0xE2F0] =	vst.add.f32.msk $0xffff, v6  }
0x2eb: {  	[tilespmem:s14+$0xE300] =	vst.add.f32.msk $0xffff, v2  }
0x2ec: {  	[tilespmem:s14+$0xE310] =	vst.add.f32.msk $0xffff, v1  }
0x2ed: {  	[tilespmem:s14+$0xE320] =	vst.add.f32.msk $0xffff, v0;
	s14 =	sshra.s32 s15, $0x2;
	s15 =	sadd.s32 $0x800, s15  }
0x2ee: {  	[tilespmem:s14+$0xE330] =	vst.add.f32.msk $0xffff, v7  }
0x2ef: {  	[tilespmem:s14+$0xE140] =	vst.add.f32.msk $0xffff, v3  }
0x2f0: {  	[tilespmem:s14+$0xE150] =	vst.add.f32.msk $0xffff, v4  }
0x2f1: {  	[tilespmem:s14+$0xE160] =	vst.add.f32.msk $0xffff, v5  }
0x2f2: {  	[tilespmem:s14+$0xE170] =	vst.add.f32.msk $0xffff, v6  }
0x2f3: {  	[tilespmem:s14+$0xE180] =	vst.add.f32.msk $0xffff, v2  }
0x2f4: {  	[tilespmem:s14+$0xE190] =	vst.add.f32.msk $0xffff, v1  }
0x2f5: {  	[tilespmem:s14+$0xE1A0] =	vst.add.f32.msk $0xffff, v0  }
0x2f6: {  	[tilespmem:s14+$0xE1B0] =	vst.add.f32.msk $0xffff, v7  }
0x2f7: {  	[tilespmem:s14+$0xE1C0] =	vst.add.f32.msk $0xffff, v3  }
0x2f8: {  	[tilespmem:s14+$0xE1D0] =	vst.add.f32.msk $0xffff, v4  }
0x2f9: {  	[tilespmem:s14+$0xE1E0] =	vst.add.f32.msk $0xffff, v5  }
0x2fa: {  	[tilespmem:s14+$0xE1F0] =	vst.add.f32.msk $0xffff, v6  }
0x2fb: {  	[tilespmem:s14+$0xE200] =	vst.add.f32.msk $0xffff, v2  }
0x2fc: {  	[tilespmem:s14+$0xE210] =	vst.add.f32.msk $0xffff, v1  }
0x2fd: {  	[tilespmem:s14+$0xE220] =	vst.add.f32.msk $0xffff, v0  }
0x2fe: {  	[tilespmem:s14+$0xE230] =	vst.add.f32.msk $0xffff, v7  }
0x2ff: {  	[tilespmem:s14+$0xE240] =	vst.add.f32.msk $0xffff, v3  }
0x300: {  	[tilespmem:s14+$0xE250] =	vst.add.f32.msk $0xffff, v4  }
0x301: {  	[tilespmem:s14+$0xE260] =	vst.add.f32.msk $0xffff, v5  }
0x302: {  	[tilespmem:s14+$0xE270] =	vst.add.f32.msk $0xffff, v6  }
0x303: {  	[tilespmem:s14+$0xE280] =	vst.add.f32.msk $0xffff, v2  }
0x304: {  	[tilespmem:s14+$0xE290] =	vst.add.f32.msk $0xffff, v1  }
0x305: {  	[tilespmem:s14+$0xE2A0] =	vst.add.f32.msk $0xffff, v0  }
0x306: {  	[tilespmem:s14+$0xE2B0] =	vst.add.f32.msk $0xffff, v7  }
0x307: {  	[tilespmem:s14+$0xE2C0] =	vst.add.f32.msk $0xffff, v3  }
0x308: {  	[tilespmem:s14+$0xE2D0] =	vst.add.f32.msk $0xffff, v4  }
0x309: {  	[tilespmem:s14+$0xE2E0] =	vst.add.f32.msk $0xffff, v5  }
0x30a: {  	[tilespmem:s14+$0xE2F0] =	vst.add.f32.msk $0xffff, v6;
	s10 =	sshll.u32 s10, $0x13  }
0x30b: {  	[tilespmem:s14+$0xE300] =	vst.add.f32.msk $0xffff, v2;
	s10 =	sor.u32 s12, s10  }
0x30c: {  	[tilespmem:s14+$0xE310] =	vst.add.f32.msk $0xffff, v1;
	s9 =	sadd.s32 $0x1, s9;
	s10 =	sshrl.u32 s10, $0x3  }
0x30d: {  	[tilespmem:s14+$0xE320] =	vst.add.f32.msk $0xffff, v0;
	p1 =	sne.s32 s9, $0x1E;
	s10 =	sadd.s32 s3, s10  }
0x30e: {  	[hbm4b:s10+s5] =	stream.linear.scatter [tilespmem:s1], [sflag:$0x6], $0x4000, $0x38;
	[tilespmem:$0x1E140] =	vst v63  }
.Ltmp9:
0x30f: {  	_ = 	snop;
	(pc) =	sbr.rel @p1 .LBB2_12-.Ltmp9, $4  }
0x310: {  	_ =	swait.ge [sflag:s6], $0x4000  }
0x311: {  	[sflag:s6] =	ssyncset.done $0x0  }
0x312: {  	s17 =	sadd.s32 $0x22C0, s11;
	[sflag:s6] =	ssyncadd.s32 $0xFFFFC000  }
0x313: {  	[tilespmem:s24], [sflag:$0x4] =	stream.indirect.gather [spmem:s4], $0x80, s17, s29, $0xb8;
	[tilespmem:$0x1E140] =	vst v63  }
0x314: {  	_ =	swait.ge [sflag:s31], $0x4000  }
0x315: {  	[sflag:s31] =	ssyncset.done $0x0  }
0x316: {  	s9 =	simm.s32 $0x5D40;
	[sflag:s31] =	ssyncadd.s32 $0xFFFFC000  }
0x317: {  	[tilespmem:s30], [sflag:$0x1] =	stream.indirect.gather [spmem:s4], $0x80, s9, s29, $0xb8;
	[tilespmem:$0x1E140] =	vst v63  }
0x318: {  	_ =	swait.ge [sflag:s26], $0x4000  }
0x319: {  	[sflag:s26] =	ssyncset.done $0x0  }
0x31a: {  	[sflag:s26] =	ssyncadd.s32 $0xFFFFC000  }
0x31b: {  	v0 =	vld [tilespmem:$0x9C40]  }
0x31c: {  	v1 =	vld [tilespmem:$0x9C50]  }
0x31d: {  	v2 =	vld [tilespmem:$0x9C60]  }
0x31e: {  	v7 =	vld [tilespmem:$0x9CB0]  }
0x31f: {  	v3 =	vld [tilespmem:$0x9C70]  }
0x320: {  	v4 =	vld [tilespmem:$0x9C80]  }
0x321: {  	v5 =	vld [tilespmem:$0x9C90]  }
0x322: {  	s10 =	simm.s32 $0x800;
	s9 =	simm.s32 $0x0;
	v6 =	vld [tilespmem:$0x9CA0]  }
.LBB2_22:
0x323: {  	p1 =	sne.s32 s10, $0xF800;
	[tilespmem:s9+$0x12330] =	vst.add.f32.msk $0xffff, v7  }
0x324: {  	[tilespmem:s9+$0x12140] =	vst.add.f32.msk $0xffff, v0  }
0x325: {  	[tilespmem:s9+$0x12150] =	vst.add.f32.msk $0xffff, v1  }
0x326: {  	[tilespmem:s9+$0x12160] =	vst.add.f32.msk $0xffff, v2  }
0x327: {  	[tilespmem:s9+$0x12170] =	vst.add.f32.msk $0xffff, v3  }
0x328: {  	[tilespmem:s9+$0x12180] =	vst.add.f32.msk $0xffff, v4  }
0x329: {  	[tilespmem:s9+$0x12190] =	vst.add.f32.msk $0xffff, v5  }
0x32a: {  	[tilespmem:s9+$0x121A0] =	vst.add.f32.msk $0xffff, v6  }
0x32b: {  	[tilespmem:s9+$0x121B0] =	vst.add.f32.msk $0xffff, v7  }
0x32c: {  	[tilespmem:s9+$0x121C0] =	vst.add.f32.msk $0xffff, v0  }
0x32d: {  	[tilespmem:s9+$0x121D0] =	vst.add.f32.msk $0xffff, v1  }
0x32e: {  	[tilespmem:s9+$0x121E0] =	vst.add.f32.msk $0xffff, v2  }
0x32f: {  	[tilespmem:s9+$0x121F0] =	vst.add.f32.msk $0xffff, v3  }
0x330: {  	[tilespmem:s9+$0x12200] =	vst.add.f32.msk $0xffff, v4  }
0x331: {  	[tilespmem:s9+$0x12210] =	vst.add.f32.msk $0xffff, v5  }
0x332: {  	[tilespmem:s9+$0x12220] =	vst.add.f32.msk $0xffff, v6  }
0x333: {  	[tilespmem:s9+$0x12230] =	vst.add.f32.msk $0xffff, v7  }
0x334: {  	[tilespmem:s9+$0x12240] =	vst.add.f32.msk $0xffff, v0  }
0x335: {  	[tilespmem:s9+$0x12250] =	vst.add.f32.msk $0xffff, v1  }
0x336: {  	[tilespmem:s9+$0x12260] =	vst.add.f32.msk $0xffff, v2  }
0x337: {  	[tilespmem:s9+$0x12270] =	vst.add.f32.msk $0xffff, v3  }
0x338: {  	[tilespmem:s9+$0x12280] =	vst.add.f32.msk $0xffff, v4  }
0x339: {  	[tilespmem:s9+$0x12290] =	vst.add.f32.msk $0xffff, v5  }
0x33a: {  	[tilespmem:s9+$0x122A0] =	vst.add.f32.msk $0xffff, v6  }
0x33b: {  	[tilespmem:s9+$0x122B0] =	vst.add.f32.msk $0xffff, v7  }
0x33c: {  	[tilespmem:s9+$0x122C0] =	vst.add.f32.msk $0xffff, v0  }
0x33d: {  	[tilespmem:s9+$0x122D0] =	vst.add.f32.msk $0xffff, v1  }
.Ltmp10:
0x33e: {  	[tilespmem:s9+$0x122E0] =	vst.add.f32.msk $0xffff, v2;
	(pc) =	sbr.rel @p1 .LBB2_22-.Ltmp10, $4  }
0x33f: {  	[tilespmem:s9+$0x122F0] =	vst.add.f32.msk $0xffff, v3  }
0x340: {  	[tilespmem:s9+$0x12300] =	vst.add.f32.msk $0xffff, v4  }
0x341: {  	[tilespmem:s9+$0x12310] =	vst.add.f32.msk $0xffff, v5  }
0x342: {  	[tilespmem:s9+$0x12320] =	vst.add.f32.msk $0xffff, v6;
	s9 =	sshra.s32 s10, $0x2;
	s10 =	sadd.s32 $0x800, s10  }
0x343: {  	[tilespmem:s9+$0x12330] =	vst.add.f32.msk $0xffff, v7  }
0x344: {  	[tilespmem:s9+$0x12140] =	vst.add.f32.msk $0xffff, v0  }
0x345: {  	[tilespmem:s9+$0x12150] =	vst.add.f32.msk $0xffff, v1  }
0x346: {  	[tilespmem:s9+$0x12160] =	vst.add.f32.msk $0xffff, v2  }
0x347: {  	[tilespmem:s9+$0x12170] =	vst.add.f32.msk $0xffff, v3  }
0x348: {  	[tilespmem:s9+$0x12180] =	vst.add.f32.msk $0xffff, v4  }
0x349: {  	[tilespmem:s9+$0x12190] =	vst.add.f32.msk $0xffff, v5  }
0x34a: {  	[tilespmem:s9+$0x121A0] =	vst.add.f32.msk $0xffff, v6  }
0x34b: {  	[tilespmem:s9+$0x121B0] =	vst.add.f32.msk $0xffff, v7  }
0x34c: {  	[tilespmem:s9+$0x121C0] =	vst.add.f32.msk $0xffff, v0  }
0x34d: {  	[tilespmem:s9+$0x121D0] =	vst.add.f32.msk $0xffff, v1  }
0x34e: {  	[tilespmem:s9+$0x121E0] =	vst.add.f32.msk $0xffff, v2  }
0x34f: {  	[tilespmem:s9+$0x121F0] =	vst.add.f32.msk $0xffff, v3  }
0x350: {  	[tilespmem:s9+$0x12200] =	vst.add.f32.msk $0xffff, v4  }
0x351: {  	[tilespmem:s9+$0x12210] =	vst.add.f32.msk $0xffff, v5  }
0x352: {  	[tilespmem:s9+$0x12220] =	vst.add.f32.msk $0xffff, v6  }
0x353: {  	[tilespmem:s9+$0x12230] =	vst.add.f32.msk $0xffff, v7  }
0x354: {  	[tilespmem:s9+$0x12240] =	vst.add.f32.msk $0xffff, v0  }
0x355: {  	[tilespmem:s9+$0x12250] =	vst.add.f32.msk $0xffff, v1  }
0x356: {  	[tilespmem:s9+$0x12260] =	vst.add.f32.msk $0xffff, v2  }
0x357: {  	[tilespmem:s9+$0x12270] =	vst.add.f32.msk $0xffff, v3  }
0x358: {  	[tilespmem:s9+$0x12280] =	vst.add.f32.msk $0xffff, v4  }
0x359: {  	[tilespmem:s9+$0x12290] =	vst.add.f32.msk $0xffff, v5  }
0x35a: {  	[tilespmem:s9+$0x122A0] =	vst.add.f32.msk $0xffff, v6  }
0x35b: {  	[tilespmem:s9+$0x122B0] =	vst.add.f32.msk $0xffff, v7  }
0x35c: {  	[tilespmem:s9+$0x122C0] =	vst.add.f32.msk $0xffff, v0  }
0x35d: {  	[tilespmem:s9+$0x122D0] =	vst.add.f32.msk $0xffff, v1  }
0x35e: {  	[tilespmem:s9+$0x122E0] =	vst.add.f32.msk $0xffff, v2  }
0x35f: {  	[tilespmem:s9+$0x122F0] =	vst.add.f32.msk $0xffff, v3  }
0x360: {  	[tilespmem:s9+$0x12300] =	vst.add.f32.msk $0xffff, v4  }
0x361: {  	[tilespmem:s9+$0x12310] =	vst.add.f32.msk $0xffff, v5  }
0x362: {  	[tilespmem:s9+$0x12320] =	vst.add.f32.msk $0xffff, v6;
	s17 =	simm.s32 $0x0;
	s10 =	rddreg [dreg:$0x10]  }
0x363: {  	[hbm4b:s10+s17] =	stream.linear.scatter [tilespmem:s20], [sflag:$0x7], $0x4000, $0x38;
	[tilespmem:$0x1E140] =	vst v63  }
0x364: {  	_ =	swait.ge [sflag:s2], $0x4000  }
0x365: {  	[sflag:s2] =	ssyncset.done $0x0  }
0x366: {  	[sflag:s2] =	ssyncadd.s32 $0xFFFFC000  }
0x367: {  	v0 =	vld [tilespmem:$0x9CC0]  }
0x368: {  	v1 =	vld [tilespmem:$0x9CD0]  }
0x369: {  	v2 =	vld [tilespmem:$0x9CE0]  }
0x36a: {  	v7 =	vld [tilespmem:$0x9D30]  }
0x36b: {  	v3 =	vld [tilespmem:$0x9CF0]  }
0x36c: {  	v4 =	vld [tilespmem:$0x9D00]  }
0x36d: {  	v5 =	vld [tilespmem:$0x9D10]  }
0x36e: {  	s9 =	simm.s32 $0x0;
	s14 =	simm.s32 $0x1F40;
	s10 =	simm.s32 $0x800;
	v6 =	vld [tilespmem:$0x9D20]  }
.LBB2_24:
0x36f: {  	p1 =	sne.s32 s10, $0xF800;
	[tilespmem:s9+$0x16330] =	vst.add.f32.msk $0xffff, v7  }
0x370: {  	[tilespmem:s9+$0x16140] =	vst.add.f32.msk $0xffff, v0  }
0x371: {  	[tilespmem:s9+$0x16150] =	vst.add.f32.msk $0xffff, v1  }
0x372: {  	[tilespmem:s9+$0x16160] =	vst.add.f32.msk $0xffff, v2  }
0x373: {  	[tilespmem:s9+$0x16170] =	vst.add.f32.msk $0xffff, v3  }
0x374: {  	[tilespmem:s9+$0x16180] =	vst.add.f32.msk $0xffff, v4  }
0x375: {  	[tilespmem:s9+$0x16190] =	vst.add.f32.msk $0xffff, v5  }
0x376: {  	[tilespmem:s9+$0x161A0] =	vst.add.f32.msk $0xffff, v6  }
0x377: {  	[tilespmem:s9+$0x161B0] =	vst.add.f32.msk $0xffff, v7  }
0x378: {  	[tilespmem:s9+$0x161C0] =	vst.add.f32.msk $0xffff, v0  }
0x379: {  	[tilespmem:s9+$0x161D0] =	vst.add.f32.msk $0xffff, v1  }
0x37a: {  	[tilespmem:s9+$0x161E0] =	vst.add.f32.msk $0xffff, v2  }
0x37b: {  	[tilespmem:s9+$0x161F0] =	vst.add.f32.msk $0xffff, v3  }
0x37c: {  	[tilespmem:s9+$0x16200] =	vst.add.f32.msk $0xffff, v4  }
0x37d: {  	[tilespmem:s9+$0x16210] =	vst.add.f32.msk $0xffff, v5  }
0x37e: {  	[tilespmem:s9+$0x16220] =	vst.add.f32.msk $0xffff, v6  }
0x37f: {  	[tilespmem:s9+$0x16230] =	vst.add.f32.msk $0xffff, v7  }
0x380: {  	[tilespmem:s9+$0x16240] =	vst.add.f32.msk $0xffff, v0  }
0x381: {  	[tilespmem:s9+$0x16250] =	vst.add.f32.msk $0xffff, v1  }
0x382: {  	[tilespmem:s9+$0x16260] =	vst.add.f32.msk $0xffff, v2  }
0x383: {  	[tilespmem:s9+$0x16270] =	vst.add.f32.msk $0xffff, v3  }
0x384: {  	[tilespmem:s9+$0x16280] =	vst.add.f32.msk $0xffff, v4  }
0x385: {  	[tilespmem:s9+$0x16290] =	vst.add.f32.msk $0xffff, v5  }
0x386: {  	[tilespmem:s9+$0x162A0] =	vst.add.f32.msk $0xffff, v6  }
0x387: {  	[tilespmem:s9+$0x162B0] =	vst.add.f32.msk $0xffff, v7  }
0x388: {  	[tilespmem:s9+$0x162C0] =	vst.add.f32.msk $0xffff, v0  }
0x389: {  	[tilespmem:s9+$0x162D0] =	vst.add.f32.msk $0xffff, v1  }
.Ltmp11:
0x38a: {  	[tilespmem:s9+$0x162E0] =	vst.add.f32.msk $0xffff, v2;
	(pc) =	sbr.rel @p1 .LBB2_24-.Ltmp11, $4  }
0x38b: {  	[tilespmem:s9+$0x162F0] =	vst.add.f32.msk $0xffff, v3  }
0x38c: {  	[tilespmem:s9+$0x16300] =	vst.add.f32.msk $0xffff, v4  }
0x38d: {  	[tilespmem:s9+$0x16310] =	vst.add.f32.msk $0xffff, v5  }
0x38e: {  	[tilespmem:s9+$0x16320] =	vst.add.f32.msk $0xffff, v6;
	s9 =	sshra.s32 s10, $0x2;
	s10 =	sadd.s32 $0x800, s10  }
0x38f: {  	[tilespmem:s9+$0x16330] =	vst.add.f32.msk $0xffff, v7  }
0x390: {  	[tilespmem:s9+$0x16140] =	vst.add.f32.msk $0xffff, v0  }
0x391: {  	[tilespmem:s9+$0x16150] =	vst.add.f32.msk $0xffff, v1  }
0x392: {  	[tilespmem:s9+$0x16160] =	vst.add.f32.msk $0xffff, v2  }
0x393: {  	[tilespmem:s9+$0x16170] =	vst.add.f32.msk $0xffff, v3  }
0x394: {  	[tilespmem:s9+$0x16180] =	vst.add.f32.msk $0xffff, v4  }
0x395: {  	[tilespmem:s9+$0x16190] =	vst.add.f32.msk $0xffff, v5  }
0x396: {  	[tilespmem:s9+$0x161A0] =	vst.add.f32.msk $0xffff, v6  }
0x397: {  	[tilespmem:s9+$0x161B0] =	vst.add.f32.msk $0xffff, v7  }
0x398: {  	[tilespmem:s9+$0x161C0] =	vst.add.f32.msk $0xffff, v0  }
0x399: {  	[tilespmem:s9+$0x161D0] =	vst.add.f32.msk $0xffff, v1  }
0x39a: {  	[tilespmem:s9+$0x161E0] =	vst.add.f32.msk $0xffff, v2  }
0x39b: {  	[tilespmem:s9+$0x161F0] =	vst.add.f32.msk $0xffff, v3  }
0x39c: {  	[tilespmem:s9+$0x16200] =	vst.add.f32.msk $0xffff, v4  }
0x39d: {  	[tilespmem:s9+$0x16210] =	vst.add.f32.msk $0xffff, v5  }
0x39e: {  	[tilespmem:s9+$0x16220] =	vst.add.f32.msk $0xffff, v6  }
0x39f: {  	[tilespmem:s9+$0x16230] =	vst.add.f32.msk $0xffff, v7  }
0x3a0: {  	[tilespmem:s9+$0x16240] =	vst.add.f32.msk $0xffff, v0  }
0x3a1: {  	[tilespmem:s9+$0x16250] =	vst.add.f32.msk $0xffff, v1  }
0x3a2: {  	[tilespmem:s9+$0x16260] =	vst.add.f32.msk $0xffff, v2  }
0x3a3: {  	[tilespmem:s9+$0x16270] =	vst.add.f32.msk $0xffff, v3  }
0x3a4: {  	[tilespmem:s9+$0x16280] =	vst.add.f32.msk $0xffff, v4  }
0x3a5: {  	[tilespmem:s9+$0x16290] =	vst.add.f32.msk $0xffff, v5  }
0x3a6: {  	[tilespmem:s9+$0x162A0] =	vst.add.f32.msk $0xffff, v6  }
0x3a7: {  	[tilespmem:s9+$0x162B0] =	vst.add.f32.msk $0xffff, v7  }
0x3a8: {  	[tilespmem:s9+$0x162C0] =	vst.add.f32.msk $0xffff, v0  }
0x3a9: {  	[tilespmem:s9+$0x162D0] =	vst.add.f32.msk $0xffff, v1  }
0x3aa: {  	[tilespmem:s9+$0x162E0] =	vst.add.f32.msk $0xffff, v2  }
0x3ab: {  	[tilespmem:s9+$0x162F0] =	vst.add.f32.msk $0xffff, v3  }
0x3ac: {  	[tilespmem:s9+$0x16300] =	vst.add.f32.msk $0xffff, v4  }
0x3ad: {  	[tilespmem:s9+$0x16310] =	vst.add.f32.msk $0xffff, v5  }
0x3ae: {  	[tilespmem:s9+$0x16320] =	vst.add.f32.msk $0xffff, v6;
	s17 =	simm.s32 $0x0;
	s10 =	rddreg [dreg:$0x11]  }
0x3af: {  	[hbm4b:s10+s17] =	stream.linear.scatter [tilespmem:s24], [sflag:$0x8], $0x4000, $0x38;
	[tilespmem:$0x1E140] =	vst v63  }
0x3b0: {  	_ =	swait.ge [sflag:s0], $0x4000  }
0x3b1: {  	[sflag:s0] =	ssyncset.done $0x0  }
0x3b2: {  	[sflag:s0] =	ssyncadd.s32 $0xFFFFC000  }
0x3b3: {  	v0 =	vld [tilespmem:$0x9D40]  }
0x3b4: {  	v1 =	vld [tilespmem:$0x9D50]  }
0x3b5: {  	v2 =	vld [tilespmem:$0x9D60]  }
0x3b6: {  	v7 =	vld [tilespmem:$0x9DB0]  }
0x3b7: {  	v3 =	vld [tilespmem:$0x9D70]  }
0x3b8: {  	v4 =	vld [tilespmem:$0x9D80]  }
0x3b9: {  	v5 =	vld [tilespmem:$0x9D90]  }
0x3ba: {  	s9 =	simm.s32 $0x0;
	s10 =	simm.s32 $0x800;
	v6 =	vld [tilespmem:$0x9DA0]  }
.LBB2_26:
0x3bb: {  	p1 =	sne.s32 s10, $0xF800;
	[tilespmem:s9+$0xA330] =	vst.add.f32.msk $0xffff, v7  }
0x3bc: {  	[tilespmem:s9+$0xA140] =	vst.add.f32.msk $0xffff, v0  }
0x3bd: {  	[tilespmem:s9+$0xA150] =	vst.add.f32.msk $0xffff, v1  }
0x3be: {  	[tilespmem:s9+$0xA160] =	vst.add.f32.msk $0xffff, v2  }
0x3bf: {  	[tilespmem:s9+$0xA170] =	vst.add.f32.msk $0xffff, v3  }
0x3c0: {  	[tilespmem:s9+$0xA180] =	vst.add.f32.msk $0xffff, v4  }
0x3c1: {  	[tilespmem:s9+$0xA190] =	vst.add.f32.msk $0xffff, v5  }
0x3c2: {  	[tilespmem:s9+$0xA1A0] =	vst.add.f32.msk $0xffff, v6  }
0x3c3: {  	[tilespmem:s9+$0xA1B0] =	vst.add.f32.msk $0xffff, v7  }
0x3c4: {  	[tilespmem:s9+$0xA1C0] =	vst.add.f32.msk $0xffff, v0  }
0x3c5: {  	[tilespmem:s9+$0xA1D0] =	vst.add.f32.msk $0xffff, v1  }
0x3c6: {  	[tilespmem:s9+$0xA1E0] =	vst.add.f32.msk $0xffff, v2  }
0x3c7: {  	[tilespmem:s9+$0xA1F0] =	vst.add.f32.msk $0xffff, v3  }
0x3c8: {  	[tilespmem:s9+$0xA200] =	vst.add.f32.msk $0xffff, v4  }
0x3c9: {  	[tilespmem:s9+$0xA210] =	vst.add.f32.msk $0xffff, v5  }
0x3ca: {  	[tilespmem:s9+$0xA220] =	vst.add.f32.msk $0xffff, v6  }
0x3cb: {  	[tilespmem:s9+$0xA230] =	vst.add.f32.msk $0xffff, v7  }
0x3cc: {  	[tilespmem:s9+$0xA240] =	vst.add.f32.msk $0xffff, v0  }
0x3cd: {  	[tilespmem:s9+$0xA250] =	vst.add.f32.msk $0xffff, v1  }
0x3ce: {  	[tilespmem:s9+$0xA260] =	vst.add.f32.msk $0xffff, v2  }
0x3cf: {  	[tilespmem:s9+$0xA270] =	vst.add.f32.msk $0xffff, v3  }
0x3d0: {  	[tilespmem:s9+$0xA280] =	vst.add.f32.msk $0xffff, v4  }
0x3d1: {  	[tilespmem:s9+$0xA290] =	vst.add.f32.msk $0xffff, v5  }
0x3d2: {  	[tilespmem:s9+$0xA2A0] =	vst.add.f32.msk $0xffff, v6  }
0x3d3: {  	[tilespmem:s9+$0xA2B0] =	vst.add.f32.msk $0xffff, v7  }
0x3d4: {  	[tilespmem:s9+$0xA2C0] =	vst.add.f32.msk $0xffff, v0  }
0x3d5: {  	[tilespmem:s9+$0xA2D0] =	vst.add.f32.msk $0xffff, v1  }
.Ltmp12:
0x3d6: {  	[tilespmem:s9+$0xA2E0] =	vst.add.f32.msk $0xffff, v2;
	(pc) =	sbr.rel @p1 .LBB2_26-.Ltmp12, $4  }
0x3d7: {  	[tilespmem:s9+$0xA2F0] =	vst.add.f32.msk $0xffff, v3  }
0x3d8: {  	[tilespmem:s9+$0xA300] =	vst.add.f32.msk $0xffff, v4  }
0x3d9: {  	[tilespmem:s9+$0xA310] =	vst.add.f32.msk $0xffff, v5  }
0x3da: {  	[tilespmem:s9+$0xA320] =	vst.add.f32.msk $0xffff, v6;
	s9 =	sshra.s32 s10, $0x2;
	s10 =	sadd.s32 $0x800, s10  }
0x3db: {  	[tilespmem:s9+$0xA330] =	vst.add.f32.msk $0xffff, v7  }
0x3dc: {  	[tilespmem:s9+$0xA140] =	vst.add.f32.msk $0xffff, v0  }
0x3dd: {  	[tilespmem:s9+$0xA150] =	vst.add.f32.msk $0xffff, v1  }
0x3de: {  	[tilespmem:s9+$0xA160] =	vst.add.f32.msk $0xffff, v2  }
0x3df: {  	[tilespmem:s9+$0xA170] =	vst.add.f32.msk $0xffff, v3  }
0x3e0: {  	[tilespmem:s9+$0xA180] =	vst.add.f32.msk $0xffff, v4  }
0x3e1: {  	[tilespmem:s9+$0xA190] =	vst.add.f32.msk $0xffff, v5  }
0x3e2: {  	[tilespmem:s9+$0xA1A0] =	vst.add.f32.msk $0xffff, v6  }
0x3e3: {  	[tilespmem:s9+$0xA1B0] =	vst.add.f32.msk $0xffff, v7  }
0x3e4: {  	[tilespmem:s9+$0xA1C0] =	vst.add.f32.msk $0xffff, v0  }
0x3e5: {  	[tilespmem:s9+$0xA1D0] =	vst.add.f32.msk $0xffff, v1  }
0x3e6: {  	[tilespmem:s9+$0xA1E0] =	vst.add.f32.msk $0xffff, v2  }
0x3e7: {  	[tilespmem:s9+$0xA1F0] =	vst.add.f32.msk $0xffff, v3  }
0x3e8: {  	[tilespmem:s9+$0xA200] =	vst.add.f32.msk $0xffff, v4  }
0x3e9: {  	[tilespmem:s9+$0xA210] =	vst.add.f32.msk $0xffff, v5  }
0x3ea: {  	[tilespmem:s9+$0xA220] =	vst.add.f32.msk $0xffff, v6  }
0x3eb: {  	[tilespmem:s9+$0xA230] =	vst.add.f32.msk $0xffff, v7  }
0x3ec: {  	[tilespmem:s9+$0xA240] =	vst.add.f32.msk $0xffff, v0  }
0x3ed: {  	[tilespmem:s9+$0xA250] =	vst.add.f32.msk $0xffff, v1  }
0x3ee: {  	[tilespmem:s9+$0xA260] =	vst.add.f32.msk $0xffff, v2  }
0x3ef: {  	[tilespmem:s9+$0xA270] =	vst.add.f32.msk $0xffff, v3  }
0x3f0: {  	[tilespmem:s9+$0xA280] =	vst.add.f32.msk $0xffff, v4  }
0x3f1: {  	[tilespmem:s9+$0xA290] =	vst.add.f32.msk $0xffff, v5  }
0x3f2: {  	[tilespmem:s9+$0xA2A0] =	vst.add.f32.msk $0xffff, v6  }
0x3f3: {  	[tilespmem:s9+$0xA2B0] =	vst.add.f32.msk $0xffff, v7  }
0x3f4: {  	[tilespmem:s9+$0xA2C0] =	vst.add.f32.msk $0xffff, v0  }
0x3f5: {  	[tilespmem:s9+$0xA2D0] =	vst.add.f32.msk $0xffff, v1  }
0x3f6: {  	[tilespmem:s9+$0xA2E0] =	vst.add.f32.msk $0xffff, v2  }
0x3f7: {  	[tilespmem:s9+$0xA2F0] =	vst.add.f32.msk $0xffff, v3  }
0x3f8: {  	[tilespmem:s9+$0xA300] =	vst.add.f32.msk $0xffff, v4  }
0x3f9: {  	[tilespmem:s9+$0xA310] =	vst.add.f32.msk $0xffff, v5  }
0x3fa: {  	[tilespmem:s9+$0xA320] =	vst.add.f32.msk $0xffff, v6;
	s17 =	rddreg [dreg:$0x12]  }
0x3fb: {  	[hbm4b:s17+s5] =	stream.linear.scatter [tilespmem:s30], [sflag:$0x5], $0x4000, $0x38;
	[tilespmem:$0x1E140] =	vst v63  }
0x3fc: {  	_ =	swait.ge [sflag:s23], $0x4000  }
0x3fd: {  	[sflag:s23] =	ssyncset.done $0x0  }
0x3fe: {  	[sflag:s23] =	ssyncadd.s32 $0xFFFFC000  }
0x3ff: {  	_ =	swait.ge [sflag:s25], $0x4000  }
0x400: {  	[sflag:s25] =	ssyncset.done $0x0  }
0x401: {  	s8 =	sadd.s32 $0x1, s8;
	[sflag:s25] =	ssyncadd.s32 $0xFFFFC000  }
0x402: {  	p1 =	sne.s32 s8, s18;
	_ =	swait.ge [sflag:s6], $0x4000  }
.Ltmp13:
0x403: {  	[sflag:s6] =	ssyncset.done $0x0;
	(pc) =	sbr.rel @p1 .LBB2_1-.Ltmp13, $4  }
0x404: {  	[sflag:s6] =	ssyncadd.s32 $0xFFFFC000  }
0x405: {  	_ =	swait.ge [sflag:s31], $0x4000  }
0x406: {  	[sflag:s31] =	ssyncset.done $0x0  }
0x407: {  	[sflag:s31] =	ssyncadd.s32 $0xFFFFC000  }
0x408: {  	_ =	sfence.sel $0x180000  }
0x409: {  	[bflag:$0x0] =	sbarrier.arrive $0xFFFF  }
0x40a: {  	_ =	strace $0x90000047  }
0x40b: {  	[bflag:$0x2] =	sbarrier.arrive $0xFFFF  }
0x40c: {  	s0 =	rddreg [dreg:$0x9]  }
0x40d: {  	s0 =	sadd.s32 @!p0 $0x100000, s0  }
0x40e: {  	[sflag:s0] =	ssyncadd.tile.s32 @!p0 $0x1;
	_ =	shalt  }
.Lfunc_end2:
_tile_overlayer_lowered:
.L_overlay_start_2:
0x40f: {  	(tag) =	ssettag $0x2  }
0x410: {  	s0 =	rddreg [dreg:$0x0];
	s2 =	stileid.u32  }
0x411: {  	s1 =	rddreg [dreg:$0x1];
	p0 =	sne.s32 s2, $0x0  }
0x412: {  	s3 =	rddreg [dreg:$0x2];
	[bflag:$0x3] =	sbarrier.arrive $0xFFFF;
	s2 =	simm.s32 @!p0 $0x1C09  }
0x413: {  	[timem:s3], [sflag:s2] =	dma.local @!p0 [hbm:s0], s1  }
0x414: {  	s0 =	simm.s32 @!p0 $0x9  }
0x415: {  	_ =	swait.ge @!p0 [sflag:s0], s1  }
0x416: {  	s1 =	ssub.s32 @!p0 $0x0, s1;
	[sflag:s0] =	ssyncset.done @!p0 $0x0  }
0x417: {  	[sflag:s0] =	ssyncadd.s32 @!p0 s1  }
0x418: {  	[bflag:$0x3] =	sbarrier.arrive $0xFFFF  }
0x419: {  	_ =	shalt  }

</sc_bundles>
